<compile_context>
chip_gen: v7x
topology: tpu7x:2x2x1
jax: 0.10.2.dev20260603
libtpu: 0.0.44.dev20260713+nightly
codegen_flags: <defaults>
</compile_context>

<pallas_src>
import functools

import jax
import jax.numpy as jnp
from jax import lax
from jax.experimental import pallas as pl
from jax.experimental.pallas import tpu as pltpu
from jax.experimental.pallas import tpu_sc as plsc

N_NODES = 10000
N_EDGES = 320000
F_IN = 128
F_HID = 128
F_OUT = 64

NC = 2
NS = 16
NW = NC * NS
CHUNK = 128
KCH = 80
E_PAD = NW * KCH * CHUNK
N_PAD = 10112
ROWS_PER_SUB = N_PAD // NS
DEGW = 16

_mesh = plsc.VectorSubcoreMesh(core_axis_name="c", subcore_axis_name="s")

_SPANS = ((0, 128), (128, 128), (256, 128), (384, 128), (512, 120))


def _init_acc(zb, acc, base):
    for off, ln in _SPANS:
        pltpu.sync_copy(zb.at[pl.ds(0, ln)], acc.at[pl.ds(base + off, ln)])


def _drain_acc(acc, out_ref, c, base, buf):
    for off, ln in _SPANS:
        sl = pl.ds(base + off, ln)
        pltpu.sync_copy(acc.at[sl], buf.at[pl.ds(0, ln)])
        pltpu.sync_copy(buf.at[pl.ds(0, ln)], out_ref.at[c, sl])


@functools.partial(
    pl.kernel,
    out_type=[
        jax.ShapeDtypeStruct((NC, N_PAD, DEGW), jnp.float32),
        jax.ShapeDtypeStruct((NC, N_PAD, DEGW), jnp.float32),
    ],
    mesh=_mesh,
    compiler_params=pltpu.CompilerParams(use_tc_tiling_on_sc=False),
    scratch_types=[
        pltpu.VMEM((KCH, CHUNK), jnp.int32),
        pltpu.VMEM((KCH, CHUNK), jnp.int32),
        pltpu.VMEM((CHUNK, DEGW), jnp.float32),
        pltpu.VMEM((CHUNK, DEGW), jnp.float32),
        pltpu.VMEM_SHARED((N_PAD, DEGW), jnp.float32),
        pltpu.VMEM_SHARED((N_PAD, DEGW), jnp.float32),
    ],
)
def _sc_degrees(src_hbm, dst_hbm, ones_hbm, zeros_hbm, outs_hbm, outd_hbm,
                srcv, dstv, onesv, zb, accs, accd):
    c = lax.axis_index("c")
    s = lax.axis_index("s")
    wid = c * NS + s
    pltpu.sync_copy(src_hbm.at[wid], srcv)
    pltpu.sync_copy(dst_hbm.at[wid], dstv)
    pltpu.sync_copy(ones_hbm, onesv)
    pltpu.sync_copy(zeros_hbm, zb)
    base = s * ROWS_PER_SUB
    _init_acc(zb, accs, base)
    _init_acc(zb, accd, base)
    plsc.subcore_barrier()

    def chunk(j, carry):
        pltpu.sync_copy(onesv, accs.at[srcv.at[j]], add=True)
        pltpu.sync_copy(onesv, accd.at[dstv.at[j]], add=True)
        return carry

    lax.fori_loop(0, KCH, chunk, 0)
    plsc.subcore_barrier()
    _drain_acc(accs, outs_hbm, c, base, zb)
    _drain_acc(accd, outd_hbm, c, base, zb)


NBUF = 2
KC2 = KCH // 2


def _make_sc_agg(W):
    @functools.partial(
        pl.kernel,
        out_type=jax.ShapeDtypeStruct((NC, N_PAD, W), jnp.float32),
        mesh=_mesh,
        compiler_params=pltpu.CompilerParams(use_tc_tiling_on_sc=False),
        scratch_types=[
            pltpu.VMEM((KC2, CHUNK), jnp.int32),
            pltpu.VMEM((KC2, CHUNK), jnp.int32),
            pltpu.VMEM((CHUNK, W), jnp.float32),
            pltpu.VMEM((CHUNK, W), jnp.float32),
            pltpu.VMEM_SHARED((N_PAD, W), jnp.float32),
            pltpu.SemaphoreType.DMA,
            pltpu.SemaphoreType.DMA,
        ],
    )
    def _sc_agg(z_hbm, src_hbm, dst_hbm, zeros_hbm, out_hbm,
                srcv, dstv, b0, b1, acc, s0, s1):
        bufs = (b0, b1)
        sems = (s0, s1)
        c = lax.axis_index("c")
        s = lax.axis_index("s")
        wid = c * NS + s
        pltpu.sync_copy(zeros_hbm, b0)
        base = s * ROWS_PER_SUB
        _init_acc(b0, acc, base)
        plsc.subcore_barrier()

        for half in range(2):
            off = half * KC2
            pltpu.sync_copy(src_hbm.at[wid, pl.ds(off, KC2)], srcv)
            pltpu.sync_copy(dst_hbm.at[wid, pl.ds(off, KC2)], dstv)
            for b in range(NBUF):
                pltpu.async_copy(z_hbm.at[srcv.at[b]], bufs[b], sems[b])

            def outer(i, carry):
                g = i * NBUF
                for b in range(NBUF):
                    j = g + b
                    pltpu.make_async_copy(
                        z_hbm.at[srcv.at[j]], bufs[b], sems[b]).wait()
                    pltpu.sync_copy(bufs[b], acc.at[dstv.at[j]], add=True)
                    pltpu.async_copy(
                        z_hbm.at[srcv.at[j + NBUF]], bufs[b], sems[b])
                return carry

            lax.fori_loop(0, KC2 // NBUF - 1, outer, 0)
            tail = KC2 - NBUF
            for b in range(NBUF):
                j = tail + b
                pltpu.make_async_copy(
                    z_hbm.at[srcv.at[j]], bufs[b], sems[b]).wait()
                pltpu.sync_copy(bufs[b], acc.at[dstv.at[j]], add=True)
        plsc.subcore_barrier()
        _drain_acc(acc, out_hbm, c, base, b0)

    return _sc_agg


_sc_agg_hid = _make_sc_agg(F_HID)
_sc_agg_out = _make_sc_agg(F_OUT)


_RB = N_PAD // 4


def _norm(p0_ref, p1_ref):
    deg = p0_ref[:, 0:1] + p1_ref[:, 0:1]
    return lax.rsqrt(jnp.maximum(deg, 1.0))


def _tc_pre_body(x_ref, ps0, ps1, w_ref, o_ref):
    ns = _norm(ps0, ps1)
    o_ref[...] = jnp.dot(x_ref[...] * ns, w_ref[...],
                         preferred_element_type=jnp.float32)


def _tc_mid_body(a0, a1, pd0, pd1, ps0, ps1, b_ref, w_ref, o_ref):
    nd = _norm(pd0, pd1)
    ns = _norm(ps0, ps1)
    h = jnp.maximum((a0[...] + a1[...]) * nd + b_ref[...], 0.0)
    o_ref[...] = jnp.dot(h * ns, w_ref[...],
                         preferred_element_type=jnp.float32)


def _tc_fin_body(a0, a1, pd0, pd1, b_ref, o_ref):
    nd = _norm(pd0, pd1)
    o_ref[...] = (a0[...] + a1[...]) * nd + b_ref[...]


def _rows(w):
    return pl.BlockSpec((_RB, w), lambda i: (i, 0))


def _full(shape):
    return pl.BlockSpec(shape, lambda i: (0, 0))


def _tc_pre(x_pad, ps0, ps1, W1):
    return pl.pallas_call(
        _tc_pre_body,
        grid=(4,),
        in_specs=[_rows(F_IN), _rows(DEGW), _rows(DEGW), _full((F_IN, F_HID))],
        out_specs=_rows(F_HID),
        out_shape=jax.ShapeDtypeStruct((N_PAD, F_HID), jnp.float32),
    )(x_pad, ps0, ps1, W1)


def _tc_mid(a0, a1, pd0, pd1, ps0, ps1, b1, W2):
    return pl.pallas_call(
        _tc_mid_body,
        grid=(4,),
        in_specs=[_rows(F_HID), _rows(F_HID), _rows(DEGW), _rows(DEGW),
                  _rows(DEGW), _rows(DEGW), _full((1, F_HID)),
                  _full((F_HID, F_OUT))],
        out_specs=_rows(F_OUT),
        out_shape=jax.ShapeDtypeStruct((N_PAD, F_OUT), jnp.float32),
    )(a0, a1, pd0, pd1, ps0, ps1, b1, W2)


def _tc_fin(a0, a1, pd0, pd1, b2):
    return pl.pallas_call(
        _tc_fin_body,
        grid=(4,),
        in_specs=[_rows(F_OUT), _rows(F_OUT), _rows(DEGW), _rows(DEGW),
                  _full((1, F_OUT))],
        out_specs=_rows(F_OUT),
        out_shape=jax.ShapeDtypeStruct((N_PAD, F_OUT), jnp.float32),
    )(a0, a1, pd0, pd1, b2)


def kernel(x, edge_index, W1, b1, W2, b2):
    src = edge_index[0].astype(jnp.int32)
    dst = edge_index[1].astype(jnp.int32)
    pad = jnp.full((E_PAD - N_EDGES,), N_NODES, jnp.int32)
    src3 = jnp.concatenate([src, pad]).reshape(NW, KCH, CHUNK)
    dst3 = jnp.concatenate([dst, pad]).reshape(NW, KCH, CHUNK)
    x_pad = jnp.concatenate(
        [x, jnp.zeros((N_PAD - N_NODES, F_IN), jnp.float32)])

    ones_deg = jnp.ones((CHUNK, DEGW), jnp.float32)
    zeros_deg = jnp.zeros((CHUNK, DEGW), jnp.float32)
    zeros_hid = jnp.zeros((CHUNK, F_HID), jnp.float32)
    zeros_out = jnp.zeros((CHUNK, F_OUT), jnp.float32)

    degs, degd = _sc_degrees(src3, dst3, ones_deg, zeros_deg)
    ps0, ps1 = degs[0], degs[1]
    pd0, pd1 = degd[0], degd[1]

    z1 = _tc_pre(x_pad, ps0, ps1, W1)
    a1 = _sc_agg_hid(z1, src3, dst3, zeros_hid)
    z2 = _tc_mid(a1[0], a1[1], pd0, pd1, ps0, ps1,
                 b1.reshape(1, F_HID), W2)
    a2 = _sc_agg_out(z2, src3, dst3, zeros_out)
    out = _tc_fin(a2[0], a2[1], pd0, pd1, b2.reshape(1, F_OUT))
    return out[:N_NODES]

# --- scband reference (transcript-rebuilt; emitter-appended) ---
"""Pipeline reference for scband-gcn-120259084570 (READ-ONLY COPY).

The authoritative reference and input builder live on the scoring server;
editing this copy changes nothing except your own understanding.
"""

import jax, jax.numpy as jnp
import numpy as np

N_NODES = 10000
N_EDGES = 320000
IN_FEATS = 128
H_FEATS = 128
NUM_CLASSES = 64

def setup_inputs(seed: int = 0) -> dict:
    key = jax.random.key(seed)
    k_x, k_e, k_w1, k_b1, k_w2, k_b2 = jax.random.split(key, 6)
    x = jax.random.normal(k_x, (N_NODES, IN_FEATS), dtype=jnp.float32)
    edge_index = jax.random.randint(k_e, (2, N_EDGES), 0, N_NODES, dtype=jnp.int64)
    # Glorot-initialized GraphConv weights + zero biases (DGL GraphConv defaults)
    lim1 = float(np.sqrt(6.0 / (IN_FEATS + H_FEATS)))
    W1 = jax.random.uniform(k_w1, (IN_FEATS, H_FEATS), dtype=jnp.float32, minval=-lim1, maxval=lim1)
    b1 = jnp.zeros((H_FEATS,), dtype=jnp.float32)
    lim2 = float(np.sqrt(6.0 / (H_FEATS + NUM_CLASSES)))
    W2 = jax.random.uniform(k_w2, (H_FEATS, NUM_CLASSES), dtype=jnp.float32, minval=-lim2, maxval=lim2)
    b2 = jnp.zeros((NUM_CLASSES,), dtype=jnp.float32)
    return {"x": x, "edge_index": edge_index, "W1": W1, "b1": b1, "W2": W2, "b2": b2}


def _graph_conv(h, src, dst, norm_src, norm_dst, W, b):
    # DGL GraphConv with norm='both': D^{-1/2} A D^{-1/2} X W + b
    h = h * norm_src[:, None]
    msgs = jnp.take(h, src, axis=0)                      # gather from source nodes
    agg = jnp.zeros((h.shape[0], h.shape[1]), dtype=h.dtype).at[dst].add(msgs)  # scatter-add to dst
    agg = agg * norm_dst[:, None]
    return agg @ W + b


def reference(x, edge_index, W1, b1, W2, b2):
    src = edge_index[0]
    dst = edge_index[1]
    n = x.shape[0]
    ones = jnp.ones((src.shape[0],), dtype=jnp.float32)
    out_deg = jnp.zeros((n,), dtype=jnp.float32).at[src].add(ones)
    in_deg = jnp.zeros((n,), dtype=jnp.float32).at[dst].add(ones)
    norm_src = jax.lax.rsqrt(jnp.clip(out_deg, 1.0, None))
    norm_dst = jax.lax.rsqrt(jnp.clip(in_deg, 1.0, None))
    # mode == 'predict' path: conv1 -> relu -> conv2 over the same graph
    h = _graph_conv(x, src, dst, norm_src, norm_dst, W1, b1)
    h = jax.nn.relu(h)
    out = _graph_conv(h, src, dst, norm_src, norm_dst, W2, b2)
    return out

if __name__ == "__main__":
    import jax
    _d = setup_inputs()
    print(jax.jit(kernel)(*tuple(_d.values())))

</pallas_src>

<mosaic_0001>
#map = affine_map<(d0, d1) -> (0, 0)>
#map1 = affine_map<(d0, d1) -> (0, 0, 0)>
module attributes {stable_mosaic.version = 14 : i64} {
  func.func @_sc_agg(%arg0: i32, %arg1: i32, %arg2: memref<10112x64xf32, #tpu.memory_space<hbm>>, %arg3: memref<32x80x128xi32, #tpu.memory_space<hbm>>, %arg4: memref<32x80x128xi32, #tpu.memory_space<hbm>>, %arg5: memref<128x64xf32, #tpu.memory_space<hbm>>, %arg6: memref<2x10112x64xf32, #tpu.memory_space<hbm>>, %arg7: memref<40x128xi32, #tpu.memory_space<vmem>>, %arg8: memref<40x128xi32, #tpu.memory_space<vmem>>, %arg9: memref<128x64xf32, #tpu.memory_space<vmem>>, %arg10: memref<128x64xf32, #tpu.memory_space<vmem>>, %arg11: memref<10112x64xf32, #tpu.memory_space<vmem_shared>>, %arg12: memref<!tpu.dma_semaphore, #tpu.memory_space<semaphore_mem>>, %arg13: memref<!tpu.dma_semaphore, #tpu.memory_space<semaphore_mem>>) attributes {dimension_semantics = [#tpu.dimension_semantics<core_parallel>, #tpu.dimension_semantics<subcore_parallel>], iteration_bounds = array<i64: 2, 16>, scalar_prefetch = 0 : i64, scratch_operands = 7 : i64, tpu.core_type = #tpu.core_type<sc_vector_subcore>, window_params = [{transform_indices = #map}, {transform_indices = #map1}, {transform_indices = #map1}, {transform_indices = #map}, {transform_indices = #map1}]} {
    %mul3A = arith.constant 16 : i32
    %mul3A_0 = arith.muli %arg0, %mul3A : i32
    %add3A = arith.addi %mul3A_0, %arg1 : i32
    "tpu.region"() ({
      %run_scoped3A_92 = tpu.sem_alloc : memref<!tpu.dma_semaphore, #tpu.memory_space<semaphore_mem>>
      tpu.enqueue_dma source(%arg5 : memref<128x64xf32, #tpu.memory_space<hbm>>) target(%arg9 : memref<128x64xf32, #tpu.memory_space<vmem>>) target_semaphore(%run_scoped3A_92 : memref<!tpu.dma_semaphore, #tpu.memory_space<semaphore_mem>>)
      tpu.wait_dma2 semaphore(%run_scoped3A_92 : memref<!tpu.dma_semaphore, #tpu.memory_space<semaphore_mem>>) src(%arg5 : memref<128x64xf32, #tpu.memory_space<hbm>>) dst(%arg9 : memref<128x64xf32, #tpu.memory_space<vmem>>)
      tpu.yield
    }) : () -> ()
    %mul3A_1 = arith.constant 632 : i32
    %mul3A_2 = arith.muli %arg1, %mul3A_1 : i32
    %add3A_3 = arith.constant 0 : i32
    %add3A_4 = arith.addi %mul3A_2, %add3A_3 : i32
    "tpu.region"() ({
      %run_scoped3A_92 = tpu.sem_alloc : memref<!tpu.dma_semaphore, #tpu.memory_space<semaphore_mem>>
      %dma_start3A_93 = arith.constant 0 : i32
      %dma_start3A_94 = arith.constant 0 : i32
      %dma_start3A_95 = tpu.memref_slice %arg9[%dma_start3A_93, %dma_start3A_94] : memref<128x64xf32, #tpu.memory_space<vmem>> -> memref<128x64xf32, #tpu.memory_space<vmem>>
      %dma_start3A_96 = arith.constant 0 : i32
      %dma_start3A_97 = tpu.memref_slice %arg11[%add3A_4, %dma_start3A_96] : memref<10112x64xf32, #tpu.memory_space<vmem_shared>> -> memref<128x64xf32, #tpu.memory_space<vmem_shared>>
      %dma_start3A_98 = arith.constant 0 : i32
      %dma_start3A_99 = tpu.memref_slice %arg11[%add3A_4, %dma_start3A_98] : memref<10112x64xf32, #tpu.memory_space<vmem_shared>> -> memref<128x64xf32, #tpu.memory_space<vmem_shared>>
      %dma_start3A_100 = arith.constant 0 : i32
      %dma_start3A_101 = arith.constant 0 : i32
      %dma_start3A_102 = tpu.memref_slice %arg9[%dma_start3A_100, %dma_start3A_101] : memref<128x64xf32, #tpu.memory_space<vmem>> -> memref<128x64xf32, #tpu.memory_space<vmem>>
      tpu.enqueue_dma source(%dma_start3A_102 : memref<128x64xf32, #tpu.memory_space<vmem>>) target(%dma_start3A_99 : memref<128x64xf32, #tpu.memory_space<vmem_shared>>) target_semaphore(%run_scoped3A_92 : memref<!tpu.dma_semaphore, #tpu.memory_space<semaphore_mem>>)
      %dma_wait3A_103 = arith.constant 0 : i32
      %dma_wait3A_104 = arith.constant 0 : i32
      %dma_wait3A_105 = tpu.memref_slice %arg9[%dma_wait3A_103, %dma_wait3A_104] : memref<128x64xf32, #tpu.memory_space<vmem>> -> memref<128x64xf32, #tpu.memory_space<vmem>>
      %dma_wait3A_106 = arith.constant 0 : i32
      %dma_wait3A_107 = tpu.memref_slice %arg11[%add3A_4, %dma_wait3A_106] : memref<10112x64xf32, #tpu.memory_space<vmem_shared>> -> memref<128x64xf32, #tpu.memory_space<vmem_shared>>
      %dma_wait3A_108 = arith.constant 0 : i32
      %dma_wait3A_109 = tpu.memref_slice %arg11[%add3A_4, %dma_wait3A_108] : memref<10112x64xf32, #tpu.memory_space<vmem_shared>> -> memref<128x64xf32, #tpu.memory_space<vmem_shared>>
      %dma_wait3A_110 = arith.constant 0 : i32
      %dma_wait3A_111 = arith.constant 0 : i32
      %dma_wait3A_112 = tpu.memref_slice %arg9[%dma_wait3A_110, %dma_wait3A_111] : memref<128x64xf32, #tpu.memory_space<vmem>> -> memref<128x64xf32, #tpu.memory_space<vmem>>
      tpu.wait_dma2 semaphore(%run_scoped3A_92 : memref<!tpu.dma_semaphore, #tpu.memory_space<semaphore_mem>>) src(%dma_wait3A_112 : memref<128x64xf32, #tpu.memory_space<vmem>>) dst(%dma_wait3A_109 : memref<128x64xf32, #tpu.memory_space<vmem_shared>>)
      tpu.yield
    }) : () -> ()
    %add3A_5 = arith.constant 128 : i32
    %add3A_6 = arith.addi %mul3A_2, %add3A_5 : i32
    "tpu.region"() ({
      %run_scoped3A_92 = tpu.sem_alloc : memref<!tpu.dma_semaphore, #tpu.memory_space<semaphore_mem>>
      %dma_start3A_93 = arith.constant 0 : i32
      %dma_start3A_94 = arith.constant 0 : i32
      %dma_start3A_95 = tpu.memref_slice %arg9[%dma_start3A_93, %dma_start3A_94] : memref<128x64xf32, #tpu.memory_space<vmem>> -> memref<128x64xf32, #tpu.memory_space<vmem>>
      %dma_start3A_96 = arith.constant 0 : i32
      %dma_start3A_97 = tpu.memref_slice %arg11[%add3A_6, %dma_start3A_96] : memref<10112x64xf32, #tpu.memory_space<vmem_shared>> -> memref<128x64xf32, #tpu.memory_space<vmem_shared>>
      %dma_start3A_98 = arith.constant 0 : i32
      %dma_start3A_99 = tpu.memref_slice %arg11[%add3A_6, %dma_start3A_98] : memref<10112x64xf32, #tpu.memory_space<vmem_shared>> -> memref<128x64xf32, #tpu.memory_space<vmem_shared>>
      %dma_start3A_100 = arith.constant 0 : i32
      %dma_start3A_101 = arith.constant 0 : i32
      %dma_start3A_102 = tpu.memref_slice %arg9[%dma_start3A_100, %dma_start3A_101] : memref<128x64xf32, #tpu.memory_space<vmem>> -> memref<128x64xf32, #tpu.memory_space<vmem>>
      tpu.enqueue_dma source(%dma_start3A_102 : memref<128x64xf32, #tpu.memory_space<vmem>>) target(%dma_start3A_99 : memref<128x64xf32, #tpu.memory_space<vmem_shared>>) target_semaphore(%run_scoped3A_92 : memref<!tpu.dma_semaphore, #tpu.memory_space<semaphore_mem>>)
      %dma_wait3A_103 = arith.constant 0 : i32
      %dma_wait3A_104 = arith.constant 0 : i32
      %dma_wait3A_105 = tpu.memref_slice %arg9[%dma_wait3A_103, %dma_wait3A_104] : memref<128x64xf32, #tpu.memory_space<vmem>> -> memref<128x64xf32, #tpu.memory_space<vmem>>
      %dma_wait3A_106 = arith.constant 0 : i32
      %dma_wait3A_107 = tpu.memref_slice %arg11[%add3A_6, %dma_wait3A_106] : memref<10112x64xf32, #tpu.memory_space<vmem_shared>> -> memref<128x64xf32, #tpu.memory_space<vmem_shared>>
      %dma_wait3A_108 = arith.constant 0 : i32
      %dma_wait3A_109 = tpu.memref_slice %arg11[%add3A_6, %dma_wait3A_108] : memref<10112x64xf32, #tpu.memory_space<vmem_shared>> -> memref<128x64xf32, #tpu.memory_space<vmem_shared>>
      %dma_wait3A_110 = arith.constant 0 : i32
      %dma_wait3A_111 = arith.constant 0 : i32
      %dma_wait3A_112 = tpu.memref_slice %arg9[%dma_wait3A_110, %dma_wait3A_111] : memref<128x64xf32, #tpu.memory_space<vmem>> -> memref<128x64xf32, #tpu.memory_space<vmem>>
      tpu.wait_dma2 semaphore(%run_scoped3A_92 : memref<!tpu.dma_semaphore, #tpu.memory_space<semaphore_mem>>) src(%dma_wait3A_112 : memref<128x64xf32, #tpu.memory_space<vmem>>) dst(%dma_wait3A_109 : memref<128x64xf32, #tpu.memory_space<vmem_shared>>)
      tpu.yield
    }) : () -> ()
    %add3A_7 = arith.constant 256 : i32
    %add3A_8 = arith.addi %mul3A_2, %add3A_7 : i32
    "tpu.region"() ({
      %run_scoped3A_92 = tpu.sem_alloc : memref<!tpu.dma_semaphore, #tpu.memory_space<semaphore_mem>>
      %dma_start3A_93 = arith.constant 0 : i32
      %dma_start3A_94 = arith.constant 0 : i32
      %dma_start3A_95 = tpu.memref_slice %arg9[%dma_start3A_93, %dma_start3A_94] : memref<128x64xf32, #tpu.memory_space<vmem>> -> memref<128x64xf32, #tpu.memory_space<vmem>>
      %dma_start3A_96 = arith.constant 0 : i32
      %dma_start3A_97 = tpu.memref_slice %arg11[%add3A_8, %dma_start3A_96] : memref<10112x64xf32, #tpu.memory_space<vmem_shared>> -> memref<128x64xf32, #tpu.memory_space<vmem_shared>>
      %dma_start3A_98 = arith.constant 0 : i32
      %dma_start3A_99 = tpu.memref_slice %arg11[%add3A_8, %dma_start3A_98] : memref<10112x64xf32, #tpu.memory_space<vmem_shared>> -> memref<128x64xf32, #tpu.memory_space<vmem_shared>>
      %dma_start3A_100 = arith.constant 0 : i32
      %dma_start3A_101 = arith.constant 0 : i32
      %dma_start3A_102 = tpu.memref_slice %arg9[%dma_start3A_100, %dma_start3A_101] : memref<128x64xf32, #tpu.memory_space<vmem>> -> memref<128x64xf32, #tpu.memory_space<vmem>>
      tpu.enqueue_dma source(%dma_start3A_102 : memref<128x64xf32, #tpu.memory_space<vmem>>) target(%dma_start3A_99 : memref<128x64xf32, #tpu.memory_space<vmem_shared>>) target_semaphore(%run_scoped3A_92 : memref<!tpu.dma_semaphore, #tpu.memory_space<semaphore_mem>>)
      %dma_wait3A_103 = arith.constant 0 : i32
      %dma_wait3A_104 = arith.constant 0 : i32
      %dma_wait3A_105 = tpu.memref_slice %arg9[%dma_wait3A_103, %dma_wait3A_104] : memref<128x64xf32, #tpu.memory_space<vmem>> -> memref<128x64xf32, #tpu.memory_space<vmem>>
      %dma_wait3A_106 = arith.constant 0 : i32
      %dma_wait3A_107 = tpu.memref_slice %arg11[%add3A_8, %dma_wait3A_106] : memref<10112x64xf32, #tpu.memory_space<vmem_shared>> -> memref<128x64xf32, #tpu.memory_space<vmem_shared>>
      %dma_wait3A_108 = arith.constant 0 : i32
      %dma_wait3A_109 = tpu.memref_slice %arg11[%add3A_8, %dma_wait3A_108] : memref<10112x64xf32, #tpu.memory_space<vmem_shared>> -> memref<128x64xf32, #tpu.memory_space<vmem_shared>>
      %dma_wait3A_110 = arith.constant 0 : i32
      %dma_wait3A_111 = arith.constant 0 : i32
      %dma_wait3A_112 = tpu.memref_slice %arg9[%dma_wait3A_110, %dma_wait3A_111] : memref<128x64xf32, #tpu.memory_space<vmem>> -> memref<128x64xf32, #tpu.memory_space<vmem>>
      tpu.wait_dma2 semaphore(%run_scoped3A_92 : memref<!tpu.dma_semaphore, #tpu.memory_space<semaphore_mem>>) src(%dma_wait3A_112 : memref<128x64xf32, #tpu.memory_space<vmem>>) dst(%dma_wait3A_109 : memref<128x64xf32, #tpu.memory_space<vmem_shared>>)
      tpu.yield
    }) : () -> ()
    %add3A_9 = arith.constant 384 : i32
    %add3A_10 = arith.addi %mul3A_2, %add3A_9 : i32
    "tpu.region"() ({
      %run_scoped3A_92 = tpu.sem_alloc : memref<!tpu.dma_semaphore, #tpu.memory_space<semaphore_mem>>
      %dma_start3A_93 = arith.constant 0 : i32
      %dma_start3A_94 = arith.constant 0 : i32
      %dma_start3A_95 = tpu.memref_slice %arg9[%dma_start3A_93, %dma_start3A_94] : memref<128x64xf32, #tpu.memory_space<vmem>> -> memref<128x64xf32, #tpu.memory_space<vmem>>
      %dma_start3A_96 = arith.constant 0 : i32
      %dma_start3A_97 = tpu.memref_slice %arg11[%add3A_10, %dma_start3A_96] : memref<10112x64xf32, #tpu.memory_space<vmem_shared>> -> memref<128x64xf32, #tpu.memory_space<vmem_shared>>
      %dma_start3A_98 = arith.constant 0 : i32
      %dma_start3A_99 = tpu.memref_slice %arg11[%add3A_10, %dma_start3A_98] : memref<10112x64xf32, #tpu.memory_space<vmem_shared>> -> memref<128x64xf32, #tpu.memory_space<vmem_shared>>
      %dma_start3A_100 = arith.constant 0 : i32
      %dma_start3A_101 = arith.constant 0 : i32
      %dma_start3A_102 = tpu.memref_slice %arg9[%dma_start3A_100, %dma_start3A_101] : memref<128x64xf32, #tpu.memory_space<vmem>> -> memref<128x64xf32, #tpu.memory_space<vmem>>
      tpu.enqueue_dma source(%dma_start3A_102 : memref<128x64xf32, #tpu.memory_space<vmem>>) target(%dma_start3A_99 : memref<128x64xf32, #tpu.memory_space<vmem_shared>>) target_semaphore(%run_scoped3A_92 : memref<!tpu.dma_semaphore, #tpu.memory_space<semaphore_mem>>)
      %dma_wait3A_103 = arith.constant 0 : i32
      %dma_wait3A_104 = arith.constant 0 : i32
      %dma_wait3A_105 = tpu.memref_slice %arg9[%dma_wait3A_103, %dma_wait3A_104] : memref<128x64xf32, #tpu.memory_space<vmem>> -> memref<128x64xf32, #tpu.memory_space<vmem>>
      %dma_wait3A_106 = arith.constant 0 : i32
      %dma_wait3A_107 = tpu.memref_slice %arg11[%add3A_10, %dma_wait3A_106] : memref<10112x64xf32, #tpu.memory_space<vmem_shared>> -> memref<128x64xf32, #tpu.memory_space<vmem_shared>>
      %dma_wait3A_108 = arith.constant 0 : i32
      %dma_wait3A_109 = tpu.memref_slice %arg11[%add3A_10, %dma_wait3A_108] : memref<10112x64xf32, #tpu.memory_space<vmem_shared>> -> memref<128x64xf32, #tpu.memory_space<vmem_shared>>
      %dma_wait3A_110 = arith.constant 0 : i32
      %dma_wait3A_111 = arith.constant 0 : i32
      %dma_wait3A_112 = tpu.memref_slice %arg9[%dma_wait3A_110, %dma_wait3A_111] : memref<128x64xf32, #tpu.memory_space<vmem>> -> memref<128x64xf32, #tpu.memory_space<vmem>>
      tpu.wait_dma2 semaphore(%run_scoped3A_92 : memref<!tpu.dma_semaphore, #tpu.memory_space<semaphore_mem>>) src(%dma_wait3A_112 : memref<128x64xf32, #tpu.memory_space<vmem>>) dst(%dma_wait3A_109 : memref<128x64xf32, #tpu.memory_space<vmem_shared>>)
      tpu.yield
    }) : () -> ()
    %add3A_11 = arith.constant 512 : i32
    %add3A_12 = arith.addi %mul3A_2, %add3A_11 : i32
    "tpu.region"() ({
      %run_scoped3A_92 = tpu.sem_alloc : memref<!tpu.dma_semaphore, #tpu.memory_space<semaphore_mem>>
      %dma_start3A_93 = arith.constant 0 : i32
      %dma_start3A_94 = arith.constant 0 : i32
      %dma_start3A_95 = tpu.memref_slice %arg9[%dma_start3A_93, %dma_start3A_94] : memref<128x64xf32, #tpu.memory_space<vmem>> -> memref<120x64xf32, #tpu.memory_space<vmem>>
      %dma_start3A_96 = arith.constant 0 : i32
      %dma_start3A_97 = tpu.memref_slice %arg11[%add3A_12, %dma_start3A_96] : memref<10112x64xf32, #tpu.memory_space<vmem_shared>> -> memref<120x64xf32, #tpu.memory_space<vmem_shared>>
      %dma_start3A_98 = arith.constant 0 : i32
      %dma_start3A_99 = tpu.memref_slice %arg11[%add3A_12, %dma_start3A_98] : memref<10112x64xf32, #tpu.memory_space<vmem_shared>> -> memref<120x64xf32, #tpu.memory_space<vmem_shared>>
      %dma_start3A_100 = arith.constant 0 : i32
      %dma_start3A_101 = arith.constant 0 : i32
      %dma_start3A_102 = tpu.memref_slice %arg9[%dma_start3A_100, %dma_start3A_101] : memref<128x64xf32, #tpu.memory_space<vmem>> -> memref<120x64xf32, #tpu.memory_space<vmem>>
      tpu.enqueue_dma source(%dma_start3A_102 : memref<120x64xf32, #tpu.memory_space<vmem>>) target(%dma_start3A_99 : memref<120x64xf32, #tpu.memory_space<vmem_shared>>) target_semaphore(%run_scoped3A_92 : memref<!tpu.dma_semaphore, #tpu.memory_space<semaphore_mem>>)
      %dma_wait3A_103 = arith.constant 0 : i32
      %dma_wait3A_104 = arith.constant 0 : i32
      %dma_wait3A_105 = tpu.memref_slice %arg9[%dma_wait3A_103, %dma_wait3A_104] : memref<128x64xf32, #tpu.memory_space<vmem>> -> memref<120x64xf32, #tpu.memory_space<vmem>>
      %dma_wait3A_106 = arith.constant 0 : i32
      %dma_wait3A_107 = tpu.memref_slice %arg11[%add3A_12, %dma_wait3A_106] : memref<10112x64xf32, #tpu.memory_space<vmem_shared>> -> memref<120x64xf32, #tpu.memory_space<vmem_shared>>
      %dma_wait3A_108 = arith.constant 0 : i32
      %dma_wait3A_109 = tpu.memref_slice %arg11[%add3A_12, %dma_wait3A_108] : memref<10112x64xf32, #tpu.memory_space<vmem_shared>> -> memref<120x64xf32, #tpu.memory_space<vmem_shared>>
      %dma_wait3A_110 = arith.constant 0 : i32
      %dma_wait3A_111 = arith.constant 0 : i32
      %dma_wait3A_112 = tpu.memref_slice %arg9[%dma_wait3A_110, %dma_wait3A_111] : memref<128x64xf32, #tpu.memory_space<vmem>> -> memref<120x64xf32, #tpu.memory_space<vmem>>
      tpu.wait_dma2 semaphore(%run_scoped3A_92 : memref<!tpu.dma_semaphore, #tpu.memory_space<semaphore_mem>>) src(%dma_wait3A_112 : memref<120x64xf32, #tpu.memory_space<vmem>>) dst(%dma_wait3A_109 : memref<120x64xf32, #tpu.memory_space<vmem_shared>>)
      tpu.yield
    }) : () -> ()
    %barrier3A = arith.constant 0 : index
    tpu.barrier barrier_id(%barrier3A)
    "tpu.region"() ({
      %run_scoped3A_92 = tpu.sem_alloc : memref<!tpu.dma_semaphore, #tpu.memory_space<semaphore_mem>>
      %dma_start3A_93 = arith.constant 0 : i32
      %dma_start3A_94 = arith.constant 0 : i32
      %dma_start3A_95 = tpu.memref_slice %arg3[%add3A, %dma_start3A_93, %dma_start3A_94] : memref<32x80x128xi32, #tpu.memory_space<hbm>> -> memref<1x40x128xi32, #tpu.memory_space<hbm>>
      %dma_start3A_96 = tpu.memref_squeeze %dma_start3A_95 : memref<1x40x128xi32, #tpu.memory_space<hbm>> -> memref<40x128xi32, #tpu.memory_space<hbm>>
      %dma_start3A_97 = arith.constant 0 : i32
      %dma_start3A_98 = arith.constant 0 : i32
      %dma_start3A_99 = tpu.memref_slice %arg3[%add3A, %dma_start3A_97, %dma_start3A_98] : memref<32x80x128xi32, #tpu.memory_space<hbm>> -> memref<1x40x128xi32, #tpu.memory_space<hbm>>
      %dma_start3A_100 = tpu.memref_squeeze %dma_start3A_99 : memref<1x40x128xi32, #tpu.memory_space<hbm>> -> memref<40x128xi32, #tpu.memory_space<hbm>>
      tpu.enqueue_dma source(%dma_start3A_100 : memref<40x128xi32, #tpu.memory_space<hbm>>) target(%arg7 : memref<40x128xi32, #tpu.memory_space<vmem>>) target_semaphore(%run_scoped3A_92 : memref<!tpu.dma_semaphore, #tpu.memory_space<semaphore_mem>>)
      %dma_wait3A_101 = arith.constant 0 : i32
      %dma_wait3A_102 = arith.constant 0 : i32
      %dma_wait3A_103 = tpu.memref_slice %arg3[%add3A, %dma_wait3A_101, %dma_wait3A_102] : memref<32x80x128xi32, #tpu.memory_space<hbm>> -> memref<1x40x128xi32, #tpu.memory_space<hbm>>
      %dma_wait3A_104 = tpu.memref_squeeze %dma_wait3A_103 : memref<1x40x128xi32, #tpu.memory_space<hbm>> -> memref<40x128xi32, #tpu.memory_space<hbm>>
      %dma_wait3A_105 = arith.constant 0 : i32
      %dma_wait3A_106 = arith.constant 0 : i32
      %dma_wait3A_107 = tpu.memref_slice %arg3[%add3A, %dma_wait3A_105, %dma_wait3A_106] : memref<32x80x128xi32, #tpu.memory_space<hbm>> -> memref<1x40x128xi32, #tpu.memory_space<hbm>>
      %dma_wait3A_108 = tpu.memref_squeeze %dma_wait3A_107 : memref<1x40x128xi32, #tpu.memory_space<hbm>> -> memref<40x128xi32, #tpu.memory_space<hbm>>
      tpu.wait_dma2 semaphore(%run_scoped3A_92 : memref<!tpu.dma_semaphore, #tpu.memory_space<semaphore_mem>>) src(%dma_wait3A_108 : memref<40x128xi32, #tpu.memory_space<hbm>>) dst(%arg7 : memref<40x128xi32, #tpu.memory_space<vmem>>)
      tpu.yield
    }) : () -> ()
    "tpu.region"() ({
      %run_scoped3A_92 = tpu.sem_alloc : memref<!tpu.dma_semaphore, #tpu.memory_space<semaphore_mem>>
      %dma_start3A_93 = arith.constant 0 : i32
      %dma_start3A_94 = arith.constant 0 : i32
      %dma_start3A_95 = tpu.memref_slice %arg4[%add3A, %dma_start3A_93, %dma_start3A_94] : memref<32x80x128xi32, #tpu.memory_space<hbm>> -> memref<1x40x128xi32, #tpu.memory_space<hbm>>
      %dma_start3A_96 = tpu.memref_squeeze %dma_start3A_95 : memref<1x40x128xi32, #tpu.memory_space<hbm>> -> memref<40x128xi32, #tpu.memory_space<hbm>>
      %dma_start3A_97 = arith.constant 0 : i32
      %dma_start3A_98 = arith.constant 0 : i32
      %dma_start3A_99 = tpu.memref_slice %arg4[%add3A, %dma_start3A_97, %dma_start3A_98] : memref<32x80x128xi32, #tpu.memory_space<hbm>> -> memref<1x40x128xi32, #tpu.memory_space<hbm>>
      %dma_start3A_100 = tpu.memref_squeeze %dma_start3A_99 : memref<1x40x128xi32, #tpu.memory_space<hbm>> -> memref<40x128xi32, #tpu.memory_space<hbm>>
      tpu.enqueue_dma source(%dma_start3A_100 : memref<40x128xi32, #tpu.memory_space<hbm>>) target(%arg8 : memref<40x128xi32, #tpu.memory_space<vmem>>) target_semaphore(%run_scoped3A_92 : memref<!tpu.dma_semaphore, #tpu.memory_space<semaphore_mem>>)
      %dma_wait3A_101 = arith.constant 0 : i32
      %dma_wait3A_102 = arith.constant 0 : i32
      %dma_wait3A_103 = tpu.memref_slice %arg4[%add3A, %dma_wait3A_101, %dma_wait3A_102] : memref<32x80x128xi32, #tpu.memory_space<hbm>> -> memref<1x40x128xi32, #tpu.memory_space<hbm>>
      %dma_wait3A_104 = tpu.memref_squeeze %dma_wait3A_103 : memref<1x40x128xi32, #tpu.memory_space<hbm>> -> memref<40x128xi32, #tpu.memory_space<hbm>>
      %dma_wait3A_105 = arith.constant 0 : i32
      %dma_wait3A_106 = arith.constant 0 : i32
      %dma_wait3A_107 = tpu.memref_slice %arg4[%add3A, %dma_wait3A_105, %dma_wait3A_106] : memref<32x80x128xi32, #tpu.memory_space<hbm>> -> memref<1x40x128xi32, #tpu.memory_space<hbm>>
      %dma_wait3A_108 = tpu.memref_squeeze %dma_wait3A_107 : memref<1x40x128xi32, #tpu.memory_space<hbm>> -> memref<40x128xi32, #tpu.memory_space<hbm>>
      tpu.wait_dma2 semaphore(%run_scoped3A_92 : memref<!tpu.dma_semaphore, #tpu.memory_space<semaphore_mem>>) src(%dma_wait3A_108 : memref<40x128xi32, #tpu.memory_space<hbm>>) dst(%arg8 : memref<40x128xi32, #tpu.memory_space<vmem>>)
      tpu.yield
    }) : () -> ()
    %dma_start3A = arith.constant 0 : i32
    %dma_start3A_13 = arith.constant 0 : i32
    %dma_start3A_14 = tpu.memref_slice %arg7[%dma_start3A, %dma_start3A_13] : memref<40x128xi32, #tpu.memory_space<vmem>> -> memref<1x128xi32, #tpu.memory_space<vmem>>
    %dma_start3A_15 = tpu.memref_squeeze %dma_start3A_14 : memref<1x128xi32, #tpu.memory_space<vmem>> -> memref<128xi32, #tpu.memory_space<vmem>>
    %dma_start3A_16 = arith.constant 0 : i32
    %dma_start3A_17 = arith.constant 0 : i32
    %dma_start3A_18 = tpu.memref_slice %arg2[%dma_start3A_16, %dma_start3A_17] : memref<10112x64xf32, #tpu.memory_space<hbm>> -> memref<10112x64xf32, #tpu.memory_space<hbm>>
    tpu.enqueue_indirect_dma source(%dma_start3A_18 : memref<10112x64xf32, #tpu.memory_space<hbm>>) target(%arg9 : memref<128x64xf32, #tpu.memory_space<vmem>>) offsets(%dma_start3A_15 : memref<128xi32, #tpu.memory_space<vmem>>) semaphore(%arg12 : memref<!tpu.dma_semaphore, #tpu.memory_space<semaphore_mem>>)
    %dma_start3A_19 = arith.constant 1 : i32
    %dma_start3A_20 = arith.constant 0 : i32
    %dma_start3A_21 = tpu.memref_slice %arg7[%dma_start3A_19, %dma_start3A_20] : memref<40x128xi32, #tpu.memory_space<vmem>> -> memref<1x128xi32, #tpu.memory_space<vmem>>
    %dma_start3A_22 = tpu.memref_squeeze %dma_start3A_21 : memref<1x128xi32, #tpu.memory_space<vmem>> -> memref<128xi32, #tpu.memory_space<vmem>>
    %dma_start3A_23 = arith.constant 0 : i32
    %dma_start3A_24 = arith.constant 0 : i32
    %dma_start3A_25 = tpu.memref_slice %arg2[%dma_start3A_23, %dma_start3A_24] : memref<10112x64xf32, #tpu.memory_space<hbm>> -> memref<10112x64xf32, #tpu.memory_space<hbm>>
    tpu.enqueue_indirect_dma source(%dma_start3A_25 : memref<10112x64xf32, #tpu.memory_space<hbm>>) target(%arg10 : memref<128x64xf32, #tpu.memory_space<vmem>>) offsets(%dma_start3A_22 : memref<128xi32, #tpu.memory_space<vmem>>) semaphore(%arg13 : memref<!tpu.dma_semaphore, #tpu.memory_space<semaphore_mem>>)
    %scan3A = arith.constant 0 : i32
    %scan3A_26 = arith.constant 0 : i32
    %scan3A_27 = arith.constant 19 : i32
    %scan3A_28 = arith.addi %scan3A_26, %scan3A_27 : i32
    %scan3A_29 = arith.constant 1 : i32
    scf.for %scan3A_92 = %scan3A_26 to %scan3A_28 step %scan3A_29  : i32 {
      %mul3A_93 = arith.constant 2 : i32
      %mul3A_94 = arith.muli %scan3A_92, %mul3A_93 : i32
      %add3A_95 = arith.constant 0 : i32
      %add3A_96 = arith.addi %mul3A_94, %add3A_95 : i32
      %dma_wait3A_97 = arith.constant 0 : i32
      %dma_wait3A_98 = tpu.memref_slice %arg7[%add3A_96, %dma_wait3A_97] : memref<40x128xi32, #tpu.memory_space<vmem>> -> memref<1x128xi32, #tpu.memory_space<vmem>>
      %dma_wait3A_99 = tpu.memref_squeeze %dma_wait3A_98 : memref<1x128xi32, #tpu.memory_space<vmem>> -> memref<128xi32, #tpu.memory_space<vmem>>
      %dma_wait3A_100 = arith.constant 0 : i32
      %dma_wait3A_101 = arith.constant 0 : i32
      %dma_wait3A_102 = tpu.memref_slice %arg2[%dma_wait3A_100, %dma_wait3A_101] : memref<10112x64xf32, #tpu.memory_space<hbm>> -> memref<10112x64xf32, #tpu.memory_space<hbm>>
      tpu.wait_indirect_dma semaphore(%arg12 : memref<!tpu.dma_semaphore, #tpu.memory_space<semaphore_mem>>) src(%dma_wait3A_102 : memref<10112x64xf32, #tpu.memory_space<hbm>>) dst(%arg9 : memref<128x64xf32, #tpu.memory_space<vmem>>)
      "tpu.region"() ({
        %run_scoped3A_127 = tpu.sem_alloc : memref<!tpu.dma_semaphore, #tpu.memory_space<semaphore_mem>>
        %dma_start3A_128 = arith.constant 0 : i32
        %dma_start3A_129 = tpu.memref_slice %arg8[%add3A_96, %dma_start3A_128] : memref<40x128xi32, #tpu.memory_space<vmem>> -> memref<1x128xi32, #tpu.memory_space<vmem>>
        %dma_start3A_130 = tpu.memref_squeeze %dma_start3A_129 : memref<1x128xi32, #tpu.memory_space<vmem>> -> memref<128xi32, #tpu.memory_space<vmem>>
        %dma_start3A_131 = arith.constant 0 : i32
        %dma_start3A_132 = arith.constant 0 : i32
        %dma_start3A_133 = tpu.memref_slice %arg11[%dma_start3A_131, %dma_start3A_132] : memref<10112x64xf32, #tpu.memory_space<vmem_shared>> -> memref<10112x64xf32, #tpu.memory_space<vmem_shared>>
        tpu.enqueue_indirect_dma source(%arg9 : memref<128x64xf32, #tpu.memory_space<vmem>>) target(%dma_start3A_133 : memref<10112x64xf32, #tpu.memory_space<vmem_shared>>) offsets(%dma_start3A_130 : memref<128xi32, #tpu.memory_space<vmem>>) semaphore(%run_scoped3A_127 : memref<!tpu.dma_semaphore, #tpu.memory_space<semaphore_mem>>) {add = true}
        %dma_wait3A_134 = arith.constant 0 : i32
        %dma_wait3A_135 = tpu.memref_slice %arg8[%add3A_96, %dma_wait3A_134] : memref<40x128xi32, #tpu.memory_space<vmem>> -> memref<1x128xi32, #tpu.memory_space<vmem>>
        %dma_wait3A_136 = tpu.memref_squeeze %dma_wait3A_135 : memref<1x128xi32, #tpu.memory_space<vmem>> -> memref<128xi32, #tpu.memory_space<vmem>>
        %dma_wait3A_137 = arith.constant 0 : i32
        %dma_wait3A_138 = arith.constant 0 : i32
        %dma_wait3A_139 = tpu.memref_slice %arg11[%dma_wait3A_137, %dma_wait3A_138] : memref<10112x64xf32, #tpu.memory_space<vmem_shared>> -> memref<10112x64xf32, #tpu.memory_space<vmem_shared>>
        tpu.wait_indirect_dma semaphore(%run_scoped3A_127 : memref<!tpu.dma_semaphore, #tpu.memory_space<semaphore_mem>>) src(%arg9 : memref<128x64xf32, #tpu.memory_space<vmem>>) dst(%dma_wait3A_139 : memref<10112x64xf32, #tpu.memory_space<vmem_shared>>)
        tpu.yield
      }) : () -> ()
      %add3A_103 = arith.constant 2 : i32
      %add3A_104 = arith.addi %add3A_96, %add3A_103 : i32
      %dma_start3A_105 = arith.constant 0 : i32
      %dma_start3A_106 = tpu.memref_slice %arg7[%add3A_104, %dma_start3A_105] : memref<40x128xi32, #tpu.memory_space<vmem>> -> memref<1x128xi32, #tpu.memory_space<vmem>>
      %dma_start3A_107 = tpu.memref_squeeze %dma_start3A_106 : memref<1x128xi32, #tpu.memory_space<vmem>> -> memref<128xi32, #tpu.memory_space<vmem>>
      %dma_start3A_108 = arith.constant 0 : i32
      %dma_start3A_109 = arith.constant 0 : i32
      %dma_start3A_110 = tpu.memref_slice %arg2[%dma_start3A_108, %dma_start3A_109] : memref<10112x64xf32, #tpu.memory_space<hbm>> -> memref<10112x64xf32, #tpu.memory_space<hbm>>
      tpu.enqueue_indirect_dma source(%dma_start3A_110 : memref<10112x64xf32, #tpu.memory_space<hbm>>) target(%arg9 : memref<128x64xf32, #tpu.memory_space<vmem>>) offsets(%dma_start3A_107 : memref<128xi32, #tpu.memory_space<vmem>>) semaphore(%arg12 : memref<!tpu.dma_semaphore, #tpu.memory_space<semaphore_mem>>)
      %add3A_111 = arith.constant 1 : i32
      %add3A_112 = arith.addi %mul3A_94, %add3A_111 : i32
      %dma_wait3A_113 = arith.constant 0 : i32
      %dma_wait3A_114 = tpu.memref_slice %arg7[%add3A_112, %dma_wait3A_113] : memref<40x128xi32, #tpu.memory_space<vmem>> -> memref<1x128xi32, #tpu.memory_space<vmem>>
      %dma_wait3A_115 = tpu.memref_squeeze %dma_wait3A_114 : memref<1x128xi32, #tpu.memory_space<vmem>> -> memref<128xi32, #tpu.memory_space<vmem>>
      %dma_wait3A_116 = arith.constant 0 : i32
      %dma_wait3A_117 = arith.constant 0 : i32
      %dma_wait3A_118 = tpu.memref_slice %arg2[%dma_wait3A_116, %dma_wait3A_117] : memref<10112x64xf32, #tpu.memory_space<hbm>> -> memref<10112x64xf32, #tpu.memory_space<hbm>>
      tpu.wait_indirect_dma semaphore(%arg13 : memref<!tpu.dma_semaphore, #tpu.memory_space<semaphore_mem>>) src(%dma_wait3A_118 : memref<10112x64xf32, #tpu.memory_space<hbm>>) dst(%arg10 : memref<128x64xf32, #tpu.memory_space<vmem>>)
      "tpu.region"() ({
        %run_scoped3A_127 = tpu.sem_alloc : memref<!tpu.dma_semaphore, #tpu.memory_space<semaphore_mem>>
        %dma_start3A_128 = arith.constant 0 : i32
        %dma_start3A_129 = tpu.memref_slice %arg8[%add3A_112, %dma_start3A_128] : memref<40x128xi32, #tpu.memory_space<vmem>> -> memref<1x128xi32, #tpu.memory_space<vmem>>
        %dma_start3A_130 = tpu.memref_squeeze %dma_start3A_129 : memref<1x128xi32, #tpu.memory_space<vmem>> -> memref<128xi32, #tpu.memory_space<vmem>>
        %dma_start3A_131 = arith.constant 0 : i32
        %dma_start3A_132 = arith.constant 0 : i32
        %dma_start3A_133 = tpu.memref_slice %arg11[%dma_start3A_131, %dma_start3A_132] : memref<10112x64xf32, #tpu.memory_space<vmem_shared>> -> memref<10112x64xf32, #tpu.memory_space<vmem_shared>>
        tpu.enqueue_indirect_dma source(%arg10 : memref<128x64xf32, #tpu.memory_space<vmem>>) target(%dma_start3A_133 : memref<10112x64xf32, #tpu.memory_space<vmem_shared>>) offsets(%dma_start3A_130 : memref<128xi32, #tpu.memory_space<vmem>>) semaphore(%run_scoped3A_127 : memref<!tpu.dma_semaphore, #tpu.memory_space<semaphore_mem>>) {add = true}
        %dma_wait3A_134 = arith.constant 0 : i32
        %dma_wait3A_135 = tpu.memref_slice %arg8[%add3A_112, %dma_wait3A_134] : memref<40x128xi32, #tpu.memory_space<vmem>> -> memref<1x128xi32, #tpu.memory_space<vmem>>
        %dma_wait3A_136 = tpu.memref_squeeze %dma_wait3A_135 : memref<1x128xi32, #tpu.memory_space<vmem>> -> memref<128xi32, #tpu.memory_space<vmem>>
        %dma_wait3A_137 = arith.constant 0 : i32
        %dma_wait3A_138 = arith.constant 0 : i32
        %dma_wait3A_139 = tpu.memref_slice %arg11[%dma_wait3A_137, %dma_wait3A_138] : memref<10112x64xf32, #tpu.memory_space<vmem_shared>> -> memref<10112x64xf32, #tpu.memory_space<vmem_shared>>
        tpu.wait_indirect_dma semaphore(%run_scoped3A_127 : memref<!tpu.dma_semaphore, #tpu.memory_space<semaphore_mem>>) src(%arg10 : memref<128x64xf32, #tpu.memory_space<vmem>>) dst(%dma_wait3A_139 : memref<10112x64xf32, #tpu.memory_space<vmem_shared>>)
        tpu.yield
      }) : () -> ()
      %add3A_119 = arith.constant 2 : i32
      %add3A_120 = arith.addi %add3A_112, %add3A_119 : i32
      %dma_start3A_121 = arith.constant 0 : i32
      %dma_start3A_122 = tpu.memref_slice %arg7[%add3A_120, %dma_start3A_121] : memref<40x128xi32, #tpu.memory_space<vmem>> -> memref<1x128xi32, #tpu.memory_space<vmem>>
      %dma_start3A_123 = tpu.memref_squeeze %dma_start3A_122 : memref<1x128xi32, #tpu.memory_space<vmem>> -> memref<128xi32, #tpu.memory_space<vmem>>
      %dma_start3A_124 = arith.constant 0 : i32
      %dma_start3A_125 = arith.constant 0 : i32
      %dma_start3A_126 = tpu.memref_slice %arg2[%dma_start3A_124, %dma_start3A_125] : memref<10112x64xf32, #tpu.memory_space<hbm>> -> memref<10112x64xf32, #tpu.memory_space<hbm>>
      tpu.enqueue_indirect_dma source(%dma_start3A_126 : memref<10112x64xf32, #tpu.memory_space<hbm>>) target(%arg10 : memref<128x64xf32, #tpu.memory_space<vmem>>) offsets(%dma_start3A_123 : memref<128xi32, #tpu.memory_space<vmem>>) semaphore(%arg13 : memref<!tpu.dma_semaphore, #tpu.memory_space<semaphore_mem>>)
    }
    %scan3A_30 = arith.constant 19 : i32
    %dma_wait3A = arith.constant 38 : i32
    %dma_wait3A_31 = arith.constant 0 : i32
    %dma_wait3A_32 = tpu.memref_slice %arg7[%dma_wait3A, %dma_wait3A_31] : memref<40x128xi32, #tpu.memory_space<vmem>> -> memref<1x128xi32, #tpu.memory_space<vmem>>
    %dma_wait3A_33 = tpu.memref_squeeze %dma_wait3A_32 : memref<1x128xi32, #tpu.memory_space<vmem>> -> memref<128xi32, #tpu.memory_space<vmem>>
    %dma_wait3A_34 = arith.constant 0 : i32
    %dma_wait3A_35 = arith.constant 0 : i32
    %dma_wait3A_36 = tpu.memref_slice %arg2[%dma_wait3A_34, %dma_wait3A_35] : memref<10112x64xf32, #tpu.memory_space<hbm>> -> memref<10112x64xf32, #tpu.memory_space<hbm>>
    tpu.wait_indirect_dma semaphore(%arg12 : memref<!tpu.dma_semaphore, #tpu.memory_space<semaphore_mem>>) src(%dma_wait3A_36 : memref<10112x64xf32, #tpu.memory_space<hbm>>) dst(%arg9 : memref<128x64xf32, #tpu.memory_space<vmem>>)
    %run_scoped3A = arith.constant 38 : i32
    "tpu.region"() ({
      %run_scoped3A_92 = tpu.sem_alloc : memref<!tpu.dma_semaphore, #tpu.memory_space<semaphore_mem>>
      %dma_start3A_93 = arith.constant 0 : i32
      %dma_start3A_94 = tpu.memref_slice %arg8[%run_scoped3A, %dma_start3A_93] : memref<40x128xi32, #tpu.memory_space<vmem>> -> memref<1x128xi32, #tpu.memory_space<vmem>>
      %dma_start3A_95 = tpu.memref_squeeze %dma_start3A_94 : memref<1x128xi32, #tpu.memory_space<vmem>> -> memref<128xi32, #tpu.memory_space<vmem>>
      %dma_start3A_96 = arith.constant 0 : i32
      %dma_start3A_97 = arith.constant 0 : i32
      %dma_start3A_98 = tpu.memref_slice %arg11[%dma_start3A_96, %dma_start3A_97] : memref<10112x64xf32, #tpu.memory_space<vmem_shared>> -> memref<10112x64xf32, #tpu.memory_space<vmem_shared>>
      tpu.enqueue_indirect_dma source(%arg9 : memref<128x64xf32, #tpu.memory_space<vmem>>) target(%dma_start3A_98 : memref<10112x64xf32, #tpu.memory_space<vmem_shared>>) offsets(%dma_start3A_95 : memref<128xi32, #tpu.memory_space<vmem>>) semaphore(%run_scoped3A_92 : memref<!tpu.dma_semaphore, #tpu.memory_space<semaphore_mem>>) {add = true}
      %dma_wait3A_99 = arith.constant 0 : i32
      %dma_wait3A_100 = tpu.memref_slice %arg8[%run_scoped3A, %dma_wait3A_99] : memref<40x128xi32, #tpu.memory_space<vmem>> -> memref<1x128xi32, #tpu.memory_space<vmem>>
      %dma_wait3A_101 = tpu.memref_squeeze %dma_wait3A_100 : memref<1x128xi32, #tpu.memory_space<vmem>> -> memref<128xi32, #tpu.memory_space<vmem>>
      %dma_wait3A_102 = arith.constant 0 : i32
      %dma_wait3A_103 = arith.constant 0 : i32
      %dma_wait3A_104 = tpu.memref_slice %arg11[%dma_wait3A_102, %dma_wait3A_103] : memref<10112x64xf32, #tpu.memory_space<vmem_shared>> -> memref<10112x64xf32, #tpu.memory_space<vmem_shared>>
      tpu.wait_indirect_dma semaphore(%run_scoped3A_92 : memref<!tpu.dma_semaphore, #tpu.memory_space<semaphore_mem>>) src(%arg9 : memref<128x64xf32, #tpu.memory_space<vmem>>) dst(%dma_wait3A_104 : memref<10112x64xf32, #tpu.memory_space<vmem_shared>>)
      tpu.yield
    }) : () -> ()
    %dma_wait3A_37 = arith.constant 39 : i32
    %dma_wait3A_38 = arith.constant 0 : i32
    %dma_wait3A_39 = tpu.memref_slice %arg7[%dma_wait3A_37, %dma_wait3A_38] : memref<40x128xi32, #tpu.memory_space<vmem>> -> memref<1x128xi32, #tpu.memory_space<vmem>>
    %dma_wait3A_40 = tpu.memref_squeeze %dma_wait3A_39 : memref<1x128xi32, #tpu.memory_space<vmem>> -> memref<128xi32, #tpu.memory_space<vmem>>
    %dma_wait3A_41 = arith.constant 0 : i32
    %dma_wait3A_42 = arith.constant 0 : i32
    %dma_wait3A_43 = tpu.memref_slice %arg2[%dma_wait3A_41, %dma_wait3A_42] : memref<10112x64xf32, #tpu.memory_space<hbm>> -> memref<10112x64xf32, #tpu.memory_space<hbm>>
    tpu.wait_indirect_dma semaphore(%arg13 : memref<!tpu.dma_semaphore, #tpu.memory_space<semaphore_mem>>) src(%dma_wait3A_43 : memref<10112x64xf32, #tpu.memory_space<hbm>>) dst(%arg10 : memref<128x64xf32, #tpu.memory_space<vmem>>)
    %run_scoped3A_44 = arith.constant 39 : i32
    "tpu.region"() ({
      %run_scoped3A_92 = tpu.sem_alloc : memref<!tpu.dma_semaphore, #tpu.memory_space<semaphore_mem>>
      %dma_start3A_93 = arith.constant 0 : i32
      %dma_start3A_94 = tpu.memref_slice %arg8[%run_scoped3A_44, %dma_start3A_93] : memref<40x128xi32, #tpu.memory_space<vmem>> -> memref<1x128xi32, #tpu.memory_space<vmem>>
      %dma_start3A_95 = tpu.memref_squeeze %dma_start3A_94 : memref<1x128xi32, #tpu.memory_space<vmem>> -> memref<128xi32, #tpu.memory_space<vmem>>
      %dma_start3A_96 = arith.constant 0 : i32
      %dma_start3A_97 = arith.constant 0 : i32
      %dma_start3A_98 = tpu.memref_slice %arg11[%dma_start3A_96, %dma_start3A_97] : memref<10112x64xf32, #tpu.memory_space<vmem_shared>> -> memref<10112x64xf32, #tpu.memory_space<vmem_shared>>
      tpu.enqueue_indirect_dma source(%arg10 : memref<128x64xf32, #tpu.memory_space<vmem>>) target(%dma_start3A_98 : memref<10112x64xf32, #tpu.memory_space<vmem_shared>>) offsets(%dma_start3A_95 : memref<128xi32, #tpu.memory_space<vmem>>) semaphore(%run_scoped3A_92 : memref<!tpu.dma_semaphore, #tpu.memory_space<semaphore_mem>>) {add = true}
      %dma_wait3A_99 = arith.constant 0 : i32
      %dma_wait3A_100 = tpu.memref_slice %arg8[%run_scoped3A_44, %dma_wait3A_99] : memref<40x128xi32, #tpu.memory_space<vmem>> -> memref<1x128xi32, #tpu.memory_space<vmem>>
      %dma_wait3A_101 = tpu.memref_squeeze %dma_wait3A_100 : memref<1x128xi32, #tpu.memory_space<vmem>> -> memref<128xi32, #tpu.memory_space<vmem>>
      %dma_wait3A_102 = arith.constant 0 : i32
      %dma_wait3A_103 = arith.constant 0 : i32
      %dma_wait3A_104 = tpu.memref_slice %arg11[%dma_wait3A_102, %dma_wait3A_103] : memref<10112x64xf32, #tpu.memory_space<vmem_shared>> -> memref<10112x64xf32, #tpu.memory_space<vmem_shared>>
      tpu.wait_indirect_dma semaphore(%run_scoped3A_92 : memref<!tpu.dma_semaphore, #tpu.memory_space<semaphore_mem>>) src(%arg10 : memref<128x64xf32, #tpu.memory_space<vmem>>) dst(%dma_wait3A_104 : memref<10112x64xf32, #tpu.memory_space<vmem_shared>>)
      tpu.yield
    }) : () -> ()
    "tpu.region"() ({
      %run_scoped3A_92 = tpu.sem_alloc : memref<!tpu.dma_semaphore, #tpu.memory_space<semaphore_mem>>
      %dma_start3A_93 = arith.constant 40 : i32
      %dma_start3A_94 = arith.constant 0 : i32
      %dma_start3A_95 = tpu.memref_slice %arg3[%add3A, %dma_start3A_93, %dma_start3A_94] : memref<32x80x128xi32, #tpu.memory_space<hbm>> -> memref<1x40x128xi32, #tpu.memory_space<hbm>>
      %dma_start3A_96 = tpu.memref_squeeze %dma_start3A_95 : memref<1x40x128xi32, #tpu.memory_space<hbm>> -> memref<40x128xi32, #tpu.memory_space<hbm>>
      %dma_start3A_97 = arith.constant 40 : i32
      %dma_start3A_98 = arith.constant 0 : i32
      %dma_start3A_99 = tpu.memref_slice %arg3[%add3A, %dma_start3A_97, %dma_start3A_98] : memref<32x80x128xi32, #tpu.memory_space<hbm>> -> memref<1x40x128xi32, #tpu.memory_space<hbm>>
      %dma_start3A_100 = tpu.memref_squeeze %dma_start3A_99 : memref<1x40x128xi32, #tpu.memory_space<hbm>> -> memref<40x128xi32, #tpu.memory_space<hbm>>
      tpu.enqueue_dma source(%dma_start3A_100 : memref<40x128xi32, #tpu.memory_space<hbm>>) target(%arg7 : memref<40x128xi32, #tpu.memory_space<vmem>>) target_semaphore(%run_scoped3A_92 : memref<!tpu.dma_semaphore, #tpu.memory_space<semaphore_mem>>)
      %dma_wait3A_101 = arith.constant 40 : i32
      %dma_wait3A_102 = arith.constant 0 : i32
      %dma_wait3A_103 = tpu.memref_slice %arg3[%add3A, %dma_wait3A_101, %dma_wait3A_102] : memref<32x80x128xi32, #tpu.memory_space<hbm>> -> memref<1x40x128xi32, #tpu.memory_space<hbm>>
      %dma_wait3A_104 = tpu.memref_squeeze %dma_wait3A_103 : memref<1x40x128xi32, #tpu.memory_space<hbm>> -> memref<40x128xi32, #tpu.memory_space<hbm>>
      %dma_wait3A_105 = arith.constant 40 : i32
      %dma_wait3A_106 = arith.constant 0 : i32
      %dma_wait3A_107 = tpu.memref_slice %arg3[%add3A, %dma_wait3A_105, %dma_wait3A_106] : memref<32x80x128xi32, #tpu.memory_space<hbm>> -> memref<1x40x128xi32, #tpu.memory_space<hbm>>
      %dma_wait3A_108 = tpu.memref_squeeze %dma_wait3A_107 : memref<1x40x128xi32, #tpu.memory_space<hbm>> -> memref<40x128xi32, #tpu.memory_space<hbm>>
      tpu.wait_dma2 semaphore(%run_scoped3A_92 : memref<!tpu.dma_semaphore, #tpu.memory_space<semaphore_mem>>) src(%dma_wait3A_108 : memref<40x128xi32, #tpu.memory_space<hbm>>) dst(%arg7 : memref<40x128xi32, #tpu.memory_space<vmem>>)
      tpu.yield
    }) : () -> ()
    "tpu.region"() ({
      %run_scoped3A_92 = tpu.sem_alloc : memref<!tpu.dma_semaphore, #tpu.memory_space<semaphore_mem>>
      %dma_start3A_93 = arith.constant 40 : i32
      %dma_start3A_94 = arith.constant 0 : i32
      %dma_start3A_95 = tpu.memref_slice %arg4[%add3A, %dma_start3A_93, %dma_start3A_94] : memref<32x80x128xi32, #tpu.memory_space<hbm>> -> memref<1x40x128xi32, #tpu.memory_space<hbm>>
      %dma_start3A_96 = tpu.memref_squeeze %dma_start3A_95 : memref<1x40x128xi32, #tpu.memory_space<hbm>> -> memref<40x128xi32, #tpu.memory_space<hbm>>
      %dma_start3A_97 = arith.constant 40 : i32
      %dma_start3A_98 = arith.constant 0 : i32
      %dma_start3A_99 = tpu.memref_slice %arg4[%add3A, %dma_start3A_97, %dma_start3A_98] : memref<32x80x128xi32, #tpu.memory_space<hbm>> -> memref<1x40x128xi32, #tpu.memory_space<hbm>>
      %dma_start3A_100 = tpu.memref_squeeze %dma_start3A_99 : memref<1x40x128xi32, #tpu.memory_space<hbm>> -> memref<40x128xi32, #tpu.memory_space<hbm>>
      tpu.enqueue_dma source(%dma_start3A_100 : memref<40x128xi32, #tpu.memory_space<hbm>>) target(%arg8 : memref<40x128xi32, #tpu.memory_space<vmem>>) target_semaphore(%run_scoped3A_92 : memref<!tpu.dma_semaphore, #tpu.memory_space<semaphore_mem>>)
      %dma_wait3A_101 = arith.constant 40 : i32
      %dma_wait3A_102 = arith.constant 0 : i32
      %dma_wait3A_103 = tpu.memref_slice %arg4[%add3A, %dma_wait3A_101, %dma_wait3A_102] : memref<32x80x128xi32, #tpu.memory_space<hbm>> -> memref<1x40x128xi32, #tpu.memory_space<hbm>>
      %dma_wait3A_104 = tpu.memref_squeeze %dma_wait3A_103 : memref<1x40x128xi32, #tpu.memory_space<hbm>> -> memref<40x128xi32, #tpu.memory_space<hbm>>
      %dma_wait3A_105 = arith.constant 40 : i32
      %dma_wait3A_106 = arith.constant 0 : i32
      %dma_wait3A_107 = tpu.memref_slice %arg4[%add3A, %dma_wait3A_105, %dma_wait3A_106] : memref<32x80x128xi32, #tpu.memory_space<hbm>> -> memref<1x40x128xi32, #tpu.memory_space<hbm>>
      %dma_wait3A_108 = tpu.memref_squeeze %dma_wait3A_107 : memref<1x40x128xi32, #tpu.memory_space<hbm>> -> memref<40x128xi32, #tpu.memory_space<hbm>>
      tpu.wait_dma2 semaphore(%run_scoped3A_92 : memref<!tpu.dma_semaphore, #tpu.memory_space<semaphore_mem>>) src(%dma_wait3A_108 : memref<40x128xi32, #tpu.memory_space<hbm>>) dst(%arg8 : memref<40x128xi32, #tpu.memory_space<vmem>>)
      tpu.yield
    }) : () -> ()
    %dma_start3A_45 = arith.constant 0 : i32
    %dma_start3A_46 = arith.constant 0 : i32
    %dma_start3A_47 = tpu.memref_slice %arg7[%dma_start3A_45, %dma_start3A_46] : memref<40x128xi32, #tpu.memory_space<vmem>> -> memref<1x128xi32, #tpu.memory_space<vmem>>
    %dma_start3A_48 = tpu.memref_squeeze %dma_start3A_47 : memref<1x128xi32, #tpu.memory_space<vmem>> -> memref<128xi32, #tpu.memory_space<vmem>>
    %dma_start3A_49 = arith.constant 0 : i32
    %dma_start3A_50 = arith.constant 0 : i32
    %dma_start3A_51 = tpu.memref_slice %arg2[%dma_start3A_49, %dma_start3A_50] : memref<10112x64xf32, #tpu.memory_space<hbm>> -> memref<10112x64xf32, #tpu.memory_space<hbm>>
    tpu.enqueue_indirect_dma source(%dma_start3A_51 : memref<10112x64xf32, #tpu.memory_space<hbm>>) target(%arg9 : memref<128x64xf32, #tpu.memory_space<vmem>>) offsets(%dma_start3A_48 : memref<128xi32, #tpu.memory_space<vmem>>) semaphore(%arg12 : memref<!tpu.dma_semaphore, #tpu.memory_space<semaphore_mem>>)
    %dma_start3A_52 = arith.constant 1 : i32
    %dma_start3A_53 = arith.constant 0 : i32
    %dma_start3A_54 = tpu.memref_slice %arg7[%dma_start3A_52, %dma_start3A_53] : memref<40x128xi32, #tpu.memory_space<vmem>> -> memref<1x128xi32, #tpu.memory_space<vmem>>
    %dma_start3A_55 = tpu.memref_squeeze %dma_start3A_54 : memref<1x128xi32, #tpu.memory_space<vmem>> -> memref<128xi32, #tpu.memory_space<vmem>>
    %dma_start3A_56 = arith.constant 0 : i32
    %dma_start3A_57 = arith.constant 0 : i32
    %dma_start3A_58 = tpu.memref_slice %arg2[%dma_start3A_56, %dma_start3A_57] : memref<10112x64xf32, #tpu.memory_space<hbm>> -> memref<10112x64xf32, #tpu.memory_space<hbm>>
    tpu.enqueue_indirect_dma source(%dma_start3A_58 : memref<10112x64xf32, #tpu.memory_space<hbm>>) target(%arg10 : memref<128x64xf32, #tpu.memory_space<vmem>>) offsets(%dma_start3A_55 : memref<128xi32, #tpu.memory_space<vmem>>) semaphore(%arg13 : memref<!tpu.dma_semaphore, #tpu.memory_space<semaphore_mem>>)
    %scan3A_59 = arith.constant 0 : i32
    %scan3A_60 = arith.constant 0 : i32
    %scan3A_61 = arith.constant 19 : i32
    %scan3A_62 = arith.addi %scan3A_60, %scan3A_61 : i32
    %scan3A_63 = arith.constant 1 : i32
    scf.for %scan3A_92 = %scan3A_60 to %scan3A_62 step %scan3A_63  : i32 {
      %mul3A_93 = arith.constant 2 : i32
      %mul3A_94 = arith.muli %scan3A_92, %mul3A_93 : i32
      %add3A_95 = arith.constant 0 : i32
      %add3A_96 = arith.addi %mul3A_94, %add3A_95 : i32
      %dma_wait3A_97 = arith.constant 0 : i32
      %dma_wait3A_98 = tpu.memref_slice %arg7[%add3A_96, %dma_wait3A_97] : memref<40x128xi32, #tpu.memory_space<vmem>> -> memref<1x128xi32, #tpu.memory_space<vmem>>
      %dma_wait3A_99 = tpu.memref_squeeze %dma_wait3A_98 : memref<1x128xi32, #tpu.memory_space<vmem>> -> memref<128xi32, #tpu.memory_space<vmem>>
      %dma_wait3A_100 = arith.constant 0 : i32
      %dma_wait3A_101 = arith.constant 0 : i32
      %dma_wait3A_102 = tpu.memref_slice %arg2[%dma_wait3A_100, %dma_wait3A_101] : memref<10112x64xf32, #tpu.memory_space<hbm>> -> memref<10112x64xf32, #tpu.memory_space<hbm>>
      tpu.wait_indirect_dma semaphore(%arg12 : memref<!tpu.dma_semaphore, #tpu.memory_space<semaphore_mem>>) src(%dma_wait3A_102 : memref<10112x64xf32, #tpu.memory_space<hbm>>) dst(%arg9 : memref<128x64xf32, #tpu.memory_space<vmem>>)
      "tpu.region"() ({
        %run_scoped3A_127 = tpu.sem_alloc : memref<!tpu.dma_semaphore, #tpu.memory_space<semaphore_mem>>
        %dma_start3A_128 = arith.constant 0 : i32
        %dma_start3A_129 = tpu.memref_slice %arg8[%add3A_96, %dma_start3A_128] : memref<40x128xi32, #tpu.memory_space<vmem>> -> memref<1x128xi32, #tpu.memory_space<vmem>>
        %dma_start3A_130 = tpu.memref_squeeze %dma_start3A_129 : memref<1x128xi32, #tpu.memory_space<vmem>> -> memref<128xi32, #tpu.memory_space<vmem>>
        %dma_start3A_131 = arith.constant 0 : i32
        %dma_start3A_132 = arith.constant 0 : i32
        %dma_start3A_133 = tpu.memref_slice %arg11[%dma_start3A_131, %dma_start3A_132] : memref<10112x64xf32, #tpu.memory_space<vmem_shared>> -> memref<10112x64xf32, #tpu.memory_space<vmem_shared>>
        tpu.enqueue_indirect_dma source(%arg9 : memref<128x64xf32, #tpu.memory_space<vmem>>) target(%dma_start3A_133 : memref<10112x64xf32, #tpu.memory_space<vmem_shared>>) offsets(%dma_start3A_130 : memref<128xi32, #tpu.memory_space<vmem>>) semaphore(%run_scoped3A_127 : memref<!tpu.dma_semaphore, #tpu.memory_space<semaphore_mem>>) {add = true}
        %dma_wait3A_134 = arith.constant 0 : i32
        %dma_wait3A_135 = tpu.memref_slice %arg8[%add3A_96, %dma_wait3A_134] : memref<40x128xi32, #tpu.memory_space<vmem>> -> memref<1x128xi32, #tpu.memory_space<vmem>>
        %dma_wait3A_136 = tpu.memref_squeeze %dma_wait3A_135 : memref<1x128xi32, #tpu.memory_space<vmem>> -> memref<128xi32, #tpu.memory_space<vmem>>
        %dma_wait3A_137 = arith.constant 0 : i32
        %dma_wait3A_138 = arith.constant 0 : i32
        %dma_wait3A_139 = tpu.memref_slice %arg11[%dma_wait3A_137, %dma_wait3A_138] : memref<10112x64xf32, #tpu.memory_space<vmem_shared>> -> memref<10112x64xf32, #tpu.memory_space<vmem_shared>>
        tpu.wait_indirect_dma semaphore(%run_scoped3A_127 : memref<!tpu.dma_semaphore, #tpu.memory_space<semaphore_mem>>) src(%arg9 : memref<128x64xf32, #tpu.memory_space<vmem>>) dst(%dma_wait3A_139 : memref<10112x64xf32, #tpu.memory_space<vmem_shared>>)
        tpu.yield
      }) : () -> ()
      %add3A_103 = arith.constant 2 : i32
      %add3A_104 = arith.addi %add3A_96, %add3A_103 : i32
      %dma_start3A_105 = arith.constant 0 : i32
      %dma_start3A_106 = tpu.memref_slice %arg7[%add3A_104, %dma_start3A_105] : memref<40x128xi32, #tpu.memory_space<vmem>> -> memref<1x128xi32, #tpu.memory_space<vmem>>
      %dma_start3A_107 = tpu.memref_squeeze %dma_start3A_106 : memref<1x128xi32, #tpu.memory_space<vmem>> -> memref<128xi32, #tpu.memory_space<vmem>>
      %dma_start3A_108 = arith.constant 0 : i32
      %dma_start3A_109 = arith.constant 0 : i32
      %dma_start3A_110 = tpu.memref_slice %arg2[%dma_start3A_108, %dma_start3A_109] : memref<10112x64xf32, #tpu.memory_space<hbm>> -> memref<10112x64xf32, #tpu.memory_space<hbm>>
      tpu.enqueue_indirect_dma source(%dma_start3A_110 : memref<10112x64xf32, #tpu.memory_space<hbm>>) target(%arg9 : memref<128x64xf32, #tpu.memory_space<vmem>>) offsets(%dma_start3A_107 : memref<128xi32, #tpu.memory_space<vmem>>) semaphore(%arg12 : memref<!tpu.dma_semaphore, #tpu.memory_space<semaphore_mem>>)
      %add3A_111 = arith.constant 1 : i32
      %add3A_112 = arith.addi %mul3A_94, %add3A_111 : i32
      %dma_wait3A_113 = arith.constant 0 : i32
      %dma_wait3A_114 = tpu.memref_slice %arg7[%add3A_112, %dma_wait3A_113] : memref<40x128xi32, #tpu.memory_space<vmem>> -> memref<1x128xi32, #tpu.memory_space<vmem>>
      %dma_wait3A_115 = tpu.memref_squeeze %dma_wait3A_114 : memref<1x128xi32, #tpu.memory_space<vmem>> -> memref<128xi32, #tpu.memory_space<vmem>>
      %dma_wait3A_116 = arith.constant 0 : i32
      %dma_wait3A_117 = arith.constant 0 : i32
      %dma_wait3A_118 = tpu.memref_slice %arg2[%dma_wait3A_116, %dma_wait3A_117] : memref<10112x64xf32, #tpu.memory_space<hbm>> -> memref<10112x64xf32, #tpu.memory_space<hbm>>
      tpu.wait_indirect_dma semaphore(%arg13 : memref<!tpu.dma_semaphore, #tpu.memory_space<semaphore_mem>>) src(%dma_wait3A_118 : memref<10112x64xf32, #tpu.memory_space<hbm>>) dst(%arg10 : memref<128x64xf32, #tpu.memory_space<vmem>>)
      "tpu.region"() ({
        %run_scoped3A_127 = tpu.sem_alloc : memref<!tpu.dma_semaphore, #tpu.memory_space<semaphore_mem>>
        %dma_start3A_128 = arith.constant 0 : i32
        %dma_start3A_129 = tpu.memref_slice %arg8[%add3A_112, %dma_start3A_128] : memref<40x128xi32, #tpu.memory_space<vmem>> -> memref<1x128xi32, #tpu.memory_space<vmem>>
        %dma_start3A_130 = tpu.memref_squeeze %dma_start3A_129 : memref<1x128xi32, #tpu.memory_space<vmem>> -> memref<128xi32, #tpu.memory_space<vmem>>
        %dma_start3A_131 = arith.constant 0 : i32
        %dma_start3A_132 = arith.constant 0 : i32
        %dma_start3A_133 = tpu.memref_slice %arg11[%dma_start3A_131, %dma_start3A_132] : memref<10112x64xf32, #tpu.memory_space<vmem_shared>> -> memref<10112x64xf32, #tpu.memory_space<vmem_shared>>
        tpu.enqueue_indirect_dma source(%arg10 : memref<128x64xf32, #tpu.memory_space<vmem>>) target(%dma_start3A_133 : memref<10112x64xf32, #tpu.memory_space<vmem_shared>>) offsets(%dma_start3A_130 : memref<128xi32, #tpu.memory_space<vmem>>) semaphore(%run_scoped3A_127 : memref<!tpu.dma_semaphore, #tpu.memory_space<semaphore_mem>>) {add = true}
        %dma_wait3A_134 = arith.constant 0 : i32
        %dma_wait3A_135 = tpu.memref_slice %arg8[%add3A_112, %dma_wait3A_134] : memref<40x128xi32, #tpu.memory_space<vmem>> -> memref<1x128xi32, #tpu.memory_space<vmem>>
        %dma_wait3A_136 = tpu.memref_squeeze %dma_wait3A_135 : memref<1x128xi32, #tpu.memory_space<vmem>> -> memref<128xi32, #tpu.memory_space<vmem>>
        %dma_wait3A_137 = arith.constant 0 : i32
        %dma_wait3A_138 = arith.constant 0 : i32
        %dma_wait3A_139 = tpu.memref_slice %arg11[%dma_wait3A_137, %dma_wait3A_138] : memref<10112x64xf32, #tpu.memory_space<vmem_shared>> -> memref<10112x64xf32, #tpu.memory_space<vmem_shared>>
        tpu.wait_indirect_dma semaphore(%run_scoped3A_127 : memref<!tpu.dma_semaphore, #tpu.memory_space<semaphore_mem>>) src(%arg10 : memref<128x64xf32, #tpu.memory_space<vmem>>) dst(%dma_wait3A_139 : memref<10112x64xf32, #tpu.memory_space<vmem_shared>>)
        tpu.yield
      }) : () -> ()
      %add3A_119 = arith.constant 2 : i32
      %add3A_120 = arith.addi %add3A_112, %add3A_119 : i32
      %dma_start3A_121 = arith.constant 0 : i32
      %dma_start3A_122 = tpu.memref_slice %arg7[%add3A_120, %dma_start3A_121] : memref<40x128xi32, #tpu.memory_space<vmem>> -> memref<1x128xi32, #tpu.memory_space<vmem>>
      %dma_start3A_123 = tpu.memref_squeeze %dma_start3A_122 : memref<1x128xi32, #tpu.memory_space<vmem>> -> memref<128xi32, #tpu.memory_space<vmem>>
      %dma_start3A_124 = arith.constant 0 : i32
      %dma_start3A_125 = arith.constant 0 : i32
      %dma_start3A_126 = tpu.memref_slice %arg2[%dma_start3A_124, %dma_start3A_125] : memref<10112x64xf32, #tpu.memory_space<hbm>> -> memref<10112x64xf32, #tpu.memory_space<hbm>>
      tpu.enqueue_indirect_dma source(%dma_start3A_126 : memref<10112x64xf32, #tpu.memory_space<hbm>>) target(%arg10 : memref<128x64xf32, #tpu.memory_space<vmem>>) offsets(%dma_start3A_123 : memref<128xi32, #tpu.memory_space<vmem>>) semaphore(%arg13 : memref<!tpu.dma_semaphore, #tpu.memory_space<semaphore_mem>>)
    }
    %scan3A_64 = arith.constant 19 : i32
    %dma_wait3A_65 = arith.constant 38 : i32
    %dma_wait3A_66 = arith.constant 0 : i32
    %dma_wait3A_67 = tpu.memref_slice %arg7[%dma_wait3A_65, %dma_wait3A_66] : memref<40x128xi32, #tpu.memory_space<vmem>> -> memref<1x128xi32, #tpu.memory_space<vmem>>
    %dma_wait3A_68 = tpu.memref_squeeze %dma_wait3A_67 : memref<1x128xi32, #tpu.memory_space<vmem>> -> memref<128xi32, #tpu.memory_space<vmem>>
    %dma_wait3A_69 = arith.constant 0 : i32
    %dma_wait3A_70 = arith.constant 0 : i32
    %dma_wait3A_71 = tpu.memref_slice %arg2[%dma_wait3A_69, %dma_wait3A_70] : memref<10112x64xf32, #tpu.memory_space<hbm>> -> memref<10112x64xf32, #tpu.memory_space<hbm>>
    tpu.wait_indirect_dma semaphore(%arg12 : memref<!tpu.dma_semaphore, #tpu.memory_space<semaphore_mem>>) src(%dma_wait3A_71 : memref<10112x64xf32, #tpu.memory_space<hbm>>) dst(%arg9 : memref<128x64xf32, #tpu.memory_space<vmem>>)
    %run_scoped3A_72 = arith.constant 38 : i32
    "tpu.region"() ({
      %run_scoped3A_92 = tpu.sem_alloc : memref<!tpu.dma_semaphore, #tpu.memory_space<semaphore_mem>>
      %dma_start3A_93 = arith.constant 0 : i32
      %dma_start3A_94 = tpu.memref_slice %arg8[%run_scoped3A_72, %dma_start3A_93] : memref<40x128xi32, #tpu.memory_space<vmem>> -> memref<1x128xi32, #tpu.memory_space<vmem>>
      %dma_start3A_95 = tpu.memref_squeeze %dma_start3A_94 : memref<1x128xi32, #tpu.memory_space<vmem>> -> memref<128xi32, #tpu.memory_space<vmem>>
      %dma_start3A_96 = arith.constant 0 : i32
      %dma_start3A_97 = arith.constant 0 : i32
      %dma_start3A_98 = tpu.memref_slice %arg11[%dma_start3A_96, %dma_start3A_97] : memref<10112x64xf32, #tpu.memory_space<vmem_shared>> -> memref<10112x64xf32, #tpu.memory_space<vmem_shared>>
      tpu.enqueue_indirect_dma source(%arg9 : memref<128x64xf32, #tpu.memory_space<vmem>>) target(%dma_start3A_98 : memref<10112x64xf32, #tpu.memory_space<vmem_shared>>) offsets(%dma_start3A_95 : memref<128xi32, #tpu.memory_space<vmem>>) semaphore(%run_scoped3A_92 : memref<!tpu.dma_semaphore, #tpu.memory_space<semaphore_mem>>) {add = true}
      %dma_wait3A_99 = arith.constant 0 : i32
      %dma_wait3A_100 = tpu.memref_slice %arg8[%run_scoped3A_72, %dma_wait3A_99] : memref<40x128xi32, #tpu.memory_space<vmem>> -> memref<1x128xi32, #tpu.memory_space<vmem>>
      %dma_wait3A_101 = tpu.memref_squeeze %dma_wait3A_100 : memref<1x128xi32, #tpu.memory_space<vmem>> -> memref<128xi32, #tpu.memory_space<vmem>>
      %dma_wait3A_102 = arith.constant 0 : i32
      %dma_wait3A_103 = arith.constant 0 : i32
      %dma_wait3A_104 = tpu.memref_slice %arg11[%dma_wait3A_102, %dma_wait3A_103] : memref<10112x64xf32, #tpu.memory_space<vmem_shared>> -> memref<10112x64xf32, #tpu.memory_space<vmem_shared>>
      tpu.wait_indirect_dma semaphore(%run_scoped3A_92 : memref<!tpu.dma_semaphore, #tpu.memory_space<semaphore_mem>>) src(%arg9 : memref<128x64xf32, #tpu.memory_space<vmem>>) dst(%dma_wait3A_104 : memref<10112x64xf32, #tpu.memory_space<vmem_shared>>)
      tpu.yield
    }) : () -> ()
    %dma_wait3A_73 = arith.constant 39 : i32
    %dma_wait3A_74 = arith.constant 0 : i32
    %dma_wait3A_75 = tpu.memref_slice %arg7[%dma_wait3A_73, %dma_wait3A_74] : memref<40x128xi32, #tpu.memory_space<vmem>> -> memref<1x128xi32, #tpu.memory_space<vmem>>
    %dma_wait3A_76 = tpu.memref_squeeze %dma_wait3A_75 : memref<1x128xi32, #tpu.memory_space<vmem>> -> memref<128xi32, #tpu.memory_space<vmem>>
    %dma_wait3A_77 = arith.constant 0 : i32
    %dma_wait3A_78 = arith.constant 0 : i32
    %dma_wait3A_79 = tpu.memref_slice %arg2[%dma_wait3A_77, %dma_wait3A_78] : memref<10112x64xf32, #tpu.memory_space<hbm>> -> memref<10112x64xf32, #tpu.memory_space<hbm>>
    tpu.wait_indirect_dma semaphore(%arg13 : memref<!tpu.dma_semaphore, #tpu.memory_space<semaphore_mem>>) src(%dma_wait3A_79 : memref<10112x64xf32, #tpu.memory_space<hbm>>) dst(%arg10 : memref<128x64xf32, #tpu.memory_space<vmem>>)
    %run_scoped3A_80 = arith.constant 39 : i32
    "tpu.region"() ({
      %run_scoped3A_92 = tpu.sem_alloc : memref<!tpu.dma_semaphore, #tpu.memory_space<semaphore_mem>>
      %dma_start3A_93 = arith.constant 0 : i32
      %dma_start3A_94 = tpu.memref_slice %arg8[%run_scoped3A_80, %dma_start3A_93] : memref<40x128xi32, #tpu.memory_space<vmem>> -> memref<1x128xi32, #tpu.memory_space<vmem>>
      %dma_start3A_95 = tpu.memref_squeeze %dma_start3A_94 : memref<1x128xi32, #tpu.memory_space<vmem>> -> memref<128xi32, #tpu.memory_space<vmem>>
      %dma_start3A_96 = arith.constant 0 : i32
      %dma_start3A_97 = arith.constant 0 : i32
      %dma_start3A_98 = tpu.memref_slice %arg11[%dma_start3A_96, %dma_start3A_97] : memref<10112x64xf32, #tpu.memory_space<vmem_shared>> -> memref<10112x64xf32, #tpu.memory_space<vmem_shared>>
      tpu.enqueue_indirect_dma source(%arg10 : memref<128x64xf32, #tpu.memory_space<vmem>>) target(%dma_start3A_98 : memref<10112x64xf32, #tpu.memory_space<vmem_shared>>) offsets(%dma_start3A_95 : memref<128xi32, #tpu.memory_space<vmem>>) semaphore(%run_scoped3A_92 : memref<!tpu.dma_semaphore, #tpu.memory_space<semaphore_mem>>) {add = true}
      %dma_wait3A_99 = arith.constant 0 : i32
      %dma_wait3A_100 = tpu.memref_slice %arg8[%run_scoped3A_80, %dma_wait3A_99] : memref<40x128xi32, #tpu.memory_space<vmem>> -> memref<1x128xi32, #tpu.memory_space<vmem>>
      %dma_wait3A_101 = tpu.memref_squeeze %dma_wait3A_100 : memref<1x128xi32, #tpu.memory_space<vmem>> -> memref<128xi32, #tpu.memory_space<vmem>>
      %dma_wait3A_102 = arith.constant 0 : i32
      %dma_wait3A_103 = arith.constant 0 : i32
      %dma_wait3A_104 = tpu.memref_slice %arg11[%dma_wait3A_102, %dma_wait3A_103] : memref<10112x64xf32, #tpu.memory_space<vmem_shared>> -> memref<10112x64xf32, #tpu.memory_space<vmem_shared>>
      tpu.wait_indirect_dma semaphore(%run_scoped3A_92 : memref<!tpu.dma_semaphore, #tpu.memory_space<semaphore_mem>>) src(%arg10 : memref<128x64xf32, #tpu.memory_space<vmem>>) dst(%dma_wait3A_104 : memref<10112x64xf32, #tpu.memory_space<vmem_shared>>)
      tpu.yield
    }) : () -> ()
    %barrier3A_81 = arith.constant 0 : index
    tpu.barrier barrier_id(%barrier3A_81)
    %add3A_82 = arith.constant 0 : i32
    %add3A_83 = arith.addi %mul3A_2, %add3A_82 : i32
    "tpu.region"() ({
      %run_scoped3A_92 = tpu.sem_alloc : memref<!tpu.dma_semaphore, #tpu.memory_space<semaphore_mem>>
      %dma_start3A_93 = arith.constant 0 : i32
      %dma_start3A_94 = arith.constant 0 : i32
      %dma_start3A_95 = tpu.memref_slice %arg9[%dma_start3A_93, %dma_start3A_94] : memref<128x64xf32, #tpu.memory_space<vmem>> -> memref<128x64xf32, #tpu.memory_space<vmem>>
      %dma_start3A_96 = arith.constant 0 : i32
      %dma_start3A_97 = tpu.memref_slice %arg11[%add3A_83, %dma_start3A_96] : memref<10112x64xf32, #tpu.memory_space<vmem_shared>> -> memref<128x64xf32, #tpu.memory_space<vmem_shared>>
      %dma_start3A_98 = arith.constant 0 : i32
      %dma_start3A_99 = arith.constant 0 : i32
      %dma_start3A_100 = tpu.memref_slice %arg9[%dma_start3A_98, %dma_start3A_99] : memref<128x64xf32, #tpu.memory_space<vmem>> -> memref<128x64xf32, #tpu.memory_space<vmem>>
      %dma_start3A_101 = arith.constant 0 : i32
      %dma_start3A_102 = tpu.memref_slice %arg11[%add3A_83, %dma_start3A_101] : memref<10112x64xf32, #tpu.memory_space<vmem_shared>> -> memref<128x64xf32, #tpu.memory_space<vmem_shared>>
      tpu.enqueue_dma source(%dma_start3A_102 : memref<128x64xf32, #tpu.memory_space<vmem_shared>>) target(%dma_start3A_100 : memref<128x64xf32, #tpu.memory_space<vmem>>) target_semaphore(%run_scoped3A_92 : memref<!tpu.dma_semaphore, #tpu.memory_space<semaphore_mem>>)
      %dma_wait3A_103 = arith.constant 0 : i32
      %dma_wait3A_104 = arith.constant 0 : i32
      %dma_wait3A_105 = tpu.memref_slice %arg9[%dma_wait3A_103, %dma_wait3A_104] : memref<128x64xf32, #tpu.memory_space<vmem>> -> memref<128x64xf32, #tpu.memory_space<vmem>>
      %dma_wait3A_106 = arith.constant 0 : i32
      %dma_wait3A_107 = tpu.memref_slice %arg11[%add3A_83, %dma_wait3A_106] : memref<10112x64xf32, #tpu.memory_space<vmem_shared>> -> memref<128x64xf32, #tpu.memory_space<vmem_shared>>
      %dma_wait3A_108 = arith.constant 0 : i32
      %dma_wait3A_109 = arith.constant 0 : i32
      %dma_wait3A_110 = tpu.memref_slice %arg9[%dma_wait3A_108, %dma_wait3A_109] : memref<128x64xf32, #tpu.memory_space<vmem>> -> memref<128x64xf32, #tpu.memory_space<vmem>>
      %dma_wait3A_111 = arith.constant 0 : i32
      %dma_wait3A_112 = tpu.memref_slice %arg11[%add3A_83, %dma_wait3A_111] : memref<10112x64xf32, #tpu.memory_space<vmem_shared>> -> memref<128x64xf32, #tpu.memory_space<vmem_shared>>
      tpu.wait_dma2 semaphore(%run_scoped3A_92 : memref<!tpu.dma_semaphore, #tpu.memory_space<semaphore_mem>>) src(%dma_wait3A_112 : memref<128x64xf32, #tpu.memory_space<vmem_shared>>) dst(%dma_wait3A_110 : memref<128x64xf32, #tpu.memory_space<vmem>>)
      tpu.yield
    }) : () -> ()
    "tpu.region"() ({
      %run_scoped3A_92 = tpu.sem_alloc : memref<!tpu.dma_semaphore, #tpu.memory_space<semaphore_mem>>
      %dma_start3A_93 = arith.constant 0 : i32
      %dma_start3A_94 = arith.constant 0 : i32
      %dma_start3A_95 = tpu.memref_slice %arg9[%dma_start3A_93, %dma_start3A_94] : memref<128x64xf32, #tpu.memory_space<vmem>> -> memref<128x64xf32, #tpu.memory_space<vmem>>
      %dma_start3A_96 = arith.constant 0 : i32
      %dma_start3A_97 = tpu.memref_slice %arg6[%arg0, %add3A_83, %dma_start3A_96] : memref<2x10112x64xf32, #tpu.memory_space<hbm>> -> memref<1x128x64xf32, #tpu.memory_space<hbm>>
      %dma_start3A_98 = tpu.memref_squeeze %dma_start3A_97 : memref<1x128x64xf32, #tpu.memory_space<hbm>> -> memref<128x64xf32, #tpu.memory_space<hbm>>
      %dma_start3A_99 = arith.constant 0 : i32
      %dma_start3A_100 = tpu.memref_slice %arg6[%arg0, %add3A_83, %dma_start3A_99] : memref<2x10112x64xf32, #tpu.memory_space<hbm>> -> memref<1x128x64xf32, #tpu.memory_space<hbm>>
      %dma_start3A_101 = tpu.memref_squeeze %dma_start3A_100 : memref<1x128x64xf32, #tpu.memory_space<hbm>> -> memref<128x64xf32, #tpu.memory_space<hbm>>
      %dma_start3A_102 = arith.constant 0 : i32
      %dma_start3A_103 = arith.constant 0 : i32
      %dma_start3A_104 = tpu.memref_slice %arg9[%dma_start3A_102, %dma_start3A_103] : memref<128x64xf32, #tpu.memory_space<vmem>> -> memref<128x64xf32, #tpu.memory_space<vmem>>
      tpu.enqueue_dma source(%dma_start3A_104 : memref<128x64xf32, #tpu.memory_space<vmem>>) target(%dma_start3A_101 : memref<128x64xf32, #tpu.memory_space<hbm>>) target_semaphore(%run_scoped3A_92 : memref<!tpu.dma_semaphore, #tpu.memory_space<semaphore_mem>>)
      %dma_wait3A_105 = arith.constant 0 : i32
      %dma_wait3A_106 = arith.constant 0 : i32
      %dma_wait3A_107 = tpu.memref_slice %arg9[%dma_wait3A_105, %dma_wait3A_106] : memref<128x64xf32, #tpu.memory_space<vmem>> -> memref<128x64xf32, #tpu.memory_space<vmem>>
      %dma_wait3A_108 = arith.constant 0 : i32
      %dma_wait3A_109 = tpu.memref_slice %arg6[%arg0, %add3A_83, %dma_wait3A_108] : memref<2x10112x64xf32, #tpu.memory_space<hbm>> -> memref<1x128x64xf32, #tpu.memory_space<hbm>>
      %dma_wait3A_110 = tpu.memref_squeeze %dma_wait3A_109 : memref<1x128x64xf32, #tpu.memory_space<hbm>> -> memref<128x64xf32, #tpu.memory_space<hbm>>
      %dma_wait3A_111 = arith.constant 0 : i32
      %dma_wait3A_112 = tpu.memref_slice %arg6[%arg0, %add3A_83, %dma_wait3A_111] : memref<2x10112x64xf32, #tpu.memory_space<hbm>> -> memref<1x128x64xf32, #tpu.memory_space<hbm>>
      %dma_wait3A_113 = tpu.memref_squeeze %dma_wait3A_112 : memref<1x128x64xf32, #tpu.memory_space<hbm>> -> memref<128x64xf32, #tpu.memory_space<hbm>>
      %dma_wait3A_114 = arith.constant 0 : i32
      %dma_wait3A_115 = arith.constant 0 : i32
      %dma_wait3A_116 = tpu.memref_slice %arg9[%dma_wait3A_114, %dma_wait3A_115] : memref<128x64xf32, #tpu.memory_space<vmem>> -> memref<128x64xf32, #tpu.memory_space<vmem>>
      tpu.wait_dma2 semaphore(%run_scoped3A_92 : memref<!tpu.dma_semaphore, #tpu.memory_space<semaphore_mem>>) src(%dma_wait3A_116 : memref<128x64xf32, #tpu.memory_space<vmem>>) dst(%dma_wait3A_113 : memref<128x64xf32, #tpu.memory_space<hbm>>)
      tpu.yield
    }) : () -> ()
    %add3A_84 = arith.constant 128 : i32
    %add3A_85 = arith.addi %mul3A_2, %add3A_84 : i32
    "tpu.region"() ({
      %run_scoped3A_92 = tpu.sem_alloc : memref<!tpu.dma_semaphore, #tpu.memory_space<semaphore_mem>>
      %dma_start3A_93 = arith.constant 0 : i32
      %dma_start3A_94 = arith.constant 0 : i32
      %dma_start3A_95 = tpu.memref_slice %arg9[%dma_start3A_93, %dma_start3A_94] : memref<128x64xf32, #tpu.memory_space<vmem>> -> memref<128x64xf32, #tpu.memory_space<vmem>>
      %dma_start3A_96 = arith.constant 0 : i32
      %dma_start3A_97 = tpu.memref_slice %arg11[%add3A_85, %dma_start3A_96] : memref<10112x64xf32, #tpu.memory_space<vmem_shared>> -> memref<128x64xf32, #tpu.memory_space<vmem_shared>>
      %dma_start3A_98 = arith.constant 0 : i32
      %dma_start3A_99 = arith.constant 0 : i32
      %dma_start3A_100 = tpu.memref_slice %arg9[%dma_start3A_98, %dma_start3A_99] : memref<128x64xf32, #tpu.memory_space<vmem>> -> memref<128x64xf32, #tpu.memory_space<vmem>>
      %dma_start3A_101 = arith.constant 0 : i32
      %dma_start3A_102 = tpu.memref_slice %arg11[%add3A_85, %dma_start3A_101] : memref<10112x64xf32, #tpu.memory_space<vmem_shared>> -> memref<128x64xf32, #tpu.memory_space<vmem_shared>>
      tpu.enqueue_dma source(%dma_start3A_102 : memref<128x64xf32, #tpu.memory_space<vmem_shared>>) target(%dma_start3A_100 : memref<128x64xf32, #tpu.memory_space<vmem>>) target_semaphore(%run_scoped3A_92 : memref<!tpu.dma_semaphore, #tpu.memory_space<semaphore_mem>>)
      %dma_wait3A_103 = arith.constant 0 : i32
      %dma_wait3A_104 = arith.constant 0 : i32
      %dma_wait3A_105 = tpu.memref_slice %arg9[%dma_wait3A_103, %dma_wait3A_104] : memref<128x64xf32, #tpu.memory_space<vmem>> -> memref<128x64xf32, #tpu.memory_space<vmem>>
      %dma_wait3A_106 = arith.constant 0 : i32
      %dma_wait3A_107 = tpu.memref_slice %arg11[%add3A_85, %dma_wait3A_106] : memref<10112x64xf32, #tpu.memory_space<vmem_shared>> -> memref<128x64xf32, #tpu.memory_space<vmem_shared>>
      %dma_wait3A_108 = arith.constant 0 : i32
      %dma_wait3A_109 = arith.constant 0 : i32
      %dma_wait3A_110 = tpu.memref_slice %arg9[%dma_wait3A_108, %dma_wait3A_109] : memref<128x64xf32, #tpu.memory_space<vmem>> -> memref<128x64xf32, #tpu.memory_space<vmem>>
      %dma_wait3A_111 = arith.constant 0 : i32
      %dma_wait3A_112 = tpu.memref_slice %arg11[%add3A_85, %dma_wait3A_111] : memref<10112x64xf32, #tpu.memory_space<vmem_shared>> -> memref<128x64xf32, #tpu.memory_space<vmem_shared>>
      tpu.wait_dma2 semaphore(%run_scoped3A_92 : memref<!tpu.dma_semaphore, #tpu.memory_space<semaphore_mem>>) src(%dma_wait3A_112 : memref<128x64xf32, #tpu.memory_space<vmem_shared>>) dst(%dma_wait3A_110 : memref<128x64xf32, #tpu.memory_space<vmem>>)
      tpu.yield
    }) : () -> ()
    "tpu.region"() ({
      %run_scoped3A_92 = tpu.sem_alloc : memref<!tpu.dma_semaphore, #tpu.memory_space<semaphore_mem>>
      %dma_start3A_93 = arith.constant 0 : i32
      %dma_start3A_94 = arith.constant 0 : i32
      %dma_start3A_95 = tpu.memref_slice %arg9[%dma_start3A_93, %dma_start3A_94] : memref<128x64xf32, #tpu.memory_space<vmem>> -> memref<128x64xf32, #tpu.memory_space<vmem>>
      %dma_start3A_96 = arith.constant 0 : i32
      %dma_start3A_97 = tpu.memref_slice %arg6[%arg0, %add3A_85, %dma_start3A_96] : memref<2x10112x64xf32, #tpu.memory_space<hbm>> -> memref<1x128x64xf32, #tpu.memory_space<hbm>>
      %dma_start3A_98 = tpu.memref_squeeze %dma_start3A_97 : memref<1x128x64xf32, #tpu.memory_space<hbm>> -> memref<128x64xf32, #tpu.memory_space<hbm>>
      %dma_start3A_99 = arith.constant 0 : i32
      %dma_start3A_100 = tpu.memref_slice %arg6[%arg0, %add3A_85, %dma_start3A_99] : memref<2x10112x64xf32, #tpu.memory_space<hbm>> -> memref<1x128x64xf32, #tpu.memory_space<hbm>>
      %dma_start3A_101 = tpu.memref_squeeze %dma_start3A_100 : memref<1x128x64xf32, #tpu.memory_space<hbm>> -> memref<128x64xf32, #tpu.memory_space<hbm>>
      %dma_start3A_102 = arith.constant 0 : i32
      %dma_start3A_103 = arith.constant 0 : i32
      %dma_start3A_104 = tpu.memref_slice %arg9[%dma_start3A_102, %dma_start3A_103] : memref<128x64xf32, #tpu.memory_space<vmem>> -> memref<128x64xf32, #tpu.memory_space<vmem>>
      tpu.enqueue_dma source(%dma_start3A_104 : memref<128x64xf32, #tpu.memory_space<vmem>>) target(%dma_start3A_101 : memref<128x64xf32, #tpu.memory_space<hbm>>) target_semaphore(%run_scoped3A_92 : memref<!tpu.dma_semaphore, #tpu.memory_space<semaphore_mem>>)
      %dma_wait3A_105 = arith.constant 0 : i32
      %dma_wait3A_106 = arith.constant 0 : i32
      %dma_wait3A_107 = tpu.memref_slice %arg9[%dma_wait3A_105, %dma_wait3A_106] : memref<128x64xf32, #tpu.memory_space<vmem>> -> memref<128x64xf32, #tpu.memory_space<vmem>>
      %dma_wait3A_108 = arith.constant 0 : i32
      %dma_wait3A_109 = tpu.memref_slice %arg6[%arg0, %add3A_85, %dma_wait3A_108] : memref<2x10112x64xf32, #tpu.memory_space<hbm>> -> memref<1x128x64xf32, #tpu.memory_space<hbm>>
      %dma_wait3A_110 = tpu.memref_squeeze %dma_wait3A_109 : memref<1x128x64xf32, #tpu.memory_space<hbm>> -> memref<128x64xf32, #tpu.memory_space<hbm>>
      %dma_wait3A_111 = arith.constant 0 : i32
      %dma_wait3A_112 = tpu.memref_slice %arg6[%arg0, %add3A_85, %dma_wait3A_111] : memref<2x10112x64xf32, #tpu.memory_space<hbm>> -> memref<1x128x64xf32, #tpu.memory_space<hbm>>
      %dma_wait3A_113 = tpu.memref_squeeze %dma_wait3A_112 : memref<1x128x64xf32, #tpu.memory_space<hbm>> -> memref<128x64xf32, #tpu.memory_space<hbm>>
      %dma_wait3A_114 = arith.constant 0 : i32
      %dma_wait3A_115 = arith.constant 0 : i32
      %dma_wait3A_116 = tpu.memref_slice %arg9[%dma_wait3A_114, %dma_wait3A_115] : memref<128x64xf32, #tpu.memory_space<vmem>> -> memref<128x64xf32, #tpu.memory_space<vmem>>
      tpu.wait_dma2 semaphore(%run_scoped3A_92 : memref<!tpu.dma_semaphore, #tpu.memory_space<semaphore_mem>>) src(%dma_wait3A_116 : memref<128x64xf32, #tpu.memory_space<vmem>>) dst(%dma_wait3A_113 : memref<128x64xf32, #tpu.memory_space<hbm>>)
      tpu.yield
    }) : () -> ()
    %add3A_86 = arith.constant 256 : i32
    %add3A_87 = arith.addi %mul3A_2, %add3A_86 : i32
    "tpu.region"() ({
      %run_scoped3A_92 = tpu.sem_alloc : memref<!tpu.dma_semaphore, #tpu.memory_space<semaphore_mem>>
      %dma_start3A_93 = arith.constant 0 : i32
      %dma_start3A_94 = arith.constant 0 : i32
      %dma_start3A_95 = tpu.memref_slice %arg9[%dma_start3A_93, %dma_start3A_94] : memref<128x64xf32, #tpu.memory_space<vmem>> -> memref<128x64xf32, #tpu.memory_space<vmem>>
      %dma_start3A_96 = arith.constant 0 : i32
      %dma_start3A_97 = tpu.memref_slice %arg11[%add3A_87, %dma_start3A_96] : memref<10112x64xf32, #tpu.memory_space<vmem_shared>> -> memref<128x64xf32, #tpu.memory_space<vmem_shared>>
      %dma_start3A_98 = arith.constant 0 : i32
      %dma_start3A_99 = arith.constant 0 : i32
      %dma_start3A_100 = tpu.memref_slice %arg9[%dma_start3A_98, %dma_start3A_99] : memref<128x64xf32, #tpu.memory_space<vmem>> -> memref<128x64xf32, #tpu.memory_space<vmem>>
      %dma_start3A_101 = arith.constant 0 : i32
      %dma_start3A_102 = tpu.memref_slice %arg11[%add3A_87, %dma_start3A_101] : memref<10112x64xf32, #tpu.memory_space<vmem_shared>> -> memref<128x64xf32, #tpu.memory_space<vmem_shared>>
      tpu.enqueue_dma source(%dma_start3A_102 : memref<128x64xf32, #tpu.memory_space<vmem_shared>>) target(%dma_start3A_100 : memref<128x64xf32, #tpu.memory_space<vmem>>) target_semaphore(%run_scoped3A_92 : memref<!tpu.dma_semaphore, #tpu.memory_space<semaphore_mem>>)
      %dma_wait3A_103 = arith.constant 0 : i32
      %dma_wait3A_104 = arith.constant 0 : i32
      %dma_wait3A_105 = tpu.memref_slice %arg9[%dma_wait3A_103, %dma_wait3A_104] : memref<128x64xf32, #tpu.memory_space<vmem>> -> memref<128x64xf32, #tpu.memory_space<vmem>>
      %dma_wait3A_106 = arith.constant 0 : i32
      %dma_wait3A_107 = tpu.memref_slice %arg11[%add3A_87, %dma_wait3A_106] : memref<10112x64xf32, #tpu.memory_space<vmem_shared>> -> memref<128x64xf32, #tpu.memory_space<vmem_shared>>
      %dma_wait3A_108 = arith.constant 0 : i32
      %dma_wait3A_109 = arith.constant 0 : i32
      %dma_wait3A_110 = tpu.memref_slice %arg9[%dma_wait3A_108, %dma_wait3A_109] : memref<128x64xf32, #tpu.memory_space<vmem>> -> memref<128x64xf32, #tpu.memory_space<vmem>>
      %dma_wait3A_111 = arith.constant 0 : i32
      %dma_wait3A_112 = tpu.memref_slice %arg11[%add3A_87, %dma_wait3A_111] : memref<10112x64xf32, #tpu.memory_space<vmem_shared>> -> memref<128x64xf32, #tpu.memory_space<vmem_shared>>
      tpu.wait_dma2 semaphore(%run_scoped3A_92 : memref<!tpu.dma_semaphore, #tpu.memory_space<semaphore_mem>>) src(%dma_wait3A_112 : memref<128x64xf32, #tpu.memory_space<vmem_shared>>) dst(%dma_wait3A_110 : memref<128x64xf32, #tpu.memory_space<vmem>>)
      tpu.yield
    }) : () -> ()
    "tpu.region"() ({
      %run_scoped3A_92 = tpu.sem_alloc : memref<!tpu.dma_semaphore, #tpu.memory_space<semaphore_mem>>
      %dma_start3A_93 = arith.constant 0 : i32
      %dma_start3A_94 = arith.constant 0 : i32
      %dma_start3A_95 = tpu.memref_slice %arg9[%dma_start3A_93, %dma_start3A_94] : memref<128x64xf32, #tpu.memory_space<vmem>> -> memref<128x64xf32, #tpu.memory_space<vmem>>
      %dma_start3A_96 = arith.constant 0 : i32
      %dma_start3A_97 = tpu.memref_slice %arg6[%arg0, %add3A_87, %dma_start3A_96] : memref<2x10112x64xf32, #tpu.memory_space<hbm>> -> memref<1x128x64xf32, #tpu.memory_space<hbm>>
      %dma_start3A_98 = tpu.memref_squeeze %dma_start3A_97 : memref<1x128x64xf32, #tpu.memory_space<hbm>> -> memref<128x64xf32, #tpu.memory_space<hbm>>
      %dma_start3A_99 = arith.constant 0 : i32
      %dma_start3A_100 = tpu.memref_slice %arg6[%arg0, %add3A_87, %dma_start3A_99] : memref<2x10112x64xf32, #tpu.memory_space<hbm>> -> memref<1x128x64xf32, #tpu.memory_space<hbm>>
      %dma_start3A_101 = tpu.memref_squeeze %dma_start3A_100 : memref<1x128x64xf32, #tpu.memory_space<hbm>> -> memref<128x64xf32, #tpu.memory_space<hbm>>
      %dma_start3A_102 = arith.constant 0 : i32
      %dma_start3A_103 = arith.constant 0 : i32
      %dma_start3A_104 = tpu.memref_slice %arg9[%dma_start3A_102, %dma_start3A_103] : memref<128x64xf32, #tpu.memory_space<vmem>> -> memref<128x64xf32, #tpu.memory_space<vmem>>
      tpu.enqueue_dma source(%dma_start3A_104 : memref<128x64xf32, #tpu.memory_space<vmem>>) target(%dma_start3A_101 : memref<128x64xf32, #tpu.memory_space<hbm>>) target_semaphore(%run_scoped3A_92 : memref<!tpu.dma_semaphore, #tpu.memory_space<semaphore_mem>>)
      %dma_wait3A_105 = arith.constant 0 : i32
      %dma_wait3A_106 = arith.constant 0 : i32
      %dma_wait3A_107 = tpu.memref_slice %arg9[%dma_wait3A_105, %dma_wait3A_106] : memref<128x64xf32, #tpu.memory_space<vmem>> -> memref<128x64xf32, #tpu.memory_space<vmem>>
      %dma_wait3A_108 = arith.constant 0 : i32
      %dma_wait3A_109 = tpu.memref_slice %arg6[%arg0, %add3A_87, %dma_wait3A_108] : memref<2x10112x64xf32, #tpu.memory_space<hbm>> -> memref<1x128x64xf32, #tpu.memory_space<hbm>>
      %dma_wait3A_110 = tpu.memref_squeeze %dma_wait3A_109 : memref<1x128x64xf32, #tpu.memory_space<hbm>> -> memref<128x64xf32, #tpu.memory_space<hbm>>
      %dma_wait3A_111 = arith.constant 0 : i32
      %dma_wait3A_112 = tpu.memref_slice %arg6[%arg0, %add3A_87, %dma_wait3A_111] : memref<2x10112x64xf32, #tpu.memory_space<hbm>> -> memref<1x128x64xf32, #tpu.memory_space<hbm>>
      %dma_wait3A_113 = tpu.memref_squeeze %dma_wait3A_112 : memref<1x128x64xf32, #tpu.memory_space<hbm>> -> memref<128x64xf32, #tpu.memory_space<hbm>>
      %dma_wait3A_114 = arith.constant 0 : i32
      %dma_wait3A_115 = arith.constant 0 : i32
      %dma_wait3A_116 = tpu.memref_slice %arg9[%dma_wait3A_114, %dma_wait3A_115] : memref<128x64xf32, #tpu.memory_space<vmem>> -> memref<128x64xf32, #tpu.memory_space<vmem>>
      tpu.wait_dma2 semaphore(%run_scoped3A_92 : memref<!tpu.dma_semaphore, #tpu.memory_space<semaphore_mem>>) src(%dma_wait3A_116 : memref<128x64xf32, #tpu.memory_space<vmem>>) dst(%dma_wait3A_113 : memref<128x64xf32, #tpu.memory_space<hbm>>)
      tpu.yield
    }) : () -> ()
    %add3A_88 = arith.constant 384 : i32
    %add3A_89 = arith.addi %mul3A_2, %add3A_88 : i32
    "tpu.region"() ({
      %run_scoped3A_92 = tpu.sem_alloc : memref<!tpu.dma_semaphore, #tpu.memory_space<semaphore_mem>>
      %dma_start3A_93 = arith.constant 0 : i32
      %dma_start3A_94 = arith.constant 0 : i32
      %dma_start3A_95 = tpu.memref_slice %arg9[%dma_start3A_93, %dma_start3A_94] : memref<128x64xf32, #tpu.memory_space<vmem>> -> memref<128x64xf32, #tpu.memory_space<vmem>>
      %dma_start3A_96 = arith.constant 0 : i32
      %dma_start3A_97 = tpu.memref_slice %arg11[%add3A_89, %dma_start3A_96] : memref<10112x64xf32, #tpu.memory_space<vmem_shared>> -> memref<128x64xf32, #tpu.memory_space<vmem_shared>>
      %dma_start3A_98 = arith.constant 0 : i32
      %dma_start3A_99 = arith.constant 0 : i32
      %dma_start3A_100 = tpu.memref_slice %arg9[%dma_start3A_98, %dma_start3A_99] : memref<128x64xf32, #tpu.memory_space<vmem>> -> memref<128x64xf32, #tpu.memory_space<vmem>>
      %dma_start3A_101 = arith.constant 0 : i32
      %dma_start3A_102 = tpu.memref_slice %arg11[%add3A_89, %dma_start3A_101] : memref<10112x64xf32, #tpu.memory_space<vmem_shared>> -> memref<128x64xf32, #tpu.memory_space<vmem_shared>>
      tpu.enqueue_dma source(%dma_start3A_102 : memref<128x64xf32, #tpu.memory_space<vmem_shared>>) target(%dma_start3A_100 : memref<128x64xf32, #tpu.memory_space<vmem>>) target_semaphore(%run_scoped3A_92 : memref<!tpu.dma_semaphore, #tpu.memory_space<semaphore_mem>>)
      %dma_wait3A_103 = arith.constant 0 : i32
      %dma_wait3A_104 = arith.constant 0 : i32
      %dma_wait3A_105 = tpu.memref_slice %arg9[%dma_wait3A_103, %dma_wait3A_104] : memref<128x64xf32, #tpu.memory_space<vmem>> -> memref<128x64xf32, #tpu.memory_space<vmem>>
      %dma_wait3A_106 = arith.constant 0 : i32
      %dma_wait3A_107 = tpu.memref_slice %arg11[%add3A_89, %dma_wait3A_106] : memref<10112x64xf32, #tpu.memory_space<vmem_shared>> -> memref<128x64xf32, #tpu.memory_space<vmem_shared>>
      %dma_wait3A_108 = arith.constant 0 : i32
      %dma_wait3A_109 = arith.constant 0 : i32
      %dma_wait3A_110 = tpu.memref_slice %arg9[%dma_wait3A_108, %dma_wait3A_109] : memref<128x64xf32, #tpu.memory_space<vmem>> -> memref<128x64xf32, #tpu.memory_space<vmem>>
      %dma_wait3A_111 = arith.constant 0 : i32
      %dma_wait3A_112 = tpu.memref_slice %arg11[%add3A_89, %dma_wait3A_111] : memref<10112x64xf32, #tpu.memory_space<vmem_shared>> -> memref<128x64xf32, #tpu.memory_space<vmem_shared>>
      tpu.wait_dma2 semaphore(%run_scoped3A_92 : memref<!tpu.dma_semaphore, #tpu.memory_space<semaphore_mem>>) src(%dma_wait3A_112 : memref<128x64xf32, #tpu.memory_space<vmem_shared>>) dst(%dma_wait3A_110 : memref<128x64xf32, #tpu.memory_space<vmem>>)
      tpu.yield
    }) : () -> ()
    "tpu.region"() ({
      %run_scoped3A_92 = tpu.sem_alloc : memref<!tpu.dma_semaphore, #tpu.memory_space<semaphore_mem>>
      %dma_start3A_93 = arith.constant 0 : i32
      %dma_start3A_94 = arith.constant 0 : i32
      %dma_start3A_95 = tpu.memref_slice %arg9[%dma_start3A_93, %dma_start3A_94] : memref<128x64xf32, #tpu.memory_space<vmem>> -> memref<128x64xf32, #tpu.memory_space<vmem>>
      %dma_start3A_96 = arith.constant 0 : i32
      %dma_start3A_97 = tpu.memref_slice %arg6[%arg0, %add3A_89, %dma_start3A_96] : memref<2x10112x64xf32, #tpu.memory_space<hbm>> -> memref<1x128x64xf32, #tpu.memory_space<hbm>>
      %dma_start3A_98 = tpu.memref_squeeze %dma_start3A_97 : memref<1x128x64xf32, #tpu.memory_space<hbm>> -> memref<128x64xf32, #tpu.memory_space<hbm>>
      %dma_start3A_99 = arith.constant 0 : i32
      %dma_start3A_100 = tpu.memref_slice %arg6[%arg0, %add3A_89, %dma_start3A_99] : memref<2x10112x64xf32, #tpu.memory_space<hbm>> -> memref<1x128x64xf32, #tpu.memory_space<hbm>>
      %dma_start3A_101 = tpu.memref_squeeze %dma_start3A_100 : memref<1x128x64xf32, #tpu.memory_space<hbm>> -> memref<128x64xf32, #tpu.memory_space<hbm>>
      %dma_start3A_102 = arith.constant 0 : i32
      %dma_start3A_103 = arith.constant 0 : i32
      %dma_start3A_104 = tpu.memref_slice %arg9[%dma_start3A_102, %dma_start3A_103] : memref<128x64xf32, #tpu.memory_space<vmem>> -> memref<128x64xf32, #tpu.memory_space<vmem>>
      tpu.enqueue_dma source(%dma_start3A_104 : memref<128x64xf32, #tpu.memory_space<vmem>>) target(%dma_start3A_101 : memref<128x64xf32, #tpu.memory_space<hbm>>) target_semaphore(%run_scoped3A_92 : memref<!tpu.dma_semaphore, #tpu.memory_space<semaphore_mem>>)
      %dma_wait3A_105 = arith.constant 0 : i32
      %dma_wait3A_106 = arith.constant 0 : i32
      %dma_wait3A_107 = tpu.memref_slice %arg9[%dma_wait3A_105, %dma_wait3A_106] : memref<128x64xf32, #tpu.memory_space<vmem>> -> memref<128x64xf32, #tpu.memory_space<vmem>>
      %dma_wait3A_108 = arith.constant 0 : i32
      %dma_wait3A_109 = tpu.memref_slice %arg6[%arg0, %add3A_89, %dma_wait3A_108] : memref<2x10112x64xf32, #tpu.memory_space<hbm>> -> memref<1x128x64xf32, #tpu.memory_space<hbm>>
      %dma_wait3A_110 = tpu.memref_squeeze %dma_wait3A_109 : memref<1x128x64xf32, #tpu.memory_space<hbm>> -> memref<128x64xf32, #tpu.memory_space<hbm>>
      %dma_wait3A_111 = arith.constant 0 : i32
      %dma_wait3A_112 = tpu.memref_slice %arg6[%arg0, %add3A_89, %dma_wait3A_111] : memref<2x10112x64xf32, #tpu.memory_space<hbm>> -> memref<1x128x64xf32, #tpu.memory_space<hbm>>
      %dma_wait3A_113 = tpu.memref_squeeze %dma_wait3A_112 : memref<1x128x64xf32, #tpu.memory_space<hbm>> -> memref<128x64xf32, #tpu.memory_space<hbm>>
      %dma_wait3A_114 = arith.constant 0 : i32
      %dma_wait3A_115 = arith.constant 0 : i32
      %dma_wait3A_116 = tpu.memref_slice %arg9[%dma_wait3A_114, %dma_wait3A_115] : memref<128x64xf32, #tpu.memory_space<vmem>> -> memref<128x64xf32, #tpu.memory_space<vmem>>
      tpu.wait_dma2 semaphore(%run_scoped3A_92 : memref<!tpu.dma_semaphore, #tpu.memory_space<semaphore_mem>>) src(%dma_wait3A_116 : memref<128x64xf32, #tpu.memory_space<vmem>>) dst(%dma_wait3A_113 : memref<128x64xf32, #tpu.memory_space<hbm>>)
      tpu.yield
    }) : () -> ()
    %add3A_90 = arith.constant 512 : i32
    %add3A_91 = arith.addi %mul3A_2, %add3A_90 : i32
    "tpu.region"() ({
      %run_scoped3A_92 = tpu.sem_alloc : memref<!tpu.dma_semaphore, #tpu.memory_space<semaphore_mem>>
      %dma_start3A_93 = arith.constant 0 : i32
      %dma_start3A_94 = arith.constant 0 : i32
      %dma_start3A_95 = tpu.memref_slice %arg9[%dma_start3A_93, %dma_start3A_94] : memref<128x64xf32, #tpu.memory_space<vmem>> -> memref<120x64xf32, #tpu.memory_space<vmem>>
      %dma_start3A_96 = arith.constant 0 : i32
      %dma_start3A_97 = tpu.memref_slice %arg11[%add3A_91, %dma_start3A_96] : memref<10112x64xf32, #tpu.memory_space<vmem_shared>> -> memref<120x64xf32, #tpu.memory_space<vmem_shared>>
      %dma_start3A_98 = arith.constant 0 : i32
      %dma_start3A_99 = arith.constant 0 : i32
      %dma_start3A_100 = tpu.memref_slice %arg9[%dma_start3A_98, %dma_start3A_99] : memref<128x64xf32, #tpu.memory_space<vmem>> -> memref<120x64xf32, #tpu.memory_space<vmem>>
      %dma_start3A_101 = arith.constant 0 : i32
      %dma_start3A_102 = tpu.memref_slice %arg11[%add3A_91, %dma_start3A_101] : memref<10112x64xf32, #tpu.memory_space<vmem_shared>> -> memref<120x64xf32, #tpu.memory_space<vmem_shared>>
      tpu.enqueue_dma source(%dma_start3A_102 : memref<120x64xf32, #tpu.memory_space<vmem_shared>>) target(%dma_start3A_100 : memref<120x64xf32, #tpu.memory_space<vmem>>) target_semaphore(%run_scoped3A_92 : memref<!tpu.dma_semaphore, #tpu.memory_space<semaphore_mem>>)
      %dma_wait3A_103 = arith.constant 0 : i32
      %dma_wait3A_104 = arith.constant 0 : i32
      %dma_wait3A_105 = tpu.memref_slice %arg9[%dma_wait3A_103, %dma_wait3A_104] : memref<128x64xf32, #tpu.memory_space<vmem>> -> memref<120x64xf32, #tpu.memory_space<vmem>>
      %dma_wait3A_106 = arith.constant 0 : i32
      %dma_wait3A_107 = tpu.memref_slice %arg11[%add3A_91, %dma_wait3A_106] : memref<10112x64xf32, #tpu.memory_space<vmem_shared>> -> memref<120x64xf32, #tpu.memory_space<vmem_shared>>
      %dma_wait3A_108 = arith.constant 0 : i32
      %dma_wait3A_109 = arith.constant 0 : i32
      %dma_wait3A_110 = tpu.memref_slice %arg9[%dma_wait3A_108, %dma_wait3A_109] : memref<128x64xf32, #tpu.memory_space<vmem>> -> memref<120x64xf32, #tpu.memory_space<vmem>>
      %dma_wait3A_111 = arith.constant 0 : i32
      %dma_wait3A_112 = tpu.memref_slice %arg11[%add3A_91, %dma_wait3A_111] : memref<10112x64xf32, #tpu.memory_space<vmem_shared>> -> memref<120x64xf32, #tpu.memory_space<vmem_shared>>
      tpu.wait_dma2 semaphore(%run_scoped3A_92 : memref<!tpu.dma_semaphore, #tpu.memory_space<semaphore_mem>>) src(%dma_wait3A_112 : memref<120x64xf32, #tpu.memory_space<vmem_shared>>) dst(%dma_wait3A_110 : memref<120x64xf32, #tpu.memory_space<vmem>>)
      tpu.yield
    }) : () -> ()
    "tpu.region"() ({
      %run_scoped3A_92 = tpu.sem_alloc : memref<!tpu.dma_semaphore, #tpu.memory_space<semaphore_mem>>
      %dma_start3A_93 = arith.constant 0 : i32
      %dma_start3A_94 = arith.constant 0 : i32
      %dma_start3A_95 = tpu.memref_slice %arg9[%dma_start3A_93, %dma_start3A_94] : memref<128x64xf32, #tpu.memory_space<vmem>> -> memref<120x64xf32, #tpu.memory_space<vmem>>
      %dma_start3A_96 = arith.constant 0 : i32
      %dma_start3A_97 = tpu.memref_slice %arg6[%arg0, %add3A_91, %dma_start3A_96] : memref<2x10112x64xf32, #tpu.memory_space<hbm>> -> memref<1x120x64xf32, #tpu.memory_space<hbm>>
      %dma_start3A_98 = tpu.memref_squeeze %dma_start3A_97 : memref<1x120x64xf32, #tpu.memory_space<hbm>> -> memref<120x64xf32, #tpu.memory_space<hbm>>
      %dma_start3A_99 = arith.constant 0 : i32
      %dma_start3A_100 = tpu.memref_slice %arg6[%arg0, %add3A_91, %dma_start3A_99] : memref<2x10112x64xf32, #tpu.memory_space<hbm>> -> memref<1x120x64xf32, #tpu.memory_space<hbm>>
      %dma_start3A_101 = tpu.memref_squeeze %dma_start3A_100 : memref<1x120x64xf32, #tpu.memory_space<hbm>> -> memref<120x64xf32, #tpu.memory_space<hbm>>
      %dma_start3A_102 = arith.constant 0 : i32
      %dma_start3A_103 = arith.constant 0 : i32
      %dma_start3A_104 = tpu.memref_slice %arg9[%dma_start3A_102, %dma_start3A_103] : memref<128x64xf32, #tpu.memory_space<vmem>> -> memref<120x64xf32, #tpu.memory_space<vmem>>
      tpu.enqueue_dma source(%dma_start3A_104 : memref<120x64xf32, #tpu.memory_space<vmem>>) target(%dma_start3A_101 : memref<120x64xf32, #tpu.memory_space<hbm>>) target_semaphore(%run_scoped3A_92 : memref<!tpu.dma_semaphore, #tpu.memory_space<semaphore_mem>>)
      %dma_wait3A_105 = arith.constant 0 : i32
      %dma_wait3A_106 = arith.constant 0 : i32
      %dma_wait3A_107 = tpu.memref_slice %arg9[%dma_wait3A_105, %dma_wait3A_106] : memref<128x64xf32, #tpu.memory_space<vmem>> -> memref<120x64xf32, #tpu.memory_space<vmem>>
      %dma_wait3A_108 = arith.constant 0 : i32
      %dma_wait3A_109 = tpu.memref_slice %arg6[%arg0, %add3A_91, %dma_wait3A_108] : memref<2x10112x64xf32, #tpu.memory_space<hbm>> -> memref<1x120x64xf32, #tpu.memory_space<hbm>>
      %dma_wait3A_110 = tpu.memref_squeeze %dma_wait3A_109 : memref<1x120x64xf32, #tpu.memory_space<hbm>> -> memref<120x64xf32, #tpu.memory_space<hbm>>
      %dma_wait3A_111 = arith.constant 0 : i32
      %dma_wait3A_112 = tpu.memref_slice %arg6[%arg0, %add3A_91, %dma_wait3A_111] : memref<2x10112x64xf32, #tpu.memory_space<hbm>> -> memref<1x120x64xf32, #tpu.memory_space<hbm>>
      %dma_wait3A_113 = tpu.memref_squeeze %dma_wait3A_112 : memref<1x120x64xf32, #tpu.memory_space<hbm>> -> memref<120x64xf32, #tpu.memory_space<hbm>>
      %dma_wait3A_114 = arith.constant 0 : i32
      %dma_wait3A_115 = arith.constant 0 : i32
      %dma_wait3A_116 = tpu.memref_slice %arg9[%dma_wait3A_114, %dma_wait3A_115] : memref<128x64xf32, #tpu.memory_space<vmem>> -> memref<120x64xf32, #tpu.memory_space<vmem>>
      tpu.wait_dma2 semaphore(%run_scoped3A_92 : memref<!tpu.dma_semaphore, #tpu.memory_space<semaphore_mem>>) src(%dma_wait3A_116 : memref<120x64xf32, #tpu.memory_space<vmem>>) dst(%dma_wait3A_113 : memref<120x64xf32, #tpu.memory_space<hbm>>)
      tpu.yield
    }) : () -> ()
    return
  }
}

#map = affine_map<(d0, d1) -> (0, 0, 0)>
#map1 = affine_map<(d0, d1) -> (0, 0)>
module attributes {stable_mosaic.version = 14 : i64} {
  func.func @_sc_degrees(%arg0: i32, %arg1: i32, %arg2: memref<32x80x128xi32, #tpu.memory_space<hbm>>, %arg3: memref<32x80x128xi32, #tpu.memory_space<hbm>>, %arg4: memref<128x16xf32, #tpu.memory_space<hbm>>, %arg5: memref<128x16xf32, #tpu.memory_space<hbm>>, %arg6: memref<2x10112x16xf32, #tpu.memory_space<hbm>>, %arg7: memref<2x10112x16xf32, #tpu.memory_space<hbm>>, %arg8: memref<80x128xi32, #tpu.memory_space<vmem>>, %arg9: memref<80x128xi32, #tpu.memory_space<vmem>>, %arg10: memref<128x16xf32, #tpu.memory_space<vmem>>, %arg11: memref<128x16xf32, #tpu.memory_space<vmem>>, %arg12: memref<10112x16xf32, #tpu.memory_space<vmem_shared>>, %arg13: memref<10112x16xf32, #tpu.memory_space<vmem_shared>>) attributes {dimension_semantics = [#tpu.dimension_semantics<core_parallel>, #tpu.dimension_semantics<subcore_parallel>], iteration_bounds = array<i64: 2, 16>, scalar_prefetch = 0 : i64, scratch_operands = 6 : i64, tpu.core_type = #tpu.core_type<sc_vector_subcore>, window_params = [{transform_indices = #map}, {transform_indices = #map}, {transform_indices = #map1}, {transform_indices = #map1}, {transform_indices = #map}, {transform_indices = #map}]} {
    %mul3A = arith.constant 16 : i32
    %mul3A_0 = arith.muli %arg0, %mul3A : i32
    %add3A = arith.addi %mul3A_0, %arg1 : i32
    "tpu.region"() ({
      %run_scoped3A = tpu.sem_alloc : memref<!tpu.dma_semaphore, #tpu.memory_space<semaphore_mem>>
      %dma_start3A = arith.constant 0 : i32
      %dma_start3A_49 = arith.constant 0 : i32
      %dma_start3A_50 = tpu.memref_slice %arg2[%add3A, %dma_start3A, %dma_start3A_49] : memref<32x80x128xi32, #tpu.memory_space<hbm>> -> memref<1x80x128xi32, #tpu.memory_space<hbm>>
      %dma_start3A_51 = tpu.memref_squeeze %dma_start3A_50 : memref<1x80x128xi32, #tpu.memory_space<hbm>> -> memref<80x128xi32, #tpu.memory_space<hbm>>
      %dma_start3A_52 = arith.constant 0 : i32
      %dma_start3A_53 = arith.constant 0 : i32
      %dma_start3A_54 = tpu.memref_slice %arg2[%add3A, %dma_start3A_52, %dma_start3A_53] : memref<32x80x128xi32, #tpu.memory_space<hbm>> -> memref<1x80x128xi32, #tpu.memory_space<hbm>>
      %dma_start3A_55 = tpu.memref_squeeze %dma_start3A_54 : memref<1x80x128xi32, #tpu.memory_space<hbm>> -> memref<80x128xi32, #tpu.memory_space<hbm>>
      tpu.enqueue_dma source(%dma_start3A_55 : memref<80x128xi32, #tpu.memory_space<hbm>>) target(%arg8 : memref<80x128xi32, #tpu.memory_space<vmem>>) target_semaphore(%run_scoped3A : memref<!tpu.dma_semaphore, #tpu.memory_space<semaphore_mem>>)
      %dma_wait3A = arith.constant 0 : i32
      %dma_wait3A_56 = arith.constant 0 : i32
      %dma_wait3A_57 = tpu.memref_slice %arg2[%add3A, %dma_wait3A, %dma_wait3A_56] : memref<32x80x128xi32, #tpu.memory_space<hbm>> -> memref<1x80x128xi32, #tpu.memory_space<hbm>>
      %dma_wait3A_58 = tpu.memref_squeeze %dma_wait3A_57 : memref<1x80x128xi32, #tpu.memory_space<hbm>> -> memref<80x128xi32, #tpu.memory_space<hbm>>
      %dma_wait3A_59 = arith.constant 0 : i32
      %dma_wait3A_60 = arith.constant 0 : i32
      %dma_wait3A_61 = tpu.memref_slice %arg2[%add3A, %dma_wait3A_59, %dma_wait3A_60] : memref<32x80x128xi32, #tpu.memory_space<hbm>> -> memref<1x80x128xi32, #tpu.memory_space<hbm>>
      %dma_wait3A_62 = tpu.memref_squeeze %dma_wait3A_61 : memref<1x80x128xi32, #tpu.memory_space<hbm>> -> memref<80x128xi32, #tpu.memory_space<hbm>>
      tpu.wait_dma2 semaphore(%run_scoped3A : memref<!tpu.dma_semaphore, #tpu.memory_space<semaphore_mem>>) src(%dma_wait3A_62 : memref<80x128xi32, #tpu.memory_space<hbm>>) dst(%arg8 : memref<80x128xi32, #tpu.memory_space<vmem>>)
      tpu.yield
    }) : () -> ()
    "tpu.region"() ({
      %run_scoped3A = tpu.sem_alloc : memref<!tpu.dma_semaphore, #tpu.memory_space<semaphore_mem>>
      %dma_start3A = arith.constant 0 : i32
      %dma_start3A_49 = arith.constant 0 : i32
      %dma_start3A_50 = tpu.memref_slice %arg3[%add3A, %dma_start3A, %dma_start3A_49] : memref<32x80x128xi32, #tpu.memory_space<hbm>> -> memref<1x80x128xi32, #tpu.memory_space<hbm>>
      %dma_start3A_51 = tpu.memref_squeeze %dma_start3A_50 : memref<1x80x128xi32, #tpu.memory_space<hbm>> -> memref<80x128xi32, #tpu.memory_space<hbm>>
      %dma_start3A_52 = arith.constant 0 : i32
      %dma_start3A_53 = arith.constant 0 : i32
      %dma_start3A_54 = tpu.memref_slice %arg3[%add3A, %dma_start3A_52, %dma_start3A_53] : memref<32x80x128xi32, #tpu.memory_space<hbm>> -> memref<1x80x128xi32, #tpu.memory_space<hbm>>
      %dma_start3A_55 = tpu.memref_squeeze %dma_start3A_54 : memref<1x80x128xi32, #tpu.memory_space<hbm>> -> memref<80x128xi32, #tpu.memory_space<hbm>>
      tpu.enqueue_dma source(%dma_start3A_55 : memref<80x128xi32, #tpu.memory_space<hbm>>) target(%arg9 : memref<80x128xi32, #tpu.memory_space<vmem>>) target_semaphore(%run_scoped3A : memref<!tpu.dma_semaphore, #tpu.memory_space<semaphore_mem>>)
      %dma_wait3A = arith.constant 0 : i32
      %dma_wait3A_56 = arith.constant 0 : i32
      %dma_wait3A_57 = tpu.memref_slice %arg3[%add3A, %dma_wait3A, %dma_wait3A_56] : memref<32x80x128xi32, #tpu.memory_space<hbm>> -> memref<1x80x128xi32, #tpu.memory_space<hbm>>
      %dma_wait3A_58 = tpu.memref_squeeze %dma_wait3A_57 : memref<1x80x128xi32, #tpu.memory_space<hbm>> -> memref<80x128xi32, #tpu.memory_space<hbm>>
      %dma_wait3A_59 = arith.constant 0 : i32
      %dma_wait3A_60 = arith.constant 0 : i32
      %dma_wait3A_61 = tpu.memref_slice %arg3[%add3A, %dma_wait3A_59, %dma_wait3A_60] : memref<32x80x128xi32, #tpu.memory_space<hbm>> -> memref<1x80x128xi32, #tpu.memory_space<hbm>>
      %dma_wait3A_62 = tpu.memref_squeeze %dma_wait3A_61 : memref<1x80x128xi32, #tpu.memory_space<hbm>> -> memref<80x128xi32, #tpu.memory_space<hbm>>
      tpu.wait_dma2 semaphore(%run_scoped3A : memref<!tpu.dma_semaphore, #tpu.memory_space<semaphore_mem>>) src(%dma_wait3A_62 : memref<80x128xi32, #tpu.memory_space<hbm>>) dst(%arg9 : memref<80x128xi32, #tpu.memory_space<vmem>>)
      tpu.yield
    }) : () -> ()
    "tpu.region"() ({
      %run_scoped3A = tpu.sem_alloc : memref<!tpu.dma_semaphore, #tpu.memory_space<semaphore_mem>>
      tpu.enqueue_dma source(%arg4 : memref<128x16xf32, #tpu.memory_space<hbm>>) target(%arg10 : memref<128x16xf32, #tpu.memory_space<vmem>>) target_semaphore(%run_scoped3A : memref<!tpu.dma_semaphore, #tpu.memory_space<semaphore_mem>>)
      tpu.wait_dma2 semaphore(%run_scoped3A : memref<!tpu.dma_semaphore, #tpu.memory_space<semaphore_mem>>) src(%arg4 : memref<128x16xf32, #tpu.memory_space<hbm>>) dst(%arg10 : memref<128x16xf32, #tpu.memory_space<vmem>>)
      tpu.yield
    }) : () -> ()
    "tpu.region"() ({
      %run_scoped3A = tpu.sem_alloc : memref<!tpu.dma_semaphore, #tpu.memory_space<semaphore_mem>>
      tpu.enqueue_dma source(%arg5 : memref<128x16xf32, #tpu.memory_space<hbm>>) target(%arg11 : memref<128x16xf32, #tpu.memory_space<vmem>>) target_semaphore(%run_scoped3A : memref<!tpu.dma_semaphore, #tpu.memory_space<semaphore_mem>>)
      tpu.wait_dma2 semaphore(%run_scoped3A : memref<!tpu.dma_semaphore, #tpu.memory_space<semaphore_mem>>) src(%arg5 : memref<128x16xf32, #tpu.memory_space<hbm>>) dst(%arg11 : memref<128x16xf32, #tpu.memory_space<vmem>>)
      tpu.yield
    }) : () -> ()
    %mul3A_1 = arith.constant 632 : i32
    %mul3A_2 = arith.muli %arg1, %mul3A_1 : i32
    %add3A_3 = arith.constant 0 : i32
    %add3A_4 = arith.addi %mul3A_2, %add3A_3 : i32
    "tpu.region"() ({
      %run_scoped3A = tpu.sem_alloc : memref<!tpu.dma_semaphore, #tpu.memory_space<semaphore_mem>>
      %dma_start3A = arith.constant 0 : i32
      %dma_start3A_49 = arith.constant 0 : i32
      %dma_start3A_50 = tpu.memref_slice %arg11[%dma_start3A, %dma_start3A_49] : memref<128x16xf32, #tpu.memory_space<vmem>> -> memref<128x16xf32, #tpu.memory_space<vmem>>
      %dma_start3A_51 = arith.constant 0 : i32
      %dma_start3A_52 = tpu.memref_slice %arg12[%add3A_4, %dma_start3A_51] : memref<10112x16xf32, #tpu.memory_space<vmem_shared>> -> memref<128x16xf32, #tpu.memory_space<vmem_shared>>
      %dma_start3A_53 = arith.constant 0 : i32
      %dma_start3A_54 = tpu.memref_slice %arg12[%add3A_4, %dma_start3A_53] : memref<10112x16xf32, #tpu.memory_space<vmem_shared>> -> memref<128x16xf32, #tpu.memory_space<vmem_shared>>
      %dma_start3A_55 = arith.constant 0 : i32
      %dma_start3A_56 = arith.constant 0 : i32
      %dma_start3A_57 = tpu.memref_slice %arg11[%dma_start3A_55, %dma_start3A_56] : memref<128x16xf32, #tpu.memory_space<vmem>> -> memref<128x16xf32, #tpu.memory_space<vmem>>
      tpu.enqueue_dma source(%dma_start3A_57 : memref<128x16xf32, #tpu.memory_space<vmem>>) target(%dma_start3A_54 : memref<128x16xf32, #tpu.memory_space<vmem_shared>>) target_semaphore(%run_scoped3A : memref<!tpu.dma_semaphore, #tpu.memory_space<semaphore_mem>>)
      %dma_wait3A = arith.constant 0 : i32
      %dma_wait3A_58 = arith.constant 0 : i32
      %dma_wait3A_59 = tpu.memref_slice %arg11[%dma_wait3A, %dma_wait3A_58] : memref<128x16xf32, #tpu.memory_space<vmem>> -> memref<128x16xf32, #tpu.memory_space<vmem>>
      %dma_wait3A_60 = arith.constant 0 : i32
      %dma_wait3A_61 = tpu.memref_slice %arg12[%add3A_4, %dma_wait3A_60] : memref<10112x16xf32, #tpu.memory_space<vmem_shared>> -> memref<128x16xf32, #tpu.memory_space<vmem_shared>>
      %dma_wait3A_62 = arith.constant 0 : i32
      %dma_wait3A_63 = tpu.memref_slice %arg12[%add3A_4, %dma_wait3A_62] : memref<10112x16xf32, #tpu.memory_space<vmem_shared>> -> memref<128x16xf32, #tpu.memory_space<vmem_shared>>
      %dma_wait3A_64 = arith.constant 0 : i32
      %dma_wait3A_65 = arith.constant 0 : i32
      %dma_wait3A_66 = tpu.memref_slice %arg11[%dma_wait3A_64, %dma_wait3A_65] : memref<128x16xf32, #tpu.memory_space<vmem>> -> memref<128x16xf32, #tpu.memory_space<vmem>>
      tpu.wait_dma2 semaphore(%run_scoped3A : memref<!tpu.dma_semaphore, #tpu.memory_space<semaphore_mem>>) src(%dma_wait3A_66 : memref<128x16xf32, #tpu.memory_space<vmem>>) dst(%dma_wait3A_63 : memref<128x16xf32, #tpu.memory_space<vmem_shared>>)
      tpu.yield
    }) : () -> ()
    %add3A_5 = arith.constant 128 : i32
    %add3A_6 = arith.addi %mul3A_2, %add3A_5 : i32
    "tpu.region"() ({
      %run_scoped3A = tpu.sem_alloc : memref<!tpu.dma_semaphore, #tpu.memory_space<semaphore_mem>>
      %dma_start3A = arith.constant 0 : i32
      %dma_start3A_49 = arith.constant 0 : i32
      %dma_start3A_50 = tpu.memref_slice %arg11[%dma_start3A, %dma_start3A_49] : memref<128x16xf32, #tpu.memory_space<vmem>> -> memref<128x16xf32, #tpu.memory_space<vmem>>
      %dma_start3A_51 = arith.constant 0 : i32
      %dma_start3A_52 = tpu.memref_slice %arg12[%add3A_6, %dma_start3A_51] : memref<10112x16xf32, #tpu.memory_space<vmem_shared>> -> memref<128x16xf32, #tpu.memory_space<vmem_shared>>
      %dma_start3A_53 = arith.constant 0 : i32
      %dma_start3A_54 = tpu.memref_slice %arg12[%add3A_6, %dma_start3A_53] : memref<10112x16xf32, #tpu.memory_space<vmem_shared>> -> memref<128x16xf32, #tpu.memory_space<vmem_shared>>
      %dma_start3A_55 = arith.constant 0 : i32
      %dma_start3A_56 = arith.constant 0 : i32
      %dma_start3A_57 = tpu.memref_slice %arg11[%dma_start3A_55, %dma_start3A_56] : memref<128x16xf32, #tpu.memory_space<vmem>> -> memref<128x16xf32, #tpu.memory_space<vmem>>
      tpu.enqueue_dma source(%dma_start3A_57 : memref<128x16xf32, #tpu.memory_space<vmem>>) target(%dma_start3A_54 : memref<128x16xf32, #tpu.memory_space<vmem_shared>>) target_semaphore(%run_scoped3A : memref<!tpu.dma_semaphore, #tpu.memory_space<semaphore_mem>>)
      %dma_wait3A = arith.constant 0 : i32
      %dma_wait3A_58 = arith.constant 0 : i32
      %dma_wait3A_59 = tpu.memref_slice %arg11[%dma_wait3A, %dma_wait3A_58] : memref<128x16xf32, #tpu.memory_space<vmem>> -> memref<128x16xf32, #tpu.memory_space<vmem>>
      %dma_wait3A_60 = arith.constant 0 : i32
      %dma_wait3A_61 = tpu.memref_slice %arg12[%add3A_6, %dma_wait3A_60] : memref<10112x16xf32, #tpu.memory_space<vmem_shared>> -> memref<128x16xf32, #tpu.memory_space<vmem_shared>>
      %dma_wait3A_62 = arith.constant 0 : i32
      %dma_wait3A_63 = tpu.memref_slice %arg12[%add3A_6, %dma_wait3A_62] : memref<10112x16xf32, #tpu.memory_space<vmem_shared>> -> memref<128x16xf32, #tpu.memory_space<vmem_shared>>
      %dma_wait3A_64 = arith.constant 0 : i32
      %dma_wait3A_65 = arith.constant 0 : i32
      %dma_wait3A_66 = tpu.memref_slice %arg11[%dma_wait3A_64, %dma_wait3A_65] : memref<128x16xf32, #tpu.memory_space<vmem>> -> memref<128x16xf32, #tpu.memory_space<vmem>>
      tpu.wait_dma2 semaphore(%run_scoped3A : memref<!tpu.dma_semaphore, #tpu.memory_space<semaphore_mem>>) src(%dma_wait3A_66 : memref<128x16xf32, #tpu.memory_space<vmem>>) dst(%dma_wait3A_63 : memref<128x16xf32, #tpu.memory_space<vmem_shared>>)
      tpu.yield
    }) : () -> ()
    %add3A_7 = arith.constant 256 : i32
    %add3A_8 = arith.addi %mul3A_2, %add3A_7 : i32
    "tpu.region"() ({
      %run_scoped3A = tpu.sem_alloc : memref<!tpu.dma_semaphore, #tpu.memory_space<semaphore_mem>>
      %dma_start3A = arith.constant 0 : i32
      %dma_start3A_49 = arith.constant 0 : i32
      %dma_start3A_50 = tpu.memref_slice %arg11[%dma_start3A, %dma_start3A_49] : memref<128x16xf32, #tpu.memory_space<vmem>> -> memref<128x16xf32, #tpu.memory_space<vmem>>
      %dma_start3A_51 = arith.constant 0 : i32
      %dma_start3A_52 = tpu.memref_slice %arg12[%add3A_8, %dma_start3A_51] : memref<10112x16xf32, #tpu.memory_space<vmem_shared>> -> memref<128x16xf32, #tpu.memory_space<vmem_shared>>
      %dma_start3A_53 = arith.constant 0 : i32
      %dma_start3A_54 = tpu.memref_slice %arg12[%add3A_8, %dma_start3A_53] : memref<10112x16xf32, #tpu.memory_space<vmem_shared>> -> memref<128x16xf32, #tpu.memory_space<vmem_shared>>
      %dma_start3A_55 = arith.constant 0 : i32
      %dma_start3A_56 = arith.constant 0 : i32
      %dma_start3A_57 = tpu.memref_slice %arg11[%dma_start3A_55, %dma_start3A_56] : memref<128x16xf32, #tpu.memory_space<vmem>> -> memref<128x16xf32, #tpu.memory_space<vmem>>
      tpu.enqueue_dma source(%dma_start3A_57 : memref<128x16xf32, #tpu.memory_space<vmem>>) target(%dma_start3A_54 : memref<128x16xf32, #tpu.memory_space<vmem_shared>>) target_semaphore(%run_scoped3A : memref<!tpu.dma_semaphore, #tpu.memory_space<semaphore_mem>>)
      %dma_wait3A = arith.constant 0 : i32
      %dma_wait3A_58 = arith.constant 0 : i32
      %dma_wait3A_59 = tpu.memref_slice %arg11[%dma_wait3A, %dma_wait3A_58] : memref<128x16xf32, #tpu.memory_space<vmem>> -> memref<128x16xf32, #tpu.memory_space<vmem>>
      %dma_wait3A_60 = arith.constant 0 : i32
      %dma_wait3A_61 = tpu.memref_slice %arg12[%add3A_8, %dma_wait3A_60] : memref<10112x16xf32, #tpu.memory_space<vmem_shared>> -> memref<128x16xf32, #tpu.memory_space<vmem_shared>>
      %dma_wait3A_62 = arith.constant 0 : i32
      %dma_wait3A_63 = tpu.memref_slice %arg12[%add3A_8, %dma_wait3A_62] : memref<10112x16xf32, #tpu.memory_space<vmem_shared>> -> memref<128x16xf32, #tpu.memory_space<vmem_shared>>
      %dma_wait3A_64 = arith.constant 0 : i32
      %dma_wait3A_65 = arith.constant 0 : i32
      %dma_wait3A_66 = tpu.memref_slice %arg11[%dma_wait3A_64, %dma_wait3A_65] : memref<128x16xf32, #tpu.memory_space<vmem>> -> memref<128x16xf32, #tpu.memory_space<vmem>>
      tpu.wait_dma2 semaphore(%run_scoped3A : memref<!tpu.dma_semaphore, #tpu.memory_space<semaphore_mem>>) src(%dma_wait3A_66 : memref<128x16xf32, #tpu.memory_space<vmem>>) dst(%dma_wait3A_63 : memref<128x16xf32, #tpu.memory_space<vmem_shared>>)
      tpu.yield
    }) : () -> ()
    %add3A_9 = arith.constant 384 : i32
    %add3A_10 = arith.addi %mul3A_2, %add3A_9 : i32
    "tpu.region"() ({
      %run_scoped3A = tpu.sem_alloc : memref<!tpu.dma_semaphore, #tpu.memory_space<semaphore_mem>>
      %dma_start3A = arith.constant 0 : i32
      %dma_start3A_49 = arith.constant 0 : i32
      %dma_start3A_50 = tpu.memref_slice %arg11[%dma_start3A, %dma_start3A_49] : memref<128x16xf32, #tpu.memory_space<vmem>> -> memref<128x16xf32, #tpu.memory_space<vmem>>
      %dma_start3A_51 = arith.constant 0 : i32
      %dma_start3A_52 = tpu.memref_slice %arg12[%add3A_10, %dma_start3A_51] : memref<10112x16xf32, #tpu.memory_space<vmem_shared>> -> memref<128x16xf32, #tpu.memory_space<vmem_shared>>
      %dma_start3A_53 = arith.constant 0 : i32
      %dma_start3A_54 = tpu.memref_slice %arg12[%add3A_10, %dma_start3A_53] : memref<10112x16xf32, #tpu.memory_space<vmem_shared>> -> memref<128x16xf32, #tpu.memory_space<vmem_shared>>
      %dma_start3A_55 = arith.constant 0 : i32
      %dma_start3A_56 = arith.constant 0 : i32
      %dma_start3A_57 = tpu.memref_slice %arg11[%dma_start3A_55, %dma_start3A_56] : memref<128x16xf32, #tpu.memory_space<vmem>> -> memref<128x16xf32, #tpu.memory_space<vmem>>
      tpu.enqueue_dma source(%dma_start3A_57 : memref<128x16xf32, #tpu.memory_space<vmem>>) target(%dma_start3A_54 : memref<128x16xf32, #tpu.memory_space<vmem_shared>>) target_semaphore(%run_scoped3A : memref<!tpu.dma_semaphore, #tpu.memory_space<semaphore_mem>>)
      %dma_wait3A = arith.constant 0 : i32
      %dma_wait3A_58 = arith.constant 0 : i32
      %dma_wait3A_59 = tpu.memref_slice %arg11[%dma_wait3A, %dma_wait3A_58] : memref<128x16xf32, #tpu.memory_space<vmem>> -> memref<128x16xf32, #tpu.memory_space<vmem>>
      %dma_wait3A_60 = arith.constant 0 : i32
      %dma_wait3A_61 = tpu.memref_slice %arg12[%add3A_10, %dma_wait3A_60] : memref<10112x16xf32, #tpu.memory_space<vmem_shared>> -> memref<128x16xf32, #tpu.memory_space<vmem_shared>>
      %dma_wait3A_62 = arith.constant 0 : i32
      %dma_wait3A_63 = tpu.memref_slice %arg12[%add3A_10, %dma_wait3A_62] : memref<10112x16xf32, #tpu.memory_space<vmem_shared>> -> memref<128x16xf32, #tpu.memory_space<vmem_shared>>
      %dma_wait3A_64 = arith.constant 0 : i32
      %dma_wait3A_65 = arith.constant 0 : i32
      %dma_wait3A_66 = tpu.memref_slice %arg11[%dma_wait3A_64, %dma_wait3A_65] : memref<128x16xf32, #tpu.memory_space<vmem>> -> memref<128x16xf32, #tpu.memory_space<vmem>>
      tpu.wait_dma2 semaphore(%run_scoped3A : memref<!tpu.dma_semaphore, #tpu.memory_space<semaphore_mem>>) src(%dma_wait3A_66 : memref<128x16xf32, #tpu.memory_space<vmem>>) dst(%dma_wait3A_63 : memref<128x16xf32, #tpu.memory_space<vmem_shared>>)
      tpu.yield
    }) : () -> ()
    %add3A_11 = arith.constant 512 : i32
    %add3A_12 = arith.addi %mul3A_2, %add3A_11 : i32
    "tpu.region"() ({
      %run_scoped3A = tpu.sem_alloc : memref<!tpu.dma_semaphore, #tpu.memory_space<semaphore_mem>>
      %dma_start3A = arith.constant 0 : i32
      %dma_start3A_49 = arith.constant 0 : i32
      %dma_start3A_50 = tpu.memref_slice %arg11[%dma_start3A, %dma_start3A_49] : memref<128x16xf32, #tpu.memory_space<vmem>> -> memref<120x16xf32, #tpu.memory_space<vmem>>
      %dma_start3A_51 = arith.constant 0 : i32
      %dma_start3A_52 = tpu.memref_slice %arg12[%add3A_12, %dma_start3A_51] : memref<10112x16xf32, #tpu.memory_space<vmem_shared>> -> memref<120x16xf32, #tpu.memory_space<vmem_shared>>
      %dma_start3A_53 = arith.constant 0 : i32
      %dma_start3A_54 = tpu.memref_slice %arg12[%add3A_12, %dma_start3A_53] : memref<10112x16xf32, #tpu.memory_space<vmem_shared>> -> memref<120x16xf32, #tpu.memory_space<vmem_shared>>
      %dma_start3A_55 = arith.constant 0 : i32
      %dma_start3A_56 = arith.constant 0 : i32
      %dma_start3A_57 = tpu.memref_slice %arg11[%dma_start3A_55, %dma_start3A_56] : memref<128x16xf32, #tpu.memory_space<vmem>> -> memref<120x16xf32, #tpu.memory_space<vmem>>
      tpu.enqueue_dma source(%dma_start3A_57 : memref<120x16xf32, #tpu.memory_space<vmem>>) target(%dma_start3A_54 : memref<120x16xf32, #tpu.memory_space<vmem_shared>>) target_semaphore(%run_scoped3A : memref<!tpu.dma_semaphore, #tpu.memory_space<semaphore_mem>>)
      %dma_wait3A = arith.constant 0 : i32
      %dma_wait3A_58 = arith.constant 0 : i32
      %dma_wait3A_59 = tpu.memref_slice %arg11[%dma_wait3A, %dma_wait3A_58] : memref<128x16xf32, #tpu.memory_space<vmem>> -> memref<120x16xf32, #tpu.memory_space<vmem>>
      %dma_wait3A_60 = arith.constant 0 : i32
      %dma_wait3A_61 = tpu.memref_slice %arg12[%add3A_12, %dma_wait3A_60] : memref<10112x16xf32, #tpu.memory_space<vmem_shared>> -> memref<120x16xf32, #tpu.memory_space<vmem_shared>>
      %dma_wait3A_62 = arith.constant 0 : i32
      %dma_wait3A_63 = tpu.memref_slice %arg12[%add3A_12, %dma_wait3A_62] : memref<10112x16xf32, #tpu.memory_space<vmem_shared>> -> memref<120x16xf32, #tpu.memory_space<vmem_shared>>
      %dma_wait3A_64 = arith.constant 0 : i32
      %dma_wait3A_65 = arith.constant 0 : i32
      %dma_wait3A_66 = tpu.memref_slice %arg11[%dma_wait3A_64, %dma_wait3A_65] : memref<128x16xf32, #tpu.memory_space<vmem>> -> memref<120x16xf32, #tpu.memory_space<vmem>>
      tpu.wait_dma2 semaphore(%run_scoped3A : memref<!tpu.dma_semaphore, #tpu.memory_space<semaphore_mem>>) src(%dma_wait3A_66 : memref<120x16xf32, #tpu.memory_space<vmem>>) dst(%dma_wait3A_63 : memref<120x16xf32, #tpu.memory_space<vmem_shared>>)
      tpu.yield
    }) : () -> ()
    %add3A_13 = arith.constant 0 : i32
    %add3A_14 = arith.addi %mul3A_2, %add3A_13 : i32
    "tpu.region"() ({
      %run_scoped3A = tpu.sem_alloc : memref<!tpu.dma_semaphore, #tpu.memory_space<semaphore_mem>>
      %dma_start3A = arith.constant 0 : i32
      %dma_start3A_49 = arith.constant 0 : i32
      %dma_start3A_50 = tpu.memref_slice %arg11[%dma_start3A, %dma_start3A_49] : memref<128x16xf32, #tpu.memory_space<vmem>> -> memref<128x16xf32, #tpu.memory_space<vmem>>
      %dma_start3A_51 = arith.constant 0 : i32
      %dma_start3A_52 = tpu.memref_slice %arg13[%add3A_14, %dma_start3A_51] : memref<10112x16xf32, #tpu.memory_space<vmem_shared>> -> memref<128x16xf32, #tpu.memory_space<vmem_shared>>
      %dma_start3A_53 = arith.constant 0 : i32
      %dma_start3A_54 = tpu.memref_slice %arg13[%add3A_14, %dma_start3A_53] : memref<10112x16xf32, #tpu.memory_space<vmem_shared>> -> memref<128x16xf32, #tpu.memory_space<vmem_shared>>
      %dma_start3A_55 = arith.constant 0 : i32
      %dma_start3A_56 = arith.constant 0 : i32
      %dma_start3A_57 = tpu.memref_slice %arg11[%dma_start3A_55, %dma_start3A_56] : memref<128x16xf32, #tpu.memory_space<vmem>> -> memref<128x16xf32, #tpu.memory_space<vmem>>
      tpu.enqueue_dma source(%dma_start3A_57 : memref<128x16xf32, #tpu.memory_space<vmem>>) target(%dma_start3A_54 : memref<128x16xf32, #tpu.memory_space<vmem_shared>>) target_semaphore(%run_scoped3A : memref<!tpu.dma_semaphore, #tpu.memory_space<semaphore_mem>>)
      %dma_wait3A = arith.constant 0 : i32
      %dma_wait3A_58 = arith.constant 0 : i32
      %dma_wait3A_59 = tpu.memref_slice %arg11[%dma_wait3A, %dma_wait3A_58] : memref<128x16xf32, #tpu.memory_space<vmem>> -> memref<128x16xf32, #tpu.memory_space<vmem>>
      %dma_wait3A_60 = arith.constant 0 : i32
      %dma_wait3A_61 = tpu.memref_slice %arg13[%add3A_14, %dma_wait3A_60] : memref<10112x16xf32, #tpu.memory_space<vmem_shared>> -> memref<128x16xf32, #tpu.memory_space<vmem_shared>>
      %dma_wait3A_62 = arith.constant 0 : i32
      %dma_wait3A_63 = tpu.memref_slice %arg13[%add3A_14, %dma_wait3A_62] : memref<10112x16xf32, #tpu.memory_space<vmem_shared>> -> memref<128x16xf32, #tpu.memory_space<vmem_shared>>
      %dma_wait3A_64 = arith.constant 0 : i32
      %dma_wait3A_65 = arith.constant 0 : i32
      %dma_wait3A_66 = tpu.memref_slice %arg11[%dma_wait3A_64, %dma_wait3A_65] : memref<128x16xf32, #tpu.memory_space<vmem>> -> memref<128x16xf32, #tpu.memory_space<vmem>>
      tpu.wait_dma2 semaphore(%run_scoped3A : memref<!tpu.dma_semaphore, #tpu.memory_space<semaphore_mem>>) src(%dma_wait3A_66 : memref<128x16xf32, #tpu.memory_space<vmem>>) dst(%dma_wait3A_63 : memref<128x16xf32, #tpu.memory_space<vmem_shared>>)
      tpu.yield
    }) : () -> ()
    %add3A_15 = arith.constant 128 : i32
    %add3A_16 = arith.addi %mul3A_2, %add3A_15 : i32
    "tpu.region"() ({
      %run_scoped3A = tpu.sem_alloc : memref<!tpu.dma_semaphore, #tpu.memory_space<semaphore_mem>>
      %dma_start3A = arith.constant 0 : i32
      %dma_start3A_49 = arith.constant 0 : i32
      %dma_start3A_50 = tpu.memref_slice %arg11[%dma_start3A, %dma_start3A_49] : memref<128x16xf32, #tpu.memory_space<vmem>> -> memref<128x16xf32, #tpu.memory_space<vmem>>
      %dma_start3A_51 = arith.constant 0 : i32
      %dma_start3A_52 = tpu.memref_slice %arg13[%add3A_16, %dma_start3A_51] : memref<10112x16xf32, #tpu.memory_space<vmem_shared>> -> memref<128x16xf32, #tpu.memory_space<vmem_shared>>
      %dma_start3A_53 = arith.constant 0 : i32
      %dma_start3A_54 = tpu.memref_slice %arg13[%add3A_16, %dma_start3A_53] : memref<10112x16xf32, #tpu.memory_space<vmem_shared>> -> memref<128x16xf32, #tpu.memory_space<vmem_shared>>
      %dma_start3A_55 = arith.constant 0 : i32
      %dma_start3A_56 = arith.constant 0 : i32
      %dma_start3A_57 = tpu.memref_slice %arg11[%dma_start3A_55, %dma_start3A_56] : memref<128x16xf32, #tpu.memory_space<vmem>> -> memref<128x16xf32, #tpu.memory_space<vmem>>
      tpu.enqueue_dma source(%dma_start3A_57 : memref<128x16xf32, #tpu.memory_space<vmem>>) target(%dma_start3A_54 : memref<128x16xf32, #tpu.memory_space<vmem_shared>>) target_semaphore(%run_scoped3A : memref<!tpu.dma_semaphore, #tpu.memory_space<semaphore_mem>>)
      %dma_wait3A = arith.constant 0 : i32
      %dma_wait3A_58 = arith.constant 0 : i32
      %dma_wait3A_59 = tpu.memref_slice %arg11[%dma_wait3A, %dma_wait3A_58] : memref<128x16xf32, #tpu.memory_space<vmem>> -> memref<128x16xf32, #tpu.memory_space<vmem>>
      %dma_wait3A_60 = arith.constant 0 : i32
      %dma_wait3A_61 = tpu.memref_slice %arg13[%add3A_16, %dma_wait3A_60] : memref<10112x16xf32, #tpu.memory_space<vmem_shared>> -> memref<128x16xf32, #tpu.memory_space<vmem_shared>>
      %dma_wait3A_62 = arith.constant 0 : i32
      %dma_wait3A_63 = tpu.memref_slice %arg13[%add3A_16, %dma_wait3A_62] : memref<10112x16xf32, #tpu.memory_space<vmem_shared>> -> memref<128x16xf32, #tpu.memory_space<vmem_shared>>
      %dma_wait3A_64 = arith.constant 0 : i32
      %dma_wait3A_65 = arith.constant 0 : i32
      %dma_wait3A_66 = tpu.memref_slice %arg11[%dma_wait3A_64, %dma_wait3A_65] : memref<128x16xf32, #tpu.memory_space<vmem>> -> memref<128x16xf32, #tpu.memory_space<vmem>>
      tpu.wait_dma2 semaphore(%run_scoped3A : memref<!tpu.dma_semaphore, #tpu.memory_space<semaphore_mem>>) src(%dma_wait3A_66 : memref<128x16xf32, #tpu.memory_space<vmem>>) dst(%dma_wait3A_63 : memref<128x16xf32, #tpu.memory_space<vmem_shared>>)
      tpu.yield
    }) : () -> ()
    %add3A_17 = arith.constant 256 : i32
    %add3A_18 = arith.addi %mul3A_2, %add3A_17 : i32
    "tpu.region"() ({
      %run_scoped3A = tpu.sem_alloc : memref<!tpu.dma_semaphore, #tpu.memory_space<semaphore_mem>>
      %dma_start3A = arith.constant 0 : i32
      %dma_start3A_49 = arith.constant 0 : i32
      %dma_start3A_50 = tpu.memref_slice %arg11[%dma_start3A, %dma_start3A_49] : memref<128x16xf32, #tpu.memory_space<vmem>> -> memref<128x16xf32, #tpu.memory_space<vmem>>
      %dma_start3A_51 = arith.constant 0 : i32
      %dma_start3A_52 = tpu.memref_slice %arg13[%add3A_18, %dma_start3A_51] : memref<10112x16xf32, #tpu.memory_space<vmem_shared>> -> memref<128x16xf32, #tpu.memory_space<vmem_shared>>
      %dma_start3A_53 = arith.constant 0 : i32
      %dma_start3A_54 = tpu.memref_slice %arg13[%add3A_18, %dma_start3A_53] : memref<10112x16xf32, #tpu.memory_space<vmem_shared>> -> memref<128x16xf32, #tpu.memory_space<vmem_shared>>
      %dma_start3A_55 = arith.constant 0 : i32
      %dma_start3A_56 = arith.constant 0 : i32
      %dma_start3A_57 = tpu.memref_slice %arg11[%dma_start3A_55, %dma_start3A_56] : memref<128x16xf32, #tpu.memory_space<vmem>> -> memref<128x16xf32, #tpu.memory_space<vmem>>
      tpu.enqueue_dma source(%dma_start3A_57 : memref<128x16xf32, #tpu.memory_space<vmem>>) target(%dma_start3A_54 : memref<128x16xf32, #tpu.memory_space<vmem_shared>>) target_semaphore(%run_scoped3A : memref<!tpu.dma_semaphore, #tpu.memory_space<semaphore_mem>>)
      %dma_wait3A = arith.constant 0 : i32
      %dma_wait3A_58 = arith.constant 0 : i32
      %dma_wait3A_59 = tpu.memref_slice %arg11[%dma_wait3A, %dma_wait3A_58] : memref<128x16xf32, #tpu.memory_space<vmem>> -> memref<128x16xf32, #tpu.memory_space<vmem>>
      %dma_wait3A_60 = arith.constant 0 : i32
      %dma_wait3A_61 = tpu.memref_slice %arg13[%add3A_18, %dma_wait3A_60] : memref<10112x16xf32, #tpu.memory_space<vmem_shared>> -> memref<128x16xf32, #tpu.memory_space<vmem_shared>>
      %dma_wait3A_62 = arith.constant 0 : i32
      %dma_wait3A_63 = tpu.memref_slice %arg13[%add3A_18, %dma_wait3A_62] : memref<10112x16xf32, #tpu.memory_space<vmem_shared>> -> memref<128x16xf32, #tpu.memory_space<vmem_shared>>
      %dma_wait3A_64 = arith.constant 0 : i32
      %dma_wait3A_65 = arith.constant 0 : i32
      %dma_wait3A_66 = tpu.memref_slice %arg11[%dma_wait3A_64, %dma_wait3A_65] : memref<128x16xf32, #tpu.memory_space<vmem>> -> memref<128x16xf32, #tpu.memory_space<vmem>>
      tpu.wait_dma2 semaphore(%run_scoped3A : memref<!tpu.dma_semaphore, #tpu.memory_space<semaphore_mem>>) src(%dma_wait3A_66 : memref<128x16xf32, #tpu.memory_space<vmem>>) dst(%dma_wait3A_63 : memref<128x16xf32, #tpu.memory_space<vmem_shared>>)
      tpu.yield
    }) : () -> ()
    %add3A_19 = arith.constant 384 : i32
    %add3A_20 = arith.addi %mul3A_2, %add3A_19 : i32
    "tpu.region"() ({
      %run_scoped3A = tpu.sem_alloc : memref<!tpu.dma_semaphore, #tpu.memory_space<semaphore_mem>>
      %dma_start3A = arith.constant 0 : i32
      %dma_start3A_49 = arith.constant 0 : i32
      %dma_start3A_50 = tpu.memref_slice %arg11[%dma_start3A, %dma_start3A_49] : memref<128x16xf32, #tpu.memory_space<vmem>> -> memref<128x16xf32, #tpu.memory_space<vmem>>
      %dma_start3A_51 = arith.constant 0 : i32
      %dma_start3A_52 = tpu.memref_slice %arg13[%add3A_20, %dma_start3A_51] : memref<10112x16xf32, #tpu.memory_space<vmem_shared>> -> memref<128x16xf32, #tpu.memory_space<vmem_shared>>
      %dma_start3A_53 = arith.constant 0 : i32
      %dma_start3A_54 = tpu.memref_slice %arg13[%add3A_20, %dma_start3A_53] : memref<10112x16xf32, #tpu.memory_space<vmem_shared>> -> memref<128x16xf32, #tpu.memory_space<vmem_shared>>
      %dma_start3A_55 = arith.constant 0 : i32
      %dma_start3A_56 = arith.constant 0 : i32
      %dma_start3A_57 = tpu.memref_slice %arg11[%dma_start3A_55, %dma_start3A_56] : memref<128x16xf32, #tpu.memory_space<vmem>> -> memref<128x16xf32, #tpu.memory_space<vmem>>
      tpu.enqueue_dma source(%dma_start3A_57 : memref<128x16xf32, #tpu.memory_space<vmem>>) target(%dma_start3A_54 : memref<128x16xf32, #tpu.memory_space<vmem_shared>>) target_semaphore(%run_scoped3A : memref<!tpu.dma_semaphore, #tpu.memory_space<semaphore_mem>>)
      %dma_wait3A = arith.constant 0 : i32
      %dma_wait3A_58 = arith.constant 0 : i32
      %dma_wait3A_59 = tpu.memref_slice %arg11[%dma_wait3A, %dma_wait3A_58] : memref<128x16xf32, #tpu.memory_space<vmem>> -> memref<128x16xf32, #tpu.memory_space<vmem>>
      %dma_wait3A_60 = arith.constant 0 : i32
      %dma_wait3A_61 = tpu.memref_slice %arg13[%add3A_20, %dma_wait3A_60] : memref<10112x16xf32, #tpu.memory_space<vmem_shared>> -> memref<128x16xf32, #tpu.memory_space<vmem_shared>>
      %dma_wait3A_62 = arith.constant 0 : i32
      %dma_wait3A_63 = tpu.memref_slice %arg13[%add3A_20, %dma_wait3A_62] : memref<10112x16xf32, #tpu.memory_space<vmem_shared>> -> memref<128x16xf32, #tpu.memory_space<vmem_shared>>
      %dma_wait3A_64 = arith.constant 0 : i32
      %dma_wait3A_65 = arith.constant 0 : i32
      %dma_wait3A_66 = tpu.memref_slice %arg11[%dma_wait3A_64, %dma_wait3A_65] : memref<128x16xf32, #tpu.memory_space<vmem>> -> memref<128x16xf32, #tpu.memory_space<vmem>>
      tpu.wait_dma2 semaphore(%run_scoped3A : memref<!tpu.dma_semaphore, #tpu.memory_space<semaphore_mem>>) src(%dma_wait3A_66 : memref<128x16xf32, #tpu.memory_space<vmem>>) dst(%dma_wait3A_63 : memref<128x16xf32, #tpu.memory_space<vmem_shared>>)
      tpu.yield
    }) : () -> ()
    %add3A_21 = arith.constant 512 : i32
    %add3A_22 = arith.addi %mul3A_2, %add3A_21 : i32
    "tpu.region"() ({
      %run_scoped3A = tpu.sem_alloc : memref<!tpu.dma_semaphore, #tpu.memory_space<semaphore_mem>>
      %dma_start3A = arith.constant 0 : i32
      %dma_start3A_49 = arith.constant 0 : i32
      %dma_start3A_50 = tpu.memref_slice %arg11[%dma_start3A, %dma_start3A_49] : memref<128x16xf32, #tpu.memory_space<vmem>> -> memref<120x16xf32, #tpu.memory_space<vmem>>
      %dma_start3A_51 = arith.constant 0 : i32
      %dma_start3A_52 = tpu.memref_slice %arg13[%add3A_22, %dma_start3A_51] : memref<10112x16xf32, #tpu.memory_space<vmem_shared>> -> memref<120x16xf32, #tpu.memory_space<vmem_shared>>
      %dma_start3A_53 = arith.constant 0 : i32
      %dma_start3A_54 = tpu.memref_slice %arg13[%add3A_22, %dma_start3A_53] : memref<10112x16xf32, #tpu.memory_space<vmem_shared>> -> memref<120x16xf32, #tpu.memory_space<vmem_shared>>
      %dma_start3A_55 = arith.constant 0 : i32
      %dma_start3A_56 = arith.constant 0 : i32
      %dma_start3A_57 = tpu.memref_slice %arg11[%dma_start3A_55, %dma_start3A_56] : memref<128x16xf32, #tpu.memory_space<vmem>> -> memref<120x16xf32, #tpu.memory_space<vmem>>
      tpu.enqueue_dma source(%dma_start3A_57 : memref<120x16xf32, #tpu.memory_space<vmem>>) target(%dma_start3A_54 : memref<120x16xf32, #tpu.memory_space<vmem_shared>>) target_semaphore(%run_scoped3A : memref<!tpu.dma_semaphore, #tpu.memory_space<semaphore_mem>>)
      %dma_wait3A = arith.constant 0 : i32
      %dma_wait3A_58 = arith.constant 0 : i32
      %dma_wait3A_59 = tpu.memref_slice %arg11[%dma_wait3A, %dma_wait3A_58] : memref<128x16xf32, #tpu.memory_space<vmem>> -> memref<120x16xf32, #tpu.memory_space<vmem>>
      %dma_wait3A_60 = arith.constant 0 : i32
      %dma_wait3A_61 = tpu.memref_slice %arg13[%add3A_22, %dma_wait3A_60] : memref<10112x16xf32, #tpu.memory_space<vmem_shared>> -> memref<120x16xf32, #tpu.memory_space<vmem_shared>>
      %dma_wait3A_62 = arith.constant 0 : i32
      %dma_wait3A_63 = tpu.memref_slice %arg13[%add3A_22, %dma_wait3A_62] : memref<10112x16xf32, #tpu.memory_space<vmem_shared>> -> memref<120x16xf32, #tpu.memory_space<vmem_shared>>
      %dma_wait3A_64 = arith.constant 0 : i32
      %dma_wait3A_65 = arith.constant 0 : i32
      %dma_wait3A_66 = tpu.memref_slice %arg11[%dma_wait3A_64, %dma_wait3A_65] : memref<128x16xf32, #tpu.memory_space<vmem>> -> memref<120x16xf32, #tpu.memory_space<vmem>>
      tpu.wait_dma2 semaphore(%run_scoped3A : memref<!tpu.dma_semaphore, #tpu.memory_space<semaphore_mem>>) src(%dma_wait3A_66 : memref<120x16xf32, #tpu.memory_space<vmem>>) dst(%dma_wait3A_63 : memref<120x16xf32, #tpu.memory_space<vmem_shared>>)
      tpu.yield
    }) : () -> ()
    %barrier3A = arith.constant 0 : index
    tpu.barrier barrier_id(%barrier3A)
    %scan3A = arith.constant 0 : i32
    %scan3A_23 = arith.constant 0 : i32
    %scan3A_24 = arith.constant 80 : i32
    %scan3A_25 = arith.addi %scan3A_23, %scan3A_24 : i32
    %scan3A_26 = arith.constant 1 : i32
    scf.for %scan3A_49 = %scan3A_23 to %scan3A_25 step %scan3A_26  : i32 {
      "tpu.region"() ({
        %run_scoped3A = tpu.sem_alloc : memref<!tpu.dma_semaphore, #tpu.memory_space<semaphore_mem>>
        %dma_start3A = arith.constant 0 : i32
        %dma_start3A_50 = tpu.memref_slice %arg8[%scan3A_49, %dma_start3A] : memref<80x128xi32, #tpu.memory_space<vmem>> -> memref<1x128xi32, #tpu.memory_space<vmem>>
        %dma_start3A_51 = tpu.memref_squeeze %dma_start3A_50 : memref<1x128xi32, #tpu.memory_space<vmem>> -> memref<128xi32, #tpu.memory_space<vmem>>
        %dma_start3A_52 = arith.constant 0 : i32
        %dma_start3A_53 = arith.constant 0 : i32
        %dma_start3A_54 = tpu.memref_slice %arg12[%dma_start3A_52, %dma_start3A_53] : memref<10112x16xf32, #tpu.memory_space<vmem_shared>> -> memref<10112x16xf32, #tpu.memory_space<vmem_shared>>
        tpu.enqueue_indirect_dma source(%arg10 : memref<128x16xf32, #tpu.memory_space<vmem>>) target(%dma_start3A_54 : memref<10112x16xf32, #tpu.memory_space<vmem_shared>>) offsets(%dma_start3A_51 : memref<128xi32, #tpu.memory_space<vmem>>) semaphore(%run_scoped3A : memref<!tpu.dma_semaphore, #tpu.memory_space<semaphore_mem>>) {add = true}
        %dma_wait3A = arith.constant 0 : i32
        %dma_wait3A_55 = tpu.memref_slice %arg8[%scan3A_49, %dma_wait3A] : memref<80x128xi32, #tpu.memory_space<vmem>> -> memref<1x128xi32, #tpu.memory_space<vmem>>
        %dma_wait3A_56 = tpu.memref_squeeze %dma_wait3A_55 : memref<1x128xi32, #tpu.memory_space<vmem>> -> memref<128xi32, #tpu.memory_space<vmem>>
        %dma_wait3A_57 = arith.constant 0 : i32
        %dma_wait3A_58 = arith.constant 0 : i32
        %dma_wait3A_59 = tpu.memref_slice %arg12[%dma_wait3A_57, %dma_wait3A_58] : memref<10112x16xf32, #tpu.memory_space<vmem_shared>> -> memref<10112x16xf32, #tpu.memory_space<vmem_shared>>
        tpu.wait_indirect_dma semaphore(%run_scoped3A : memref<!tpu.dma_semaphore, #tpu.memory_space<semaphore_mem>>) src(%arg10 : memref<128x16xf32, #tpu.memory_space<vmem>>) dst(%dma_wait3A_59 : memref<10112x16xf32, #tpu.memory_space<vmem_shared>>)
        tpu.yield
      }) : () -> ()
      "tpu.region"() ({
        %run_scoped3A = tpu.sem_alloc : memref<!tpu.dma_semaphore, #tpu.memory_space<semaphore_mem>>
        %dma_start3A = arith.constant 0 : i32
        %dma_start3A_50 = tpu.memref_slice %arg9[%scan3A_49, %dma_start3A] : memref<80x128xi32, #tpu.memory_space<vmem>> -> memref<1x128xi32, #tpu.memory_space<vmem>>
        %dma_start3A_51 = tpu.memref_squeeze %dma_start3A_50 : memref<1x128xi32, #tpu.memory_space<vmem>> -> memref<128xi32, #tpu.memory_space<vmem>>
        %dma_start3A_52 = arith.constant 0 : i32
        %dma_start3A_53 = arith.constant 0 : i32
        %dma_start3A_54 = tpu.memref_slice %arg13[%dma_start3A_52, %dma_start3A_53] : memref<10112x16xf32, #tpu.memory_space<vmem_shared>> -> memref<10112x16xf32, #tpu.memory_space<vmem_shared>>
        tpu.enqueue_indirect_dma source(%arg10 : memref<128x16xf32, #tpu.memory_space<vmem>>) target(%dma_start3A_54 : memref<10112x16xf32, #tpu.memory_space<vmem_shared>>) offsets(%dma_start3A_51 : memref<128xi32, #tpu.memory_space<vmem>>) semaphore(%run_scoped3A : memref<!tpu.dma_semaphore, #tpu.memory_space<semaphore_mem>>) {add = true}
        %dma_wait3A = arith.constant 0 : i32
        %dma_wait3A_55 = tpu.memref_slice %arg9[%scan3A_49, %dma_wait3A] : memref<80x128xi32, #tpu.memory_space<vmem>> -> memref<1x128xi32, #tpu.memory_space<vmem>>
        %dma_wait3A_56 = tpu.memref_squeeze %dma_wait3A_55 : memref<1x128xi32, #tpu.memory_space<vmem>> -> memref<128xi32, #tpu.memory_space<vmem>>
        %dma_wait3A_57 = arith.constant 0 : i32
        %dma_wait3A_58 = arith.constant 0 : i32
        %dma_wait3A_59 = tpu.memref_slice %arg13[%dma_wait3A_57, %dma_wait3A_58] : memref<10112x16xf32, #tpu.memory_space<vmem_shared>> -> memref<10112x16xf32, #tpu.memory_space<vmem_shared>>
        tpu.wait_indirect_dma semaphore(%run_scoped3A : memref<!tpu.dma_semaphore, #tpu.memory_space<semaphore_mem>>) src(%arg10 : memref<128x16xf32, #tpu.memory_space<vmem>>) dst(%dma_wait3A_59 : memref<10112x16xf32, #tpu.memory_space<vmem_shared>>)
        tpu.yield
      }) : () -> ()
    }
    %scan3A_27 = arith.constant 80 : i32
    %barrier3A_28 = arith.constant 0 : index
    tpu.barrier barrier_id(%barrier3A_28)
    %add3A_29 = arith.constant 0 : i32
    %add3A_30 = arith.addi %mul3A_2, %add3A_29 : i32
    "tpu.region"() ({
      %run_scoped3A = tpu.sem_alloc : memref<!tpu.dma_semaphore, #tpu.memory_space<semaphore_mem>>
      %dma_start3A = arith.constant 0 : i32
      %dma_start3A_49 = arith.constant 0 : i32
      %dma_start3A_50 = tpu.memref_slice %arg11[%dma_start3A, %dma_start3A_49] : memref<128x16xf32, #tpu.memory_space<vmem>> -> memref<128x16xf32, #tpu.memory_space<vmem>>
      %dma_start3A_51 = arith.constant 0 : i32
      %dma_start3A_52 = tpu.memref_slice %arg12[%add3A_30, %dma_start3A_51] : memref<10112x16xf32, #tpu.memory_space<vmem_shared>> -> memref<128x16xf32, #tpu.memory_space<vmem_shared>>
      %dma_start3A_53 = arith.constant 0 : i32
      %dma_start3A_54 = arith.constant 0 : i32
      %dma_start3A_55 = tpu.memref_slice %arg11[%dma_start3A_53, %dma_start3A_54] : memref<128x16xf32, #tpu.memory_space<vmem>> -> memref<128x16xf32, #tpu.memory_space<vmem>>
      %dma_start3A_56 = arith.constant 0 : i32
      %dma_start3A_57 = tpu.memref_slice %arg12[%add3A_30, %dma_start3A_56] : memref<10112x16xf32, #tpu.memory_space<vmem_shared>> -> memref<128x16xf32, #tpu.memory_space<vmem_shared>>
      tpu.enqueue_dma source(%dma_start3A_57 : memref<128x16xf32, #tpu.memory_space<vmem_shared>>) target(%dma_start3A_55 : memref<128x16xf32, #tpu.memory_space<vmem>>) target_semaphore(%run_scoped3A : memref<!tpu.dma_semaphore, #tpu.memory_space<semaphore_mem>>)
      %dma_wait3A = arith.constant 0 : i32
      %dma_wait3A_58 = arith.constant 0 : i32
      %dma_wait3A_59 = tpu.memref_slice %arg11[%dma_wait3A, %dma_wait3A_58] : memref<128x16xf32, #tpu.memory_space<vmem>> -> memref<128x16xf32, #tpu.memory_space<vmem>>
      %dma_wait3A_60 = arith.constant 0 : i32
      %dma_wait3A_61 = tpu.memref_slice %arg12[%add3A_30, %dma_wait3A_60] : memref<10112x16xf32, #tpu.memory_space<vmem_shared>> -> memref<128x16xf32, #tpu.memory_space<vmem_shared>>
      %dma_wait3A_62 = arith.constant 0 : i32
      %dma_wait3A_63 = arith.constant 0 : i32
      %dma_wait3A_64 = tpu.memref_slice %arg11[%dma_wait3A_62, %dma_wait3A_63] : memref<128x16xf32, #tpu.memory_space<vmem>> -> memref<128x16xf32, #tpu.memory_space<vmem>>
      %dma_wait3A_65 = arith.constant 0 : i32
      %dma_wait3A_66 = tpu.memref_slice %arg12[%add3A_30, %dma_wait3A_65] : memref<10112x16xf32, #tpu.memory_space<vmem_shared>> -> memref<128x16xf32, #tpu.memory_space<vmem_shared>>
      tpu.wait_dma2 semaphore(%run_scoped3A : memref<!tpu.dma_semaphore, #tpu.memory_space<semaphore_mem>>) src(%dma_wait3A_66 : memref<128x16xf32, #tpu.memory_space<vmem_shared>>) dst(%dma_wait3A_64 : memref<128x16xf32, #tpu.memory_space<vmem>>)
      tpu.yield
    }) : () -> ()
    "tpu.region"() ({
      %run_scoped3A = tpu.sem_alloc : memref<!tpu.dma_semaphore, #tpu.memory_space<semaphore_mem>>
      %dma_start3A = arith.constant 0 : i32
      %dma_start3A_49 = arith.constant 0 : i32
      %dma_start3A_50 = tpu.memref_slice %arg11[%dma_start3A, %dma_start3A_49] : memref<128x16xf32, #tpu.memory_space<vmem>> -> memref<128x16xf32, #tpu.memory_space<vmem>>
      %dma_start3A_51 = arith.constant 0 : i32
      %dma_start3A_52 = tpu.memref_slice %arg6[%arg0, %add3A_30, %dma_start3A_51] : memref<2x10112x16xf32, #tpu.memory_space<hbm>> -> memref<1x128x16xf32, #tpu.memory_space<hbm>>
      %dma_start3A_53 = tpu.memref_squeeze %dma_start3A_52 : memref<1x128x16xf32, #tpu.memory_space<hbm>> -> memref<128x16xf32, #tpu.memory_space<hbm>>
      %dma_start3A_54 = arith.constant 0 : i32
      %dma_start3A_55 = tpu.memref_slice %arg6[%arg0, %add3A_30, %dma_start3A_54] : memref<2x10112x16xf32, #tpu.memory_space<hbm>> -> memref<1x128x16xf32, #tpu.memory_space<hbm>>
      %dma_start3A_56 = tpu.memref_squeeze %dma_start3A_55 : memref<1x128x16xf32, #tpu.memory_space<hbm>> -> memref<128x16xf32, #tpu.memory_space<hbm>>
      %dma_start3A_57 = arith.constant 0 : i32
      %dma_start3A_58 = arith.constant 0 : i32
      %dma_start3A_59 = tpu.memref_slice %arg11[%dma_start3A_57, %dma_start3A_58] : memref<128x16xf32, #tpu.memory_space<vmem>> -> memref<128x16xf32, #tpu.memory_space<vmem>>
      tpu.enqueue_dma source(%dma_start3A_59 : memref<128x16xf32, #tpu.memory_space<vmem>>) target(%dma_start3A_56 : memref<128x16xf32, #tpu.memory_space<hbm>>) target_semaphore(%run_scoped3A : memref<!tpu.dma_semaphore, #tpu.memory_space<semaphore_mem>>)
      %dma_wait3A = arith.constant 0 : i32
      %dma_wait3A_60 = arith.constant 0 : i32
      %dma_wait3A_61 = tpu.memref_slice %arg11[%dma_wait3A, %dma_wait3A_60] : memref<128x16xf32, #tpu.memory_space<vmem>> -> memref<128x16xf32, #tpu.memory_space<vmem>>
      %dma_wait3A_62 = arith.constant 0 : i32
      %dma_wait3A_63 = tpu.memref_slice %arg6[%arg0, %add3A_30, %dma_wait3A_62] : memref<2x10112x16xf32, #tpu.memory_space<hbm>> -> memref<1x128x16xf32, #tpu.memory_space<hbm>>
      %dma_wait3A_64 = tpu.memref_squeeze %dma_wait3A_63 : memref<1x128x16xf32, #tpu.memory_space<hbm>> -> memref<128x16xf32, #tpu.memory_space<hbm>>
      %dma_wait3A_65 = arith.constant 0 : i32
      %dma_wait3A_66 = tpu.memref_slice %arg6[%arg0, %add3A_30, %dma_wait3A_65] : memref<2x10112x16xf32, #tpu.memory_space<hbm>> -> memref<1x128x16xf32, #tpu.memory_space<hbm>>
      %dma_wait3A_67 = tpu.memref_squeeze %dma_wait3A_66 : memref<1x128x16xf32, #tpu.memory_space<hbm>> -> memref<128x16xf32, #tpu.memory_space<hbm>>
      %dma_wait3A_68 = arith.constant 0 : i32
      %dma_wait3A_69 = arith.constant 0 : i32
      %dma_wait3A_70 = tpu.memref_slice %arg11[%dma_wait3A_68, %dma_wait3A_69] : memref<128x16xf32, #tpu.memory_space<vmem>> -> memref<128x16xf32, #tpu.memory_space<vmem>>
      tpu.wait_dma2 semaphore(%run_scoped3A : memref<!tpu.dma_semaphore, #tpu.memory_space<semaphore_mem>>) src(%dma_wait3A_70 : memref<128x16xf32, #tpu.memory_space<vmem>>) dst(%dma_wait3A_67 : memref<128x16xf32, #tpu.memory_space<hbm>>)
      tpu.yield
    }) : () -> ()
    %add3A_31 = arith.constant 128 : i32
    %add3A_32 = arith.addi %mul3A_2, %add3A_31 : i32
    "tpu.region"() ({
      %run_scoped3A = tpu.sem_alloc : memref<!tpu.dma_semaphore, #tpu.memory_space<semaphore_mem>>
      %dma_start3A = arith.constant 0 : i32
      %dma_start3A_49 = arith.constant 0 : i32
      %dma_start3A_50 = tpu.memref_slice %arg11[%dma_start3A, %dma_start3A_49] : memref<128x16xf32, #tpu.memory_space<vmem>> -> memref<128x16xf32, #tpu.memory_space<vmem>>
      %dma_start3A_51 = arith.constant 0 : i32
      %dma_start3A_52 = tpu.memref_slice %arg12[%add3A_32, %dma_start3A_51] : memref<10112x16xf32, #tpu.memory_space<vmem_shared>> -> memref<128x16xf32, #tpu.memory_space<vmem_shared>>
      %dma_start3A_53 = arith.constant 0 : i32
      %dma_start3A_54 = arith.constant 0 : i32
      %dma_start3A_55 = tpu.memref_slice %arg11[%dma_start3A_53, %dma_start3A_54] : memref<128x16xf32, #tpu.memory_space<vmem>> -> memref<128x16xf32, #tpu.memory_space<vmem>>
      %dma_start3A_56 = arith.constant 0 : i32
      %dma_start3A_57 = tpu.memref_slice %arg12[%add3A_32, %dma_start3A_56] : memref<10112x16xf32, #tpu.memory_space<vmem_shared>> -> memref<128x16xf32, #tpu.memory_space<vmem_shared>>
      tpu.enqueue_dma source(%dma_start3A_57 : memref<128x16xf32, #tpu.memory_space<vmem_shared>>) target(%dma_start3A_55 : memref<128x16xf32, #tpu.memory_space<vmem>>) target_semaphore(%run_scoped3A : memref<!tpu.dma_semaphore, #tpu.memory_space<semaphore_mem>>)
      %dma_wait3A = arith.constant 0 : i32
      %dma_wait3A_58 = arith.constant 0 : i32
      %dma_wait3A_59 = tpu.memref_slice %arg11[%dma_wait3A, %dma_wait3A_58] : memref<128x16xf32, #tpu.memory_space<vmem>> -> memref<128x16xf32, #tpu.memory_space<vmem>>
      %dma_wait3A_60 = arith.constant 0 : i32
      %dma_wait3A_61 = tpu.memref_slice %arg12[%add3A_32, %dma_wait3A_60] : memref<10112x16xf32, #tpu.memory_space<vmem_shared>> -> memref<128x16xf32, #tpu.memory_space<vmem_shared>>
      %dma_wait3A_62 = arith.constant 0 : i32
      %dma_wait3A_63 = arith.constant 0 : i32
      %dma_wait3A_64 = tpu.memref_slice %arg11[%dma_wait3A_62, %dma_wait3A_63] : memref<128x16xf32, #tpu.memory_space<vmem>> -> memref<128x16xf32, #tpu.memory_space<vmem>>
      %dma_wait3A_65 = arith.constant 0 : i32
      %dma_wait3A_66 = tpu.memref_slice %arg12[%add3A_32, %dma_wait3A_65] : memref<10112x16xf32, #tpu.memory_space<vmem_shared>> -> memref<128x16xf32, #tpu.memory_space<vmem_shared>>
      tpu.wait_dma2 semaphore(%run_scoped3A : memref<!tpu.dma_semaphore, #tpu.memory_space<semaphore_mem>>) src(%dma_wait3A_66 : memref<128x16xf32, #tpu.memory_space<vmem_shared>>) dst(%dma_wait3A_64 : memref<128x16xf32, #tpu.memory_space<vmem>>)
      tpu.yield
    }) : () -> ()
    "tpu.region"() ({
      %run_scoped3A = tpu.sem_alloc : memref<!tpu.dma_semaphore, #tpu.memory_space<semaphore_mem>>
      %dma_start3A = arith.constant 0 : i32
      %dma_start3A_49 = arith.constant 0 : i32
      %dma_start3A_50 = tpu.memref_slice %arg11[%dma_start3A, %dma_start3A_49] : memref<128x16xf32, #tpu.memory_space<vmem>> -> memref<128x16xf32, #tpu.memory_space<vmem>>
      %dma_start3A_51 = arith.constant 0 : i32
      %dma_start3A_52 = tpu.memref_slice %arg6[%arg0, %add3A_32, %dma_start3A_51] : memref<2x10112x16xf32, #tpu.memory_space<hbm>> -> memref<1x128x16xf32, #tpu.memory_space<hbm>>
      %dma_start3A_53 = tpu.memref_squeeze %dma_start3A_52 : memref<1x128x16xf32, #tpu.memory_space<hbm>> -> memref<128x16xf32, #tpu.memory_space<hbm>>
      %dma_start3A_54 = arith.constant 0 : i32
      %dma_start3A_55 = tpu.memref_slice %arg6[%arg0, %add3A_32, %dma_start3A_54] : memref<2x10112x16xf32, #tpu.memory_space<hbm>> -> memref<1x128x16xf32, #tpu.memory_space<hbm>>
      %dma_start3A_56 = tpu.memref_squeeze %dma_start3A_55 : memref<1x128x16xf32, #tpu.memory_space<hbm>> -> memref<128x16xf32, #tpu.memory_space<hbm>>
      %dma_start3A_57 = arith.constant 0 : i32
      %dma_start3A_58 = arith.constant 0 : i32
      %dma_start3A_59 = tpu.memref_slice %arg11[%dma_start3A_57, %dma_start3A_58] : memref<128x16xf32, #tpu.memory_space<vmem>> -> memref<128x16xf32, #tpu.memory_space<vmem>>
      tpu.enqueue_dma source(%dma_start3A_59 : memref<128x16xf32, #tpu.memory_space<vmem>>) target(%dma_start3A_56 : memref<128x16xf32, #tpu.memory_space<hbm>>) target_semaphore(%run_scoped3A : memref<!tpu.dma_semaphore, #tpu.memory_space<semaphore_mem>>)
      %dma_wait3A = arith.constant 0 : i32
      %dma_wait3A_60 = arith.constant 0 : i32
      %dma_wait3A_61 = tpu.memref_slice %arg11[%dma_wait3A, %dma_wait3A_60] : memref<128x16xf32, #tpu.memory_space<vmem>> -> memref<128x16xf32, #tpu.memory_space<vmem>>
      %dma_wait3A_62 = arith.constant 0 : i32
      %dma_wait3A_63 = tpu.memref_slice %arg6[%arg0, %add3A_32, %dma_wait3A_62] : memref<2x10112x16xf32, #tpu.memory_space<hbm>> -> memref<1x128x16xf32, #tpu.memory_space<hbm>>
      %dma_wait3A_64 = tpu.memref_squeeze %dma_wait3A_63 : memref<1x128x16xf32, #tpu.memory_space<hbm>> -> memref<128x16xf32, #tpu.memory_space<hbm>>
      %dma_wait3A_65 = arith.constant 0 : i32
      %dma_wait3A_66 = tpu.memref_slice %arg6[%arg0, %add3A_32, %dma_wait3A_65] : memref<2x10112x16xf32, #tpu.memory_space<hbm>> -> memref<1x128x16xf32, #tpu.memory_space<hbm>>
      %dma_wait3A_67 = tpu.memref_squeeze %dma_wait3A_66 : memref<1x128x16xf32, #tpu.memory_space<hbm>> -> memref<128x16xf32, #tpu.memory_space<hbm>>
      %dma_wait3A_68 = arith.constant 0 : i32
      %dma_wait3A_69 = arith.constant 0 : i32
      %dma_wait3A_70 = tpu.memref_slice %arg11[%dma_wait3A_68, %dma_wait3A_69] : memref<128x16xf32, #tpu.memory_space<vmem>> -> memref<128x16xf32, #tpu.memory_space<vmem>>
      tpu.wait_dma2 semaphore(%run_scoped3A : memref<!tpu.dma_semaphore, #tpu.memory_space<semaphore_mem>>) src(%dma_wait3A_70 : memref<128x16xf32, #tpu.memory_space<vmem>>) dst(%dma_wait3A_67 : memref<128x16xf32, #tpu.memory_space<hbm>>)
      tpu.yield
    }) : () -> ()
    %add3A_33 = arith.constant 256 : i32
    %add3A_34 = arith.addi %mul3A_2, %add3A_33 : i32
    "tpu.region"() ({
      %run_scoped3A = tpu.sem_alloc : memref<!tpu.dma_semaphore, #tpu.memory_space<semaphore_mem>>
      %dma_start3A = arith.constant 0 : i32
      %dma_start3A_49 = arith.constant 0 : i32
      %dma_start3A_50 = tpu.memref_slice %arg11[%dma_start3A, %dma_start3A_49] : memref<128x16xf32, #tpu.memory_space<vmem>> -> memref<128x16xf32, #tpu.memory_space<vmem>>
      %dma_start3A_51 = arith.constant 0 : i32
      %dma_start3A_52 = tpu.memref_slice %arg12[%add3A_34, %dma_start3A_51] : memref<10112x16xf32, #tpu.memory_space<vmem_shared>> -> memref<128x16xf32, #tpu.memory_space<vmem_shared>>
      %dma_start3A_53 = arith.constant 0 : i32
      %dma_start3A_54 = arith.constant 0 : i32
      %dma_start3A_55 = tpu.memref_slice %arg11[%dma_start3A_53, %dma_start3A_54] : memref<128x16xf32, #tpu.memory_space<vmem>> -> memref<128x16xf32, #tpu.memory_space<vmem>>
      %dma_start3A_56 = arith.constant 0 : i32
      %dma_start3A_57 = tpu.memref_slice %arg12[%add3A_34, %dma_start3A_56] : memref<10112x16xf32, #tpu.memory_space<vmem_shared>> -> memref<128x16xf32, #tpu.memory_space<vmem_shared>>
      tpu.enqueue_dma source(%dma_start3A_57 : memref<128x16xf32, #tpu.memory_space<vmem_shared>>) target(%dma_start3A_55 : memref<128x16xf32, #tpu.memory_space<vmem>>) target_semaphore(%run_scoped3A : memref<!tpu.dma_semaphore, #tpu.memory_space<semaphore_mem>>)
      %dma_wait3A = arith.constant 0 : i32
      %dma_wait3A_58 = arith.constant 0 : i32
      %dma_wait3A_59 = tpu.memref_slice %arg11[%dma_wait3A, %dma_wait3A_58] : memref<128x16xf32, #tpu.memory_space<vmem>> -> memref<128x16xf32, #tpu.memory_space<vmem>>
      %dma_wait3A_60 = arith.constant 0 : i32
      %dma_wait3A_61 = tpu.memref_slice %arg12[%add3A_34, %dma_wait3A_60] : memref<10112x16xf32, #tpu.memory_space<vmem_shared>> -> memref<128x16xf32, #tpu.memory_space<vmem_shared>>
      %dma_wait3A_62 = arith.constant 0 : i32
      %dma_wait3A_63 = arith.constant 0 : i32
      %dma_wait3A_64 = tpu.memref_slice %arg11[%dma_wait3A_62, %dma_wait3A_63] : memref<128x16xf32, #tpu.memory_space<vmem>> -> memref<128x16xf32, #tpu.memory_space<vmem>>
      %dma_wait3A_65 = arith.constant 0 : i32
      %dma_wait3A_66 = tpu.memref_slice %arg12[%add3A_34, %dma_wait3A_65] : memref<10112x16xf32, #tpu.memory_space<vmem_shared>> -> memref<128x16xf32, #tpu.memory_space<vmem_shared>>
      tpu.wait_dma2 semaphore(%run_scoped3A : memref<!tpu.dma_semaphore, #tpu.memory_space<semaphore_mem>>) src(%dma_wait3A_66 : memref<128x16xf32, #tpu.memory_space<vmem_shared>>) dst(%dma_wait3A_64 : memref<128x16xf32, #tpu.memory_space<vmem>>)
      tpu.yield
    }) : () -> ()
    "tpu.region"() ({
      %run_scoped3A = tpu.sem_alloc : memref<!tpu.dma_semaphore, #tpu.memory_space<semaphore_mem>>
      %dma_start3A = arith.constant 0 : i32
      %dma_start3A_49 = arith.constant 0 : i32
      %dma_start3A_50 = tpu.memref_slice %arg11[%dma_start3A, %dma_start3A_49] : memref<128x16xf32, #tpu.memory_space<vmem>> -> memref<128x16xf32, #tpu.memory_space<vmem>>
      %dma_start3A_51 = arith.constant 0 : i32
      %dma_start3A_52 = tpu.memref_slice %arg6[%arg0, %add3A_34, %dma_start3A_51] : memref<2x10112x16xf32, #tpu.memory_space<hbm>> -> memref<1x128x16xf32, #tpu.memory_space<hbm>>
      %dma_start3A_53 = tpu.memref_squeeze %dma_start3A_52 : memref<1x128x16xf32, #tpu.memory_space<hbm>> -> memref<128x16xf32, #tpu.memory_space<hbm>>
      %dma_start3A_54 = arith.constant 0 : i32
      %dma_start3A_55 = tpu.memref_slice %arg6[%arg0, %add3A_34, %dma_start3A_54] : memref<2x10112x16xf32, #tpu.memory_space<hbm>> -> memref<1x128x16xf32, #tpu.memory_space<hbm>>
      %dma_start3A_56 = tpu.memref_squeeze %dma_start3A_55 : memref<1x128x16xf32, #tpu.memory_space<hbm>> -> memref<128x16xf32, #tpu.memory_space<hbm>>
      %dma_start3A_57 = arith.constant 0 : i32
      %dma_start3A_58 = arith.constant 0 : i32
      %dma_start3A_59 = tpu.memref_slice %arg11[%dma_start3A_57, %dma_start3A_58] : memref<128x16xf32, #tpu.memory_space<vmem>> -> memref<128x16xf32, #tpu.memory_space<vmem>>
      tpu.enqueue_dma source(%dma_start3A_59 : memref<128x16xf32, #tpu.memory_space<vmem>>) target(%dma_start3A_56 : memref<128x16xf32, #tpu.memory_space<hbm>>) target_semaphore(%run_scoped3A : memref<!tpu.dma_semaphore, #tpu.memory_space<semaphore_mem>>)
      %dma_wait3A = arith.constant 0 : i32
      %dma_wait3A_60 = arith.constant 0 : i32
      %dma_wait3A_61 = tpu.memref_slice %arg11[%dma_wait3A, %dma_wait3A_60] : memref<128x16xf32, #tpu.memory_space<vmem>> -> memref<128x16xf32, #tpu.memory_space<vmem>>
      %dma_wait3A_62 = arith.constant 0 : i32
      %dma_wait3A_63 = tpu.memref_slice %arg6[%arg0, %add3A_34, %dma_wait3A_62] : memref<2x10112x16xf32, #tpu.memory_space<hbm>> -> memref<1x128x16xf32, #tpu.memory_space<hbm>>
      %dma_wait3A_64 = tpu.memref_squeeze %dma_wait3A_63 : memref<1x128x16xf32, #tpu.memory_space<hbm>> -> memref<128x16xf32, #tpu.memory_space<hbm>>
      %dma_wait3A_65 = arith.constant 0 : i32
      %dma_wait3A_66 = tpu.memref_slice %arg6[%arg0, %add3A_34, %dma_wait3A_65] : memref<2x10112x16xf32, #tpu.memory_space<hbm>> -> memref<1x128x16xf32, #tpu.memory_space<hbm>>
      %dma_wait3A_67 = tpu.memref_squeeze %dma_wait3A_66 : memref<1x128x16xf32, #tpu.memory_space<hbm>> -> memref<128x16xf32, #tpu.memory_space<hbm>>
      %dma_wait3A_68 = arith.constant 0 : i32
      %dma_wait3A_69 = arith.constant 0 : i32
      %dma_wait3A_70 = tpu.memref_slice %arg11[%dma_wait3A_68, %dma_wait3A_69] : memref<128x16xf32, #tpu.memory_space<vmem>> -> memref<128x16xf32, #tpu.memory_space<vmem>>
      tpu.wait_dma2 semaphore(%run_scoped3A : memref<!tpu.dma_semaphore, #tpu.memory_space<semaphore_mem>>) src(%dma_wait3A_70 : memref<128x16xf32, #tpu.memory_space<vmem>>) dst(%dma_wait3A_67 : memref<128x16xf32, #tpu.memory_space<hbm>>)
      tpu.yield
    }) : () -> ()
    %add3A_35 = arith.constant 384 : i32
    %add3A_36 = arith.addi %mul3A_2, %add3A_35 : i32
    "tpu.region"() ({
      %run_scoped3A = tpu.sem_alloc : memref<!tpu.dma_semaphore, #tpu.memory_space<semaphore_mem>>
      %dma_start3A = arith.constant 0 : i32
      %dma_start3A_49 = arith.constant 0 : i32
      %dma_start3A_50 = tpu.memref_slice %arg11[%dma_start3A, %dma_start3A_49] : memref<128x16xf32, #tpu.memory_space<vmem>> -> memref<128x16xf32, #tpu.memory_space<vmem>>
      %dma_start3A_51 = arith.constant 0 : i32
      %dma_start3A_52 = tpu.memref_slice %arg12[%add3A_36, %dma_start3A_51] : memref<10112x16xf32, #tpu.memory_space<vmem_shared>> -> memref<128x16xf32, #tpu.memory_space<vmem_shared>>
      %dma_start3A_53 = arith.constant 0 : i32
      %dma_start3A_54 = arith.constant 0 : i32
      %dma_start3A_55 = tpu.memref_slice %arg11[%dma_start3A_53, %dma_start3A_54] : memref<128x16xf32, #tpu.memory_space<vmem>> -> memref<128x16xf32, #tpu.memory_space<vmem>>
      %dma_start3A_56 = arith.constant 0 : i32
      %dma_start3A_57 = tpu.memref_slice %arg12[%add3A_36, %dma_start3A_56] : memref<10112x16xf32, #tpu.memory_space<vmem_shared>> -> memref<128x16xf32, #tpu.memory_space<vmem_shared>>
      tpu.enqueue_dma source(%dma_start3A_57 : memref<128x16xf32, #tpu.memory_space<vmem_shared>>) target(%dma_start3A_55 : memref<128x16xf32, #tpu.memory_space<vmem>>) target_semaphore(%run_scoped3A : memref<!tpu.dma_semaphore, #tpu.memory_space<semaphore_mem>>)
      %dma_wait3A = arith.constant 0 : i32
      %dma_wait3A_58 = arith.constant 0 : i32
      %dma_wait3A_59 = tpu.memref_slice %arg11[%dma_wait3A, %dma_wait3A_58] : memref<128x16xf32, #tpu.memory_space<vmem>> -> memref<128x16xf32, #tpu.memory_space<vmem>>
      %dma_wait3A_60 = arith.constant 0 : i32
      %dma_wait3A_61 = tpu.memref_slice %arg12[%add3A_36, %dma_wait3A_60] : memref<10112x16xf32, #tpu.memory_space<vmem_shared>> -> memref<128x16xf32, #tpu.memory_space<vmem_shared>>
      %dma_wait3A_62 = arith.constant 0 : i32
      %dma_wait3A_63 = arith.constant 0 : i32
      %dma_wait3A_64 = tpu.memref_slice %arg11[%dma_wait3A_62, %dma_wait3A_63] : memref<128x16xf32, #tpu.memory_space<vmem>> -> memref<128x16xf32, #tpu.memory_space<vmem>>
      %dma_wait3A_65 = arith.constant 0 : i32
      %dma_wait3A_66 = tpu.memref_slice %arg12[%add3A_36, %dma_wait3A_65] : memref<10112x16xf32, #tpu.memory_space<vmem_shared>> -> memref<128x16xf32, #tpu.memory_space<vmem_shared>>
      tpu.wait_dma2 semaphore(%run_scoped3A : memref<!tpu.dma_semaphore, #tpu.memory_space<semaphore_mem>>) src(%dma_wait3A_66 : memref<128x16xf32, #tpu.memory_space<vmem_shared>>) dst(%dma_wait3A_64 : memref<128x16xf32, #tpu.memory_space<vmem>>)
      tpu.yield
    }) : () -> ()
    "tpu.region"() ({
      %run_scoped3A = tpu.sem_alloc : memref<!tpu.dma_semaphore, #tpu.memory_space<semaphore_mem>>
      %dma_start3A = arith.constant 0 : i32
      %dma_start3A_49 = arith.constant 0 : i32
      %dma_start3A_50 = tpu.memref_slice %arg11[%dma_start3A, %dma_start3A_49] : memref<128x16xf32, #tpu.memory_space<vmem>> -> memref<128x16xf32, #tpu.memory_space<vmem>>
      %dma_start3A_51 = arith.constant 0 : i32
      %dma_start3A_52 = tpu.memref_slice %arg6[%arg0, %add3A_36, %dma_start3A_51] : memref<2x10112x16xf32, #tpu.memory_space<hbm>> -> memref<1x128x16xf32, #tpu.memory_space<hbm>>
      %dma_start3A_53 = tpu.memref_squeeze %dma_start3A_52 : memref<1x128x16xf32, #tpu.memory_space<hbm>> -> memref<128x16xf32, #tpu.memory_space<hbm>>
      %dma_start3A_54 = arith.constant 0 : i32
      %dma_start3A_55 = tpu.memref_slice %arg6[%arg0, %add3A_36, %dma_start3A_54] : memref<2x10112x16xf32, #tpu.memory_space<hbm>> -> memref<1x128x16xf32, #tpu.memory_space<hbm>>
      %dma_start3A_56 = tpu.memref_squeeze %dma_start3A_55 : memref<1x128x16xf32, #tpu.memory_space<hbm>> -> memref<128x16xf32, #tpu.memory_space<hbm>>
      %dma_start3A_57 = arith.constant 0 : i32
      %dma_start3A_58 = arith.constant 0 : i32
      %dma_start3A_59 = tpu.memref_slice %arg11[%dma_start3A_57, %dma_start3A_58] : memref<128x16xf32, #tpu.memory_space<vmem>> -> memref<128x16xf32, #tpu.memory_space<vmem>>
      tpu.enqueue_dma source(%dma_start3A_59 : memref<128x16xf32, #tpu.memory_space<vmem>>) target(%dma_start3A_56 : memref<128x16xf32, #tpu.memory_space<hbm>>) target_semaphore(%run_scoped3A : memref<!tpu.dma_semaphore, #tpu.memory_space<semaphore_mem>>)
      %dma_wait3A = arith.constant 0 : i32
      %dma_wait3A_60 = arith.constant 0 : i32
      %dma_wait3A_61 = tpu.memref_slice %arg11[%dma_wait3A, %dma_wait3A_60] : memref<128x16xf32, #tpu.memory_space<vmem>> -> memref<128x16xf32, #tpu.memory_space<vmem>>
      %dma_wait3A_62 = arith.constant 0 : i32
      %dma_wait3A_63 = tpu.memref_slice %arg6[%arg0, %add3A_36, %dma_wait3A_62] : memref<2x10112x16xf32, #tpu.memory_space<hbm>> -> memref<1x128x16xf32, #tpu.memory_space<hbm>>
      %dma_wait3A_64 = tpu.memref_squeeze %dma_wait3A_63 : memref<1x128x16xf32, #tpu.memory_space<hbm>> -> memref<128x16xf32, #tpu.memory_space<hbm>>
      %dma_wait3A_65 = arith.constant 0 : i32
      %dma_wait3A_66 = tpu.memref_slice %arg6[%arg0, %add3A_36, %dma_wait3A_65] : memref<2x10112x16xf32, #tpu.memory_space<hbm>> -> memref<1x128x16xf32, #tpu.memory_space<hbm>>
      %dma_wait3A_67 = tpu.memref_squeeze %dma_wait3A_66 : memref<1x128x16xf32, #tpu.memory_space<hbm>> -> memref<128x16xf32, #tpu.memory_space<hbm>>
      %dma_wait3A_68 = arith.constant 0 : i32
      %dma_wait3A_69 = arith.constant 0 : i32
      %dma_wait3A_70 = tpu.memref_slice %arg11[%dma_wait3A_68, %dma_wait3A_69] : memref<128x16xf32, #tpu.memory_space<vmem>> -> memref<128x16xf32, #tpu.memory_space<vmem>>
      tpu.wait_dma2 semaphore(%run_scoped3A : memref<!tpu.dma_semaphore, #tpu.memory_space<semaphore_mem>>) src(%dma_wait3A_70 : memref<128x16xf32, #tpu.memory_space<vmem>>) dst(%dma_wait3A_67 : memref<128x16xf32, #tpu.memory_space<hbm>>)
      tpu.yield
    }) : () -> ()
    %add3A_37 = arith.constant 512 : i32
    %add3A_38 = arith.addi %mul3A_2, %add3A_37 : i32
    "tpu.region"() ({
      %run_scoped3A = tpu.sem_alloc : memref<!tpu.dma_semaphore, #tpu.memory_space<semaphore_mem>>
      %dma_start3A = arith.constant 0 : i32
      %dma_start3A_49 = arith.constant 0 : i32
      %dma_start3A_50 = tpu.memref_slice %arg11[%dma_start3A, %dma_start3A_49] : memref<128x16xf32, #tpu.memory_space<vmem>> -> memref<120x16xf32, #tpu.memory_space<vmem>>
      %dma_start3A_51 = arith.constant 0 : i32
      %dma_start3A_52 = tpu.memref_slice %arg12[%add3A_38, %dma_start3A_51] : memref<10112x16xf32, #tpu.memory_space<vmem_shared>> -> memref<120x16xf32, #tpu.memory_space<vmem_shared>>
      %dma_start3A_53 = arith.constant 0 : i32
      %dma_start3A_54 = arith.constant 0 : i32
      %dma_start3A_55 = tpu.memref_slice %arg11[%dma_start3A_53, %dma_start3A_54] : memref<128x16xf32, #tpu.memory_space<vmem>> -> memref<120x16xf32, #tpu.memory_space<vmem>>
      %dma_start3A_56 = arith.constant 0 : i32
      %dma_start3A_57 = tpu.memref_slice %arg12[%add3A_38, %dma_start3A_56] : memref<10112x16xf32, #tpu.memory_space<vmem_shared>> -> memref<120x16xf32, #tpu.memory_space<vmem_shared>>
      tpu.enqueue_dma source(%dma_start3A_57 : memref<120x16xf32, #tpu.memory_space<vmem_shared>>) target(%dma_start3A_55 : memref<120x16xf32, #tpu.memory_space<vmem>>) target_semaphore(%run_scoped3A : memref<!tpu.dma_semaphore, #tpu.memory_space<semaphore_mem>>)
      %dma_wait3A = arith.constant 0 : i32
      %dma_wait3A_58 = arith.constant 0 : i32
      %dma_wait3A_59 = tpu.memref_slice %arg11[%dma_wait3A, %dma_wait3A_58] : memref<128x16xf32, #tpu.memory_space<vmem>> -> memref<120x16xf32, #tpu.memory_space<vmem>>
      %dma_wait3A_60 = arith.constant 0 : i32
      %dma_wait3A_61 = tpu.memref_slice %arg12[%add3A_38, %dma_wait3A_60] : memref<10112x16xf32, #tpu.memory_space<vmem_shared>> -> memref<120x16xf32, #tpu.memory_space<vmem_shared>>
      %dma_wait3A_62 = arith.constant 0 : i32
      %dma_wait3A_63 = arith.constant 0 : i32
      %dma_wait3A_64 = tpu.memref_slice %arg11[%dma_wait3A_62, %dma_wait3A_63] : memref<128x16xf32, #tpu.memory_space<vmem>> -> memref<120x16xf32, #tpu.memory_space<vmem>>
      %dma_wait3A_65 = arith.constant 0 : i32
      %dma_wait3A_66 = tpu.memref_slice %arg12[%add3A_38, %dma_wait3A_65] : memref<10112x16xf32, #tpu.memory_space<vmem_shared>> -> memref<120x16xf32, #tpu.memory_space<vmem_shared>>
      tpu.wait_dma2 semaphore(%run_scoped3A : memref<!tpu.dma_semaphore, #tpu.memory_space<semaphore_mem>>) src(%dma_wait3A_66 : memref<120x16xf32, #tpu.memory_space<vmem_shared>>) dst(%dma_wait3A_64 : memref<120x16xf32, #tpu.memory_space<vmem>>)
      tpu.yield
    }) : () -> ()
    "tpu.region"() ({
      %run_scoped3A = tpu.sem_alloc : memref<!tpu.dma_semaphore, #tpu.memory_space<semaphore_mem>>
      %dma_start3A = arith.constant 0 : i32
      %dma_start3A_49 = arith.constant 0 : i32
      %dma_start3A_50 = tpu.memref_slice %arg11[%dma_start3A, %dma_start3A_49] : memref<128x16xf32, #tpu.memory_space<vmem>> -> memref<120x16xf32, #tpu.memory_space<vmem>>
      %dma_start3A_51 = arith.constant 0 : i32
      %dma_start3A_52 = tpu.memref_slice %arg6[%arg0, %add3A_38, %dma_start3A_51] : memref<2x10112x16xf32, #tpu.memory_space<hbm>> -> memref<1x120x16xf32, #tpu.memory_space<hbm>>
      %dma_start3A_53 = tpu.memref_squeeze %dma_start3A_52 : memref<1x120x16xf32, #tpu.memory_space<hbm>> -> memref<120x16xf32, #tpu.memory_space<hbm>>
      %dma_start3A_54 = arith.constant 0 : i32
      %dma_start3A_55 = tpu.memref_slice %arg6[%arg0, %add3A_38, %dma_start3A_54] : memref<2x10112x16xf32, #tpu.memory_space<hbm>> -> memref<1x120x16xf32, #tpu.memory_space<hbm>>
      %dma_start3A_56 = tpu.memref_squeeze %dma_start3A_55 : memref<1x120x16xf32, #tpu.memory_space<hbm>> -> memref<120x16xf32, #tpu.memory_space<hbm>>
      %dma_start3A_57 = arith.constant 0 : i32
      %dma_start3A_58 = arith.constant 0 : i32
      %dma_start3A_59 = tpu.memref_slice %arg11[%dma_start3A_57, %dma_start3A_58] : memref<128x16xf32, #tpu.memory_space<vmem>> -> memref<120x16xf32, #tpu.memory_space<vmem>>
      tpu.enqueue_dma source(%dma_start3A_59 : memref<120x16xf32, #tpu.memory_space<vmem>>) target(%dma_start3A_56 : memref<120x16xf32, #tpu.memory_space<hbm>>) target_semaphore(%run_scoped3A : memref<!tpu.dma_semaphore, #tpu.memory_space<semaphore_mem>>)
      %dma_wait3A = arith.constant 0 : i32
      %dma_wait3A_60 = arith.constant 0 : i32
      %dma_wait3A_61 = tpu.memref_slice %arg11[%dma_wait3A, %dma_wait3A_60] : memref<128x16xf32, #tpu.memory_space<vmem>> -> memref<120x16xf32, #tpu.memory_space<vmem>>
      %dma_wait3A_62 = arith.constant 0 : i32
      %dma_wait3A_63 = tpu.memref_slice %arg6[%arg0, %add3A_38, %dma_wait3A_62] : memref<2x10112x16xf32, #tpu.memory_space<hbm>> -> memref<1x120x16xf32, #tpu.memory_space<hbm>>
      %dma_wait3A_64 = tpu.memref_squeeze %dma_wait3A_63 : memref<1x120x16xf32, #tpu.memory_space<hbm>> -> memref<120x16xf32, #tpu.memory_space<hbm>>
      %dma_wait3A_65 = arith.constant 0 : i32
      %dma_wait3A_66 = tpu.memref_slice %arg6[%arg0, %add3A_38, %dma_wait3A_65] : memref<2x10112x16xf32, #tpu.memory_space<hbm>> -> memref<1x120x16xf32, #tpu.memory_space<hbm>>
      %dma_wait3A_67 = tpu.memref_squeeze %dma_wait3A_66 : memref<1x120x16xf32, #tpu.memory_space<hbm>> -> memref<120x16xf32, #tpu.memory_space<hbm>>
      %dma_wait3A_68 = arith.constant 0 : i32
      %dma_wait3A_69 = arith.constant 0 : i32
      %dma_wait3A_70 = tpu.memref_slice %arg11[%dma_wait3A_68, %dma_wait3A_69] : memref<128x16xf32, #tpu.memory_space<vmem>> -> memref<120x16xf32, #tpu.memory_space<vmem>>
      tpu.wait_dma2 semaphore(%run_scoped3A : memref<!tpu.dma_semaphore, #tpu.memory_space<semaphore_mem>>) src(%dma_wait3A_70 : memref<120x16xf32, #tpu.memory_space<vmem>>) dst(%dma_wait3A_67 : memref<120x16xf32, #tpu.memory_space<hbm>>)
      tpu.yield
    }) : () -> ()
    %add3A_39 = arith.constant 0 : i32
    %add3A_40 = arith.addi %mul3A_2, %add3A_39 : i32
    "tpu.region"() ({
      %run_scoped3A = tpu.sem_alloc : memref<!tpu.dma_semaphore, #tpu.memory_space<semaphore_mem>>
      %dma_start3A = arith.constant 0 : i32
      %dma_start3A_49 = arith.constant 0 : i32
      %dma_start3A_50 = tpu.memref_slice %arg11[%dma_start3A, %dma_start3A_49] : memref<128x16xf32, #tpu.memory_space<vmem>> -> memref<128x16xf32, #tpu.memory_space<vmem>>
      %dma_start3A_51 = arith.constant 0 : i32
      %dma_start3A_52 = tpu.memref_slice %arg13[%add3A_40, %dma_start3A_51] : memref<10112x16xf32, #tpu.memory_space<vmem_shared>> -> memref<128x16xf32, #tpu.memory_space<vmem_shared>>
      %dma_start3A_53 = arith.constant 0 : i32
      %dma_start3A_54 = arith.constant 0 : i32
      %dma_start3A_55 = tpu.memref_slice %arg11[%dma_start3A_53, %dma_start3A_54] : memref<128x16xf32, #tpu.memory_space<vmem>> -> memref<128x16xf32, #tpu.memory_space<vmem>>
      %dma_start3A_56 = arith.constant 0 : i32
      %dma_start3A_57 = tpu.memref_slice %arg13[%add3A_40, %dma_start3A_56] : memref<10112x16xf32, #tpu.memory_space<vmem_shared>> -> memref<128x16xf32, #tpu.memory_space<vmem_shared>>
      tpu.enqueue_dma source(%dma_start3A_57 : memref<128x16xf32, #tpu.memory_space<vmem_shared>>) target(%dma_start3A_55 : memref<128x16xf32, #tpu.memory_space<vmem>>) target_semaphore(%run_scoped3A : memref<!tpu.dma_semaphore, #tpu.memory_space<semaphore_mem>>)
      %dma_wait3A = arith.constant 0 : i32
      %dma_wait3A_58 = arith.constant 0 : i32
      %dma_wait3A_59 = tpu.memref_slice %arg11[%dma_wait3A, %dma_wait3A_58] : memref<128x16xf32, #tpu.memory_space<vmem>> -> memref<128x16xf32, #tpu.memory_space<vmem>>
      %dma_wait3A_60 = arith.constant 0 : i32
      %dma_wait3A_61 = tpu.memref_slice %arg13[%add3A_40, %dma_wait3A_60] : memref<10112x16xf32, #tpu.memory_space<vmem_shared>> -> memref<128x16xf32, #tpu.memory_space<vmem_shared>>
      %dma_wait3A_62 = arith.constant 0 : i32
      %dma_wait3A_63 = arith.constant 0 : i32
      %dma_wait3A_64 = tpu.memref_slice %arg11[%dma_wait3A_62, %dma_wait3A_63] : memref<128x16xf32, #tpu.memory_space<vmem>> -> memref<128x16xf32, #tpu.memory_space<vmem>>
      %dma_wait3A_65 = arith.constant 0 : i32
      %dma_wait3A_66 = tpu.memref_slice %arg13[%add3A_40, %dma_wait3A_65] : memref<10112x16xf32, #tpu.memory_space<vmem_shared>> -> memref<128x16xf32, #tpu.memory_space<vmem_shared>>
      tpu.wait_dma2 semaphore(%run_scoped3A : memref<!tpu.dma_semaphore, #tpu.memory_space<semaphore_mem>>) src(%dma_wait3A_66 : memref<128x16xf32, #tpu.memory_space<vmem_shared>>) dst(%dma_wait3A_64 : memref<128x16xf32, #tpu.memory_space<vmem>>)
      tpu.yield
    }) : () -> ()
    "tpu.region"() ({
      %run_scoped3A = tpu.sem_alloc : memref<!tpu.dma_semaphore, #tpu.memory_space<semaphore_mem>>
      %dma_start3A = arith.constant 0 : i32
      %dma_start3A_49 = arith.constant 0 : i32
      %dma_start3A_50 = tpu.memref_slice %arg11[%dma_start3A, %dma_start3A_49] : memref<128x16xf32, #tpu.memory_space<vmem>> -> memref<128x16xf32, #tpu.memory_space<vmem>>
      %dma_start3A_51 = arith.constant 0 : i32
      %dma_start3A_52 = tpu.memref_slice %arg7[%arg0, %add3A_40, %dma_start3A_51] : memref<2x10112x16xf32, #tpu.memory_space<hbm>> -> memref<1x128x16xf32, #tpu.memory_space<hbm>>
      %dma_start3A_53 = tpu.memref_squeeze %dma_start3A_52 : memref<1x128x16xf32, #tpu.memory_space<hbm>> -> memref<128x16xf32, #tpu.memory_space<hbm>>
      %dma_start3A_54 = arith.constant 0 : i32
      %dma_start3A_55 = tpu.memref_slice %arg7[%arg0, %add3A_40, %dma_start3A_54] : memref<2x10112x16xf32, #tpu.memory_space<hbm>> -> memref<1x128x16xf32, #tpu.memory_space<hbm>>
      %dma_start3A_56 = tpu.memref_squeeze %dma_start3A_55 : memref<1x128x16xf32, #tpu.memory_space<hbm>> -> memref<128x16xf32, #tpu.memory_space<hbm>>
      %dma_start3A_57 = arith.constant 0 : i32
      %dma_start3A_58 = arith.constant 0 : i32
      %dma_start3A_59 = tpu.memref_slice %arg11[%dma_start3A_57, %dma_start3A_58] : memref<128x16xf32, #tpu.memory_space<vmem>> -> memref<128x16xf32, #tpu.memory_space<vmem>>
      tpu.enqueue_dma source(%dma_start3A_59 : memref<128x16xf32, #tpu.memory_space<vmem>>) target(%dma_start3A_56 : memref<128x16xf32, #tpu.memory_space<hbm>>) target_semaphore(%run_scoped3A : memref<!tpu.dma_semaphore, #tpu.memory_space<semaphore_mem>>)
      %dma_wait3A = arith.constant 0 : i32
      %dma_wait3A_60 = arith.constant 0 : i32
      %dma_wait3A_61 = tpu.memref_slice %arg11[%dma_wait3A, %dma_wait3A_60] : memref<128x16xf32, #tpu.memory_space<vmem>> -> memref<128x16xf32, #tpu.memory_space<vmem>>
      %dma_wait3A_62 = arith.constant 0 : i32
      %dma_wait3A_63 = tpu.memref_slice %arg7[%arg0, %add3A_40, %dma_wait3A_62] : memref<2x10112x16xf32, #tpu.memory_space<hbm>> -> memref<1x128x16xf32, #tpu.memory_space<hbm>>
      %dma_wait3A_64 = tpu.memref_squeeze %dma_wait3A_63 : memref<1x128x16xf32, #tpu.memory_space<hbm>> -> memref<128x16xf32, #tpu.memory_space<hbm>>
      %dma_wait3A_65 = arith.constant 0 : i32
      %dma_wait3A_66 = tpu.memref_slice %arg7[%arg0, %add3A_40, %dma_wait3A_65] : memref<2x10112x16xf32, #tpu.memory_space<hbm>> -> memref<1x128x16xf32, #tpu.memory_space<hbm>>
      %dma_wait3A_67 = tpu.memref_squeeze %dma_wait3A_66 : memref<1x128x16xf32, #tpu.memory_space<hbm>> -> memref<128x16xf32, #tpu.memory_space<hbm>>
      %dma_wait3A_68 = arith.constant 0 : i32
      %dma_wait3A_69 = arith.constant 0 : i32
      %dma_wait3A_70 = tpu.memref_slice %arg11[%dma_wait3A_68, %dma_wait3A_69] : memref<128x16xf32, #tpu.memory_space<vmem>> -> memref<128x16xf32, #tpu.memory_space<vmem>>
      tpu.wait_dma2 semaphore(%run_scoped3A : memref<!tpu.dma_semaphore, #tpu.memory_space<semaphore_mem>>) src(%dma_wait3A_70 : memref<128x16xf32, #tpu.memory_space<vmem>>) dst(%dma_wait3A_67 : memref<128x16xf32, #tpu.memory_space<hbm>>)
      tpu.yield
    }) : () -> ()
    %add3A_41 = arith.constant 128 : i32
    %add3A_42 = arith.addi %mul3A_2, %add3A_41 : i32
    "tpu.region"() ({
      %run_scoped3A = tpu.sem_alloc : memref<!tpu.dma_semaphore, #tpu.memory_space<semaphore_mem>>
      %dma_start3A = arith.constant 0 : i32
      %dma_start3A_49 = arith.constant 0 : i32
      %dma_start3A_50 = tpu.memref_slice %arg11[%dma_start3A, %dma_start3A_49] : memref<128x16xf32, #tpu.memory_space<vmem>> -> memref<128x16xf32, #tpu.memory_space<vmem>>
      %dma_start3A_51 = arith.constant 0 : i32
      %dma_start3A_52 = tpu.memref_slice %arg13[%add3A_42, %dma_start3A_51] : memref<10112x16xf32, #tpu.memory_space<vmem_shared>> -> memref<128x16xf32, #tpu.memory_space<vmem_shared>>
      %dma_start3A_53 = arith.constant 0 : i32
      %dma_start3A_54 = arith.constant 0 : i32
      %dma_start3A_55 = tpu.memref_slice %arg11[%dma_start3A_53, %dma_start3A_54] : memref<128x16xf32, #tpu.memory_space<vmem>> -> memref<128x16xf32, #tpu.memory_space<vmem>>
      %dma_start3A_56 = arith.constant 0 : i32
      %dma_start3A_57 = tpu.memref_slice %arg13[%add3A_42, %dma_start3A_56] : memref<10112x16xf32, #tpu.memory_space<vmem_shared>> -> memref<128x16xf32, #tpu.memory_space<vmem_shared>>
      tpu.enqueue_dma source(%dma_start3A_57 : memref<128x16xf32, #tpu.memory_space<vmem_shared>>) target(%dma_start3A_55 : memref<128x16xf32, #tpu.memory_space<vmem>>) target_semaphore(%run_scoped3A : memref<!tpu.dma_semaphore, #tpu.memory_space<semaphore_mem>>)
      %dma_wait3A = arith.constant 0 : i32
      %dma_wait3A_58 = arith.constant 0 : i32
      %dma_wait3A_59 = tpu.memref_slice %arg11[%dma_wait3A, %dma_wait3A_58] : memref<128x16xf32, #tpu.memory_space<vmem>> -> memref<128x16xf32, #tpu.memory_space<vmem>>
      %dma_wait3A_60 = arith.constant 0 : i32
      %dma_wait3A_61 = tpu.memref_slice %arg13[%add3A_42, %dma_wait3A_60] : memref<10112x16xf32, #tpu.memory_space<vmem_shared>> -> memref<128x16xf32, #tpu.memory_space<vmem_shared>>
      %dma_wait3A_62 = arith.constant 0 : i32
      %dma_wait3A_63 = arith.constant 0 : i32
      %dma_wait3A_64 = tpu.memref_slice %arg11[%dma_wait3A_62, %dma_wait3A_63] : memref<128x16xf32, #tpu.memory_space<vmem>> -> memref<128x16xf32, #tpu.memory_space<vmem>>
      %dma_wait3A_65 = arith.constant 0 : i32
      %dma_wait3A_66 = tpu.memref_slice %arg13[%add3A_42, %dma_wait3A_65] : memref<10112x16xf32, #tpu.memory_space<vmem_shared>> -> memref<128x16xf32, #tpu.memory_space<vmem_shared>>
      tpu.wait_dma2 semaphore(%run_scoped3A : memref<!tpu.dma_semaphore, #tpu.memory_space<semaphore_mem>>) src(%dma_wait3A_66 : memref<128x16xf32, #tpu.memory_space<vmem_shared>>) dst(%dma_wait3A_64 : memref<128x16xf32, #tpu.memory_space<vmem>>)
      tpu.yield
    }) : () -> ()
    "tpu.region"() ({
      %run_scoped3A = tpu.sem_alloc : memref<!tpu.dma_semaphore, #tpu.memory_space<semaphore_mem>>
      %dma_start3A = arith.constant 0 : i32
      %dma_start3A_49 = arith.constant 0 : i32
      %dma_start3A_50 = tpu.memref_slice %arg11[%dma_start3A, %dma_start3A_49] : memref<128x16xf32, #tpu.memory_space<vmem>> -> memref<128x16xf32, #tpu.memory_space<vmem>>
      %dma_start3A_51 = arith.constant 0 : i32
      %dma_start3A_52 = tpu.memref_slice %arg7[%arg0, %add3A_42, %dma_start3A_51] : memref<2x10112x16xf32, #tpu.memory_space<hbm>> -> memref<1x128x16xf32, #tpu.memory_space<hbm>>
      %dma_start3A_53 = tpu.memref_squeeze %dma_start3A_52 : memref<1x128x16xf32, #tpu.memory_space<hbm>> -> memref<128x16xf32, #tpu.memory_space<hbm>>
      %dma_start3A_54 = arith.constant 0 : i32
      %dma_start3A_55 = tpu.memref_slice %arg7[%arg0, %add3A_42, %dma_start3A_54] : memref<2x10112x16xf32, #tpu.memory_space<hbm>> -> memref<1x128x16xf32, #tpu.memory_space<hbm>>
      %dma_start3A_56 = tpu.memref_squeeze %dma_start3A_55 : memref<1x128x16xf32, #tpu.memory_space<hbm>> -> memref<128x16xf32, #tpu.memory_space<hbm>>
      %dma_start3A_57 = arith.constant 0 : i32
      %dma_start3A_58 = arith.constant 0 : i32
      %dma_start3A_59 = tpu.memref_slice %arg11[%dma_start3A_57, %dma_start3A_58] : memref<128x16xf32, #tpu.memory_space<vmem>> -> memref<128x16xf32, #tpu.memory_space<vmem>>
      tpu.enqueue_dma source(%dma_start3A_59 : memref<128x16xf32, #tpu.memory_space<vmem>>) target(%dma_start3A_56 : memref<128x16xf32, #tpu.memory_space<hbm>>) target_semaphore(%run_scoped3A : memref<!tpu.dma_semaphore, #tpu.memory_space<semaphore_mem>>)
      %dma_wait3A = arith.constant 0 : i32
      %dma_wait3A_60 = arith.constant 0 : i32
      %dma_wait3A_61 = tpu.memref_slice %arg11[%dma_wait3A, %dma_wait3A_60] : memref<128x16xf32, #tpu.memory_space<vmem>> -> memref<128x16xf32, #tpu.memory_space<vmem>>
      %dma_wait3A_62 = arith.constant 0 : i32
      %dma_wait3A_63 = tpu.memref_slice %arg7[%arg0, %add3A_42, %dma_wait3A_62] : memref<2x10112x16xf32, #tpu.memory_space<hbm>> -> memref<1x128x16xf32, #tpu.memory_space<hbm>>
      %dma_wait3A_64 = tpu.memref_squeeze %dma_wait3A_63 : memref<1x128x16xf32, #tpu.memory_space<hbm>> -> memref<128x16xf32, #tpu.memory_space<hbm>>
      %dma_wait3A_65 = arith.constant 0 : i32
      %dma_wait3A_66 = tpu.memref_slice %arg7[%arg0, %add3A_42, %dma_wait3A_65] : memref<2x10112x16xf32, #tpu.memory_space<hbm>> -> memref<1x128x16xf32, #tpu.memory_space<hbm>>
      %dma_wait3A_67 = tpu.memref_squeeze %dma_wait3A_66 : memref<1x128x16xf32, #tpu.memory_space<hbm>> -> memref<128x16xf32, #tpu.memory_space<hbm>>
      %dma_wait3A_68 = arith.constant 0 : i32
      %dma_wait3A_69 = arith.constant 0 : i32
      %dma_wait3A_70 = tpu.memref_slice %arg11[%dma_wait3A_68, %dma_wait3A_69] : memref<128x16xf32, #tpu.memory_space<vmem>> -> memref<128x16xf32, #tpu.memory_space<vmem>>
      tpu.wait_dma2 semaphore(%run_scoped3A : memref<!tpu.dma_semaphore, #tpu.memory_space<semaphore_mem>>) src(%dma_wait3A_70 : memref<128x16xf32, #tpu.memory_space<vmem>>) dst(%dma_wait3A_67 : memref<128x16xf32, #tpu.memory_space<hbm>>)
      tpu.yield
    }) : () -> ()
    %add3A_43 = arith.constant 256 : i32
    %add3A_44 = arith.addi %mul3A_2, %add3A_43 : i32
    "tpu.region"() ({
      %run_scoped3A = tpu.sem_alloc : memref<!tpu.dma_semaphore, #tpu.memory_space<semaphore_mem>>
      %dma_start3A = arith.constant 0 : i32
      %dma_start3A_49 = arith.constant 0 : i32
      %dma_start3A_50 = tpu.memref_slice %arg11[%dma_start3A, %dma_start3A_49] : memref<128x16xf32, #tpu.memory_space<vmem>> -> memref<128x16xf32, #tpu.memory_space<vmem>>
      %dma_start3A_51 = arith.constant 0 : i32
      %dma_start3A_52 = tpu.memref_slice %arg13[%add3A_44, %dma_start3A_51] : memref<10112x16xf32, #tpu.memory_space<vmem_shared>> -> memref<128x16xf32, #tpu.memory_space<vmem_shared>>
      %dma_start3A_53 = arith.constant 0 : i32
      %dma_start3A_54 = arith.constant 0 : i32
      %dma_start3A_55 = tpu.memref_slice %arg11[%dma_start3A_53, %dma_start3A_54] : memref<128x16xf32, #tpu.memory_space<vmem>> -> memref<128x16xf32, #tpu.memory_space<vmem>>
      %dma_start3A_56 = arith.constant 0 : i32
      %dma_start3A_57 = tpu.memref_slice %arg13[%add3A_44, %dma_start3A_56] : memref<10112x16xf32, #tpu.memory_space<vmem_shared>> -> memref<128x16xf32, #tpu.memory_space<vmem_shared>>
      tpu.enqueue_dma source(%dma_start3A_57 : memref<128x16xf32, #tpu.memory_space<vmem_shared>>) target(%dma_start3A_55 : memref<128x16xf32, #tpu.memory_space<vmem>>) target_semaphore(%run_scoped3A : memref<!tpu.dma_semaphore, #tpu.memory_space<semaphore_mem>>)
      %dma_wait3A = arith.constant 0 : i32
      %dma_wait3A_58 = arith.constant 0 : i32
      %dma_wait3A_59 = tpu.memref_slice %arg11[%dma_wait3A, %dma_wait3A_58] : memref<128x16xf32, #tpu.memory_space<vmem>> -> memref<128x16xf32, #tpu.memory_space<vmem>>
      %dma_wait3A_60 = arith.constant 0 : i32
      %dma_wait3A_61 = tpu.memref_slice %arg13[%add3A_44, %dma_wait3A_60] : memref<10112x16xf32, #tpu.memory_space<vmem_shared>> -> memref<128x16xf32, #tpu.memory_space<vmem_shared>>
      %dma_wait3A_62 = arith.constant 0 : i32
      %dma_wait3A_63 = arith.constant 0 : i32
      %dma_wait3A_64 = tpu.memref_slice %arg11[%dma_wait3A_62, %dma_wait3A_63] : memref<128x16xf32, #tpu.memory_space<vmem>> -> memref<128x16xf32, #tpu.memory_space<vmem>>
      %dma_wait3A_65 = arith.constant 0 : i32
      %dma_wait3A_66 = tpu.memref_slice %arg13[%add3A_44, %dma_wait3A_65] : memref<10112x16xf32, #tpu.memory_space<vmem_shared>> -> memref<128x16xf32, #tpu.memory_space<vmem_shared>>
      tpu.wait_dma2 semaphore(%run_scoped3A : memref<!tpu.dma_semaphore, #tpu.memory_space<semaphore_mem>>) src(%dma_wait3A_66 : memref<128x16xf32, #tpu.memory_space<vmem_shared>>) dst(%dma_wait3A_64 : memref<128x16xf32, #tpu.memory_space<vmem>>)
      tpu.yield
    }) : () -> ()
    "tpu.region"() ({
      %run_scoped3A = tpu.sem_alloc : memref<!tpu.dma_semaphore, #tpu.memory_space<semaphore_mem>>
      %dma_start3A = arith.constant 0 : i32
      %dma_start3A_49 = arith.constant 0 : i32
      %dma_start3A_50 = tpu.memref_slice %arg11[%dma_start3A, %dma_start3A_49] : memref<128x16xf32, #tpu.memory_space<vmem>> -> memref<128x16xf32, #tpu.memory_space<vmem>>
      %dma_start3A_51 = arith.constant 0 : i32
      %dma_start3A_52 = tpu.memref_slice %arg7[%arg0, %add3A_44, %dma_start3A_51] : memref<2x10112x16xf32, #tpu.memory_space<hbm>> -> memref<1x128x16xf32, #tpu.memory_space<hbm>>
      %dma_start3A_53 = tpu.memref_squeeze %dma_start3A_52 : memref<1x128x16xf32, #tpu.memory_space<hbm>> -> memref<128x16xf32, #tpu.memory_space<hbm>>
      %dma_start3A_54 = arith.constant 0 : i32
      %dma_start3A_55 = tpu.memref_slice %arg7[%arg0, %add3A_44, %dma_start3A_54] : memref<2x10112x16xf32, #tpu.memory_space<hbm>> -> memref<1x128x16xf32, #tpu.memory_space<hbm>>
      %dma_start3A_56 = tpu.memref_squeeze %dma_start3A_55 : memref<1x128x16xf32, #tpu.memory_space<hbm>> -> memref<128x16xf32, #tpu.memory_space<hbm>>
      %dma_start3A_57 = arith.constant 0 : i32
      %dma_start3A_58 = arith.constant 0 : i32
      %dma_start3A_59 = tpu.memref_slice %arg11[%dma_start3A_57, %dma_start3A_58] : memref<128x16xf32, #tpu.memory_space<vmem>> -> memref<128x16xf32, #tpu.memory_space<vmem>>
      tpu.enqueue_dma source(%dma_start3A_59 : memref<128x16xf32, #tpu.memory_space<vmem>>) target(%dma_start3A_56 : memref<128x16xf32, #tpu.memory_space<hbm>>) target_semaphore(%run_scoped3A : memref<!tpu.dma_semaphore, #tpu.memory_space<semaphore_mem>>)
      %dma_wait3A = arith.constant 0 : i32
      %dma_wait3A_60 = arith.constant 0 : i32
      %dma_wait3A_61 = tpu.memref_slice %arg11[%dma_wait3A, %dma_wait3A_60] : memref<128x16xf32, #tpu.memory_space<vmem>> -> memref<128x16xf32, #tpu.memory_space<vmem>>
      %dma_wait3A_62 = arith.constant 0 : i32
      %dma_wait3A_63 = tpu.memref_slice %arg7[%arg0, %add3A_44, %dma_wait3A_62] : memref<2x10112x16xf32, #tpu.memory_space<hbm>> -> memref<1x128x16xf32, #tpu.memory_space<hbm>>
      %dma_wait3A_64 = tpu.memref_squeeze %dma_wait3A_63 : memref<1x128x16xf32, #tpu.memory_space<hbm>> -> memref<128x16xf32, #tpu.memory_space<hbm>>
      %dma_wait3A_65 = arith.constant 0 : i32
      %dma_wait3A_66 = tpu.memref_slice %arg7[%arg0, %add3A_44, %dma_wait3A_65] : memref<2x10112x16xf32, #tpu.memory_space<hbm>> -> memref<1x128x16xf32, #tpu.memory_space<hbm>>
      %dma_wait3A_67 = tpu.memref_squeeze %dma_wait3A_66 : memref<1x128x16xf32, #tpu.memory_space<hbm>> -> memref<128x16xf32, #tpu.memory_space<hbm>>
      %dma_wait3A_68 = arith.constant 0 : i32
      %dma_wait3A_69 = arith.constant 0 : i32
      %dma_wait3A_70 = tpu.memref_slice %arg11[%dma_wait3A_68, %dma_wait3A_69] : memref<128x16xf32, #tpu.memory_space<vmem>> -> memref<128x16xf32, #tpu.memory_space<vmem>>
      tpu.wait_dma2 semaphore(%run_scoped3A : memref<!tpu.dma_semaphore, #tpu.memory_space<semaphore_mem>>) src(%dma_wait3A_70 : memref<128x16xf32, #tpu.memory_space<vmem>>) dst(%dma_wait3A_67 : memref<128x16xf32, #tpu.memory_space<hbm>>)
      tpu.yield
    }) : () -> ()
    %add3A_45 = arith.constant 384 : i32
    %add3A_46 = arith.addi %mul3A_2, %add3A_45 : i32
    "tpu.region"() ({
      %run_scoped3A = tpu.sem_alloc : memref<!tpu.dma_semaphore, #tpu.memory_space<semaphore_mem>>
      %dma_start3A = arith.constant 0 : i32
      %dma_start3A_49 = arith.constant 0 : i32
      %dma_start3A_50 = tpu.memref_slice %arg11[%dma_start3A, %dma_start3A_49] : memref<128x16xf32, #tpu.memory_space<vmem>> -> memref<128x16xf32, #tpu.memory_space<vmem>>
      %dma_start3A_51 = arith.constant 0 : i32
      %dma_start3A_52 = tpu.memref_slice %arg13[%add3A_46, %dma_start3A_51] : memref<10112x16xf32, #tpu.memory_space<vmem_shared>> -> memref<128x16xf32, #tpu.memory_space<vmem_shared>>
      %dma_start3A_53 = arith.constant 0 : i32
      %dma_start3A_54 = arith.constant 0 : i32
      %dma_start3A_55 = tpu.memref_slice %arg11[%dma_start3A_53, %dma_start3A_54] : memref<128x16xf32, #tpu.memory_space<vmem>> -> memref<128x16xf32, #tpu.memory_space<vmem>>
      %dma_start3A_56 = arith.constant 0 : i32
      %dma_start3A_57 = tpu.memref_slice %arg13[%add3A_46, %dma_start3A_56] : memref<10112x16xf32, #tpu.memory_space<vmem_shared>> -> memref<128x16xf32, #tpu.memory_space<vmem_shared>>
      tpu.enqueue_dma source(%dma_start3A_57 : memref<128x16xf32, #tpu.memory_space<vmem_shared>>) target(%dma_start3A_55 : memref<128x16xf32, #tpu.memory_space<vmem>>) target_semaphore(%run_scoped3A : memref<!tpu.dma_semaphore, #tpu.memory_space<semaphore_mem>>)
      %dma_wait3A = arith.constant 0 : i32
      %dma_wait3A_58 = arith.constant 0 : i32
      %dma_wait3A_59 = tpu.memref_slice %arg11[%dma_wait3A, %dma_wait3A_58] : memref<128x16xf32, #tpu.memory_space<vmem>> -> memref<128x16xf32, #tpu.memory_space<vmem>>
      %dma_wait3A_60 = arith.constant 0 : i32
      %dma_wait3A_61 = tpu.memref_slice %arg13[%add3A_46, %dma_wait3A_60] : memref<10112x16xf32, #tpu.memory_space<vmem_shared>> -> memref<128x16xf32, #tpu.memory_space<vmem_shared>>
      %dma_wait3A_62 = arith.constant 0 : i32
      %dma_wait3A_63 = arith.constant 0 : i32
      %dma_wait3A_64 = tpu.memref_slice %arg11[%dma_wait3A_62, %dma_wait3A_63] : memref<128x16xf32, #tpu.memory_space<vmem>> -> memref<128x16xf32, #tpu.memory_space<vmem>>
      %dma_wait3A_65 = arith.constant 0 : i32
      %dma_wait3A_66 = tpu.memref_slice %arg13[%add3A_46, %dma_wait3A_65] : memref<10112x16xf32, #tpu.memory_space<vmem_shared>> -> memref<128x16xf32, #tpu.memory_space<vmem_shared>>
      tpu.wait_dma2 semaphore(%run_scoped3A : memref<!tpu.dma_semaphore, #tpu.memory_space<semaphore_mem>>) src(%dma_wait3A_66 : memref<128x16xf32, #tpu.memory_space<vmem_shared>>) dst(%dma_wait3A_64 : memref<128x16xf32, #tpu.memory_space<vmem>>)
      tpu.yield
    }) : () -> ()
    "tpu.region"() ({
      %run_scoped3A = tpu.sem_alloc : memref<!tpu.dma_semaphore, #tpu.memory_space<semaphore_mem>>
      %dma_start3A = arith.constant 0 : i32
      %dma_start3A_49 = arith.constant 0 : i32
      %dma_start3A_50 = tpu.memref_slice %arg11[%dma_start3A, %dma_start3A_49] : memref<128x16xf32, #tpu.memory_space<vmem>> -> memref<128x16xf32, #tpu.memory_space<vmem>>
      %dma_start3A_51 = arith.constant 0 : i32
      %dma_start3A_52 = tpu.memref_slice %arg7[%arg0, %add3A_46, %dma_start3A_51] : memref<2x10112x16xf32, #tpu.memory_space<hbm>> -> memref<1x128x16xf32, #tpu.memory_space<hbm>>
      %dma_start3A_53 = tpu.memref_squeeze %dma_start3A_52 : memref<1x128x16xf32, #tpu.memory_space<hbm>> -> memref<128x16xf32, #tpu.memory_space<hbm>>
      %dma_start3A_54 = arith.constant 0 : i32
      %dma_start3A_55 = tpu.memref_slice %arg7[%arg0, %add3A_46, %dma_start3A_54] : memref<2x10112x16xf32, #tpu.memory_space<hbm>> -> memref<1x128x16xf32, #tpu.memory_space<hbm>>
      %dma_start3A_56 = tpu.memref_squeeze %dma_start3A_55 : memref<1x128x16xf32, #tpu.memory_space<hbm>> -> memref<128x16xf32, #tpu.memory_space<hbm>>
      %dma_start3A_57 = arith.constant 0 : i32
      %dma_start3A_58 = arith.constant 0 : i32
      %dma_start3A_59 = tpu.memref_slice %arg11[%dma_start3A_57, %dma_start3A_58] : memref<128x16xf32, #tpu.memory_space<vmem>> -> memref<128x16xf32, #tpu.memory_space<vmem>>
      tpu.enqueue_dma source(%dma_start3A_59 : memref<128x16xf32, #tpu.memory_space<vmem>>) target(%dma_start3A_56 : memref<128x16xf32, #tpu.memory_space<hbm>>) target_semaphore(%run_scoped3A : memref<!tpu.dma_semaphore, #tpu.memory_space<semaphore_mem>>)
      %dma_wait3A = arith.constant 0 : i32
      %dma_wait3A_60 = arith.constant 0 : i32
      %dma_wait3A_61 = tpu.memref_slice %arg11[%dma_wait3A, %dma_wait3A_60] : memref<128x16xf32, #tpu.memory_space<vmem>> -> memref<128x16xf32, #tpu.memory_space<vmem>>
      %dma_wait3A_62 = arith.constant 0 : i32
      %dma_wait3A_63 = tpu.memref_slice %arg7[%arg0, %add3A_46, %dma_wait3A_62] : memref<2x10112x16xf32, #tpu.memory_space<hbm>> -> memref<1x128x16xf32, #tpu.memory_space<hbm>>
      %dma_wait3A_64 = tpu.memref_squeeze %dma_wait3A_63 : memref<1x128x16xf32, #tpu.memory_space<hbm>> -> memref<128x16xf32, #tpu.memory_space<hbm>>
      %dma_wait3A_65 = arith.constant 0 : i32
      %dma_wait3A_66 = tpu.memref_slice %arg7[%arg0, %add3A_46, %dma_wait3A_65] : memref<2x10112x16xf32, #tpu.memory_space<hbm>> -> memref<1x128x16xf32, #tpu.memory_space<hbm>>
      %dma_wait3A_67 = tpu.memref_squeeze %dma_wait3A_66 : memref<1x128x16xf32, #tpu.memory_space<hbm>> -> memref<128x16xf32, #tpu.memory_space<hbm>>
      %dma_wait3A_68 = arith.constant 0 : i32
      %dma_wait3A_69 = arith.constant 0 : i32
      %dma_wait3A_70 = tpu.memref_slice %arg11[%dma_wait3A_68, %dma_wait3A_69] : memref<128x16xf32, #tpu.memory_space<vmem>> -> memref<128x16xf32, #tpu.memory_space<vmem>>
      tpu.wait_dma2 semaphore(%run_scoped3A : memref<!tpu.dma_semaphore, #tpu.memory_space<semaphore_mem>>) src(%dma_wait3A_70 : memref<128x16xf32, #tpu.memory_space<vmem>>) dst(%dma_wait3A_67 : memref<128x16xf32, #tpu.memory_space<hbm>>)
      tpu.yield
    }) : () -> ()
    %add3A_47 = arith.constant 512 : i32
    %add3A_48 = arith.addi %mul3A_2, %add3A_47 : i32
    "tpu.region"() ({
      %run_scoped3A = tpu.sem_alloc : memref<!tpu.dma_semaphore, #tpu.memory_space<semaphore_mem>>
      %dma_start3A = arith.constant 0 : i32
      %dma_start3A_49 = arith.constant 0 : i32
      %dma_start3A_50 = tpu.memref_slice %arg11[%dma_start3A, %dma_start3A_49] : memref<128x16xf32, #tpu.memory_space<vmem>> -> memref<120x16xf32, #tpu.memory_space<vmem>>
      %dma_start3A_51 = arith.constant 0 : i32
      %dma_start3A_52 = tpu.memref_slice %arg13[%add3A_48, %dma_start3A_51] : memref<10112x16xf32, #tpu.memory_space<vmem_shared>> -> memref<120x16xf32, #tpu.memory_space<vmem_shared>>
      %dma_start3A_53 = arith.constant 0 : i32
      %dma_start3A_54 = arith.constant 0 : i32
      %dma_start3A_55 = tpu.memref_slice %arg11[%dma_start3A_53, %dma_start3A_54] : memref<128x16xf32, #tpu.memory_space<vmem>> -> memref<120x16xf32, #tpu.memory_space<vmem>>
      %dma_start3A_56 = arith.constant 0 : i32
      %dma_start3A_57 = tpu.memref_slice %arg13[%add3A_48, %dma_start3A_56] : memref<10112x16xf32, #tpu.memory_space<vmem_shared>> -> memref<120x16xf32, #tpu.memory_space<vmem_shared>>
      tpu.enqueue_dma source(%dma_start3A_57 : memref<120x16xf32, #tpu.memory_space<vmem_shared>>) target(%dma_start3A_55 : memref<120x16xf32, #tpu.memory_space<vmem>>) target_semaphore(%run_scoped3A : memref<!tpu.dma_semaphore, #tpu.memory_space<semaphore_mem>>)
      %dma_wait3A = arith.constant 0 : i32
      %dma_wait3A_58 = arith.constant 0 : i32
      %dma_wait3A_59 = tpu.memref_slice %arg11[%dma_wait3A, %dma_wait3A_58] : memref<128x16xf32, #tpu.memory_space<vmem>> -> memref<120x16xf32, #tpu.memory_space<vmem>>
      %dma_wait3A_60 = arith.constant 0 : i32
      %dma_wait3A_61 = tpu.memref_slice %arg13[%add3A_48, %dma_wait3A_60] : memref<10112x16xf32, #tpu.memory_space<vmem_shared>> -> memref<120x16xf32, #tpu.memory_space<vmem_shared>>
      %dma_wait3A_62 = arith.constant 0 : i32
      %dma_wait3A_63 = arith.constant 0 : i32
      %dma_wait3A_64 = tpu.memref_slice %arg11[%dma_wait3A_62, %dma_wait3A_63] : memref<128x16xf32, #tpu.memory_space<vmem>> -> memref<120x16xf32, #tpu.memory_space<vmem>>
      %dma_wait3A_65 = arith.constant 0 : i32
      %dma_wait3A_66 = tpu.memref_slice %arg13[%add3A_48, %dma_wait3A_65] : memref<10112x16xf32, #tpu.memory_space<vmem_shared>> -> memref<120x16xf32, #tpu.memory_space<vmem_shared>>
      tpu.wait_dma2 semaphore(%run_scoped3A : memref<!tpu.dma_semaphore, #tpu.memory_space<semaphore_mem>>) src(%dma_wait3A_66 : memref<120x16xf32, #tpu.memory_space<vmem_shared>>) dst(%dma_wait3A_64 : memref<120x16xf32, #tpu.memory_space<vmem>>)
      tpu.yield
    }) : () -> ()
    "tpu.region"() ({
      %run_scoped3A = tpu.sem_alloc : memref<!tpu.dma_semaphore, #tpu.memory_space<semaphore_mem>>
      %dma_start3A = arith.constant 0 : i32
      %dma_start3A_49 = arith.constant 0 : i32
      %dma_start3A_50 = tpu.memref_slice %arg11[%dma_start3A, %dma_start3A_49] : memref<128x16xf32, #tpu.memory_space<vmem>> -> memref<120x16xf32, #tpu.memory_space<vmem>>
      %dma_start3A_51 = arith.constant 0 : i32
      %dma_start3A_52 = tpu.memref_slice %arg7[%arg0, %add3A_48, %dma_start3A_51] : memref<2x10112x16xf32, #tpu.memory_space<hbm>> -> memref<1x120x16xf32, #tpu.memory_space<hbm>>
      %dma_start3A_53 = tpu.memref_squeeze %dma_start3A_52 : memref<1x120x16xf32, #tpu.memory_space<hbm>> -> memref<120x16xf32, #tpu.memory_space<hbm>>
      %dma_start3A_54 = arith.constant 0 : i32
      %dma_start3A_55 = tpu.memref_slice %arg7[%arg0, %add3A_48, %dma_start3A_54] : memref<2x10112x16xf32, #tpu.memory_space<hbm>> -> memref<1x120x16xf32, #tpu.memory_space<hbm>>
      %dma_start3A_56 = tpu.memref_squeeze %dma_start3A_55 : memref<1x120x16xf32, #tpu.memory_space<hbm>> -> memref<120x16xf32, #tpu.memory_space<hbm>>
      %dma_start3A_57 = arith.constant 0 : i32
      %dma_start3A_58 = arith.constant 0 : i32
      %dma_start3A_59 = tpu.memref_slice %arg11[%dma_start3A_57, %dma_start3A_58] : memref<128x16xf32, #tpu.memory_space<vmem>> -> memref<120x16xf32, #tpu.memory_space<vmem>>
      tpu.enqueue_dma source(%dma_start3A_59 : memref<120x16xf32, #tpu.memory_space<vmem>>) target(%dma_start3A_56 : memref<120x16xf32, #tpu.memory_space<hbm>>) target_semaphore(%run_scoped3A : memref<!tpu.dma_semaphore, #tpu.memory_space<semaphore_mem>>)
      %dma_wait3A = arith.constant 0 : i32
      %dma_wait3A_60 = arith.constant 0 : i32
      %dma_wait3A_61 = tpu.memref_slice %arg11[%dma_wait3A, %dma_wait3A_60] : memref<128x16xf32, #tpu.memory_space<vmem>> -> memref<120x16xf32, #tpu.memory_space<vmem>>
      %dma_wait3A_62 = arith.constant 0 : i32
      %dma_wait3A_63 = tpu.memref_slice %arg7[%arg0, %add3A_48, %dma_wait3A_62] : memref<2x10112x16xf32, #tpu.memory_space<hbm>> -> memref<1x120x16xf32, #tpu.memory_space<hbm>>
      %dma_wait3A_64 = tpu.memref_squeeze %dma_wait3A_63 : memref<1x120x16xf32, #tpu.memory_space<hbm>> -> memref<120x16xf32, #tpu.memory_space<hbm>>
      %dma_wait3A_65 = arith.constant 0 : i32
      %dma_wait3A_66 = tpu.memref_slice %arg7[%arg0, %add3A_48, %dma_wait3A_65] : memref<2x10112x16xf32, #tpu.memory_space<hbm>> -> memref<1x120x16xf32, #tpu.memory_space<hbm>>
      %dma_wait3A_67 = tpu.memref_squeeze %dma_wait3A_66 : memref<1x120x16xf32, #tpu.memory_space<hbm>> -> memref<120x16xf32, #tpu.memory_space<hbm>>
      %dma_wait3A_68 = arith.constant 0 : i32
      %dma_wait3A_69 = arith.constant 0 : i32
      %dma_wait3A_70 = tpu.memref_slice %arg11[%dma_wait3A_68, %dma_wait3A_69] : memref<128x16xf32, #tpu.memory_space<vmem>> -> memref<120x16xf32, #tpu.memory_space<vmem>>
      tpu.wait_dma2 semaphore(%run_scoped3A : memref<!tpu.dma_semaphore, #tpu.memory_space<semaphore_mem>>) src(%dma_wait3A_70 : memref<120x16xf32, #tpu.memory_space<vmem>>) dst(%dma_wait3A_67 : memref<120x16xf32, #tpu.memory_space<hbm>>)
      tpu.yield
    }) : () -> ()
    return
  }
}

#map = affine_map<(d0, d1) -> (0, 0)>
#map1 = affine_map<(d0, d1) -> (0, 0, 0)>
module attributes {stable_mosaic.version = 14 : i64} {
  func.func @_sc_agg(%arg0: i32, %arg1: i32, %arg2: memref<10112x128xf32, #tpu.memory_space<hbm>>, %arg3: memref<32x80x128xi32, #tpu.memory_space<hbm>>, %arg4: memref<32x80x128xi32, #tpu.memory_space<hbm>>, %arg5: memref<128x128xf32, #tpu.memory_space<hbm>>, %arg6: memref<2x10112x128xf32, #tpu.memory_space<hbm>>, %arg7: memref<40x128xi32, #tpu.memory_space<vmem>>, %arg8: memref<40x128xi32, #tpu.memory_space<vmem>>, %arg9: memref<128x128xf32, #tpu.memory_space<vmem>>, %arg10: memref<128x128xf32, #tpu.memory_space<vmem>>, %arg11: memref<10112x128xf32, #tpu.memory_space<vmem_shared>>, %arg12: memref<!tpu.dma_semaphore, #tpu.memory_space<semaphore_mem>>, %arg13: memref<!tpu.dma_semaphore, #tpu.memory_space<semaphore_mem>>) attributes {dimension_semantics = [#tpu.dimension_semantics<core_parallel>, #tpu.dimension_semantics<subcore_parallel>], iteration_bounds = array<i64: 2, 16>, scalar_prefetch = 0 : i64, scratch_operands = 7 : i64, tpu.core_type = #tpu.core_type<sc_vector_subcore>, window_params = [{transform_indices = #map}, {transform_indices = #map1}, {transform_indices = #map1}, {transform_indices = #map}, {transform_indices = #map1}]} {
    %mul3A = arith.constant 16 : i32
    %mul3A_0 = arith.muli %arg0, %mul3A : i32
    %add3A = arith.addi %mul3A_0, %arg1 : i32
    "tpu.region"() ({
      %run_scoped3A_92 = tpu.sem_alloc : memref<!tpu.dma_semaphore, #tpu.memory_space<semaphore_mem>>
      tpu.enqueue_dma source(%arg5 : memref<128x128xf32, #tpu.memory_space<hbm>>) target(%arg9 : memref<128x128xf32, #tpu.memory_space<vmem>>) target_semaphore(%run_scoped3A_92 : memref<!tpu.dma_semaphore, #tpu.memory_space<semaphore_mem>>)
      tpu.wait_dma2 semaphore(%run_scoped3A_92 : memref<!tpu.dma_semaphore, #tpu.memory_space<semaphore_mem>>) src(%arg5 : memref<128x128xf32, #tpu.memory_space<hbm>>) dst(%arg9 : memref<128x128xf32, #tpu.memory_space<vmem>>)
      tpu.yield
    }) : () -> ()
    %mul3A_1 = arith.constant 632 : i32
    %mul3A_2 = arith.muli %arg1, %mul3A_1 : i32
    %add3A_3 = arith.constant 0 : i32
    %add3A_4 = arith.addi %mul3A_2, %add3A_3 : i32
    "tpu.region"() ({
      %run_scoped3A_92 = tpu.sem_alloc : memref<!tpu.dma_semaphore, #tpu.memory_space<semaphore_mem>>
      %dma_start3A_93 = arith.constant 0 : i32
      %dma_start3A_94 = arith.constant 0 : i32
      %dma_start3A_95 = tpu.memref_slice %arg9[%dma_start3A_93, %dma_start3A_94] : memref<128x128xf32, #tpu.memory_space<vmem>> -> memref<128x128xf32, #tpu.memory_space<vmem>>
      %dma_start3A_96 = arith.constant 0 : i32
      %dma_start3A_97 = tpu.memref_slice %arg11[%add3A_4, %dma_start3A_96] : memref<10112x128xf32, #tpu.memory_space<vmem_shared>> -> memref<128x128xf32, #tpu.memory_space<vmem_shared>>
      %dma_start3A_98 = arith.constant 0 : i32
      %dma_start3A_99 = tpu.memref_slice %arg11[%add3A_4, %dma_start3A_98] : memref<10112x128xf32, #tpu.memory_space<vmem_shared>> -> memref<128x128xf32, #tpu.memory_space<vmem_shared>>
      %dma_start3A_100 = arith.constant 0 : i32
      %dma_start3A_101 = arith.constant 0 : i32
      %dma_start3A_102 = tpu.memref_slice %arg9[%dma_start3A_100, %dma_start3A_101] : memref<128x128xf32, #tpu.memory_space<vmem>> -> memref<128x128xf32, #tpu.memory_space<vmem>>
      tpu.enqueue_dma source(%dma_start3A_102 : memref<128x128xf32, #tpu.memory_space<vmem>>) target(%dma_start3A_99 : memref<128x128xf32, #tpu.memory_space<vmem_shared>>) target_semaphore(%run_scoped3A_92 : memref<!tpu.dma_semaphore, #tpu.memory_space<semaphore_mem>>)
      %dma_wait3A_103 = arith.constant 0 : i32
      %dma_wait3A_104 = arith.constant 0 : i32
      %dma_wait3A_105 = tpu.memref_slice %arg9[%dma_wait3A_103, %dma_wait3A_104] : memref<128x128xf32, #tpu.memory_space<vmem>> -> memref<128x128xf32, #tpu.memory_space<vmem>>
      %dma_wait3A_106 = arith.constant 0 : i32
      %dma_wait3A_107 = tpu.memref_slice %arg11[%add3A_4, %dma_wait3A_106] : memref<10112x128xf32, #tpu.memory_space<vmem_shared>> -> memref<128x128xf32, #tpu.memory_space<vmem_shared>>
      %dma_wait3A_108 = arith.constant 0 : i32
      %dma_wait3A_109 = tpu.memref_slice %arg11[%add3A_4, %dma_wait3A_108] : memref<10112x128xf32, #tpu.memory_space<vmem_shared>> -> memref<128x128xf32, #tpu.memory_space<vmem_shared>>
      %dma_wait3A_110 = arith.constant 0 : i32
      %dma_wait3A_111 = arith.constant 0 : i32
      %dma_wait3A_112 = tpu.memref_slice %arg9[%dma_wait3A_110, %dma_wait3A_111] : memref<128x128xf32, #tpu.memory_space<vmem>> -> memref<128x128xf32, #tpu.memory_space<vmem>>
      tpu.wait_dma2 semaphore(%run_scoped3A_92 : memref<!tpu.dma_semaphore, #tpu.memory_space<semaphore_mem>>) src(%dma_wait3A_112 : memref<128x128xf32, #tpu.memory_space<vmem>>) dst(%dma_wait3A_109 : memref<128x128xf32, #tpu.memory_space<vmem_shared>>)
      tpu.yield
    }) : () -> ()
    %add3A_5 = arith.constant 128 : i32
    %add3A_6 = arith.addi %mul3A_2, %add3A_5 : i32
    "tpu.region"() ({
      %run_scoped3A_92 = tpu.sem_alloc : memref<!tpu.dma_semaphore, #tpu.memory_space<semaphore_mem>>
      %dma_start3A_93 = arith.constant 0 : i32
      %dma_start3A_94 = arith.constant 0 : i32
      %dma_start3A_95 = tpu.memref_slice %arg9[%dma_start3A_93, %dma_start3A_94] : memref<128x128xf32, #tpu.memory_space<vmem>> -> memref<128x128xf32, #tpu.memory_space<vmem>>
      %dma_start3A_96 = arith.constant 0 : i32
      %dma_start3A_97 = tpu.memref_slice %arg11[%add3A_6, %dma_start3A_96] : memref<10112x128xf32, #tpu.memory_space<vmem_shared>> -> memref<128x128xf32, #tpu.memory_space<vmem_shared>>
      %dma_start3A_98 = arith.constant 0 : i32
      %dma_start3A_99 = tpu.memref_slice %arg11[%add3A_6, %dma_start3A_98] : memref<10112x128xf32, #tpu.memory_space<vmem_shared>> -> memref<128x128xf32, #tpu.memory_space<vmem_shared>>
      %dma_start3A_100 = arith.constant 0 : i32
      %dma_start3A_101 = arith.constant 0 : i32
      %dma_start3A_102 = tpu.memref_slice %arg9[%dma_start3A_100, %dma_start3A_101] : memref<128x128xf32, #tpu.memory_space<vmem>> -> memref<128x128xf32, #tpu.memory_space<vmem>>
      tpu.enqueue_dma source(%dma_start3A_102 : memref<128x128xf32, #tpu.memory_space<vmem>>) target(%dma_start3A_99 : memref<128x128xf32, #tpu.memory_space<vmem_shared>>) target_semaphore(%run_scoped3A_92 : memref<!tpu.dma_semaphore, #tpu.memory_space<semaphore_mem>>)
      %dma_wait3A_103 = arith.constant 0 : i32
      %dma_wait3A_104 = arith.constant 0 : i32
      %dma_wait3A_105 = tpu.memref_slice %arg9[%dma_wait3A_103, %dma_wait3A_104] : memref<128x128xf32, #tpu.memory_space<vmem>> -> memref<128x128xf32, #tpu.memory_space<vmem>>
      %dma_wait3A_106 = arith.constant 0 : i32
      %dma_wait3A_107 = tpu.memref_slice %arg11[%add3A_6, %dma_wait3A_106] : memref<10112x128xf32, #tpu.memory_space<vmem_shared>> -> memref<128x128xf32, #tpu.memory_space<vmem_shared>>
      %dma_wait3A_108 = arith.constant 0 : i32
      %dma_wait3A_109 = tpu.memref_slice %arg11[%add3A_6, %dma_wait3A_108] : memref<10112x128xf32, #tpu.memory_space<vmem_shared>> -> memref<128x128xf32, #tpu.memory_space<vmem_shared>>
      %dma_wait3A_110 = arith.constant 0 : i32
      %dma_wait3A_111 = arith.constant 0 : i32
      %dma_wait3A_112 = tpu.memref_slice %arg9[%dma_wait3A_110, %dma_wait3A_111] : memref<128x128xf32, #tpu.memory_space<vmem>> -> memref<128x128xf32, #tpu.memory_space<vmem>>
      tpu.wait_dma2 semaphore(%run_scoped3A_92 : memref<!tpu.dma_semaphore, #tpu.memory_space<semaphore_mem>>) src(%dma_wait3A_112 : memref<128x128xf32, #tpu.memory_space<vmem>>) dst(%dma_wait3A_109 : memref<128x128xf32, #tpu.memory_space<vmem_shared>>)
      tpu.yield
    }) : () -> ()
    %add3A_7 = arith.constant 256 : i32
    %add3A_8 = arith.addi %mul3A_2, %add3A_7 : i32
    "tpu.region"() ({
      %run_scoped3A_92 = tpu.sem_alloc : memref<!tpu.dma_semaphore, #tpu.memory_space<semaphore_mem>>
      %dma_start3A_93 = arith.constant 0 : i32
      %dma_start3A_94 = arith.constant 0 : i32
      %dma_start3A_95 = tpu.memref_slice %arg9[%dma_start3A_93, %dma_start3A_94] : memref<128x128xf32, #tpu.memory_space<vmem>> -> memref<128x128xf32, #tpu.memory_space<vmem>>
      %dma_start3A_96 = arith.constant 0 : i32
      %dma_start3A_97 = tpu.memref_slice %arg11[%add3A_8, %dma_start3A_96] : memref<10112x128xf32, #tpu.memory_space<vmem_shared>> -> memref<128x128xf32, #tpu.memory_space<vmem_shared>>
      %dma_start3A_98 = arith.constant 0 : i32
      %dma_start3A_99 = tpu.memref_slice %arg11[%add3A_8, %dma_start3A_98] : memref<10112x128xf32, #tpu.memory_space<vmem_shared>> -> memref<128x128xf32, #tpu.memory_space<vmem_shared>>
      %dma_start3A_100 = arith.constant 0 : i32
      %dma_start3A_101 = arith.constant 0 : i32
      %dma_start3A_102 = tpu.memref_slice %arg9[%dma_start3A_100, %dma_start3A_101] : memref<128x128xf32, #tpu.memory_space<vmem>> -> memref<128x128xf32, #tpu.memory_space<vmem>>
      tpu.enqueue_dma source(%dma_start3A_102 : memref<128x128xf32, #tpu.memory_space<vmem>>) target(%dma_start3A_99 : memref<128x128xf32, #tpu.memory_space<vmem_shared>>) target_semaphore(%run_scoped3A_92 : memref<!tpu.dma_semaphore, #tpu.memory_space<semaphore_mem>>)
      %dma_wait3A_103 = arith.constant 0 : i32
      %dma_wait3A_104 = arith.constant 0 : i32
      %dma_wait3A_105 = tpu.memref_slice %arg9[%dma_wait3A_103, %dma_wait3A_104] : memref<128x128xf32, #tpu.memory_space<vmem>> -> memref<128x128xf32, #tpu.memory_space<vmem>>
      %dma_wait3A_106 = arith.constant 0 : i32
      %dma_wait3A_107 = tpu.memref_slice %arg11[%add3A_8, %dma_wait3A_106] : memref<10112x128xf32, #tpu.memory_space<vmem_shared>> -> memref<128x128xf32, #tpu.memory_space<vmem_shared>>
      %dma_wait3A_108 = arith.constant 0 : i32
      %dma_wait3A_109 = tpu.memref_slice %arg11[%add3A_8, %dma_wait3A_108] : memref<10112x128xf32, #tpu.memory_space<vmem_shared>> -> memref<128x128xf32, #tpu.memory_space<vmem_shared>>
      %dma_wait3A_110 = arith.constant 0 : i32
      %dma_wait3A_111 = arith.constant 0 : i32
      %dma_wait3A_112 = tpu.memref_slice %arg9[%dma_wait3A_110, %dma_wait3A_111] : memref<128x128xf32, #tpu.memory_space<vmem>> -> memref<128x128xf32, #tpu.memory_space<vmem>>
      tpu.wait_dma2 semaphore(%run_scoped3A_92 : memref<!tpu.dma_semaphore, #tpu.memory_space<semaphore_mem>>) src(%dma_wait3A_112 : memref<128x128xf32, #tpu.memory_space<vmem>>) dst(%dma_wait3A_109 : memref<128x128xf32, #tpu.memory_space<vmem_shared>>)
      tpu.yield
    }) : () -> ()
    %add3A_9 = arith.constant 384 : i32
    %add3A_10 = arith.addi %mul3A_2, %add3A_9 : i32
    "tpu.region"() ({
      %run_scoped3A_92 = tpu.sem_alloc : memref<!tpu.dma_semaphore, #tpu.memory_space<semaphore_mem>>
      %dma_start3A_93 = arith.constant 0 : i32
      %dma_start3A_94 = arith.constant 0 : i32
      %dma_start3A_95 = tpu.memref_slice %arg9[%dma_start3A_93, %dma_start3A_94] : memref<128x128xf32, #tpu.memory_space<vmem>> -> memref<128x128xf32, #tpu.memory_space<vmem>>
      %dma_start3A_96 = arith.constant 0 : i32
      %dma_start3A_97 = tpu.memref_slice %arg11[%add3A_10, %dma_start3A_96] : memref<10112x128xf32, #tpu.memory_space<vmem_shared>> -> memref<128x128xf32, #tpu.memory_space<vmem_shared>>
      %dma_start3A_98 = arith.constant 0 : i32
      %dma_start3A_99 = tpu.memref_slice %arg11[%add3A_10, %dma_start3A_98] : memref<10112x128xf32, #tpu.memory_space<vmem_shared>> -> memref<128x128xf32, #tpu.memory_space<vmem_shared>>
      %dma_start3A_100 = arith.constant 0 : i32
      %dma_start3A_101 = arith.constant 0 : i32
      %dma_start3A_102 = tpu.memref_slice %arg9[%dma_start3A_100, %dma_start3A_101] : memref<128x128xf32, #tpu.memory_space<vmem>> -> memref<128x128xf32, #tpu.memory_space<vmem>>
      tpu.enqueue_dma source(%dma_start3A_102 : memref<128x128xf32, #tpu.memory_space<vmem>>) target(%dma_start3A_99 : memref<128x128xf32, #tpu.memory_space<vmem_shared>>) target_semaphore(%run_scoped3A_92 : memref<!tpu.dma_semaphore, #tpu.memory_space<semaphore_mem>>)
      %dma_wait3A_103 = arith.constant 0 : i32
      %dma_wait3A_104 = arith.constant 0 : i32
      %dma_wait3A_105 = tpu.memref_slice %arg9[%dma_wait3A_103, %dma_wait3A_104] : memref<128x128xf32, #tpu.memory_space<vmem>> -> memref<128x128xf32, #tpu.memory_space<vmem>>
      %dma_wait3A_106 = arith.constant 0 : i32
      %dma_wait3A_107 = tpu.memref_slice %arg11[%add3A_10, %dma_wait3A_106] : memref<10112x128xf32, #tpu.memory_space<vmem_shared>> -> memref<128x128xf32, #tpu.memory_space<vmem_shared>>
      %dma_wait3A_108 = arith.constant 0 : i32
      %dma_wait3A_109 = tpu.memref_slice %arg11[%add3A_10, %dma_wait3A_108] : memref<10112x128xf32, #tpu.memory_space<vmem_shared>> -> memref<128x128xf32, #tpu.memory_space<vmem_shared>>
      %dma_wait3A_110 = arith.constant 0 : i32
      %dma_wait3A_111 = arith.constant 0 : i32
      %dma_wait3A_112 = tpu.memref_slice %arg9[%dma_wait3A_110, %dma_wait3A_111] : memref<128x128xf32, #tpu.memory_space<vmem>> -> memref<128x128xf32, #tpu.memory_space<vmem>>
      tpu.wait_dma2 semaphore(%run_scoped3A_92 : memref<!tpu.dma_semaphore, #tpu.memory_space<semaphore_mem>>) src(%dma_wait3A_112 : memref<128x128xf32, #tpu.memory_space<vmem>>) dst(%dma_wait3A_109 : memref<128x128xf32, #tpu.memory_space<vmem_shared>>)
      tpu.yield
    }) : () -> ()
    %add3A_11 = arith.constant 512 : i32
    %add3A_12 = arith.addi %mul3A_2, %add3A_11 : i32
    "tpu.region"() ({
      %run_scoped3A_92 = tpu.sem_alloc : memref<!tpu.dma_semaphore, #tpu.memory_space<semaphore_mem>>
      %dma_start3A_93 = arith.constant 0 : i32
      %dma_start3A_94 = arith.constant 0 : i32
      %dma_start3A_95 = tpu.memref_slice %arg9[%dma_start3A_93, %dma_start3A_94] : memref<128x128xf32, #tpu.memory_space<vmem>> -> memref<120x128xf32, #tpu.memory_space<vmem>>
      %dma_start3A_96 = arith.constant 0 : i32
      %dma_start3A_97 = tpu.memref_slice %arg11[%add3A_12, %dma_start3A_96] : memref<10112x128xf32, #tpu.memory_space<vmem_shared>> -> memref<120x128xf32, #tpu.memory_space<vmem_shared>>
      %dma_start3A_98 = arith.constant 0 : i32
      %dma_start3A_99 = tpu.memref_slice %arg11[%add3A_12, %dma_start3A_98] : memref<10112x128xf32, #tpu.memory_space<vmem_shared>> -> memref<120x128xf32, #tpu.memory_space<vmem_shared>>
      %dma_start3A_100 = arith.constant 0 : i32
      %dma_start3A_101 = arith.constant 0 : i32
      %dma_start3A_102 = tpu.memref_slice %arg9[%dma_start3A_100, %dma_start3A_101] : memref<128x128xf32, #tpu.memory_space<vmem>> -> memref<120x128xf32, #tpu.memory_space<vmem>>
      tpu.enqueue_dma source(%dma_start3A_102 : memref<120x128xf32, #tpu.memory_space<vmem>>) target(%dma_start3A_99 : memref<120x128xf32, #tpu.memory_space<vmem_shared>>) target_semaphore(%run_scoped3A_92 : memref<!tpu.dma_semaphore, #tpu.memory_space<semaphore_mem>>)
      %dma_wait3A_103 = arith.constant 0 : i32
      %dma_wait3A_104 = arith.constant 0 : i32
      %dma_wait3A_105 = tpu.memref_slice %arg9[%dma_wait3A_103, %dma_wait3A_104] : memref<128x128xf32, #tpu.memory_space<vmem>> -> memref<120x128xf32, #tpu.memory_space<vmem>>
      %dma_wait3A_106 = arith.constant 0 : i32
      %dma_wait3A_107 = tpu.memref_slice %arg11[%add3A_12, %dma_wait3A_106] : memref<10112x128xf32, #tpu.memory_space<vmem_shared>> -> memref<120x128xf32, #tpu.memory_space<vmem_shared>>
      %dma_wait3A_108 = arith.constant 0 : i32
      %dma_wait3A_109 = tpu.memref_slice %arg11[%add3A_12, %dma_wait3A_108] : memref<10112x128xf32, #tpu.memory_space<vmem_shared>> -> memref<120x128xf32, #tpu.memory_space<vmem_shared>>
      %dma_wait3A_110 = arith.constant 0 : i32
      %dma_wait3A_111 = arith.constant 0 : i32
      %dma_wait3A_112 = tpu.memref_slice %arg9[%dma_wait3A_110, %dma_wait3A_111] : memref<128x128xf32, #tpu.memory_space<vmem>> -> memref<120x128xf32, #tpu.memory_space<vmem>>
      tpu.wait_dma2 semaphore(%run_scoped3A_92 : memref<!tpu.dma_semaphore, #tpu.memory_space<semaphore_mem>>) src(%dma_wait3A_112 : memref<120x128xf32, #tpu.memory_space<vmem>>) dst(%dma_wait3A_109 : memref<120x128xf32, #tpu.memory_space<vmem_shared>>)
      tpu.yield
    }) : () -> ()
    %barrier3A = arith.constant 0 : index
    tpu.barrier barrier_id(%barrier3A)
    "tpu.region"() ({
      %run_scoped3A_92 = tpu.sem_alloc : memref<!tpu.dma_semaphore, #tpu.memory_space<semaphore_mem>>
      %dma_start3A_93 = arith.constant 0 : i32
      %dma_start3A_94 = arith.constant 0 : i32
      %dma_start3A_95 = tpu.memref_slice %arg3[%add3A, %dma_start3A_93, %dma_start3A_94] : memref<32x80x128xi32, #tpu.memory_space<hbm>> -> memref<1x40x128xi32, #tpu.memory_space<hbm>>
      %dma_start3A_96 = tpu.memref_squeeze %dma_start3A_95 : memref<1x40x128xi32, #tpu.memory_space<hbm>> -> memref<40x128xi32, #tpu.memory_space<hbm>>
      %dma_start3A_97 = arith.constant 0 : i32
      %dma_start3A_98 = arith.constant 0 : i32
      %dma_start3A_99 = tpu.memref_slice %arg3[%add3A, %dma_start3A_97, %dma_start3A_98] : memref<32x80x128xi32, #tpu.memory_space<hbm>> -> memref<1x40x128xi32, #tpu.memory_space<hbm>>
      %dma_start3A_100 = tpu.memref_squeeze %dma_start3A_99 : memref<1x40x128xi32, #tpu.memory_space<hbm>> -> memref<40x128xi32, #tpu.memory_space<hbm>>
      tpu.enqueue_dma source(%dma_start3A_100 : memref<40x128xi32, #tpu.memory_space<hbm>>) target(%arg7 : memref<40x128xi32, #tpu.memory_space<vmem>>) target_semaphore(%run_scoped3A_92 : memref<!tpu.dma_semaphore, #tpu.memory_space<semaphore_mem>>)
      %dma_wait3A_101 = arith.constant 0 : i32
      %dma_wait3A_102 = arith.constant 0 : i32
      %dma_wait3A_103 = tpu.memref_slice %arg3[%add3A, %dma_wait3A_101, %dma_wait3A_102] : memref<32x80x128xi32, #tpu.memory_space<hbm>> -> memref<1x40x128xi32, #tpu.memory_space<hbm>>
      %dma_wait3A_104 = tpu.memref_squeeze %dma_wait3A_103 : memref<1x40x128xi32, #tpu.memory_space<hbm>> -> memref<40x128xi32, #tpu.memory_space<hbm>>
      %dma_wait3A_105 = arith.constant 0 : i32
      %dma_wait3A_106 = arith.constant 0 : i32
      %dma_wait3A_107 = tpu.memref_slice %arg3[%add3A, %dma_wait3A_105, %dma_wait3A_106] : memref<32x80x128xi32, #tpu.memory_space<hbm>> -> memref<1x40x128xi32, #tpu.memory_space<hbm>>
      %dma_wait3A_108 = tpu.memref_squeeze %dma_wait3A_107 : memref<1x40x128xi32, #tpu.memory_space<hbm>> -> memref<40x128xi32, #tpu.memory_space<hbm>>
      tpu.wait_dma2 semaphore(%run_scoped3A_92 : memref<!tpu.dma_semaphore, #tpu.memory_space<semaphore_mem>>) src(%dma_wait3A_108 : memref<40x128xi32, #tpu.memory_space<hbm>>) dst(%arg7 : memref<40x128xi32, #tpu.memory_space<vmem>>)
      tpu.yield
    }) : () -> ()
    "tpu.region"() ({
      %run_scoped3A_92 = tpu.sem_alloc : memref<!tpu.dma_semaphore, #tpu.memory_space<semaphore_mem>>
      %dma_start3A_93 = arith.constant 0 : i32
      %dma_start3A_94 = arith.constant 0 : i32
      %dma_start3A_95 = tpu.memref_slice %arg4[%add3A, %dma_start3A_93, %dma_start3A_94] : memref<32x80x128xi32, #tpu.memory_space<hbm>> -> memref<1x40x128xi32, #tpu.memory_space<hbm>>
      %dma_start3A_96 = tpu.memref_squeeze %dma_start3A_95 : memref<1x40x128xi32, #tpu.memory_space<hbm>> -> memref<40x128xi32, #tpu.memory_space<hbm>>
      %dma_start3A_97 = arith.constant 0 : i32
      %dma_start3A_98 = arith.constant 0 : i32
      %dma_start3A_99 = tpu.memref_slice %arg4[%add3A, %dma_start3A_97, %dma_start3A_98] : memref<32x80x128xi32, #tpu.memory_space<hbm>> -> memref<1x40x128xi32, #tpu.memory_space<hbm>>
      %dma_start3A_100 = tpu.memref_squeeze %dma_start3A_99 : memref<1x40x128xi32, #tpu.memory_space<hbm>> -> memref<40x128xi32, #tpu.memory_space<hbm>>
      tpu.enqueue_dma source(%dma_start3A_100 : memref<40x128xi32, #tpu.memory_space<hbm>>) target(%arg8 : memref<40x128xi32, #tpu.memory_space<vmem>>) target_semaphore(%run_scoped3A_92 : memref<!tpu.dma_semaphore, #tpu.memory_space<semaphore_mem>>)
      %dma_wait3A_101 = arith.constant 0 : i32
      %dma_wait3A_102 = arith.constant 0 : i32
      %dma_wait3A_103 = tpu.memref_slice %arg4[%add3A, %dma_wait3A_101, %dma_wait3A_102] : memref<32x80x128xi32, #tpu.memory_space<hbm>> -> memref<1x40x128xi32, #tpu.memory_space<hbm>>
      %dma_wait3A_104 = tpu.memref_squeeze %dma_wait3A_103 : memref<1x40x128xi32, #tpu.memory_space<hbm>> -> memref<40x128xi32, #tpu.memory_space<hbm>>
      %dma_wait3A_105 = arith.constant 0 : i32
      %dma_wait3A_106 = arith.constant 0 : i32
      %dma_wait3A_107 = tpu.memref_slice %arg4[%add3A, %dma_wait3A_105, %dma_wait3A_106] : memref<32x80x128xi32, #tpu.memory_space<hbm>> -> memref<1x40x128xi32, #tpu.memory_space<hbm>>
      %dma_wait3A_108 = tpu.memref_squeeze %dma_wait3A_107 : memref<1x40x128xi32, #tpu.memory_space<hbm>> -> memref<40x128xi32, #tpu.memory_space<hbm>>
      tpu.wait_dma2 semaphore(%run_scoped3A_92 : memref<!tpu.dma_semaphore, #tpu.memory_space<semaphore_mem>>) src(%dma_wait3A_108 : memref<40x128xi32, #tpu.memory_space<hbm>>) dst(%arg8 : memref<40x128xi32, #tpu.memory_space<vmem>>)
      tpu.yield
    }) : () -> ()
    %dma_start3A = arith.constant 0 : i32
    %dma_start3A_13 = arith.constant 0 : i32
    %dma_start3A_14 = tpu.memref_slice %arg7[%dma_start3A, %dma_start3A_13] : memref<40x128xi32, #tpu.memory_space<vmem>> -> memref<1x128xi32, #tpu.memory_space<vmem>>
    %dma_start3A_15 = tpu.memref_squeeze %dma_start3A_14 : memref<1x128xi32, #tpu.memory_space<vmem>> -> memref<128xi32, #tpu.memory_space<vmem>>
    %dma_start3A_16 = arith.constant 0 : i32
    %dma_start3A_17 = arith.constant 0 : i32
    %dma_start3A_18 = tpu.memref_slice %arg2[%dma_start3A_16, %dma_start3A_17] : memref<10112x128xf32, #tpu.memory_space<hbm>> -> memref<10112x128xf32, #tpu.memory_space<hbm>>
    tpu.enqueue_indirect_dma source(%dma_start3A_18 : memref<10112x128xf32, #tpu.memory_space<hbm>>) target(%arg9 : memref<128x128xf32, #tpu.memory_space<vmem>>) offsets(%dma_start3A_15 : memref<128xi32, #tpu.memory_space<vmem>>) semaphore(%arg12 : memref<!tpu.dma_semaphore, #tpu.memory_space<semaphore_mem>>)
    %dma_start3A_19 = arith.constant 1 : i32
    %dma_start3A_20 = arith.constant 0 : i32
    %dma_start3A_21 = tpu.memref_slice %arg7[%dma_start3A_19, %dma_start3A_20] : memref<40x128xi32, #tpu.memory_space<vmem>> -> memref<1x128xi32, #tpu.memory_space<vmem>>
    %dma_start3A_22 = tpu.memref_squeeze %dma_start3A_21 : memref<1x128xi32, #tpu.memory_space<vmem>> -> memref<128xi32, #tpu.memory_space<vmem>>
    %dma_start3A_23 = arith.constant 0 : i32
    %dma_start3A_24 = arith.constant 0 : i32
    %dma_start3A_25 = tpu.memref_slice %arg2[%dma_start3A_23, %dma_start3A_24] : memref<10112x128xf32, #tpu.memory_space<hbm>> -> memref<10112x128xf32, #tpu.memory_space<hbm>>
    tpu.enqueue_indirect_dma source(%dma_start3A_25 : memref<10112x128xf32, #tpu.memory_space<hbm>>) target(%arg10 : memref<128x128xf32, #tpu.memory_space<vmem>>) offsets(%dma_start3A_22 : memref<128xi32, #tpu.memory_space<vmem>>) semaphore(%arg13 : memref<!tpu.dma_semaphore, #tpu.memory_space<semaphore_mem>>)
    %scan3A = arith.constant 0 : i32
    %scan3A_26 = arith.constant 0 : i32
    %scan3A_27 = arith.constant 19 : i32
    %scan3A_28 = arith.addi %scan3A_26, %scan3A_27 : i32
    %scan3A_29 = arith.constant 1 : i32
    scf.for %scan3A_92 = %scan3A_26 to %scan3A_28 step %scan3A_29  : i32 {
      %mul3A_93 = arith.constant 2 : i32
      %mul3A_94 = arith.muli %scan3A_92, %mul3A_93 : i32
      %add3A_95 = arith.constant 0 : i32
      %add3A_96 = arith.addi %mul3A_94, %add3A_95 : i32
      %dma_wait3A_97 = arith.constant 0 : i32
      %dma_wait3A_98 = tpu.memref_slice %arg7[%add3A_96, %dma_wait3A_97] : memref<40x128xi32, #tpu.memory_space<vmem>> -> memref<1x128xi32, #tpu.memory_space<vmem>>
      %dma_wait3A_99 = tpu.memref_squeeze %dma_wait3A_98 : memref<1x128xi32, #tpu.memory_space<vmem>> -> memref<128xi32, #tpu.memory_space<vmem>>
      %dma_wait3A_100 = arith.constant 0 : i32
      %dma_wait3A_101 = arith.constant 0 : i32
      %dma_wait3A_102 = tpu.memref_slice %arg2[%dma_wait3A_100, %dma_wait3A_101] : memref<10112x128xf32, #tpu.memory_space<hbm>> -> memref<10112x128xf32, #tpu.memory_space<hbm>>
      tpu.wait_indirect_dma semaphore(%arg12 : memref<!tpu.dma_semaphore, #tpu.memory_space<semaphore_mem>>) src(%dma_wait3A_102 : memref<10112x128xf32, #tpu.memory_space<hbm>>) dst(%arg9 : memref<128x128xf32, #tpu.memory_space<vmem>>)
      "tpu.region"() ({
        %run_scoped3A_127 = tpu.sem_alloc : memref<!tpu.dma_semaphore, #tpu.memory_space<semaphore_mem>>
        %dma_start3A_128 = arith.constant 0 : i32
        %dma_start3A_129 = tpu.memref_slice %arg8[%add3A_96, %dma_start3A_128] : memref<40x128xi32, #tpu.memory_space<vmem>> -> memref<1x128xi32, #tpu.memory_space<vmem>>
        %dma_start3A_130 = tpu.memref_squeeze %dma_start3A_129 : memref<1x128xi32, #tpu.memory_space<vmem>> -> memref<128xi32, #tpu.memory_space<vmem>>
        %dma_start3A_131 = arith.constant 0 : i32
        %dma_start3A_132 = arith.constant 0 : i32
        %dma_start3A_133 = tpu.memref_slice %arg11[%dma_start3A_131, %dma_start3A_132] : memref<10112x128xf32, #tpu.memory_space<vmem_shared>> -> memref<10112x128xf32, #tpu.memory_space<vmem_shared>>
        tpu.enqueue_indirect_dma source(%arg9 : memref<128x128xf32, #tpu.memory_space<vmem>>) target(%dma_start3A_133 : memref<10112x128xf32, #tpu.memory_space<vmem_shared>>) offsets(%dma_start3A_130 : memref<128xi32, #tpu.memory_space<vmem>>) semaphore(%run_scoped3A_127 : memref<!tpu.dma_semaphore, #tpu.memory_space<semaphore_mem>>) {add = true}
        %dma_wait3A_134 = arith.constant 0 : i32
        %dma_wait3A_135 = tpu.memref_slice %arg8[%add3A_96, %dma_wait3A_134] : memref<40x128xi32, #tpu.memory_space<vmem>> -> memref<1x128xi32, #tpu.memory_space<vmem>>
        %dma_wait3A_136 = tpu.memref_squeeze %dma_wait3A_135 : memref<1x128xi32, #tpu.memory_space<vmem>> -> memref<128xi32, #tpu.memory_space<vmem>>
        %dma_wait3A_137 = arith.constant 0 : i32
        %dma_wait3A_138 = arith.constant 0 : i32
        %dma_wait3A_139 = tpu.memref_slice %arg11[%dma_wait3A_137, %dma_wait3A_138] : memref<10112x128xf32, #tpu.memory_space<vmem_shared>> -> memref<10112x128xf32, #tpu.memory_space<vmem_shared>>
        tpu.wait_indirect_dma semaphore(%run_scoped3A_127 : memref<!tpu.dma_semaphore, #tpu.memory_space<semaphore_mem>>) src(%arg9 : memref<128x128xf32, #tpu.memory_space<vmem>>) dst(%dma_wait3A_139 : memref<10112x128xf32, #tpu.memory_space<vmem_shared>>)
        tpu.yield
      }) : () -> ()
      %add3A_103 = arith.constant 2 : i32
      %add3A_104 = arith.addi %add3A_96, %add3A_103 : i32
      %dma_start3A_105 = arith.constant 0 : i32
      %dma_start3A_106 = tpu.memref_slice %arg7[%add3A_104, %dma_start3A_105] : memref<40x128xi32, #tpu.memory_space<vmem>> -> memref<1x128xi32, #tpu.memory_space<vmem>>
      %dma_start3A_107 = tpu.memref_squeeze %dma_start3A_106 : memref<1x128xi32, #tpu.memory_space<vmem>> -> memref<128xi32, #tpu.memory_space<vmem>>
      %dma_start3A_108 = arith.constant 0 : i32
      %dma_start3A_109 = arith.constant 0 : i32
      %dma_start3A_110 = tpu.memref_slice %arg2[%dma_start3A_108, %dma_start3A_109] : memref<10112x128xf32, #tpu.memory_space<hbm>> -> memref<10112x128xf32, #tpu.memory_space<hbm>>
      tpu.enqueue_indirect_dma source(%dma_start3A_110 : memref<10112x128xf32, #tpu.memory_space<hbm>>) target(%arg9 : memref<128x128xf32, #tpu.memory_space<vmem>>) offsets(%dma_start3A_107 : memref<128xi32, #tpu.memory_space<vmem>>) semaphore(%arg12 : memref<!tpu.dma_semaphore, #tpu.memory_space<semaphore_mem>>)
      %add3A_111 = arith.constant 1 : i32
      %add3A_112 = arith.addi %mul3A_94, %add3A_111 : i32
      %dma_wait3A_113 = arith.constant 0 : i32
      %dma_wait3A_114 = tpu.memref_slice %arg7[%add3A_112, %dma_wait3A_113] : memref<40x128xi32, #tpu.memory_space<vmem>> -> memref<1x128xi32, #tpu.memory_space<vmem>>
      %dma_wait3A_115 = tpu.memref_squeeze %dma_wait3A_114 : memref<1x128xi32, #tpu.memory_space<vmem>> -> memref<128xi32, #tpu.memory_space<vmem>>
      %dma_wait3A_116 = arith.constant 0 : i32
      %dma_wait3A_117 = arith.constant 0 : i32
      %dma_wait3A_118 = tpu.memref_slice %arg2[%dma_wait3A_116, %dma_wait3A_117] : memref<10112x128xf32, #tpu.memory_space<hbm>> -> memref<10112x128xf32, #tpu.memory_space<hbm>>
      tpu.wait_indirect_dma semaphore(%arg13 : memref<!tpu.dma_semaphore, #tpu.memory_space<semaphore_mem>>) src(%dma_wait3A_118 : memref<10112x128xf32, #tpu.memory_space<hbm>>) dst(%arg10 : memref<128x128xf32, #tpu.memory_space<vmem>>)
      "tpu.region"() ({
        %run_scoped3A_127 = tpu.sem_alloc : memref<!tpu.dma_semaphore, #tpu.memory_space<semaphore_mem>>
        %dma_start3A_128 = arith.constant 0 : i32
        %dma_start3A_129 = tpu.memref_slice %arg8[%add3A_112, %dma_start3A_128] : memref<40x128xi32, #tpu.memory_space<vmem>> -> memref<1x128xi32, #tpu.memory_space<vmem>>
        %dma_start3A_130 = tpu.memref_squeeze %dma_start3A_129 : memref<1x128xi32, #tpu.memory_space<vmem>> -> memref<128xi32, #tpu.memory_space<vmem>>
        %dma_start3A_131 = arith.constant 0 : i32
        %dma_start3A_132 = arith.constant 0 : i32
        %dma_start3A_133 = tpu.memref_slice %arg11[%dma_start3A_131, %dma_start3A_132] : memref<10112x128xf32, #tpu.memory_space<vmem_shared>> -> memref<10112x128xf32, #tpu.memory_space<vmem_shared>>
        tpu.enqueue_indirect_dma source(%arg10 : memref<128x128xf32, #tpu.memory_space<vmem>>) target(%dma_start3A_133 : memref<10112x128xf32, #tpu.memory_space<vmem_shared>>) offsets(%dma_start3A_130 : memref<128xi32, #tpu.memory_space<vmem>>) semaphore(%run_scoped3A_127 : memref<!tpu.dma_semaphore, #tpu.memory_space<semaphore_mem>>) {add = true}
        %dma_wait3A_134 = arith.constant 0 : i32
        %dma_wait3A_135 = tpu.memref_slice %arg8[%add3A_112, %dma_wait3A_134] : memref<40x128xi32, #tpu.memory_space<vmem>> -> memref<1x128xi32, #tpu.memory_space<vmem>>
        %dma_wait3A_136 = tpu.memref_squeeze %dma_wait3A_135 : memref<1x128xi32, #tpu.memory_space<vmem>> -> memref<128xi32, #tpu.memory_space<vmem>>
        %dma_wait3A_137 = arith.constant 0 : i32
        %dma_wait3A_138 = arith.constant 0 : i32
        %dma_wait3A_139 = tpu.memref_slice %arg11[%dma_wait3A_137, %dma_wait3A_138] : memref<10112x128xf32, #tpu.memory_space<vmem_shared>> -> memref<10112x128xf32, #tpu.memory_space<vmem_shared>>
        tpu.wait_indirect_dma semaphore(%run_scoped3A_127 : memref<!tpu.dma_semaphore, #tpu.memory_space<semaphore_mem>>) src(%arg10 : memref<128x128xf32, #tpu.memory_space<vmem>>) dst(%dma_wait3A_139 : memref<10112x128xf32, #tpu.memory_space<vmem_shared>>)
        tpu.yield
      }) : () -> ()
      %add3A_119 = arith.constant 2 : i32
      %add3A_120 = arith.addi %add3A_112, %add3A_119 : i32
      %dma_start3A_121 = arith.constant 0 : i32
      %dma_start3A_122 = tpu.memref_slice %arg7[%add3A_120, %dma_start3A_121] : memref<40x128xi32, #tpu.memory_space<vmem>> -> memref<1x128xi32, #tpu.memory_space<vmem>>
      %dma_start3A_123 = tpu.memref_squeeze %dma_start3A_122 : memref<1x128xi32, #tpu.memory_space<vmem>> -> memref<128xi32, #tpu.memory_space<vmem>>
      %dma_start3A_124 = arith.constant 0 : i32
      %dma_start3A_125 = arith.constant 0 : i32
      %dma_start3A_126 = tpu.memref_slice %arg2[%dma_start3A_124, %dma_start3A_125] : memref<10112x128xf32, #tpu.memory_space<hbm>> -> memref<10112x128xf32, #tpu.memory_space<hbm>>
      tpu.enqueue_indirect_dma source(%dma_start3A_126 : memref<10112x128xf32, #tpu.memory_space<hbm>>) target(%arg10 : memref<128x128xf32, #tpu.memory_space<vmem>>) offsets(%dma_start3A_123 : memref<128xi32, #tpu.memory_space<vmem>>) semaphore(%arg13 : memref<!tpu.dma_semaphore, #tpu.memory_space<semaphore_mem>>)
    }
    %scan3A_30 = arith.constant 19 : i32
    %dma_wait3A = arith.constant 38 : i32
    %dma_wait3A_31 = arith.constant 0 : i32
    %dma_wait3A_32 = tpu.memref_slice %arg7[%dma_wait3A, %dma_wait3A_31] : memref<40x128xi32, #tpu.memory_space<vmem>> -> memref<1x128xi32, #tpu.memory_space<vmem>>
    %dma_wait3A_33 = tpu.memref_squeeze %dma_wait3A_32 : memref<1x128xi32, #tpu.memory_space<vmem>> -> memref<128xi32, #tpu.memory_space<vmem>>
    %dma_wait3A_34 = arith.constant 0 : i32
    %dma_wait3A_35 = arith.constant 0 : i32
    %dma_wait3A_36 = tpu.memref_slice %arg2[%dma_wait3A_34, %dma_wait3A_35] : memref<10112x128xf32, #tpu.memory_space<hbm>> -> memref<10112x128xf32, #tpu.memory_space<hbm>>
    tpu.wait_indirect_dma semaphore(%arg12 : memref<!tpu.dma_semaphore, #tpu.memory_space<semaphore_mem>>) src(%dma_wait3A_36 : memref<10112x128xf32, #tpu.memory_space<hbm>>) dst(%arg9 : memref<128x128xf32, #tpu.memory_space<vmem>>)
    %run_scoped3A = arith.constant 38 : i32
    "tpu.region"() ({
      %run_scoped3A_92 = tpu.sem_alloc : memref<!tpu.dma_semaphore, #tpu.memory_space<semaphore_mem>>
      %dma_start3A_93 = arith.constant 0 : i32
      %dma_start3A_94 = tpu.memref_slice %arg8[%run_scoped3A, %dma_start3A_93] : memref<40x128xi32, #tpu.memory_space<vmem>> -> memref<1x128xi32, #tpu.memory_space<vmem>>
      %dma_start3A_95 = tpu.memref_squeeze %dma_start3A_94 : memref<1x128xi32, #tpu.memory_space<vmem>> -> memref<128xi32, #tpu.memory_space<vmem>>
      %dma_start3A_96 = arith.constant 0 : i32
      %dma_start3A_97 = arith.constant 0 : i32
      %dma_start3A_98 = tpu.memref_slice %arg11[%dma_start3A_96, %dma_start3A_97] : memref<10112x128xf32, #tpu.memory_space<vmem_shared>> -> memref<10112x128xf32, #tpu.memory_space<vmem_shared>>
      tpu.enqueue_indirect_dma source(%arg9 : memref<128x128xf32, #tpu.memory_space<vmem>>) target(%dma_start3A_98 : memref<10112x128xf32, #tpu.memory_space<vmem_shared>>) offsets(%dma_start3A_95 : memref<128xi32, #tpu.memory_space<vmem>>) semaphore(%run_scoped3A_92 : memref<!tpu.dma_semaphore, #tpu.memory_space<semaphore_mem>>) {add = true}
      %dma_wait3A_99 = arith.constant 0 : i32
      %dma_wait3A_100 = tpu.memref_slice %arg8[%run_scoped3A, %dma_wait3A_99] : memref<40x128xi32, #tpu.memory_space<vmem>> -> memref<1x128xi32, #tpu.memory_space<vmem>>
      %dma_wait3A_101 = tpu.memref_squeeze %dma_wait3A_100 : memref<1x128xi32, #tpu.memory_space<vmem>> -> memref<128xi32, #tpu.memory_space<vmem>>
      %dma_wait3A_102 = arith.constant 0 : i32
      %dma_wait3A_103 = arith.constant 0 : i32
      %dma_wait3A_104 = tpu.memref_slice %arg11[%dma_wait3A_102, %dma_wait3A_103] : memref<10112x128xf32, #tpu.memory_space<vmem_shared>> -> memref<10112x128xf32, #tpu.memory_space<vmem_shared>>
      tpu.wait_indirect_dma semaphore(%run_scoped3A_92 : memref<!tpu.dma_semaphore, #tpu.memory_space<semaphore_mem>>) src(%arg9 : memref<128x128xf32, #tpu.memory_space<vmem>>) dst(%dma_wait3A_104 : memref<10112x128xf32, #tpu.memory_space<vmem_shared>>)
      tpu.yield
    }) : () -> ()
    %dma_wait3A_37 = arith.constant 39 : i32
    %dma_wait3A_38 = arith.constant 0 : i32
    %dma_wait3A_39 = tpu.memref_slice %arg7[%dma_wait3A_37, %dma_wait3A_38] : memref<40x128xi32, #tpu.memory_space<vmem>> -> memref<1x128xi32, #tpu.memory_space<vmem>>
    %dma_wait3A_40 = tpu.memref_squeeze %dma_wait3A_39 : memref<1x128xi32, #tpu.memory_space<vmem>> -> memref<128xi32, #tpu.memory_space<vmem>>
    %dma_wait3A_41 = arith.constant 0 : i32
    %dma_wait3A_42 = arith.constant 0 : i32
    %dma_wait3A_43 = tpu.memref_slice %arg2[%dma_wait3A_41, %dma_wait3A_42] : memref<10112x128xf32, #tpu.memory_space<hbm>> -> memref<10112x128xf32, #tpu.memory_space<hbm>>
    tpu.wait_indirect_dma semaphore(%arg13 : memref<!tpu.dma_semaphore, #tpu.memory_space<semaphore_mem>>) src(%dma_wait3A_43 : memref<10112x128xf32, #tpu.memory_space<hbm>>) dst(%arg10 : memref<128x128xf32, #tpu.memory_space<vmem>>)
    %run_scoped3A_44 = arith.constant 39 : i32
    "tpu.region"() ({
      %run_scoped3A_92 = tpu.sem_alloc : memref<!tpu.dma_semaphore, #tpu.memory_space<semaphore_mem>>
      %dma_start3A_93 = arith.constant 0 : i32
      %dma_start3A_94 = tpu.memref_slice %arg8[%run_scoped3A_44, %dma_start3A_93] : memref<40x128xi32, #tpu.memory_space<vmem>> -> memref<1x128xi32, #tpu.memory_space<vmem>>
      %dma_start3A_95 = tpu.memref_squeeze %dma_start3A_94 : memref<1x128xi32, #tpu.memory_space<vmem>> -> memref<128xi32, #tpu.memory_space<vmem>>
      %dma_start3A_96 = arith.constant 0 : i32
      %dma_start3A_97 = arith.constant 0 : i32
      %dma_start3A_98 = tpu.memref_slice %arg11[%dma_start3A_96, %dma_start3A_97] : memref<10112x128xf32, #tpu.memory_space<vmem_shared>> -> memref<10112x128xf32, #tpu.memory_space<vmem_shared>>
      tpu.enqueue_indirect_dma source(%arg10 : memref<128x128xf32, #tpu.memory_space<vmem>>) target(%dma_start3A_98 : memref<10112x128xf32, #tpu.memory_space<vmem_shared>>) offsets(%dma_start3A_95 : memref<128xi32, #tpu.memory_space<vmem>>) semaphore(%run_scoped3A_92 : memref<!tpu.dma_semaphore, #tpu.memory_space<semaphore_mem>>) {add = true}
      %dma_wait3A_99 = arith.constant 0 : i32
      %dma_wait3A_100 = tpu.memref_slice %arg8[%run_scoped3A_44, %dma_wait3A_99] : memref<40x128xi32, #tpu.memory_space<vmem>> -> memref<1x128xi32, #tpu.memory_space<vmem>>
      %dma_wait3A_101 = tpu.memref_squeeze %dma_wait3A_100 : memref<1x128xi32, #tpu.memory_space<vmem>> -> memref<128xi32, #tpu.memory_space<vmem>>
      %dma_wait3A_102 = arith.constant 0 : i32
      %dma_wait3A_103 = arith.constant 0 : i32
      %dma_wait3A_104 = tpu.memref_slice %arg11[%dma_wait3A_102, %dma_wait3A_103] : memref<10112x128xf32, #tpu.memory_space<vmem_shared>> -> memref<10112x128xf32, #tpu.memory_space<vmem_shared>>
      tpu.wait_indirect_dma semaphore(%run_scoped3A_92 : memref<!tpu.dma_semaphore, #tpu.memory_space<semaphore_mem>>) src(%arg10 : memref<128x128xf32, #tpu.memory_space<vmem>>) dst(%dma_wait3A_104 : memref<10112x128xf32, #tpu.memory_space<vmem_shared>>)
      tpu.yield
    }) : () -> ()
    "tpu.region"() ({
      %run_scoped3A_92 = tpu.sem_alloc : memref<!tpu.dma_semaphore, #tpu.memory_space<semaphore_mem>>
      %dma_start3A_93 = arith.constant 40 : i32
      %dma_start3A_94 = arith.constant 0 : i32
      %dma_start3A_95 = tpu.memref_slice %arg3[%add3A, %dma_start3A_93, %dma_start3A_94] : memref<32x80x128xi32, #tpu.memory_space<hbm>> -> memref<1x40x128xi32, #tpu.memory_space<hbm>>
      %dma_start3A_96 = tpu.memref_squeeze %dma_start3A_95 : memref<1x40x128xi32, #tpu.memory_space<hbm>> -> memref<40x128xi32, #tpu.memory_space<hbm>>
      %dma_start3A_97 = arith.constant 40 : i32
      %dma_start3A_98 = arith.constant 0 : i32
      %dma_start3A_99 = tpu.memref_slice %arg3[%add3A, %dma_start3A_97, %dma_start3A_98] : memref<32x80x128xi32, #tpu.memory_space<hbm>> -> memref<1x40x128xi32, #tpu.memory_space<hbm>>
      %dma_start3A_100 = tpu.memref_squeeze %dma_start3A_99 : memref<1x40x128xi32, #tpu.memory_space<hbm>> -> memref<40x128xi32, #tpu.memory_space<hbm>>
      tpu.enqueue_dma source(%dma_start3A_100 : memref<40x128xi32, #tpu.memory_space<hbm>>) target(%arg7 : memref<40x128xi32, #tpu.memory_space<vmem>>) target_semaphore(%run_scoped3A_92 : memref<!tpu.dma_semaphore, #tpu.memory_space<semaphore_mem>>)
      %dma_wait3A_101 = arith.constant 40 : i32
      %dma_wait3A_102 = arith.constant 0 : i32
      %dma_wait3A_103 = tpu.memref_slice %arg3[%add3A, %dma_wait3A_101, %dma_wait3A_102] : memref<32x80x128xi32, #tpu.memory_space<hbm>> -> memref<1x40x128xi32, #tpu.memory_space<hbm>>
      %dma_wait3A_104 = tpu.memref_squeeze %dma_wait3A_103 : memref<1x40x128xi32, #tpu.memory_space<hbm>> -> memref<40x128xi32, #tpu.memory_space<hbm>>
      %dma_wait3A_105 = arith.constant 40 : i32
      %dma_wait3A_106 = arith.constant 0 : i32
      %dma_wait3A_107 = tpu.memref_slice %arg3[%add3A, %dma_wait3A_105, %dma_wait3A_106] : memref<32x80x128xi32, #tpu.memory_space<hbm>> -> memref<1x40x128xi32, #tpu.memory_space<hbm>>
      %dma_wait3A_108 = tpu.memref_squeeze %dma_wait3A_107 : memref<1x40x128xi32, #tpu.memory_space<hbm>> -> memref<40x128xi32, #tpu.memory_space<hbm>>
      tpu.wait_dma2 semaphore(%run_scoped3A_92 : memref<!tpu.dma_semaphore, #tpu.memory_space<semaphore_mem>>) src(%dma_wait3A_108 : memref<40x128xi32, #tpu.memory_space<hbm>>) dst(%arg7 : memref<40x128xi32, #tpu.memory_space<vmem>>)
      tpu.yield
    }) : () -> ()
    "tpu.region"() ({
      %run_scoped3A_92 = tpu.sem_alloc : memref<!tpu.dma_semaphore, #tpu.memory_space<semaphore_mem>>
      %dma_start3A_93 = arith.constant 40 : i32
      %dma_start3A_94 = arith.constant 0 : i32
      %dma_start3A_95 = tpu.memref_slice %arg4[%add3A, %dma_start3A_93, %dma_start3A_94] : memref<32x80x128xi32, #tpu.memory_space<hbm>> -> memref<1x40x128xi32, #tpu.memory_space<hbm>>
      %dma_start3A_96 = tpu.memref_squeeze %dma_start3A_95 : memref<1x40x128xi32, #tpu.memory_space<hbm>> -> memref<40x128xi32, #tpu.memory_space<hbm>>
      %dma_start3A_97 = arith.constant 40 : i32
      %dma_start3A_98 = arith.constant 0 : i32
      %dma_start3A_99 = tpu.memref_slice %arg4[%add3A, %dma_start3A_97, %dma_start3A_98] : memref<32x80x128xi32, #tpu.memory_space<hbm>> -> memref<1x40x128xi32, #tpu.memory_space<hbm>>
      %dma_start3A_100 = tpu.memref_squeeze %dma_start3A_99 : memref<1x40x128xi32, #tpu.memory_space<hbm>> -> memref<40x128xi32, #tpu.memory_space<hbm>>
      tpu.enqueue_dma source(%dma_start3A_100 : memref<40x128xi32, #tpu.memory_space<hbm>>) target(%arg8 : memref<40x128xi32, #tpu.memory_space<vmem>>) target_semaphore(%run_scoped3A_92 : memref<!tpu.dma_semaphore, #tpu.memory_space<semaphore_mem>>)
      %dma_wait3A_101 = arith.constant 40 : i32
      %dma_wait3A_102 = arith.constant 0 : i32
      %dma_wait3A_103 = tpu.memref_slice %arg4[%add3A, %dma_wait3A_101, %dma_wait3A_102] : memref<32x80x128xi32, #tpu.memory_space<hbm>> -> memref<1x40x128xi32, #tpu.memory_space<hbm>>
      %dma_wait3A_104 = tpu.memref_squeeze %dma_wait3A_103 : memref<1x40x128xi32, #tpu.memory_space<hbm>> -> memref<40x128xi32, #tpu.memory_space<hbm>>
      %dma_wait3A_105 = arith.constant 40 : i32
      %dma_wait3A_106 = arith.constant 0 : i32
      %dma_wait3A_107 = tpu.memref_slice %arg4[%add3A, %dma_wait3A_105, %dma_wait3A_106] : memref<32x80x128xi32, #tpu.memory_space<hbm>> -> memref<1x40x128xi32, #tpu.memory_space<hbm>>
      %dma_wait3A_108 = tpu.memref_squeeze %dma_wait3A_107 : memref<1x40x128xi32, #tpu.memory_space<hbm>> -> memref<40x128xi32, #tpu.memory_space<hbm>>
      tpu.wait_dma2 semaphore(%run_scoped3A_92 : memref<!tpu.dma_semaphore, #tpu.memory_space<semaphore_mem>>) src(%dma_wait3A_108 : memref<40x128xi32, #tpu.memory_space<hbm>>) dst(%arg8 : memref<40x128xi32, #tpu.memory_space<vmem>>)
      tpu.yield
    }) : () -> ()
    %dma_start3A_45 = arith.constant 0 : i32
    %dma_start3A_46 = arith.constant 0 : i32
    %dma_start3A_47 = tpu.memref_slice %arg7[%dma_start3A_45, %dma_start3A_46] : memref<40x128xi32, #tpu.memory_space<vmem>> -> memref<1x128xi32, #tpu.memory_space<vmem>>
    %dma_start3A_48 = tpu.memref_squeeze %dma_start3A_47 : memref<1x128xi32, #tpu.memory_space<vmem>> -> memref<128xi32, #tpu.memory_space<vmem>>
    %dma_start3A_49 = arith.constant 0 : i32
    %dma_start3A_50 = arith.constant 0 : i32
    %dma_start3A_51 = tpu.memref_slice %arg2[%dma_start3A_49, %dma_start3A_50] : memref<10112x128xf32, #tpu.memory_space<hbm>> -> memref<10112x128xf32, #tpu.memory_space<hbm>>
    tpu.enqueue_indirect_dma source(%dma_start3A_51 : memref<10112x128xf32, #tpu.memory_space<hbm>>) target(%arg9 : memref<128x128xf32, #tpu.memory_space<vmem>>) offsets(%dma_start3A_48 : memref<128xi32, #tpu.memory_space<vmem>>) semaphore(%arg12 : memref<!tpu.dma_semaphore, #tpu.memory_space<semaphore_mem>>)
    %dma_start3A_52 = arith.constant 1 : i32
    %dma_start3A_53 = arith.constant 0 : i32
    %dma_start3A_54 = tpu.memref_slice %arg7[%dma_start3A_52, %dma_start3A_53] : memref<40x128xi32, #tpu.memory_space<vmem>> -> memref<1x128xi32, #tpu.memory_space<vmem>>
    %dma_start3A_55 = tpu.memref_squeeze %dma_start3A_54 : memref<1x128xi32, #tpu.memory_space<vmem>> -> memref<128xi32, #tpu.memory_space<vmem>>
    %dma_start3A_56 = arith.constant 0 : i32
    %dma_start3A_57 = arith.constant 0 : i32
    %dma_start3A_58 = tpu.memref_slice %arg2[%dma_start3A_56, %dma_start3A_57] : memref<10112x128xf32, #tpu.memory_space<hbm>> -> memref<10112x128xf32, #tpu.memory_space<hbm>>
    tpu.enqueue_indirect_dma source(%dma_start3A_58 : memref<10112x128xf32, #tpu.memory_space<hbm>>) target(%arg10 : memref<128x128xf32, #tpu.memory_space<vmem>>) offsets(%dma_start3A_55 : memref<128xi32, #tpu.memory_space<vmem>>) semaphore(%arg13 : memref<!tpu.dma_semaphore, #tpu.memory_space<semaphore_mem>>)
    %scan3A_59 = arith.constant 0 : i32
    %scan3A_60 = arith.constant 0 : i32
    %scan3A_61 = arith.constant 19 : i32
    %scan3A_62 = arith.addi %scan3A_60, %scan3A_61 : i32
    %scan3A_63 = arith.constant 1 : i32
    scf.for %scan3A_92 = %scan3A_60 to %scan3A_62 step %scan3A_63  : i32 {
      %mul3A_93 = arith.constant 2 : i32
      %mul3A_94 = arith.muli %scan3A_92, %mul3A_93 : i32
      %add3A_95 = arith.constant 0 : i32
      %add3A_96 = arith.addi %mul3A_94, %add3A_95 : i32
      %dma_wait3A_97 = arith.constant 0 : i32
      %dma_wait3A_98 = tpu.memref_slice %arg7[%add3A_96, %dma_wait3A_97] : memref<40x128xi32, #tpu.memory_space<vmem>> -> memref<1x128xi32, #tpu.memory_space<vmem>>
      %dma_wait3A_99 = tpu.memref_squeeze %dma_wait3A_98 : memref<1x128xi32, #tpu.memory_space<vmem>> -> memref<128xi32, #tpu.memory_space<vmem>>
      %dma_wait3A_100 = arith.constant 0 : i32
      %dma_wait3A_101 = arith.constant 0 : i32
      %dma_wait3A_102 = tpu.memref_slice %arg2[%dma_wait3A_100, %dma_wait3A_101] : memref<10112x128xf32, #tpu.memory_space<hbm>> -> memref<10112x128xf32, #tpu.memory_space<hbm>>
      tpu.wait_indirect_dma semaphore(%arg12 : memref<!tpu.dma_semaphore, #tpu.memory_space<semaphore_mem>>) src(%dma_wait3A_102 : memref<10112x128xf32, #tpu.memory_space<hbm>>) dst(%arg9 : memref<128x128xf32, #tpu.memory_space<vmem>>)
      "tpu.region"() ({
        %run_scoped3A_127 = tpu.sem_alloc : memref<!tpu.dma_semaphore, #tpu.memory_space<semaphore_mem>>
        %dma_start3A_128 = arith.constant 0 : i32
        %dma_start3A_129 = tpu.memref_slice %arg8[%add3A_96, %dma_start3A_128] : memref<40x128xi32, #tpu.memory_space<vmem>> -> memref<1x128xi32, #tpu.memory_space<vmem>>
        %dma_start3A_130 = tpu.memref_squeeze %dma_start3A_129 : memref<1x128xi32, #tpu.memory_space<vmem>> -> memref<128xi32, #tpu.memory_space<vmem>>
        %dma_start3A_131 = arith.constant 0 : i32
        %dma_start3A_132 = arith.constant 0 : i32
        %dma_start3A_133 = tpu.memref_slice %arg11[%dma_start3A_131, %dma_start3A_132] : memref<10112x128xf32, #tpu.memory_space<vmem_shared>> -> memref<10112x128xf32, #tpu.memory_space<vmem_shared>>
        tpu.enqueue_indirect_dma source(%arg9 : memref<128x128xf32, #tpu.memory_space<vmem>>) target(%dma_start3A_133 : memref<10112x128xf32, #tpu.memory_space<vmem_shared>>) offsets(%dma_start3A_130 : memref<128xi32, #tpu.memory_space<vmem>>) semaphore(%run_scoped3A_127 : memref<!tpu.dma_semaphore, #tpu.memory_space<semaphore_mem>>) {add = true}
        %dma_wait3A_134 = arith.constant 0 : i32
        %dma_wait3A_135 = tpu.memref_slice %arg8[%add3A_96, %dma_wait3A_134] : memref<40x128xi32, #tpu.memory_space<vmem>> -> memref<1x128xi32, #tpu.memory_space<vmem>>
        %dma_wait3A_136 = tpu.memref_squeeze %dma_wait3A_135 : memref<1x128xi32, #tpu.memory_space<vmem>> -> memref<128xi32, #tpu.memory_space<vmem>>
        %dma_wait3A_137 = arith.constant 0 : i32
        %dma_wait3A_138 = arith.constant 0 : i32
        %dma_wait3A_139 = tpu.memref_slice %arg11[%dma_wait3A_137, %dma_wait3A_138] : memref<10112x128xf32, #tpu.memory_space<vmem_shared>> -> memref<10112x128xf32, #tpu.memory_space<vmem_shared>>
        tpu.wait_indirect_dma semaphore(%run_scoped3A_127 : memref<!tpu.dma_semaphore, #tpu.memory_space<semaphore_mem>>) src(%arg9 : memref<128x128xf32, #tpu.memory_space<vmem>>) dst(%dma_wait3A_139 : memref<10112x128xf32, #tpu.memory_space<vmem_shared>>)
        tpu.yield
      }) : () -> ()
      %add3A_103 = arith.constant 2 : i32
      %add3A_104 = arith.addi %add3A_96, %add3A_103 : i32
      %dma_start3A_105 = arith.constant 0 : i32
      %dma_start3A_106 = tpu.memref_slice %arg7[%add3A_104, %dma_start3A_105] : memref<40x128xi32, #tpu.memory_space<vmem>> -> memref<1x128xi32, #tpu.memory_space<vmem>>
      %dma_start3A_107 = tpu.memref_squeeze %dma_start3A_106 : memref<1x128xi32, #tpu.memory_space<vmem>> -> memref<128xi32, #tpu.memory_space<vmem>>
      %dma_start3A_108 = arith.constant 0 : i32
      %dma_start3A_109 = arith.constant 0 : i32
      %dma_start3A_110 = tpu.memref_slice %arg2[%dma_start3A_108, %dma_start3A_109] : memref<10112x128xf32, #tpu.memory_space<hbm>> -> memref<10112x128xf32, #tpu.memory_space<hbm>>
      tpu.enqueue_indirect_dma source(%dma_start3A_110 : memref<10112x128xf32, #tpu.memory_space<hbm>>) target(%arg9 : memref<128x128xf32, #tpu.memory_space<vmem>>) offsets(%dma_start3A_107 : memref<128xi32, #tpu.memory_space<vmem>>) semaphore(%arg12 : memref<!tpu.dma_semaphore, #tpu.memory_space<semaphore_mem>>)
      %add3A_111 = arith.constant 1 : i32
      %add3A_112 = arith.addi %mul3A_94, %add3A_111 : i32
      %dma_wait3A_113 = arith.constant 0 : i32
      %dma_wait3A_114 = tpu.memref_slice %arg7[%add3A_112, %dma_wait3A_113] : memref<40x128xi32, #tpu.memory_space<vmem>> -> memref<1x128xi32, #tpu.memory_space<vmem>>
      %dma_wait3A_115 = tpu.memref_squeeze %dma_wait3A_114 : memref<1x128xi32, #tpu.memory_space<vmem>> -> memref<128xi32, #tpu.memory_space<vmem>>
      %dma_wait3A_116 = arith.constant 0 : i32
      %dma_wait3A_117 = arith.constant 0 : i32
      %dma_wait3A_118 = tpu.memref_slice %arg2[%dma_wait3A_116, %dma_wait3A_117] : memref<10112x128xf32, #tpu.memory_space<hbm>> -> memref<10112x128xf32, #tpu.memory_space<hbm>>
      tpu.wait_indirect_dma semaphore(%arg13 : memref<!tpu.dma_semaphore, #tpu.memory_space<semaphore_mem>>) src(%dma_wait3A_118 : memref<10112x128xf32, #tpu.memory_space<hbm>>) dst(%arg10 : memref<128x128xf32, #tpu.memory_space<vmem>>)
      "tpu.region"() ({
        %run_scoped3A_127 = tpu.sem_alloc : memref<!tpu.dma_semaphore, #tpu.memory_space<semaphore_mem>>
        %dma_start3A_128 = arith.constant 0 : i32
        %dma_start3A_129 = tpu.memref_slice %arg8[%add3A_112, %dma_start3A_128] : memref<40x128xi32, #tpu.memory_space<vmem>> -> memref<1x128xi32, #tpu.memory_space<vmem>>
        %dma_start3A_130 = tpu.memref_squeeze %dma_start3A_129 : memref<1x128xi32, #tpu.memory_space<vmem>> -> memref<128xi32, #tpu.memory_space<vmem>>
        %dma_start3A_131 = arith.constant 0 : i32
        %dma_start3A_132 = arith.constant 0 : i32
        %dma_start3A_133 = tpu.memref_slice %arg11[%dma_start3A_131, %dma_start3A_132] : memref<10112x128xf32, #tpu.memory_space<vmem_shared>> -> memref<10112x128xf32, #tpu.memory_space<vmem_shared>>
        tpu.enqueue_indirect_dma source(%arg10 : memref<128x128xf32, #tpu.memory_space<vmem>>) target(%dma_start3A_133 : memref<10112x128xf32, #tpu.memory_space<vmem_shared>>) offsets(%dma_start3A_130 : memref<128xi32, #tpu.memory_space<vmem>>) semaphore(%run_scoped3A_127 : memref<!tpu.dma_semaphore, #tpu.memory_space<semaphore_mem>>) {add = true}
        %dma_wait3A_134 = arith.constant 0 : i32
        %dma_wait3A_135 = tpu.memref_slice %arg8[%add3A_112, %dma_wait3A_134] : memref<40x128xi32, #tpu.memory_space<vmem>> -> memref<1x128xi32, #tpu.memory_space<vmem>>
        %dma_wait3A_136 = tpu.memref_squeeze %dma_wait3A_135 : memref<1x128xi32, #tpu.memory_space<vmem>> -> memref<128xi32, #tpu.memory_space<vmem>>
        %dma_wait3A_137 = arith.constant 0 : i32
        %dma_wait3A_138 = arith.constant 0 : i32
        %dma_wait3A_139 = tpu.memref_slice %arg11[%dma_wait3A_137, %dma_wait3A_138] : memref<10112x128xf32, #tpu.memory_space<vmem_shared>> -> memref<10112x128xf32, #tpu.memory_space<vmem_shared>>
        tpu.wait_indirect_dma semaphore(%run_scoped3A_127 : memref<!tpu.dma_semaphore, #tpu.memory_space<semaphore_mem>>) src(%arg10 : memref<128x128xf32, #tpu.memory_space<vmem>>) dst(%dma_wait3A_139 : memref<10112x128xf32, #tpu.memory_space<vmem_shared>>)
        tpu.yield
      }) : () -> ()
      %add3A_119 = arith.constant 2 : i32
      %add3A_120 = arith.addi %add3A_112, %add3A_119 : i32
      %dma_start3A_121 = arith.constant 0 : i32
      %dma_start3A_122 = tpu.memref_slice %arg7[%add3A_120, %dma_start3A_121] : memref<40x128xi32, #tpu.memory_space<vmem>> -> memref<1x128xi32, #tpu.memory_space<vmem>>
      %dma_start3A_123 = tpu.memref_squeeze %dma_start3A_122 : memref<1x128xi32, #tpu.memory_space<vmem>> -> memref<128xi32, #tpu.memory_space<vmem>>
      %dma_start3A_124 = arith.constant 0 : i32
      %dma_start3A_125 = arith.constant 0 : i32
      %dma_start3A_126 = tpu.memref_slice %arg2[%dma_start3A_124, %dma_start3A_125] : memref<10112x128xf32, #tpu.memory_space<hbm>> -> memref<10112x128xf32, #tpu.memory_space<hbm>>
      tpu.enqueue_indirect_dma source(%dma_start3A_126 : memref<10112x128xf32, #tpu.memory_space<hbm>>) target(%arg10 : memref<128x128xf32, #tpu.memory_space<vmem>>) offsets(%dma_start3A_123 : memref<128xi32, #tpu.memory_space<vmem>>) semaphore(%arg13 : memref<!tpu.dma_semaphore, #tpu.memory_space<semaphore_mem>>)
    }
    %scan3A_64 = arith.constant 19 : i32
    %dma_wait3A_65 = arith.constant 38 : i32
    %dma_wait3A_66 = arith.constant 0 : i32
    %dma_wait3A_67 = tpu.memref_slice %arg7[%dma_wait3A_65, %dma_wait3A_66] : memref<40x128xi32, #tpu.memory_space<vmem>> -> memref<1x128xi32, #tpu.memory_space<vmem>>
    %dma_wait3A_68 = tpu.memref_squeeze %dma_wait3A_67 : memref<1x128xi32, #tpu.memory_space<vmem>> -> memref<128xi32, #tpu.memory_space<vmem>>
    %dma_wait3A_69 = arith.constant 0 : i32
    %dma_wait3A_70 = arith.constant 0 : i32
    %dma_wait3A_71 = tpu.memref_slice %arg2[%dma_wait3A_69, %dma_wait3A_70] : memref<10112x128xf32, #tpu.memory_space<hbm>> -> memref<10112x128xf32, #tpu.memory_space<hbm>>
    tpu.wait_indirect_dma semaphore(%arg12 : memref<!tpu.dma_semaphore, #tpu.memory_space<semaphore_mem>>) src(%dma_wait3A_71 : memref<10112x128xf32, #tpu.memory_space<hbm>>) dst(%arg9 : memref<128x128xf32, #tpu.memory_space<vmem>>)
    %run_scoped3A_72 = arith.constant 38 : i32
    "tpu.region"() ({
      %run_scoped3A_92 = tpu.sem_alloc : memref<!tpu.dma_semaphore, #tpu.memory_space<semaphore_mem>>
      %dma_start3A_93 = arith.constant 0 : i32
      %dma_start3A_94 = tpu.memref_slice %arg8[%run_scoped3A_72, %dma_start3A_93] : memref<40x128xi32, #tpu.memory_space<vmem>> -> memref<1x128xi32, #tpu.memory_space<vmem>>
      %dma_start3A_95 = tpu.memref_squeeze %dma_start3A_94 : memref<1x128xi32, #tpu.memory_space<vmem>> -> memref<128xi32, #tpu.memory_space<vmem>>
      %dma_start3A_96 = arith.constant 0 : i32
      %dma_start3A_97 = arith.constant 0 : i32
      %dma_start3A_98 = tpu.memref_slice %arg11[%dma_start3A_96, %dma_start3A_97] : memref<10112x128xf32, #tpu.memory_space<vmem_shared>> -> memref<10112x128xf32, #tpu.memory_space<vmem_shared>>
      tpu.enqueue_indirect_dma source(%arg9 : memref<128x128xf32, #tpu.memory_space<vmem>>) target(%dma_start3A_98 : memref<10112x128xf32, #tpu.memory_space<vmem_shared>>) offsets(%dma_start3A_95 : memref<128xi32, #tpu.memory_space<vmem>>) semaphore(%run_scoped3A_92 : memref<!tpu.dma_semaphore, #tpu.memory_space<semaphore_mem>>) {add = true}
      %dma_wait3A_99 = arith.constant 0 : i32
      %dma_wait3A_100 = tpu.memref_slice %arg8[%run_scoped3A_72, %dma_wait3A_99] : memref<40x128xi32, #tpu.memory_space<vmem>> -> memref<1x128xi32, #tpu.memory_space<vmem>>
      %dma_wait3A_101 = tpu.memref_squeeze %dma_wait3A_100 : memref<1x128xi32, #tpu.memory_space<vmem>> -> memref<128xi32, #tpu.memory_space<vmem>>
      %dma_wait3A_102 = arith.constant 0 : i32
      %dma_wait3A_103 = arith.constant 0 : i32
      %dma_wait3A_104 = tpu.memref_slice %arg11[%dma_wait3A_102, %dma_wait3A_103] : memref<10112x128xf32, #tpu.memory_space<vmem_shared>> -> memref<10112x128xf32, #tpu.memory_space<vmem_shared>>
      tpu.wait_indirect_dma semaphore(%run_scoped3A_92 : memref<!tpu.dma_semaphore, #tpu.memory_space<semaphore_mem>>) src(%arg9 : memref<128x128xf32, #tpu.memory_space<vmem>>) dst(%dma_wait3A_104 : memref<10112x128xf32, #tpu.memory_space<vmem_shared>>)
      tpu.yield
    }) : () -> ()
    %dma_wait3A_73 = arith.constant 39 : i32
    %dma_wait3A_74 = arith.constant 0 : i32
    %dma_wait3A_75 = tpu.memref_slice %arg7[%dma_wait3A_73, %dma_wait3A_74] : memref<40x128xi32, #tpu.memory_space<vmem>> -> memref<1x128xi32, #tpu.memory_space<vmem>>
    %dma_wait3A_76 = tpu.memref_squeeze %dma_wait3A_75 : memref<1x128xi32, #tpu.memory_space<vmem>> -> memref<128xi32, #tpu.memory_space<vmem>>
    %dma_wait3A_77 = arith.constant 0 : i32
    %dma_wait3A_78 = arith.constant 0 : i32
    %dma_wait3A_79 = tpu.memref_slice %arg2[%dma_wait3A_77, %dma_wait3A_78] : memref<10112x128xf32, #tpu.memory_space<hbm>> -> memref<10112x128xf32, #tpu.memory_space<hbm>>
    tpu.wait_indirect_dma semaphore(%arg13 : memref<!tpu.dma_semaphore, #tpu.memory_space<semaphore_mem>>) src(%dma_wait3A_79 : memref<10112x128xf32, #tpu.memory_space<hbm>>) dst(%arg10 : memref<128x128xf32, #tpu.memory_space<vmem>>)
    %run_scoped3A_80 = arith.constant 39 : i32
    "tpu.region"() ({
      %run_scoped3A_92 = tpu.sem_alloc : memref<!tpu.dma_semaphore, #tpu.memory_space<semaphore_mem>>
      %dma_start3A_93 = arith.constant 0 : i32
      %dma_start3A_94 = tpu.memref_slice %arg8[%run_scoped3A_80, %dma_start3A_93] : memref<40x128xi32, #tpu.memory_space<vmem>> -> memref<1x128xi32, #tpu.memory_space<vmem>>
      %dma_start3A_95 = tpu.memref_squeeze %dma_start3A_94 : memref<1x128xi32, #tpu.memory_space<vmem>> -> memref<128xi32, #tpu.memory_space<vmem>>
      %dma_start3A_96 = arith.constant 0 : i32
      %dma_start3A_97 = arith.constant 0 : i32
      %dma_start3A_98 = tpu.memref_slice %arg11[%dma_start3A_96, %dma_start3A_97] : memref<10112x128xf32, #tpu.memory_space<vmem_shared>> -> memref<10112x128xf32, #tpu.memory_space<vmem_shared>>
      tpu.enqueue_indirect_dma source(%arg10 : memref<128x128xf32, #tpu.memory_space<vmem>>) target(%dma_start3A_98 : memref<10112x128xf32, #tpu.memory_space<vmem_shared>>) offsets(%dma_start3A_95 : memref<128xi32, #tpu.memory_space<vmem>>) semaphore(%run_scoped3A_92 : memref<!tpu.dma_semaphore, #tpu.memory_space<semaphore_mem>>) {add = true}
      %dma_wait3A_99 = arith.constant 0 : i32
      %dma_wait3A_100 = tpu.memref_slice %arg8[%run_scoped3A_80, %dma_wait3A_99] : memref<40x128xi32, #tpu.memory_space<vmem>> -> memref<1x128xi32, #tpu.memory_space<vmem>>
      %dma_wait3A_101 = tpu.memref_squeeze %dma_wait3A_100 : memref<1x128xi32, #tpu.memory_space<vmem>> -> memref<128xi32, #tpu.memory_space<vmem>>
      %dma_wait3A_102 = arith.constant 0 : i32
      %dma_wait3A_103 = arith.constant 0 : i32
      %dma_wait3A_104 = tpu.memref_slice %arg11[%dma_wait3A_102, %dma_wait3A_103] : memref<10112x128xf32, #tpu.memory_space<vmem_shared>> -> memref<10112x128xf32, #tpu.memory_space<vmem_shared>>
      tpu.wait_indirect_dma semaphore(%run_scoped3A_92 : memref<!tpu.dma_semaphore, #tpu.memory_space<semaphore_mem>>) src(%arg10 : memref<128x128xf32, #tpu.memory_space<vmem>>) dst(%dma_wait3A_104 : memref<10112x128xf32, #tpu.memory_space<vmem_shared>>)
      tpu.yield
    }) : () -> ()
    %barrier3A_81 = arith.constant 0 : index
    tpu.barrier barrier_id(%barrier3A_81)
    %add3A_82 = arith.constant 0 : i32
    %add3A_83 = arith.addi %mul3A_2, %add3A_82 : i32
    "tpu.region"() ({
      %run_scoped3A_92 = tpu.sem_alloc : memref<!tpu.dma_semaphore, #tpu.memory_space<semaphore_mem>>
      %dma_start3A_93 = arith.constant 0 : i32
      %dma_start3A_94 = arith.constant 0 : i32
      %dma_start3A_95 = tpu.memref_slice %arg9[%dma_start3A_93, %dma_start3A_94] : memref<128x128xf32, #tpu.memory_space<vmem>> -> memref<128x128xf32, #tpu.memory_space<vmem>>
      %dma_start3A_96 = arith.constant 0 : i32
      %dma_start3A_97 = tpu.memref_slice %arg11[%add3A_83, %dma_start3A_96] : memref<10112x128xf32, #tpu.memory_space<vmem_shared>> -> memref<128x128xf32, #tpu.memory_space<vmem_shared>>
      %dma_start3A_98 = arith.constant 0 : i32
      %dma_start3A_99 = arith.constant 0 : i32
      %dma_start3A_100 = tpu.memref_slice %arg9[%dma_start3A_98, %dma_start3A_99] : memref<128x128xf32, #tpu.memory_space<vmem>> -> memref<128x128xf32, #tpu.memory_space<vmem>>
      %dma_start3A_101 = arith.constant 0 : i32
      %dma_start3A_102 = tpu.memref_slice %arg11[%add3A_83, %dma_start3A_101] : memref<10112x128xf32, #tpu.memory_space<vmem_shared>> -> memref<128x128xf32, #tpu.memory_space<vmem_shared>>
      tpu.enqueue_dma source(%dma_start3A_102 : memref<128x128xf32, #tpu.memory_space<vmem_shared>>) target(%dma_start3A_100 : memref<128x128xf32, #tpu.memory_space<vmem>>) target_semaphore(%run_scoped3A_92 : memref<!tpu.dma_semaphore, #tpu.memory_space<semaphore_mem>>)
      %dma_wait3A_103 = arith.constant 0 : i32
      %dma_wait3A_104 = arith.constant 0 : i32
      %dma_wait3A_105 = tpu.memref_slice %arg9[%dma_wait3A_103, %dma_wait3A_104] : memref<128x128xf32, #tpu.memory_space<vmem>> -> memref<128x128xf32, #tpu.memory_space<vmem>>
      %dma_wait3A_106 = arith.constant 0 : i32
      %dma_wait3A_107 = tpu.memref_slice %arg11[%add3A_83, %dma_wait3A_106] : memref<10112x128xf32, #tpu.memory_space<vmem_shared>> -> memref<128x128xf32, #tpu.memory_space<vmem_shared>>
      %dma_wait3A_108 = arith.constant 0 : i32
      %dma_wait3A_109 = arith.constant 0 : i32
      %dma_wait3A_110 = tpu.memref_slice %arg9[%dma_wait3A_108, %dma_wait3A_109] : memref<128x128xf32, #tpu.memory_space<vmem>> -> memref<128x128xf32, #tpu.memory_space<vmem>>
      %dma_wait3A_111 = arith.constant 0 : i32
      %dma_wait3A_112 = tpu.memref_slice %arg11[%add3A_83, %dma_wait3A_111] : memref<10112x128xf32, #tpu.memory_space<vmem_shared>> -> memref<128x128xf32, #tpu.memory_space<vmem_shared>>
      tpu.wait_dma2 semaphore(%run_scoped3A_92 : memref<!tpu.dma_semaphore, #tpu.memory_space<semaphore_mem>>) src(%dma_wait3A_112 : memref<128x128xf32, #tpu.memory_space<vmem_shared>>) dst(%dma_wait3A_110 : memref<128x128xf32, #tpu.memory_space<vmem>>)
      tpu.yield
    }) : () -> ()
    "tpu.region"() ({
      %run_scoped3A_92 = tpu.sem_alloc : memref<!tpu.dma_semaphore, #tpu.memory_space<semaphore_mem>>
      %dma_start3A_93 = arith.constant 0 : i32
      %dma_start3A_94 = arith.constant 0 : i32
      %dma_start3A_95 = tpu.memref_slice %arg9[%dma_start3A_93, %dma_start3A_94] : memref<128x128xf32, #tpu.memory_space<vmem>> -> memref<128x128xf32, #tpu.memory_space<vmem>>
      %dma_start3A_96 = arith.constant 0 : i32
      %dma_start3A_97 = tpu.memref_slice %arg6[%arg0, %add3A_83, %dma_start3A_96] : memref<2x10112x128xf32, #tpu.memory_space<hbm>> -> memref<1x128x128xf32, #tpu.memory_space<hbm>>
      %dma_start3A_98 = tpu.memref_squeeze %dma_start3A_97 : memref<1x128x128xf32, #tpu.memory_space<hbm>> -> memref<128x128xf32, #tpu.memory_space<hbm>>
      %dma_start3A_99 = arith.constant 0 : i32
      %dma_start3A_100 = tpu.memref_slice %arg6[%arg0, %add3A_83, %dma_start3A_99] : memref<2x10112x128xf32, #tpu.memory_space<hbm>> -> memref<1x128x128xf32, #tpu.memory_space<hbm>>
      %dma_start3A_101 = tpu.memref_squeeze %dma_start3A_100 : memref<1x128x128xf32, #tpu.memory_space<hbm>> -> memref<128x128xf32, #tpu.memory_space<hbm>>
      %dma_start3A_102 = arith.constant 0 : i32
      %dma_start3A_103 = arith.constant 0 : i32
      %dma_start3A_104 = tpu.memref_slice %arg9[%dma_start3A_102, %dma_start3A_103] : memref<128x128xf32, #tpu.memory_space<vmem>> -> memref<128x128xf32, #tpu.memory_space<vmem>>
      tpu.enqueue_dma source(%dma_start3A_104 : memref<128x128xf32, #tpu.memory_space<vmem>>) target(%dma_start3A_101 : memref<128x128xf32, #tpu.memory_space<hbm>>) target_semaphore(%run_scoped3A_92 : memref<!tpu.dma_semaphore, #tpu.memory_space<semaphore_mem>>)
      %dma_wait3A_105 = arith.constant 0 : i32
      %dma_wait3A_106 = arith.constant 0 : i32
      %dma_wait3A_107 = tpu.memref_slice %arg9[%dma_wait3A_105, %dma_wait3A_106] : memref<128x128xf32, #tpu.memory_space<vmem>> -> memref<128x128xf32, #tpu.memory_space<vmem>>
      %dma_wait3A_108 = arith.constant 0 : i32
      %dma_wait3A_109 = tpu.memref_slice %arg6[%arg0, %add3A_83, %dma_wait3A_108] : memref<2x10112x128xf32, #tpu.memory_space<hbm>> -> memref<1x128x128xf32, #tpu.memory_space<hbm>>
      %dma_wait3A_110 = tpu.memref_squeeze %dma_wait3A_109 : memref<1x128x128xf32, #tpu.memory_space<hbm>> -> memref<128x128xf32, #tpu.memory_space<hbm>>
      %dma_wait3A_111 = arith.constant 0 : i32
      %dma_wait3A_112 = tpu.memref_slice %arg6[%arg0, %add3A_83, %dma_wait3A_111] : memref<2x10112x128xf32, #tpu.memory_space<hbm>> -> memref<1x128x128xf32, #tpu.memory_space<hbm>>
      %dma_wait3A_113 = tpu.memref_squeeze %dma_wait3A_112 : memref<1x128x128xf32, #tpu.memory_space<hbm>> -> memref<128x128xf32, #tpu.memory_space<hbm>>
      %dma_wait3A_114 = arith.constant 0 : i32
      %dma_wait3A_115 = arith.constant 0 : i32
      %dma_wait3A_116 = tpu.memref_slice %arg9[%dma_wait3A_114, %dma_wait3A_115] : memref<128x128xf32, #tpu.memory_space<vmem>> -> memref<128x128xf32, #tpu.memory_space<vmem>>
      tpu.wait_dma2 semaphore(%run_scoped3A_92 : memref<!tpu.dma_semaphore, #tpu.memory_space<semaphore_mem>>) src(%dma_wait3A_116 : memref<128x128xf32, #tpu.memory_space<vmem>>) dst(%dma_wait3A_113 : memref<128x128xf32, #tpu.memory_space<hbm>>)
      tpu.yield
    }) : () -> ()
    %add3A_84 = arith.constant 128 : i32
    %add3A_85 = arith.addi %mul3A_2, %add3A_84 : i32
    "tpu.region"() ({
      %run_scoped3A_92 = tpu.sem_alloc : memref<!tpu.dma_semaphore, #tpu.memory_space<semaphore_mem>>
      %dma_start3A_93 = arith.constant 0 : i32
      %dma_start3A_94 = arith.constant 0 : i32
      %dma_start3A_95 = tpu.memref_slice %arg9[%dma_start3A_93, %dma_start3A_94] : memref<128x128xf32, #tpu.memory_space<vmem>> -> memref<128x128xf32, #tpu.memory_space<vmem>>
      %dma_start3A_96 = arith.constant 0 : i32
      %dma_start3A_97 = tpu.memref_slice %arg11[%add3A_85, %dma_start3A_96] : memref<10112x128xf32, #tpu.memory_space<vmem_shared>> -> memref<128x128xf32, #tpu.memory_space<vmem_shared>>
      %dma_start3A_98 = arith.constant 0 : i32
      %dma_start3A_99 = arith.constant 0 : i32
      %dma_start3A_100 = tpu.memref_slice %arg9[%dma_start3A_98, %dma_start3A_99] : memref<128x128xf32, #tpu.memory_space<vmem>> -> memref<128x128xf32, #tpu.memory_space<vmem>>
      %dma_start3A_101 = arith.constant 0 : i32
      %dma_start3A_102 = tpu.memref_slice %arg11[%add3A_85, %dma_start3A_101] : memref<10112x128xf32, #tpu.memory_space<vmem_shared>> -> memref<128x128xf32, #tpu.memory_space<vmem_shared>>
      tpu.enqueue_dma source(%dma_start3A_102 : memref<128x128xf32, #tpu.memory_space<vmem_shared>>) target(%dma_start3A_100 : memref<128x128xf32, #tpu.memory_space<vmem>>) target_semaphore(%run_scoped3A_92 : memref<!tpu.dma_semaphore, #tpu.memory_space<semaphore_mem>>)
      %dma_wait3A_103 = arith.constant 0 : i32
      %dma_wait3A_104 = arith.constant 0 : i32
      %dma_wait3A_105 = tpu.memref_slice %arg9[%dma_wait3A_103, %dma_wait3A_104] : memref<128x128xf32, #tpu.memory_space<vmem>> -> memref<128x128xf32, #tpu.memory_space<vmem>>
      %dma_wait3A_106 = arith.constant 0 : i32
      %dma_wait3A_107 = tpu.memref_slice %arg11[%add3A_85, %dma_wait3A_106] : memref<10112x128xf32, #tpu.memory_space<vmem_shared>> -> memref<128x128xf32, #tpu.memory_space<vmem_shared>>
      %dma_wait3A_108 = arith.constant 0 : i32
      %dma_wait3A_109 = arith.constant 0 : i32
      %dma_wait3A_110 = tpu.memref_slice %arg9[%dma_wait3A_108, %dma_wait3A_109] : memref<128x128xf32, #tpu.memory_space<vmem>> -> memref<128x128xf32, #tpu.memory_space<vmem>>
      %dma_wait3A_111 = arith.constant 0 : i32
      %dma_wait3A_112 = tpu.memref_slice %arg11[%add3A_85, %dma_wait3A_111] : memref<10112x128xf32, #tpu.memory_space<vmem_shared>> -> memref<128x128xf32, #tpu.memory_space<vmem_shared>>
      tpu.wait_dma2 semaphore(%run_scoped3A_92 : memref<!tpu.dma_semaphore, #tpu.memory_space<semaphore_mem>>) src(%dma_wait3A_112 : memref<128x128xf32, #tpu.memory_space<vmem_shared>>) dst(%dma_wait3A_110 : memref<128x128xf32, #tpu.memory_space<vmem>>)
      tpu.yield
    }) : () -> ()
    "tpu.region"() ({
      %run_scoped3A_92 = tpu.sem_alloc : memref<!tpu.dma_semaphore, #tpu.memory_space<semaphore_mem>>
      %dma_start3A_93 = arith.constant 0 : i32
      %dma_start3A_94 = arith.constant 0 : i32
      %dma_start3A_95 = tpu.memref_slice %arg9[%dma_start3A_93, %dma_start3A_94] : memref<128x128xf32, #tpu.memory_space<vmem>> -> memref<128x128xf32, #tpu.memory_space<vmem>>
      %dma_start3A_96 = arith.constant 0 : i32
      %dma_start3A_97 = tpu.memref_slice %arg6[%arg0, %add3A_85, %dma_start3A_96] : memref<2x10112x128xf32, #tpu.memory_space<hbm>> -> memref<1x128x128xf32, #tpu.memory_space<hbm>>
      %dma_start3A_98 = tpu.memref_squeeze %dma_start3A_97 : memref<1x128x128xf32, #tpu.memory_space<hbm>> -> memref<128x128xf32, #tpu.memory_space<hbm>>
      %dma_start3A_99 = arith.constant 0 : i32
      %dma_start3A_100 = tpu.memref_slice %arg6[%arg0, %add3A_85, %dma_start3A_99] : memref<2x10112x128xf32, #tpu.memory_space<hbm>> -> memref<1x128x128xf32, #tpu.memory_space<hbm>>
      %dma_start3A_101 = tpu.memref_squeeze %dma_start3A_100 : memref<1x128x128xf32, #tpu.memory_space<hbm>> -> memref<128x128xf32, #tpu.memory_space<hbm>>
      %dma_start3A_102 = arith.constant 0 : i32
      %dma_start3A_103 = arith.constant 0 : i32
      %dma_start3A_104 = tpu.memref_slice %arg9[%dma_start3A_102, %dma_start3A_103] : memref<128x128xf32, #tpu.memory_space<vmem>> -> memref<128x128xf32, #tpu.memory_space<vmem>>
      tpu.enqueue_dma source(%dma_start3A_104 : memref<128x128xf32, #tpu.memory_space<vmem>>) target(%dma_start3A_101 : memref<128x128xf32, #tpu.memory_space<hbm>>) target_semaphore(%run_scoped3A_92 : memref<!tpu.dma_semaphore, #tpu.memory_space<semaphore_mem>>)
      %dma_wait3A_105 = arith.constant 0 : i32
      %dma_wait3A_106 = arith.constant 0 : i32
      %dma_wait3A_107 = tpu.memref_slice %arg9[%dma_wait3A_105, %dma_wait3A_106] : memref<128x128xf32, #tpu.memory_space<vmem>> -> memref<128x128xf32, #tpu.memory_space<vmem>>
      %dma_wait3A_108 = arith.constant 0 : i32
      %dma_wait3A_109 = tpu.memref_slice %arg6[%arg0, %add3A_85, %dma_wait3A_108] : memref<2x10112x128xf32, #tpu.memory_space<hbm>> -> memref<1x128x128xf32, #tpu.memory_space<hbm>>
      %dma_wait3A_110 = tpu.memref_squeeze %dma_wait3A_109 : memref<1x128x128xf32, #tpu.memory_space<hbm>> -> memref<128x128xf32, #tpu.memory_space<hbm>>
      %dma_wait3A_111 = arith.constant 0 : i32
      %dma_wait3A_112 = tpu.memref_slice %arg6[%arg0, %add3A_85, %dma_wait3A_111] : memref<2x10112x128xf32, #tpu.memory_space<hbm>> -> memref<1x128x128xf32, #tpu.memory_space<hbm>>
      %dma_wait3A_113 = tpu.memref_squeeze %dma_wait3A_112 : memref<1x128x128xf32, #tpu.memory_space<hbm>> -> memref<128x128xf32, #tpu.memory_space<hbm>>
      %dma_wait3A_114 = arith.constant 0 : i32
      %dma_wait3A_115 = arith.constant 0 : i32
      %dma_wait3A_116 = tpu.memref_slice %arg9[%dma_wait3A_114, %dma_wait3A_115] : memref<128x128xf32, #tpu.memory_space<vmem>> -> memref<128x128xf32, #tpu.memory_space<vmem>>
      tpu.wait_dma2 semaphore(%run_scoped3A_92 : memref<!tpu.dma_semaphore, #tpu.memory_space<semaphore_mem>>) src(%dma_wait3A_116 : memref<128x128xf32, #tpu.memory_space<vmem>>) dst(%dma_wait3A_113 : memref<128x128xf32, #tpu.memory_space<hbm>>)
      tpu.yield
    }) : () -> ()
    %add3A_86 = arith.constant 256 : i32
    %add3A_87 = arith.addi %mul3A_2, %add3A_86 : i32
    "tpu.region"() ({
      %run_scoped3A_92 = tpu.sem_alloc : memref<!tpu.dma_semaphore, #tpu.memory_space<semaphore_mem>>
      %dma_start3A_93 = arith.constant 0 : i32
      %dma_start3A_94 = arith.constant 0 : i32
      %dma_start3A_95 = tpu.memref_slice %arg9[%dma_start3A_93, %dma_start3A_94] : memref<128x128xf32, #tpu.memory_space<vmem>> -> memref<128x128xf32, #tpu.memory_space<vmem>>
      %dma_start3A_96 = arith.constant 0 : i32
      %dma_start3A_97 = tpu.memref_slice %arg11[%add3A_87, %dma_start3A_96] : memref<10112x128xf32, #tpu.memory_space<vmem_shared>> -> memref<128x128xf32, #tpu.memory_space<vmem_shared>>
      %dma_start3A_98 = arith.constant 0 : i32
      %dma_start3A_99 = arith.constant 0 : i32
      %dma_start3A_100 = tpu.memref_slice %arg9[%dma_start3A_98, %dma_start3A_99] : memref<128x128xf32, #tpu.memory_space<vmem>> -> memref<128x128xf32, #tpu.memory_space<vmem>>
      %dma_start3A_101 = arith.constant 0 : i32
      %dma_start3A_102 = tpu.memref_slice %arg11[%add3A_87, %dma_start3A_101] : memref<10112x128xf32, #tpu.memory_space<vmem_shared>> -> memref<128x128xf32, #tpu.memory_space<vmem_shared>>
      tpu.enqueue_dma source(%dma_start3A_102 : memref<128x128xf32, #tpu.memory_space<vmem_shared>>) target(%dma_start3A_100 : memref<128x128xf32, #tpu.memory_space<vmem>>) target_semaphore(%run_scoped3A_92 : memref<!tpu.dma_semaphore, #tpu.memory_space<semaphore_mem>>)
      %dma_wait3A_103 = arith.constant 0 : i32
      %dma_wait3A_104 = arith.constant 0 : i32
      %dma_wait3A_105 = tpu.memref_slice %arg9[%dma_wait3A_103, %dma_wait3A_104] : memref<128x128xf32, #tpu.memory_space<vmem>> -> memref<128x128xf32, #tpu.memory_space<vmem>>
      %dma_wait3A_106 = arith.constant 0 : i32
      %dma_wait3A_107 = tpu.memref_slice %arg11[%add3A_87, %dma_wait3A_106] : memref<10112x128xf32, #tpu.memory_space<vmem_shared>> -> memref<128x128xf32, #tpu.memory_space<vmem_shared>>
      %dma_wait3A_108 = arith.constant 0 : i32
      %dma_wait3A_109 = arith.constant 0 : i32
      %dma_wait3A_110 = tpu.memref_slice %arg9[%dma_wait3A_108, %dma_wait3A_109] : memref<128x128xf32, #tpu.memory_space<vmem>> -> memref<128x128xf32, #tpu.memory_space<vmem>>
      %dma_wait3A_111 = arith.constant 0 : i32
      %dma_wait3A_112 = tpu.memref_slice %arg11[%add3A_87, %dma_wait3A_111] : memref<10112x128xf32, #tpu.memory_space<vmem_shared>> -> memref<128x128xf32, #tpu.memory_space<vmem_shared>>
      tpu.wait_dma2 semaphore(%run_scoped3A_92 : memref<!tpu.dma_semaphore, #tpu.memory_space<semaphore_mem>>) src(%dma_wait3A_112 : memref<128x128xf32, #tpu.memory_space<vmem_shared>>) dst(%dma_wait3A_110 : memref<128x128xf32, #tpu.memory_space<vmem>>)
      tpu.yield
    }) : () -> ()
    "tpu.region"() ({
      %run_scoped3A_92 = tpu.sem_alloc : memref<!tpu.dma_semaphore, #tpu.memory_space<semaphore_mem>>
      %dma_start3A_93 = arith.constant 0 : i32
      %dma_start3A_94 = arith.constant 0 : i32
      %dma_start3A_95 = tpu.memref_slice %arg9[%dma_start3A_93, %dma_start3A_94] : memref<128x128xf32, #tpu.memory_space<vmem>> -> memref<128x128xf32, #tpu.memory_space<vmem>>
      %dma_start3A_96 = arith.constant 0 : i32
      %dma_start3A_97 = tpu.memref_slice %arg6[%arg0, %add3A_87, %dma_start3A_96] : memref<2x10112x128xf32, #tpu.memory_space<hbm>> -> memref<1x128x128xf32, #tpu.memory_space<hbm>>
      %dma_start3A_98 = tpu.memref_squeeze %dma_start3A_97 : memref<1x128x128xf32, #tpu.memory_space<hbm>> -> memref<128x128xf32, #tpu.memory_space<hbm>>
      %dma_start3A_99 = arith.constant 0 : i32
      %dma_start3A_100 = tpu.memref_slice %arg6[%arg0, %add3A_87, %dma_start3A_99] : memref<2x10112x128xf32, #tpu.memory_space<hbm>> -> memref<1x128x128xf32, #tpu.memory_space<hbm>>
      %dma_start3A_101 = tpu.memref_squeeze %dma_start3A_100 : memref<1x128x128xf32, #tpu.memory_space<hbm>> -> memref<128x128xf32, #tpu.memory_space<hbm>>
      %dma_start3A_102 = arith.constant 0 : i32
      %dma_start3A_103 = arith.constant 0 : i32
      %dma_start3A_104 = tpu.memref_slice %arg9[%dma_start3A_102, %dma_start3A_103] : memref<128x128xf32, #tpu.memory_space<vmem>> -> memref<128x128xf32, #tpu.memory_space<vmem>>
      tpu.enqueue_dma source(%dma_start3A_104 : memref<128x128xf32, #tpu.memory_space<vmem>>) target(%dma_start3A_101 : memref<128x128xf32, #tpu.memory_space<hbm>>) target_semaphore(%run_scoped3A_92 : memref<!tpu.dma_semaphore, #tpu.memory_space<semaphore_mem>>)
      %dma_wait3A_105 = arith.constant 0 : i32
      %dma_wait3A_106 = arith.constant 0 : i32
      %dma_wait3A_107 = tpu.memref_slice %arg9[%dma_wait3A_105, %dma_wait3A_106] : memref<128x128xf32, #tpu.memory_space<vmem>> -> memref<128x128xf32, #tpu.memory_space<vmem>>
      %dma_wait3A_108 = arith.constant 0 : i32
      %dma_wait3A_109 = tpu.memref_slice %arg6[%arg0, %add3A_87, %dma_wait3A_108] : memref<2x10112x128xf32, #tpu.memory_space<hbm>> -> memref<1x128x128xf32, #tpu.memory_space<hbm>>
      %dma_wait3A_110 = tpu.memref_squeeze %dma_wait3A_109 : memref<1x128x128xf32, #tpu.memory_space<hbm>> -> memref<128x128xf32, #tpu.memory_space<hbm>>
      %dma_wait3A_111 = arith.constant 0 : i32
      %dma_wait3A_112 = tpu.memref_slice %arg6[%arg0, %add3A_87, %dma_wait3A_111] : memref<2x10112x128xf32, #tpu.memory_space<hbm>> -> memref<1x128x128xf32, #tpu.memory_space<hbm>>
      %dma_wait3A_113 = tpu.memref_squeeze %dma_wait3A_112 : memref<1x128x128xf32, #tpu.memory_space<hbm>> -> memref<128x128xf32, #tpu.memory_space<hbm>>
      %dma_wait3A_114 = arith.constant 0 : i32
      %dma_wait3A_115 = arith.constant 0 : i32
      %dma_wait3A_116 = tpu.memref_slice %arg9[%dma_wait3A_114, %dma_wait3A_115] : memref<128x128xf32, #tpu.memory_space<vmem>> -> memref<128x128xf32, #tpu.memory_space<vmem>>
      tpu.wait_dma2 semaphore(%run_scoped3A_92 : memref<!tpu.dma_semaphore, #tpu.memory_space<semaphore_mem>>) src(%dma_wait3A_116 : memref<128x128xf32, #tpu.memory_space<vmem>>) dst(%dma_wait3A_113 : memref<128x128xf32, #tpu.memory_space<hbm>>)
      tpu.yield
    }) : () -> ()
    %add3A_88 = arith.constant 384 : i32
    %add3A_89 = arith.addi %mul3A_2, %add3A_88 : i32
    "tpu.region"() ({
      %run_scoped3A_92 = tpu.sem_alloc : memref<!tpu.dma_semaphore, #tpu.memory_space<semaphore_mem>>
      %dma_start3A_93 = arith.constant 0 : i32
      %dma_start3A_94 = arith.constant 0 : i32
      %dma_start3A_95 = tpu.memref_slice %arg9[%dma_start3A_93, %dma_start3A_94] : memref<128x128xf32, #tpu.memory_space<vmem>> -> memref<128x128xf32, #tpu.memory_space<vmem>>
      %dma_start3A_96 = arith.constant 0 : i32
      %dma_start3A_97 = tpu.memref_slice %arg11[%add3A_89, %dma_start3A_96] : memref<10112x128xf32, #tpu.memory_space<vmem_shared>> -> memref<128x128xf32, #tpu.memory_space<vmem_shared>>
      %dma_start3A_98 = arith.constant 0 : i32
      %dma_start3A_99 = arith.constant 0 : i32
      %dma_start3A_100 = tpu.memref_slice %arg9[%dma_start3A_98, %dma_start3A_99] : memref<128x128xf32, #tpu.memory_space<vmem>> -> memref<128x128xf32, #tpu.memory_space<vmem>>
      %dma_start3A_101 = arith.constant 0 : i32
      %dma_start3A_102 = tpu.memref_slice %arg11[%add3A_89, %dma_start3A_101] : memref<10112x128xf32, #tpu.memory_space<vmem_shared>> -> memref<128x128xf32, #tpu.memory_space<vmem_shared>>
      tpu.enqueue_dma source(%dma_start3A_102 : memref<128x128xf32, #tpu.memory_space<vmem_shared>>) target(%dma_start3A_100 : memref<128x128xf32, #tpu.memory_space<vmem>>) target_semaphore(%run_scoped3A_92 : memref<!tpu.dma_semaphore, #tpu.memory_space<semaphore_mem>>)
      %dma_wait3A_103 = arith.constant 0 : i32
      %dma_wait3A_104 = arith.constant 0 : i32
      %dma_wait3A_105 = tpu.memref_slice %arg9[%dma_wait3A_103, %dma_wait3A_104] : memref<128x128xf32, #tpu.memory_space<vmem>> -> memref<128x128xf32, #tpu.memory_space<vmem>>
      %dma_wait3A_106 = arith.constant 0 : i32
      %dma_wait3A_107 = tpu.memref_slice %arg11[%add3A_89, %dma_wait3A_106] : memref<10112x128xf32, #tpu.memory_space<vmem_shared>> -> memref<128x128xf32, #tpu.memory_space<vmem_shared>>
      %dma_wait3A_108 = arith.constant 0 : i32
      %dma_wait3A_109 = arith.constant 0 : i32
      %dma_wait3A_110 = tpu.memref_slice %arg9[%dma_wait3A_108, %dma_wait3A_109] : memref<128x128xf32, #tpu.memory_space<vmem>> -> memref<128x128xf32, #tpu.memory_space<vmem>>
      %dma_wait3A_111 = arith.constant 0 : i32
      %dma_wait3A_112 = tpu.memref_slice %arg11[%add3A_89, %dma_wait3A_111] : memref<10112x128xf32, #tpu.memory_space<vmem_shared>> -> memref<128x128xf32, #tpu.memory_space<vmem_shared>>
      tpu.wait_dma2 semaphore(%run_scoped3A_92 : memref<!tpu.dma_semaphore, #tpu.memory_space<semaphore_mem>>) src(%dma_wait3A_112 : memref<128x128xf32, #tpu.memory_space<vmem_shared>>) dst(%dma_wait3A_110 : memref<128x128xf32, #tpu.memory_space<vmem>>)
      tpu.yield
    }) : () -> ()
    "tpu.region"() ({
      %run_scoped3A_92 = tpu.sem_alloc : memref<!tpu.dma_semaphore, #tpu.memory_space<semaphore_mem>>
      %dma_start3A_93 = arith.constant 0 : i32
      %dma_start3A_94 = arith.constant 0 : i32
      %dma_start3A_95 = tpu.memref_slice %arg9[%dma_start3A_93, %dma_start3A_94] : memref<128x128xf32, #tpu.memory_space<vmem>> -> memref<128x128xf32, #tpu.memory_space<vmem>>
      %dma_start3A_96 = arith.constant 0 : i32
      %dma_start3A_97 = tpu.memref_slice %arg6[%arg0, %add3A_89, %dma_start3A_96] : memref<2x10112x128xf32, #tpu.memory_space<hbm>> -> memref<1x128x128xf32, #tpu.memory_space<hbm>>
      %dma_start3A_98 = tpu.memref_squeeze %dma_start3A_97 : memref<1x128x128xf32, #tpu.memory_space<hbm>> -> memref<128x128xf32, #tpu.memory_space<hbm>>
      %dma_start3A_99 = arith.constant 0 : i32
      %dma_start3A_100 = tpu.memref_slice %arg6[%arg0, %add3A_89, %dma_start3A_99] : memref<2x10112x128xf32, #tpu.memory_space<hbm>> -> memref<1x128x128xf32, #tpu.memory_space<hbm>>
      %dma_start3A_101 = tpu.memref_squeeze %dma_start3A_100 : memref<1x128x128xf32, #tpu.memory_space<hbm>> -> memref<128x128xf32, #tpu.memory_space<hbm>>
      %dma_start3A_102 = arith.constant 0 : i32
      %dma_start3A_103 = arith.constant 0 : i32
      %dma_start3A_104 = tpu.memref_slice %arg9[%dma_start3A_102, %dma_start3A_103] : memref<128x128xf32, #tpu.memory_space<vmem>> -> memref<128x128xf32, #tpu.memory_space<vmem>>
      tpu.enqueue_dma source(%dma_start3A_104 : memref<128x128xf32, #tpu.memory_space<vmem>>) target(%dma_start3A_101 : memref<128x128xf32, #tpu.memory_space<hbm>>) target_semaphore(%run_scoped3A_92 : memref<!tpu.dma_semaphore, #tpu.memory_space<semaphore_mem>>)
      %dma_wait3A_105 = arith.constant 0 : i32
      %dma_wait3A_106 = arith.constant 0 : i32
      %dma_wait3A_107 = tpu.memref_slice %arg9[%dma_wait3A_105, %dma_wait3A_106] : memref<128x128xf32, #tpu.memory_space<vmem>> -> memref<128x128xf32, #tpu.memory_space<vmem>>
      %dma_wait3A_108 = arith.constant 0 : i32
      %dma_wait3A_109 = tpu.memref_slice %arg6[%arg0, %add3A_89, %dma_wait3A_108] : memref<2x10112x128xf32, #tpu.memory_space<hbm>> -> memref<1x128x128xf32, #tpu.memory_space<hbm>>
      %dma_wait3A_110 = tpu.memref_squeeze %dma_wait3A_109 : memref<1x128x128xf32, #tpu.memory_space<hbm>> -> memref<128x128xf32, #tpu.memory_space<hbm>>
      %dma_wait3A_111 = arith.constant 0 : i32
      %dma_wait3A_112 = tpu.memref_slice %arg6[%arg0, %add3A_89, %dma_wait3A_111] : memref<2x10112x128xf32, #tpu.memory_space<hbm>> -> memref<1x128x128xf32, #tpu.memory_space<hbm>>
      %dma_wait3A_113 = tpu.memref_squeeze %dma_wait3A_112 : memref<1x128x128xf32, #tpu.memory_space<hbm>> -> memref<128x128xf32, #tpu.memory_space<hbm>>
      %dma_wait3A_114 = arith.constant 0 : i32
      %dma_wait3A_115 = arith.constant 0 : i32
      %dma_wait3A_116 = tpu.memref_slice %arg9[%dma_wait3A_114, %dma_wait3A_115] : memref<128x128xf32, #tpu.memory_space<vmem>> -> memref<128x128xf32, #tpu.memory_space<vmem>>
      tpu.wait_dma2 semaphore(%run_scoped3A_92 : memref<!tpu.dma_semaphore, #tpu.memory_space<semaphore_mem>>) src(%dma_wait3A_116 : memref<128x128xf32, #tpu.memory_space<vmem>>) dst(%dma_wait3A_113 : memref<128x128xf32, #tpu.memory_space<hbm>>)
      tpu.yield
    }) : () -> ()
    %add3A_90 = arith.constant 512 : i32
    %add3A_91 = arith.addi %mul3A_2, %add3A_90 : i32
    "tpu.region"() ({
      %run_scoped3A_92 = tpu.sem_alloc : memref<!tpu.dma_semaphore, #tpu.memory_space<semaphore_mem>>
      %dma_start3A_93 = arith.constant 0 : i32
      %dma_start3A_94 = arith.constant 0 : i32
      %dma_start3A_95 = tpu.memref_slice %arg9[%dma_start3A_93, %dma_start3A_94] : memref<128x128xf32, #tpu.memory_space<vmem>> -> memref<120x128xf32, #tpu.memory_space<vmem>>
      %dma_start3A_96 = arith.constant 0 : i32
      %dma_start3A_97 = tpu.memref_slice %arg11[%add3A_91, %dma_start3A_96] : memref<10112x128xf32, #tpu.memory_space<vmem_shared>> -> memref<120x128xf32, #tpu.memory_space<vmem_shared>>
      %dma_start3A_98 = arith.constant 0 : i32
      %dma_start3A_99 = arith.constant 0 : i32
      %dma_start3A_100 = tpu.memref_slice %arg9[%dma_start3A_98, %dma_start3A_99] : memref<128x128xf32, #tpu.memory_space<vmem>> -> memref<120x128xf32, #tpu.memory_space<vmem>>
      %dma_start3A_101 = arith.constant 0 : i32
      %dma_start3A_102 = tpu.memref_slice %arg11[%add3A_91, %dma_start3A_101] : memref<10112x128xf32, #tpu.memory_space<vmem_shared>> -> memref<120x128xf32, #tpu.memory_space<vmem_shared>>
      tpu.enqueue_dma source(%dma_start3A_102 : memref<120x128xf32, #tpu.memory_space<vmem_shared>>) target(%dma_start3A_100 : memref<120x128xf32, #tpu.memory_space<vmem>>) target_semaphore(%run_scoped3A_92 : memref<!tpu.dma_semaphore, #tpu.memory_space<semaphore_mem>>)
      %dma_wait3A_103 = arith.constant 0 : i32
      %dma_wait3A_104 = arith.constant 0 : i32
      %dma_wait3A_105 = tpu.memref_slice %arg9[%dma_wait3A_103, %dma_wait3A_104] : memref<128x128xf32, #tpu.memory_space<vmem>> -> memref<120x128xf32, #tpu.memory_space<vmem>>
      %dma_wait3A_106 = arith.constant 0 : i32
      %dma_wait3A_107 = tpu.memref_slice %arg11[%add3A_91, %dma_wait3A_106] : memref<10112x128xf32, #tpu.memory_space<vmem_shared>> -> memref<120x128xf32, #tpu.memory_space<vmem_shared>>
      %dma_wait3A_108 = arith.constant 0 : i32
      %dma_wait3A_109 = arith.constant 0 : i32
      %dma_wait3A_110 = tpu.memref_slice %arg9[%dma_wait3A_108, %dma_wait3A_109] : memref<128x128xf32, #tpu.memory_space<vmem>> -> memref<120x128xf32, #tpu.memory_space<vmem>>
      %dma_wait3A_111 = arith.constant 0 : i32
      %dma_wait3A_112 = tpu.memref_slice %arg11[%add3A_91, %dma_wait3A_111] : memref<10112x128xf32, #tpu.memory_space<vmem_shared>> -> memref<120x128xf32, #tpu.memory_space<vmem_shared>>
      tpu.wait_dma2 semaphore(%run_scoped3A_92 : memref<!tpu.dma_semaphore, #tpu.memory_space<semaphore_mem>>) src(%dma_wait3A_112 : memref<120x128xf32, #tpu.memory_space<vmem_shared>>) dst(%dma_wait3A_110 : memref<120x128xf32, #tpu.memory_space<vmem>>)
      tpu.yield
    }) : () -> ()
    "tpu.region"() ({
      %run_scoped3A_92 = tpu.sem_alloc : memref<!tpu.dma_semaphore, #tpu.memory_space<semaphore_mem>>
      %dma_start3A_93 = arith.constant 0 : i32
      %dma_start3A_94 = arith.constant 0 : i32
      %dma_start3A_95 = tpu.memref_slice %arg9[%dma_start3A_93, %dma_start3A_94] : memref<128x128xf32, #tpu.memory_space<vmem>> -> memref<120x128xf32, #tpu.memory_space<vmem>>
      %dma_start3A_96 = arith.constant 0 : i32
      %dma_start3A_97 = tpu.memref_slice %arg6[%arg0, %add3A_91, %dma_start3A_96] : memref<2x10112x128xf32, #tpu.memory_space<hbm>> -> memref<1x120x128xf32, #tpu.memory_space<hbm>>
      %dma_start3A_98 = tpu.memref_squeeze %dma_start3A_97 : memref<1x120x128xf32, #tpu.memory_space<hbm>> -> memref<120x128xf32, #tpu.memory_space<hbm>>
      %dma_start3A_99 = arith.constant 0 : i32
      %dma_start3A_100 = tpu.memref_slice %arg6[%arg0, %add3A_91, %dma_start3A_99] : memref<2x10112x128xf32, #tpu.memory_space<hbm>> -> memref<1x120x128xf32, #tpu.memory_space<hbm>>
      %dma_start3A_101 = tpu.memref_squeeze %dma_start3A_100 : memref<1x120x128xf32, #tpu.memory_space<hbm>> -> memref<120x128xf32, #tpu.memory_space<hbm>>
      %dma_start3A_102 = arith.constant 0 : i32
      %dma_start3A_103 = arith.constant 0 : i32
      %dma_start3A_104 = tpu.memref_slice %arg9[%dma_start3A_102, %dma_start3A_103] : memref<128x128xf32, #tpu.memory_space<vmem>> -> memref<120x128xf32, #tpu.memory_space<vmem>>
      tpu.enqueue_dma source(%dma_start3A_104 : memref<120x128xf32, #tpu.memory_space<vmem>>) target(%dma_start3A_101 : memref<120x128xf32, #tpu.memory_space<hbm>>) target_semaphore(%run_scoped3A_92 : memref<!tpu.dma_semaphore, #tpu.memory_space<semaphore_mem>>)
      %dma_wait3A_105 = arith.constant 0 : i32
      %dma_wait3A_106 = arith.constant 0 : i32
      %dma_wait3A_107 = tpu.memref_slice %arg9[%dma_wait3A_105, %dma_wait3A_106] : memref<128x128xf32, #tpu.memory_space<vmem>> -> memref<120x128xf32, #tpu.memory_space<vmem>>
      %dma_wait3A_108 = arith.constant 0 : i32
      %dma_wait3A_109 = tpu.memref_slice %arg6[%arg0, %add3A_91, %dma_wait3A_108] : memref<2x10112x128xf32, #tpu.memory_space<hbm>> -> memref<1x120x128xf32, #tpu.memory_space<hbm>>
      %dma_wait3A_110 = tpu.memref_squeeze %dma_wait3A_109 : memref<1x120x128xf32, #tpu.memory_space<hbm>> -> memref<120x128xf32, #tpu.memory_space<hbm>>
      %dma_wait3A_111 = arith.constant 0 : i32
      %dma_wait3A_112 = tpu.memref_slice %arg6[%arg0, %add3A_91, %dma_wait3A_111] : memref<2x10112x128xf32, #tpu.memory_space<hbm>> -> memref<1x120x128xf32, #tpu.memory_space<hbm>>
      %dma_wait3A_113 = tpu.memref_squeeze %dma_wait3A_112 : memref<1x120x128xf32, #tpu.memory_space<hbm>> -> memref<120x128xf32, #tpu.memory_space<hbm>>
      %dma_wait3A_114 = arith.constant 0 : i32
      %dma_wait3A_115 = arith.constant 0 : i32
      %dma_wait3A_116 = tpu.memref_slice %arg9[%dma_wait3A_114, %dma_wait3A_115] : memref<128x128xf32, #tpu.memory_space<vmem>> -> memref<120x128xf32, #tpu.memory_space<vmem>>
      tpu.wait_dma2 semaphore(%run_scoped3A_92 : memref<!tpu.dma_semaphore, #tpu.memory_space<semaphore_mem>>) src(%dma_wait3A_116 : memref<120x128xf32, #tpu.memory_space<vmem>>) dst(%dma_wait3A_113 : memref<120x128xf32, #tpu.memory_space<hbm>>)
      tpu.yield
    }) : () -> ()
    return
  }
}

module attributes {stable_mosaic.version = 14 : i64} {
  func.func @_tc_pre_body(%arg0: i32, %arg1: memref<2528x128xf32, #tpu.memory_space<vmem>>, %arg2: memref<2528x16xf32, #tpu.memory_space<vmem>>, %arg3: memref<2528x16xf32, #tpu.memory_space<vmem>>, %arg4: memref<128x128xf32, #tpu.memory_space<vmem>>, %arg5: memref<2528x128xf32, #tpu.memory_space<vmem>>) attributes {dimension_semantics = [#tpu.dimension_semantics<arbitrary>], iteration_bounds = array<i64: 4>, scalar_prefetch = 0 : i64, scratch_operands = 0 : i64, tpu.core_type = #tpu.core_type<tc>, window_params = [{transform_indices = @transform_0, window_bounds = array<i64: 2528, 128>}, {transform_indices = @transform_1, window_bounds = array<i64: 2528, 16>}, {transform_indices = @transform_2, window_bounds = array<i64: 2528, 16>}, {pipeline_mode = #tpu.pipeline_mode<synchronous>, transform_indices = @transform_3, window_bounds = array<i64: 128, 128>}, {transform_indices = @transform_4, window_bounds = array<i64: 2528, 128>}]} {
    %get3A = arith.constant 0 : index
    %get3A_0 = arith.constant 0 : index
    %get3A_1 = vector.load %arg2[%get3A, %get3A_0] : memref<2528x16xf32, #tpu.memory_space<vmem>>, vector<2528x1xf32>
    %get3A_2 = arith.constant 0 : index
    %get3A_3 = arith.constant 0 : index
    %get3A_4 = vector.load %arg3[%get3A_2, %get3A_3] : memref<2528x16xf32, #tpu.memory_space<vmem>>, vector<2528x1xf32>
    %add3A = arith.addf %get3A_1, %get3A_4 : vector<2528x1xf32>
    %max3A = arith.constant 1.000000e+00 : f32
    %max3A_5 = vector.broadcast %max3A : f32 to vector<2528x1xf32>
    %max3A_6 = arith.maximumf %add3A, %max3A_5 : vector<2528x1xf32>
    %rsqrt3A = math.rsqrt %max3A_6 : vector<2528x1xf32>
    %get3A_7 = arith.constant 0 : index
    %get3A_8 = arith.constant 0 : index
    %get3A_9 = vector.load %arg1[%get3A_7, %get3A_8] : memref<2528x128xf32, #tpu.memory_space<vmem>>, vector<2528x128xf32>
    %mul3A = vector.broadcast %rsqrt3A : vector<2528x1xf32> to vector<2528x128xf32>
    %mul3A_10 = arith.mulf %get3A_9, %mul3A : vector<2528x128xf32>
    %get3A_11 = arith.constant 0 : index
    %get3A_12 = arith.constant 0 : index
    %get3A_13 = vector.load %arg4[%get3A_11, %get3A_12] : memref<128x128xf32, #tpu.memory_space<vmem>>, vector<128x128xf32>
    %dot_general3A = arith.constant dense<0.000000e+00> : vector<2528x128xf32>
    %dot_general3A_14 = tpu.matmul %mul3A_10, %get3A_13, %dot_general3A {dimension_numbers = #tpu.dot_dimension_numbers<[1], [0], [0], [1], [0, 0, 1, 1], [], []>, transpose_lhs_hint = false} : vector<2528x128xf32>, vector<128x128xf32>, vector<2528x128xf32> -> vector<2528x128xf32>
    %swap3A = arith.constant 0 : index
    %swap3A_15 = arith.constant 0 : index
    %swap3A_16 = vector.load %arg5[%swap3A, %swap3A_15] : memref<2528x128xf32, #tpu.memory_space<vmem>>, vector<2528x128xf32>
    tpu.vector_store %arg5[%swap3A, %swap3A_15], %dot_general3A_14 {strides = array<i32>} : memref<2528x128xf32, #tpu.memory_space<vmem>>, vector<2528x128xf32>,
    return
  }
  func.func @transform_0(%arg0: i32) -> (i32, i32) {
    %c0_i32 = arith.constant 0 : i32
    %c0_i32_0 = arith.constant 0 : i32
    return %arg0, %c0_i32 : i32, i32
  }
  func.func @transform_1(%arg0: i32) -> (i32, i32) {
    %c0_i32 = arith.constant 0 : i32
    %c0_i32_0 = arith.constant 0 : i32
    return %arg0, %c0_i32 : i32, i32
  }
  func.func @transform_2(%arg0: i32) -> (i32, i32) {
    %c0_i32 = arith.constant 0 : i32
    %c0_i32_0 = arith.constant 0 : i32
    return %arg0, %c0_i32 : i32, i32
  }
  func.func @transform_3(%arg0: i32) -> (i32, i32) {
    %c0_i32 = arith.constant 0 : i32
    %c0_i32_0 = arith.constant 0 : i32
    %c0_i32_1 = arith.constant 0 : i32
    return %c0_i32, %c0_i32_0 : i32, i32
  }
  func.func @transform_4(%arg0: i32) -> (i32, i32) {
    %c0_i32 = arith.constant 0 : i32
    %c0_i32_0 = arith.constant 0 : i32
    return %arg0, %c0_i32 : i32, i32
  }
}

module attributes {stable_mosaic.version = 14 : i64} {
  func.func @_tc_mid_body(%arg0: i32, %arg1: memref<2528x128xf32, #tpu.memory_space<vmem>>, %arg2: memref<2528x128xf32, #tpu.memory_space<vmem>>, %arg3: memref<2528x16xf32, #tpu.memory_space<vmem>>, %arg4: memref<2528x16xf32, #tpu.memory_space<vmem>>, %arg5: memref<2528x16xf32, #tpu.memory_space<vmem>>, %arg6: memref<2528x16xf32, #tpu.memory_space<vmem>>, %arg7: memref<1x128xf32, #tpu.memory_space<vmem>>, %arg8: memref<128x64xf32, #tpu.memory_space<vmem>>, %arg9: memref<2528x64xf32, #tpu.memory_space<vmem>>) attributes {dimension_semantics = [#tpu.dimension_semantics<arbitrary>], iteration_bounds = array<i64: 4>, scalar_prefetch = 0 : i64, scratch_operands = 0 : i64, tpu.core_type = #tpu.core_type<tc>, window_params = [{transform_indices = @transform_0, window_bounds = array<i64: 2528, 128>}, {transform_indices = @transform_1, window_bounds = array<i64: 2528, 128>}, {transform_indices = @transform_2, window_bounds = array<i64: 2528, 16>}, {transform_indices = @transform_3, window_bounds = array<i64: 2528, 16>}, {transform_indices = @transform_4, window_bounds = array<i64: 2528, 16>}, {transform_indices = @transform_5, window_bounds = array<i64: 2528, 16>}, {pipeline_mode = #tpu.pipeline_mode<synchronous>, transform_indices = @transform_6, window_bounds = array<i64: 1, 128>}, {pipeline_mode = #tpu.pipeline_mode<synchronous>, transform_indices = @transform_7, window_bounds = array<i64: 128, 64>}, {transform_indices = @transform_8, window_bounds = array<i64: 2528, 64>}]} {
    %get3A = arith.constant 0 : index
    %get3A_0 = arith.constant 0 : index
    %get3A_1 = vector.load %arg3[%get3A, %get3A_0] : memref<2528x16xf32, #tpu.memory_space<vmem>>, vector<2528x1xf32>
    %get3A_2 = arith.constant 0 : index
    %get3A_3 = arith.constant 0 : index
    %get3A_4 = vector.load %arg4[%get3A_2, %get3A_3] : memref<2528x16xf32, #tpu.memory_space<vmem>>, vector<2528x1xf32>
    %add3A = arith.addf %get3A_1, %get3A_4 : vector<2528x1xf32>
    %max3A = arith.constant 1.000000e+00 : f32
    %max3A_5 = vector.broadcast %max3A : f32 to vector<2528x1xf32>
    %max3A_6 = arith.maximumf %add3A, %max3A_5 : vector<2528x1xf32>
    %rsqrt3A = math.rsqrt %max3A_6 : vector<2528x1xf32>
    %get3A_7 = arith.constant 0 : index
    %get3A_8 = arith.constant 0 : index
    %get3A_9 = vector.load %arg5[%get3A_7, %get3A_8] : memref<2528x16xf32, #tpu.memory_space<vmem>>, vector<2528x1xf32>
    %get3A_10 = arith.constant 0 : index
    %get3A_11 = arith.constant 0 : index
    %get3A_12 = vector.load %arg6[%get3A_10, %get3A_11] : memref<2528x16xf32, #tpu.memory_space<vmem>>, vector<2528x1xf32>
    %add3A_13 = arith.addf %get3A_9, %get3A_12 : vector<2528x1xf32>
    %max3A_14 = arith.constant 1.000000e+00 : f32
    %max3A_15 = vector.broadcast %max3A_14 : f32 to vector<2528x1xf32>
    %max3A_16 = arith.maximumf %add3A_13, %max3A_15 : vector<2528x1xf32>
    %rsqrt3A_17 = math.rsqrt %max3A_16 : vector<2528x1xf32>
    %get3A_18 = arith.constant 0 : index
    %get3A_19 = arith.constant 0 : index
    %get3A_20 = vector.load %arg1[%get3A_18, %get3A_19] : memref<2528x128xf32, #tpu.memory_space<vmem>>, vector<2528x128xf32>
    %get3A_21 = arith.constant 0 : index
    %get3A_22 = arith.constant 0 : index
    %get3A_23 = vector.load %arg2[%get3A_21, %get3A_22] : memref<2528x128xf32, #tpu.memory_space<vmem>>, vector<2528x128xf32>
    %add3A_24 = arith.addf %get3A_20, %get3A_23 : vector<2528x128xf32>
    %mul3A = vector.broadcast %rsqrt3A : vector<2528x1xf32> to vector<2528x128xf32>
    %mul3A_25 = arith.mulf %add3A_24, %mul3A : vector<2528x128xf32>
    %get3A_26 = arith.constant 0 : index
    %get3A_27 = arith.constant 0 : index
    %get3A_28 = vector.load %arg7[%get3A_26, %get3A_27] : memref<1x128xf32, #tpu.memory_space<vmem>>, vector<1x128xf32>
    %add3A_29 = vector.broadcast %get3A_28 : vector<1x128xf32> to vector<2528x128xf32>
    %add3A_30 = arith.addf %mul3A_25, %add3A_29 : vector<2528x128xf32>
    %max3A_31 = arith.constant 0.000000e+00 : f32
    %max3A_32 = vector.broadcast %max3A_31 : f32 to vector<2528x128xf32>
    %max3A_33 = arith.maximumf %add3A_30, %max3A_32 : vector<2528x128xf32>
    %mul3A_34 = vector.broadcast %rsqrt3A_17 : vector<2528x1xf32> to vector<2528x128xf32>
    %mul3A_35 = arith.mulf %max3A_33, %mul3A_34 : vector<2528x128xf32>
    %get3A_36 = arith.constant 0 : index
    %get3A_37 = arith.constant 0 : index
    %get3A_38 = vector.load %arg8[%get3A_36, %get3A_37] : memref<128x64xf32, #tpu.memory_space<vmem>>, vector<128x64xf32>
    %dot_general3A = arith.constant dense<0.000000e+00> : vector<2528x64xf32>
    %dot_general3A_39 = tpu.matmul %mul3A_35, %get3A_38, %dot_general3A {dimension_numbers = #tpu.dot_dimension_numbers<[1], [0], [0], [1], [0, 0, 1, 1], [], []>, transpose_lhs_hint = false} : vector<2528x128xf32>, vector<128x64xf32>, vector<2528x64xf32> -> vector<2528x64xf32>
    %swap3A = arith.constant 0 : index
    %swap3A_40 = arith.constant 0 : index
    %swap3A_41 = vector.load %arg9[%swap3A, %swap3A_40] : memref<2528x64xf32, #tpu.memory_space<vmem>>, vector<2528x64xf32>
    tpu.vector_store %arg9[%swap3A, %swap3A_40], %dot_general3A_39 {strides = array<i32>} : memref<2528x64xf32, #tpu.memory_space<vmem>>, vector<2528x64xf32>,
    return
  }
  func.func @transform_0(%arg0: i32) -> (i32, i32) {
    %c0_i32 = arith.constant 0 : i32
    %c0_i32_0 = arith.constant 0 : i32
    return %arg0, %c0_i32 : i32, i32
  }
  func.func @transform_1(%arg0: i32) -> (i32, i32) {
    %c0_i32 = arith.constant 0 : i32
    %c0_i32_0 = arith.constant 0 : i32
    return %arg0, %c0_i32 : i32, i32
  }
  func.func @transform_2(%arg0: i32) -> (i32, i32) {
    %c0_i32 = arith.constant 0 : i32
    %c0_i32_0 = arith.constant 0 : i32
    return %arg0, %c0_i32 : i32, i32
  }
  func.func @transform_3(%arg0: i32) -> (i32, i32) {
    %c0_i32 = arith.constant 0 : i32
    %c0_i32_0 = arith.constant 0 : i32
    return %arg0, %c0_i32 : i32, i32
  }
  func.func @transform_4(%arg0: i32) -> (i32, i32) {
    %c0_i32 = arith.constant 0 : i32
    %c0_i32_0 = arith.constant 0 : i32
    return %arg0, %c0_i32 : i32, i32
  }
  func.func @transform_5(%arg0: i32) -> (i32, i32) {
    %c0_i32 = arith.constant 0 : i32
    %c0_i32_0 = arith.constant 0 : i32
    return %arg0, %c0_i32 : i32, i32
  }
  func.func @transform_6(%arg0: i32) -> (i32, i32) {
    %c0_i32 = arith.constant 0 : i32
    %c0_i32_0 = arith.constant 0 : i32
    %c0_i32_1 = arith.constant 0 : i32
    return %c0_i32, %c0_i32_0 : i32, i32
  }
  func.func @transform_7(%arg0: i32) -> (i32, i32) {
    %c0_i32 = arith.constant 0 : i32
    %c0_i32_0 = arith.constant 0 : i32
    %c0_i32_1 = arith.constant 0 : i32
    return %c0_i32, %c0_i32_0 : i32, i32
  }
  func.func @transform_8(%arg0: i32) -> (i32, i32) {
    %c0_i32 = arith.constant 0 : i32
    %c0_i32_0 = arith.constant 0 : i32
    return %arg0, %c0_i32 : i32, i32
  }
}

module attributes {stable_mosaic.version = 14 : i64} {
  func.func @_tc_fin_body(%arg0: i32, %arg1: memref<2528x64xf32, #tpu.memory_space<vmem>>, %arg2: memref<2528x64xf32, #tpu.memory_space<vmem>>, %arg3: memref<2528x16xf32, #tpu.memory_space<vmem>>, %arg4: memref<2528x16xf32, #tpu.memory_space<vmem>>, %arg5: memref<1x64xf32, #tpu.memory_space<vmem>>, %arg6: memref<2528x64xf32, #tpu.memory_space<vmem>>) attributes {dimension_semantics = [#tpu.dimension_semantics<arbitrary>], iteration_bounds = array<i64: 4>, scalar_prefetch = 0 : i64, scratch_operands = 0 : i64, tpu.core_type = #tpu.core_type<tc>, window_params = [{transform_indices = @transform_0, window_bounds = array<i64: 2528, 64>}, {transform_indices = @transform_1, window_bounds = array<i64: 2528, 64>}, {transform_indices = @transform_2, window_bounds = array<i64: 2528, 16>}, {transform_indices = @transform_3, window_bounds = array<i64: 2528, 16>}, {pipeline_mode = #tpu.pipeline_mode<synchronous>, transform_indices = @transform_4, window_bounds = array<i64: 1, 64>}, {transform_indices = @transform_5, window_bounds = array<i64: 2528, 64>}]} {
    %get3A = arith.constant 0 : index
    %get3A_0 = arith.constant 0 : index
    %get3A_1 = vector.load %arg3[%get3A, %get3A_0] : memref<2528x16xf32, #tpu.memory_space<vmem>>, vector<2528x1xf32>
    %get3A_2 = arith.constant 0 : index
    %get3A_3 = arith.constant 0 : index
    %get3A_4 = vector.load %arg4[%get3A_2, %get3A_3] : memref<2528x16xf32, #tpu.memory_space<vmem>>, vector<2528x1xf32>
    %add3A = arith.addf %get3A_1, %get3A_4 : vector<2528x1xf32>
    %max3A = arith.constant 1.000000e+00 : f32
    %max3A_5 = vector.broadcast %max3A : f32 to vector<2528x1xf32>
    %max3A_6 = arith.maximumf %add3A, %max3A_5 : vector<2528x1xf32>
    %rsqrt3A = math.rsqrt %max3A_6 : vector<2528x1xf32>
    %get3A_7 = arith.constant 0 : index
    %get3A_8 = arith.constant 0 : index
    %get3A_9 = vector.load %arg1[%get3A_7, %get3A_8] : memref<2528x64xf32, #tpu.memory_space<vmem>>, vector<2528x64xf32>
    %get3A_10 = arith.constant 0 : index
    %get3A_11 = arith.constant 0 : index
    %get3A_12 = vector.load %arg2[%get3A_10, %get3A_11] : memref<2528x64xf32, #tpu.memory_space<vmem>>, vector<2528x64xf32>
    %add3A_13 = arith.addf %get3A_9, %get3A_12 : vector<2528x64xf32>
    %mul3A = vector.broadcast %rsqrt3A : vector<2528x1xf32> to vector<2528x64xf32>
    %mul3A_14 = arith.mulf %add3A_13, %mul3A : vector<2528x64xf32>
    %get3A_15 = arith.constant 0 : index
    %get3A_16 = arith.constant 0 : index
    %get3A_17 = vector.load %arg5[%get3A_15, %get3A_16] : memref<1x64xf32, #tpu.memory_space<vmem>>, vector<1x64xf32>
    %add3A_18 = vector.broadcast %get3A_17 : vector<1x64xf32> to vector<2528x64xf32>
    %add3A_19 = arith.addf %mul3A_14, %add3A_18 : vector<2528x64xf32>
    %swap3A = arith.constant 0 : index
    %swap3A_20 = arith.constant 0 : index
    %swap3A_21 = vector.load %arg6[%swap3A, %swap3A_20] : memref<2528x64xf32, #tpu.memory_space<vmem>>, vector<2528x64xf32>
    tpu.vector_store %arg6[%swap3A, %swap3A_20], %add3A_19 {strides = array<i32>} : memref<2528x64xf32, #tpu.memory_space<vmem>>, vector<2528x64xf32>,
    return
  }
  func.func @transform_0(%arg0: i32) -> (i32, i32) {
    %c0_i32 = arith.constant 0 : i32
    %c0_i32_0 = arith.constant 0 : i32
    return %arg0, %c0_i32 : i32, i32
  }
  func.func @transform_1(%arg0: i32) -> (i32, i32) {
    %c0_i32 = arith.constant 0 : i32
    %c0_i32_0 = arith.constant 0 : i32
    return %arg0, %c0_i32 : i32, i32
  }
  func.func @transform_2(%arg0: i32) -> (i32, i32) {
    %c0_i32 = arith.constant 0 : i32
    %c0_i32_0 = arith.constant 0 : i32
    return %arg0, %c0_i32 : i32, i32
  }
  func.func @transform_3(%arg0: i32) -> (i32, i32) {
    %c0_i32 = arith.constant 0 : i32
    %c0_i32_0 = arith.constant 0 : i32
    return %arg0, %c0_i32 : i32, i32
  }
  func.func @transform_4(%arg0: i32) -> (i32, i32) {
    %c0_i32 = arith.constant 0 : i32
    %c0_i32_0 = arith.constant 0 : i32
    %c0_i32_1 = arith.constant 0 : i32
    return %c0_i32, %c0_i32_0 : i32, i32
  }
  func.func @transform_5(%arg0: i32) -> (i32, i32) {
    %c0_i32 = arith.constant 0 : i32
    %c0_i32_0 = arith.constant 0 : i32
    return %arg0, %c0_i32 : i32, i32
  }
}

</mosaic_0001>

<sc_bundles>
// kernel: kernel.11.cloned.1.call-start
scs
__scs_entry_jumppad:
0x0: {  	(pc) =	sbr.rel $0x88, $3  }
0x1: {  	(tag) =	ssettag $0x0;
	lr =	simm.s32 $0x1  }
0x2: {  	[smem:$0x3F9B] =	sst lr;
	_ =	strace $0xD0000000  }
0x3: {  	_ = 	snop  }
0x4: {  	_ = 	snop  }
0x5: {  	_ = 	snop  }
0x6: {  	_ = 	snop  }
0x7: {  	_ = 	snop  }
__scs_overlays_trampoline_lowered:
0x8: {  	[smem:$0x3FAA] =	sst s0  }
0x9: {  	[smem:$0x3FAB] =	sst s1  }
0xa: {  	[smem:$0x3FAC] =	sst s2  }
0xb: {  	[smem:$0x3FAD] =	sst s3  }
0xc: {  	[smem:$0x3FAE] =	sst s4  }
0xd: {  	[smem:$0x3FAF] =	sst s5  }
0xe: {  	[smem:$0x3FB0] =	sst s6  }
0xf: {  	[smem:$0x3FB1] =	sst s7  }
0x10: {  	[smem:$0x3FB2] =	sst s8  }
0x11: {  	[smem:$0x3FB3] =	sst s9;
	s0 =	simm.s32 @!p0 $0x0  }
0x12: {  	s1 =	sld [smem:$0x3F99];
	s0 =	simm.s32 @p0 $0x1  }
0x13: {  	[smem:$0x3FB4] =	sst s0;
	s0 =	simm.s32 @!p1 $0x0  }
0x14: {  	s2 =	sld [smem:$0x3F98];
	s0 =	simm.s32 @p1 $0x1  }
0x15: {  	[smem:$0x3FB5] =	sst s0;
	s0 =	simm.s32 @!p2 $0x0  }
0x16: {  	s3 =	sld [smem:$0x3FDB];
	s0 =	simm.s32 @p2 $0x1  }
0x17: {  	s4 =	simm.s32 $0x1BF5;
	[smem:$0x3FB7] =	sst s0  }
0x18: {  	s0 =	sld [smem:$0x3F9A];
	_ =	swait.ge [sflag:s4], $0x0  }
0x19: {  	s7 =	sld [smem:$0x3F9B]  }
0x1a: {  	s8 =	sadd.s32 $0xFFFFE003, lr  }
0x1b: {  	s9 =	sadd.s32 $0xFFFFFEF7, lr;
	s5 =	simm.s32 $0xFFFFFFFF;
	p2 =	slt.u32 s8, $0xFFFFF086  }
0x1c: {  	p1 =	slt.u32 s9, $0xF7A;
	s5 =	simm.s32 @!p2 $0x0  }
0x1d: {  	s5 =	simm.s32 @p1 $0x1;
	p0 =	seq.s32 s7, s2  }
0x1e: {  	s7 =	smul.u32 @!p0 $0xF7A, s2;
	p2 =	seq.s32 @!p0 s5, $0x0  }
0x1f: {  	s9 =	smul.u32 $0xF7A, s1;
	s8 =	simm.s32 @!p0 $0x1BF5;
	p2 =	por !p2, p0  }
0x20: {  	[sflag:s8] =	ssyncset.s32 @!p0 $0xFFFFF086;
	s6 =	sadd.s32 @!p0 s3, s7;
	s7 =	simm.s32 @!p0 $0x108  }
0x21: {  	s3 =	sadd.s32 s3, s9;
	s6 =	sadd.s32 @!p0 $0x88, s6;
	s7 =	simm.s32 @p2 $0x1082  }
0x22: {  	[simem:s7], [sflag:s8] =	dma.local @!p0 [hbm:s6], $0xF7A  }
0x23: {  	s9 =	sor.u32 $0xD0000000, s2;
	s6 =	simm.s32 $0x108;
	_ =	swait.ge @!p0 [sflag:s8], $0x0  }
0x24: {  	s3 =	sadd.s32 $0x88, s3;
	s6 =	simm.s32 @!p1 $0x1082;
	[sflag:s4] =	ssyncset.s32 $0xFFFFF086  }
0x25: {  	[simem:s6], [sflag:s4] =	dma.local [hbm:s3], $0xF7A  }
0x26: {  	[smem:$0x3F9B] =	sst s1;
	(tag) =	ssettag s2;
	_ =	strace s9  }
0x27: {  	s1 =	sld [smem:$0x3FAB]  }
0x28: {  	s2 =	sld [smem:$0x3FAC]  }
0x29: {  	s4 =	sld [smem:$0x3FAE]  }
0x2a: {  	p0 =	seq.s32 s5, $0x0;
	s5 =	sld [smem:$0x3FAF]  }
0x2b: {  	s6 =	sld [smem:$0x3FB0]  }
0x2c: {  	s7 =	sld [smem:$0x3FB1]  }
0x2d: {  	s3 =	simm.s32 $0x108;
	s8 =	sld [smem:$0x3FB2]  }
0x2e: {  	s3 =	simm.s32 @!p0 $0x1082;
	s9 =	sld [smem:$0x3FB3]  }
0x2f: {  	lr =	sadd.s32 s0, s3;
	s0 =	sld [smem:$0x3FAA]  }
0x30: {  	s3 =	sld [smem:$0x3FAD]  }
0x31: {  	[smem:$0x3FB6] =	sst s10  }
0x32: {  	s10 =	sld [smem:$0x3FB4];
	_ =	sdelay $0x3  }
0x33: {  	p0 =	seq.s32 s10, $0x1;
	s10 =	sld [smem:$0x3FB6];
	_ =	sdelay $0x3  }
0x34: {  	[smem:$0x3FB6] =	sst s10  }
0x35: {  	s10 =	sld [smem:$0x3FB5];
	_ =	sdelay $0x3  }
0x36: {  	p1 =	seq.s32 s10, $0x1;
	s10 =	sld [smem:$0x3FB6];
	_ =	sdelay $0x3  }
0x37: {  	[smem:$0x3FB6] =	sst s10  }
0x38: {  	s10 =	sld [smem:$0x3FB7]  }
0x39: {  	_ = 	snop;
	(pc) =	sbr.ind lr, $3  }
0x3a: {  	_ = 	snop  }
0x3b: {  	_ = 	snop  }
0x3c: {  	p2 =	seq.s32 s10, $0x1;
	s10 =	sld [smem:$0x3FB6]  }
0x3d: {  	_ =	shalt  }
0x3e: {  	_ =	shalt  }
0x3f: {  	_ =	shalt  }
0x40: {  	_ =	shalt  }
0x41: {  	_ =	shalt  }
0x42: {  	_ =	shalt  }
0x43: {  	_ =	shalt  }
0x44: {  	_ =	shalt  }
0x45: {  	_ =	shalt  }
0x46: {  	_ =	shalt  }
0x47: {  	_ =	shalt  }
0x48: {  	_ =	shalt  }
0x49: {  	_ =	shalt  }
0x4a: {  	_ =	shalt  }
0x4b: {  	_ =	shalt  }
0x4c: {  	_ =	shalt  }
0x4d: {  	_ =	shalt  }
0x4e: {  	_ =	shalt  }
0x4f: {  	_ =	shalt  }
0x50: {  	_ =	shalt  }
0x51: {  	_ =	shalt  }
0x52: {  	_ =	shalt  }
0x53: {  	_ =	shalt  }
0x54: {  	_ =	shalt  }
0x55: {  	_ =	shalt  }
0x56: {  	_ =	shalt  }
0x57: {  	_ =	shalt  }
0x58: {  	_ =	shalt  }
0x59: {  	_ =	shalt  }
0x5a: {  	_ =	shalt  }
0x5b: {  	_ =	shalt  }
0x5c: {  	_ =	shalt  }
0x5d: {  	_ =	shalt  }
0x5e: {  	_ =	shalt  }
0x5f: {  	_ =	shalt  }
0x60: {  	_ =	shalt  }
0x61: {  	_ =	shalt  }
0x62: {  	_ =	shalt  }
0x63: {  	_ =	shalt  }
0x64: {  	_ =	shalt  }
0x65: {  	_ =	shalt  }
0x66: {  	_ =	shalt  }
0x67: {  	_ =	shalt  }
0x68: {  	_ =	shalt  }
0x69: {  	_ =	shalt  }
0x6a: {  	_ =	shalt  }
0x6b: {  	_ =	shalt  }
0x6c: {  	_ =	shalt  }
0x6d: {  	_ =	shalt  }
0x6e: {  	_ =	shalt  }
0x6f: {  	_ =	shalt  }
0x70: {  	_ =	shalt  }
0x71: {  	_ =	shalt  }
0x72: {  	_ =	shalt  }
0x73: {  	_ =	shalt  }
0x74: {  	_ =	shalt  }
0x75: {  	_ =	shalt  }
0x76: {  	_ =	shalt  }
0x77: {  	_ =	shalt  }
0x78: {  	_ =	shalt  }
0x79: {  	_ =	shalt  }
0x7a: {  	_ =	shalt  }
0x7b: {  	_ =	shalt  }
0x7c: {  	_ =	shalt  }
0x7d: {  	_ =	shalt  }
0x7e: {  	_ =	shalt  }
0x7f: {  	_ =	shalt  }
0x80: {  	_ =	shalt  }
0x81: {  	_ =	shalt  }
0x82: {  	_ =	shalt  }
0x83: {  	_ =	shalt  }
0x84: {  	_ =	shalt  }
0x85: {  	_ =	shalt  }
0x86: {  	_ =	shalt  }
0x87: {  	_ =	shalt  }
.Lfunc_end0:
.L_simem_size_0:
called_computation.1_lowered:
.L_overlay_start_0:
0x88: {  	s2 =	sld [smem:$0x3FD9]  }
0x89: {  	s3 =	sld [smem:$0x3FFE];
	_ =	sdelay $0x1  }
0x8a: {  	s1 =	srdreg.scid  }
0x8b: {  	s0 =	sand.u32 $0x1, s1  }
0x8c: {  	s17 =	sshll.u32 s0, $0xA;
	s2 =	sadd.s32 s3, s2  }
0x8d: {  	s2 =	sadd.s32 s2, s17  }
0x8e: {  	[smem:$0x3FC2] =	sst s2  }
0x8f: {  	_ = 	snop  }
0x90: {  	s2 =	sld [smem:$0x3FD0];
	(tm) =	ssettm $0x1  }
0x91: {  	s18 =	sld [smem:$0x3FFB];
	_ =	sdelay $0x3  }
0x92: {  	_ =	strace s18  }
0x93: {  	s3 =	sld [smem:$0x3FFC];
	_ =	sdelay $0x3  }
0x94: {  	_ =	strace s3  }
0x95: {  	s3 =	sld [smem:$0x3FFD];
	_ =	sdelay $0x3  }
0x96: {  	_ =	strace s3  }
0x97: {  	_ =	strace $0x8FFFFFFF  }
0x98: {  	s19 =	sld [smem:$0x3FDB];
	_ =	sdelay $0x1  }
0x99: {  	s4 =	simm.s32 $_scs_section_size  }
0x9a: {  	s5 =	simm.s32 $_size__tile_overlayer_lowered;
	s6 =	simm.s32 $_tile_overlayer_lowered  }
0x9b: {  	s22 =	simm.s32 $0x1BFF;
	s21 =	sshll.u32 s6, $0x1;
	s3 =	sadd.s32 s4, s19  }
0x9c: {  	s7 =	simm.s32 $0x0;
	s20 =	sshll.u32 s5, $0x1;
	s5 =	sadd.s32 s21, s3  }
0x9d: {  	[timem:s7], [sflag:s22] =	dma.local [hbm:s5], s20  }
0x9e: {  	_ =	swait.ge [sflag:s22], s20  }
0x9f: {  	s4 =	ssub.s32 $0x0, s20;
	[sflag:s22] =	ssyncset.done $0x0  }
0xa0: {  	[sflag:s22] =	ssyncadd.s32 s4;
	_ =	sdelay $0x1  }
0xa1: {  	s23 =	simm.s32 $0x1B8B  }
0xa2: {  	_ =	swait.ge [sflag:s23], $0x1  }
0xa3: {  	[sflag:s23] =	ssyncset.done $0x0  }
0xa4: {  	s25 =	simm.s32 $0x1B8E;
	s24 =	sld [smem:$0x3FFE];
	[sflag:s23] =	ssyncadd.s32 $0xFFFFFFFF  }
0xa5: {  	s26 =	simm.s32 $execute0_lowered;
	[smem:$0x3FD2] =	sst s25  }
0xa6: {  	s5 =	sshll.u32 s26, $0x1;
	_ =	strace $0x80000049;
	[dreg:$0x1] =	wrdreg $0xFFFFFFFF  }
0xa7: {  	s28 =	simm.s32 $_size_execute0_lowered;
	s3 =	sadd.s32 s3, s5;
	[dreg:$0x0] =	wrdreg $0x0  }
0xa8: {  	s5 =	sshll.u32 s28, $0x1;
	[dreg:$0x2] =	wrdreg s3  }
0xa9: {  	[dreg:$0x3] =	wrdreg s5  }
0xaa: {  	[dreg:$0x4] =	wrdreg $0xC0  }
0xab: {  	_ =	task [dreg:s7], $0x5FFFF  }
0xac: {  	[dreg:$0x1] =	wrdreg $0xFFFFFFFF  }
0xad: {  	[dreg:$0x0] =	wrdreg $0x60  }
0xae: {  	[dreg:$0x2] =	wrdreg s24  }
0xaf: {  	[dreg:$0x3] =	wrdreg s2  }
0xb0: {  	[dreg:$0x4] =	wrdreg $0xA8000  }
0xb1: {  	[dreg:$0x5] =	wrdreg $0x9  }
0xb2: {  	_ =	task.clear_ibuf [dreg:s7], $0x6FFFF;
	_ =	strace $0x90000049  }
0xb3: {  	s29 =	simm.s32 $0x9;
	_ =	strace $0x8000004B  }
0xb4: {  	_ =	swait.ge [sflag:s29], $0x1  }
0xb5: {  	[sflag:s29] =	ssyncadd.s32 $0xFFFFFFFF  }
0xb6: {  	_ =	strace $0x9000004B  }
0xb7: {  	_ =	sfence  }
0xb8: {  	s30 =	sld [smem:$0x0];
	_ =	sdelay $0x2  }
0xb9: {  	s31 =	sshll.u32 s1, $0xD;
	s1 =	sshrl.u32 s1, $0x2  }
0xba: {  	s3 =	sand.u32 $0x4000, s31;
	s1 =	sadd.s32 s1, s30  }
0xbb: {  	s0 =	sor.u32 s3, s0;
	s1 =	sshll.u32 s1, $0x11  }
0xbc: {  	s0 =	sor.u32 s1, s0  }
0xbd: {  	s0 =	sadd.s32 $0x8F2B, s0  }
0xbe: {  	[sflag:s0] =	ssyncadd.remote.s32 $0x1  }
0xbf: {  	_ =	sfence.sel $0xFFFF  }
0xc0: {  	[dreg:$0x0] =	wrdreg $0xFFFFFFFF;
	(pc) =	sbr.abs _section_cstart, $3  }
0xc1: {  	[dreg:$0x1] =	wrdreg $0xFFFFFFFF  }
0xc2: {  	_ =	task.clear_ibuf [dreg:s7], $0x2FFFF;
	_ =	strace $0x9FFFFFFF  }
0xc3: {  	(tm) =	ssettm $0x7FFFFFFF  }
tec
execute0_lowered:
.L_overlay_start_1:
0x0: {  	(tag) =	ssettag $0x1  }
0x1: {  	s0 =	rddreg [dreg:$0x0]  }
0x2: {  	s2 =	rddreg [dreg:$0x2];
	s3 =	simm.s32 $0x0;
	s4 =	srdreg.scid  }
0x3: {  	s1 =	stileid.u32;
	s22 =	simm.s32 $0x3;
	s23 =	simm.s32 $0x1400  }
0x4: {  	s24 =	simm.s32 $0x80;
	s25 =	simm.s32 $0x6800;
	s28 =	simm.s32 $0x2  }
0x5: {  	s29 =	simm.s32 $0x2700;
	s30 =	simm.s32 $0x2780;
	s31 =	simm.s32 $0x0  }
0x6: {  	[smem:$0x7FF] =	sst s3;
	s5 =	sadd.s32 $0xB5000, s0;
	s13 =	sadd.s32 $0xD000, s0  }
0x7: {  	s4 =	sand.u32 $0x1, s4;
	s14 =	sadd.s32 $0x3000, s0;
	s15 =	smul.u32 $0x13C00, s1  }
0x8: {  	s0 =	sadd.s32 $0xDC800, s0;
	_ =	strace $0x8000004A;
	s6 =	ssub.s32 $0x2, s4  }
0x9: {  	s8 =	sshll.u32 s4, $0x4;
	s4 =	smul.u32 $0x13C000, s4;
	s7 =	sshrl.u32 s6, $0x1  }
0xa: {  	s26 =	sor.u32 s1, s8;
	s16 =	sadd.s32 $0x4000, s15;
	s17 =	sadd.s32 $0x8000, s15  }
0xb: {  	s18 =	sadd.s32 $0xC000, s15;
	s19 =	sadd.s32 $0x10000, s15;
	s20 =	ssub.s32 s6, s7  }
0xc: {  	s6 =	sadd.s32 s15, s2;
	s9 =	smul.u32 $0x2800, s26;
	s7 =	sadd.s32 s16, s2  }
0xd: {  	s8 =	sadd.s32 s17, s2;
	s10 =	sadd.s32 s19, s2;
	s15 =	sadd.s32 s15, s4  }
0xe: {  	s16 =	sadd.s32 s4, s16;
	s17 =	sadd.s32 s4, s17;
	s26 =	simm.s32 $0x1  }
0xf: {  	s15 =	sshrl.u32 s15, $0x3;
	s16 =	sshrl.u32 s16, $0x3;
	s17 =	sshrl.u32 s17, $0x3  }
0x10: {  	s20 =	smax.u32 s20, $0x1;
	s21 =	sshrl.u32 s9, $0x3;
	s9 =	sadd.s32 s18, s2  }
0x11: {  	s15 =	sadd.s32 s0, s15;
	s16 =	sadd.s32 s0, s16;
	s18 =	sadd.s32 s4, s18  }
0x12: {  	s4 =	sadd.s32 s4, s19;
	s17 =	sadd.s32 s0, s17;
	s11 =	sadd.s32 s13, s21  }
0x13: {  	s12 =	sadd.s32 s14, s21;
	s21 =	sadd.s32 $0x280, s21;
	s18 =	sshrl.u32 s18, $0x3  }
0x14: {  	s4 =	sshrl.u32 s4, $0x3;
	s13 =	sadd.s32 s13, s21;
	s14 =	sadd.s32 s14, s21  }
0x15: {  	s18 =	sadd.s32 s0, s18;
	s19 =	sadd.s32 s0, s4;
	s21 =	simm.s32 $0x2800  }
.LBB2_1:
0x16: {  	s0 =	rddreg [dreg:$0x1]  }
0x17: {  	[tilespmem:s21], [sflag:$0x3] =	stream.linear.gather [hbm4b:s0+s3], $0x4000, $0x38;
	[tilespmem:$0x1E400] =	vst v63  }
0x18: {  	_ =	swait.ge [sflag:s22], $0x4000  }
0x19: {  	[sflag:s22] =	ssyncset.done $0x0  }
0x1a: {  	[sflag:s22] =	ssyncadd.s32 $0xFFFFC000  }
0x1b: {  	[spmem:s6] =	stream.linear.scatter [tilespmem:s21], [sflag:$0x3], $0x4000, $0x38;
	[tilespmem:$0x1E400] =	vst v63  }
0x1c: {  	_ =	swait.ge [sflag:s22], $0x4000  }
0x1d: {  	[sflag:s22] =	ssyncset.done $0x0  }
0x1e: {  	[sflag:s22] =	ssyncadd.s32 $0xFFFFC000  }
0x1f: {  	[spmem:s7] =	stream.linear.scatter [tilespmem:s21], [sflag:$0x3], $0x4000, $0x38;
	[tilespmem:$0x1E400] =	vst v63  }
0x20: {  	_ =	swait.ge [sflag:s22], $0x4000  }
0x21: {  	[sflag:s22] =	ssyncset.done $0x0  }
0x22: {  	[sflag:s22] =	ssyncadd.s32 $0xFFFFC000  }
0x23: {  	[spmem:s8] =	stream.linear.scatter [tilespmem:s21], [sflag:$0x3], $0x4000, $0x38;
	[tilespmem:$0x1E400] =	vst v63  }
0x24: {  	_ =	swait.ge [sflag:s22], $0x4000  }
0x25: {  	[sflag:s22] =	ssyncset.done $0x0  }
0x26: {  	[sflag:s22] =	ssyncadd.s32 $0xFFFFC000  }
0x27: {  	[spmem:s9] =	stream.linear.scatter [tilespmem:s21], [sflag:$0x3], $0x4000, $0x38;
	[tilespmem:$0x1E400] =	vst v63  }
0x28: {  	_ =	swait.ge [sflag:s22], $0x4000  }
0x29: {  	[sflag:s22] =	ssyncset.done $0x0  }
0x2a: {  	[sflag:s22] =	ssyncadd.s32 $0xFFFFC000  }
0x2b: {  	[spmem:s10] =	stream.linear.scatter [tilespmem:s21], [sflag:$0x3], $0x3C00, $0x38;
	[tilespmem:$0x1E400] =	vst v63  }
0x2c: {  	_ =	swait.ge [sflag:s22], $0x3C00  }
0x2d: {  	[sflag:s22] =	ssyncset.done $0x0  }
0x2e: {  	[sflag:s22] =	ssyncadd.s32 $0xFFFFC400  }
0x2f: {  	[bflag:$0x0] =	sbarrier.arrive $0xFFFF  }
0x30: {  	[tilespmem:s3], [sflag:$0x3] =	stream.linear.gather [hbm4b:s11+s3], $0x1400, $0x38;
	[tilespmem:$0x1E400] =	vst v63  }
0x31: {  	_ =	swait.ge [sflag:s22], $0x1400  }
0x32: {  	[sflag:s22] =	ssyncset.done $0x0  }
0x33: {  	[sflag:s22] =	ssyncadd.s32 $0xFFFFEC00  }
0x34: {  	[tilespmem:s23], [sflag:$0x3] =	stream.linear.gather [hbm4b:s12+s3], $0x1400, $0x38;
	[tilespmem:$0x1E400] =	vst v63  }
0x35: {  	_ =	swait.ge [sflag:s22], $0x1400  }
0x36: {  	[sflag:s22] =	ssyncset.done $0x0  }
0x37: {  	[sflag:s22] =	ssyncadd.s32 $0xFFFFEC00  }
0x38: {  	[tilespmem:s21], [sflag:$0x1] =	stream.indirect.gather [hbm4b:s5+s24], $0x80, s3, s24, $0xb8;
	[tilespmem:$0x1E400] =	vst v63  }
0x39: {  	_ = 	snop  }
0x3a: {  	[tilespmem:s25], [sflag:$0x2] =	stream.indirect.gather [hbm4b:s5+s24], $0x80, s24, s24, $0xb8;
	[tilespmem:$0x1E400] =	vst v63  }
0x3b: {  	_ =	swait.ge [sflag:s26], $0x4000  }
0x3c: {  	[sflag:s26] =	ssyncset.done $0x0  }
0x3d: {  	s4 =	simm.s32 $0x1400;
	[sflag:s26] =	ssyncadd.s32 $0xFFFFC000  }
0x3e: {  	[spmem:s2] =	stream.indirect.scatter.add.f32 [tilespmem:s21], [sflag:$0x3], $0x80, s4, s24, $0xb8;
	[tilespmem:$0x1E400] =	vst v63  }
0x3f: {  	_ =	swait.ge [sflag:s22], $0x4000  }
0x40: {  	[sflag:s22] =	ssyncset.done $0x0  }
0x41: {  	s1 =	simm.s32 $0x100;
	[sflag:s22] =	ssyncadd.s32 $0xFFFFC000  }
0x42: {  	[tilespmem:s21], [sflag:$0x1] =	stream.indirect.gather [hbm4b:s5+s24], $0x80, s1, s24, $0xb8;
	[tilespmem:$0x1E400] =	vst v63  }
0x43: {  	_ =	swait.ge [sflag:s28], $0x4000  }
0x44: {  	[sflag:s28] =	ssyncset.done $0x0  }
0x45: {  	s4 =	simm.s32 $0x1480;
	[sflag:s28] =	ssyncadd.s32 $0xFFFFC000  }
0x46: {  	[spmem:s2] =	stream.indirect.scatter.add.f32 [tilespmem:s25], [sflag:$0x3], $0x80, s4, s24, $0xb8;
	[tilespmem:$0x1E400] =	vst v63  }
0x47: {  	_ =	swait.ge [sflag:s22], $0x4000  }
0x48: {  	[sflag:s22] =	ssyncset.done $0x0  }
0x49: {  	s0 =	simm.s32 $0x400;
	s4 =	simm.s32 $0x180;
	[sflag:s22] =	ssyncadd.s32 $0xFFFFC000  }
.LBB2_2:
0x4a: {  	[tilespmem:s25], [sflag:$0x2] =	stream.indirect.gather [hbm4b:s5+s24], $0x80, s4, s24, $0xb8;
	[tilespmem:$0x1E400] =	vst v63  }
0x4b: {  	s4 =	smov.u32 s0  }
0x4c: {  	p0 =	sne.s32 s0, $0x4800;
	s0 =	sadd.s32 $0x400, s0;
	_ =	swait.ge [sflag:s26], $0x4000  }
0x4d: {  	s4 =	sshra.s32 s4, $0x2;
	[sflag:s26] =	ssyncset.done $0x0  }
0x4e: {  	s1 =	sadd.s32 $0x1400, s4;
	[sflag:s26] =	ssyncadd.s32 $0xFFFFC000  }
0x4f: {  	[spmem:s2] =	stream.indirect.scatter.add.f32 [tilespmem:s21], [sflag:$0x3], $0x80, s1, s24, $0xb8;
	[tilespmem:$0x1E400] =	vst v63  }
0x50: {  	_ =	swait.ge [sflag:s22], $0x4000  }
0x51: {  	[sflag:s22] =	ssyncset.done $0x0  }
0x52: {  	s1 =	sadd.s32 $0x100, s4;
	[sflag:s22] =	ssyncadd.s32 $0xFFFFC000  }
0x53: {  	[tilespmem:s21], [sflag:$0x1] =	stream.indirect.gather [hbm4b:s5+s24], $0x80, s1, s24, $0xb8;
	[tilespmem:$0x1E400] =	vst v63  }
0x54: {  	_ =	swait.ge [sflag:s28], $0x4000  }
0x55: {  	[sflag:s28] =	ssyncset.done $0x0  }
.Ltmp0:
0x56: {  	s1 =	sadd.s32 $0x1480, s4;
	[sflag:s28] =	ssyncadd.s32 $0xFFFFC000;
	(pc) =	sbr.rel @p0 .LBB2_2-.Ltmp0, $4  }
0x57: {  	[spmem:s2] =	stream.indirect.scatter.add.f32 [tilespmem:s25], [sflag:$0x3], $0x80, s1, s24, $0xb8;
	[tilespmem:$0x1E400] =	vst v63  }
0x58: {  	_ =	swait.ge [sflag:s22], $0x4000  }
0x59: {  	[sflag:s22] =	ssyncset.done $0x0  }
0x5a: {  	s4 =	sadd.s32 $0x180, s4;
	[sflag:s22] =	ssyncadd.s32 $0xFFFFC000  }
0x5b: {  	[tilespmem:s25], [sflag:$0x2] =	stream.indirect.gather [hbm4b:s5+s24], $0x80, s4, s24, $0xb8;
	[tilespmem:$0x1E400] =	vst v63  }
0x5c: {  	_ =	swait.ge [sflag:s26], $0x4000  }
0x5d: {  	[sflag:s26] =	ssyncset.done $0x0  }
0x5e: {  	[sflag:s26] =	ssyncadd.s32 $0xFFFFC000  }
0x5f: {  	[spmem:s2] =	stream.indirect.scatter.add.f32 [tilespmem:s21], [sflag:$0x3], $0x80, s29, s24, $0xb8;
	[tilespmem:$0x1E400] =	vst v63  }
0x60: {  	_ =	swait.ge [sflag:s22], $0x4000  }
0x61: {  	[sflag:s22] =	ssyncset.done $0x0  }
0x62: {  	[sflag:s22] =	ssyncadd.s32 $0xFFFFC000  }
0x63: {  	_ =	swait.ge [sflag:s28], $0x4000  }
0x64: {  	[sflag:s28] =	ssyncset.done $0x0  }
0x65: {  	[sflag:s28] =	ssyncadd.s32 $0xFFFFC000  }
0x66: {  	[spmem:s2] =	stream.indirect.scatter.add.f32 [tilespmem:s25], [sflag:$0x3], $0x80, s30, s24, $0xb8;
	[tilespmem:$0x1E400] =	vst v63  }
0x67: {  	_ =	swait.ge [sflag:s22], $0x4000  }
0x68: {  	[sflag:s22] =	ssyncset.done $0x0  }
0x69: {  	s0 =	simm.s32 $0x0;
	[sflag:s22] =	ssyncadd.s32 $0xFFFFC000  }
0x6a: {  	[tilespmem:s0], [sflag:$0x3] =	stream.linear.gather [hbm4b:s13+s0], $0x1400, $0x38;
	[tilespmem:$0x1E400] =	vst v63  }
0x6b: {  	_ =	swait.ge [sflag:s22], $0x1400  }
0x6c: {  	[sflag:s22] =	ssyncset.done $0x0  }
0x6d: {  	[sflag:s22] =	ssyncadd.s32 $0xFFFFEC00  }
0x6e: {  	[tilespmem:s23], [sflag:$0x3] =	stream.linear.gather [hbm4b:s14+s0], $0x1400, $0x38;
	[tilespmem:$0x1E400] =	vst v63  }
0x6f: {  	_ =	swait.ge [sflag:s22], $0x1400  }
0x70: {  	[sflag:s22] =	ssyncset.done $0x0  }
0x71: {  	[sflag:s22] =	ssyncadd.s32 $0xFFFFEC00  }
0x72: {  	[tilespmem:s21], [sflag:$0x1] =	stream.indirect.gather [hbm4b:s5+s24], $0x80, s0, s24, $0xb8;
	[tilespmem:$0x1E400] =	vst v63  }
0x73: {  	_ = 	snop  }
0x74: {  	[tilespmem:s25], [sflag:$0x2] =	stream.indirect.gather [hbm4b:s5+s24], $0x80, s24, s24, $0xb8;
	[tilespmem:$0x1E400] =	vst v63  }
0x75: {  	_ =	swait.ge [sflag:s26], $0x4000  }
0x76: {  	[sflag:s26] =	ssyncset.done $0x0  }
0x77: {  	s4 =	simm.s32 $0x1400;
	[sflag:s26] =	ssyncadd.s32 $0xFFFFC000  }
0x78: {  	[spmem:s2] =	stream.indirect.scatter.add.f32 [tilespmem:s21], [sflag:$0x3], $0x80, s4, s24, $0xb8;
	[tilespmem:$0x1E400] =	vst v63  }
0x79: {  	_ =	swait.ge [sflag:s22], $0x4000  }
0x7a: {  	[sflag:s22] =	ssyncset.done $0x0  }
0x7b: {  	s1 =	simm.s32 $0x100;
	[sflag:s22] =	ssyncadd.s32 $0xFFFFC000  }
0x7c: {  	[tilespmem:s21], [sflag:$0x1] =	stream.indirect.gather [hbm4b:s5+s24], $0x80, s1, s24, $0xb8;
	[tilespmem:$0x1E400] =	vst v63  }
0x7d: {  	_ =	swait.ge [sflag:s28], $0x4000  }
0x7e: {  	[sflag:s28] =	ssyncset.done $0x0  }
0x7f: {  	s4 =	simm.s32 $0x1480;
	[sflag:s28] =	ssyncadd.s32 $0xFFFFC000  }
0x80: {  	[spmem:s2] =	stream.indirect.scatter.add.f32 [tilespmem:s25], [sflag:$0x3], $0x80, s4, s24, $0xb8;
	[tilespmem:$0x1E400] =	vst v63  }
0x81: {  	_ =	swait.ge [sflag:s22], $0x4000  }
0x82: {  	[sflag:s22] =	ssyncset.done $0x0  }
0x83: {  	s0 =	simm.s32 $0x400;
	s4 =	simm.s32 $0x180;
	[sflag:s22] =	ssyncadd.s32 $0xFFFFC000  }
.LBB2_4:
0x84: {  	[tilespmem:s25], [sflag:$0x2] =	stream.indirect.gather [hbm4b:s5+s24], $0x80, s4, s24, $0xb8;
	[tilespmem:$0x1E400] =	vst v63  }
0x85: {  	s1 =	smov.u32 s0  }
0x86: {  	p0 =	sne.s32 s0, $0x4800;
	s0 =	sadd.s32 $0x400, s0;
	_ =	swait.ge [sflag:s26], $0x4000  }
0x87: {  	s1 =	sshra.s32 s1, $0x2;
	[sflag:s26] =	ssyncset.done $0x0  }
0x88: {  	s4 =	sadd.s32 $0x1400, s1;
	[sflag:s26] =	ssyncadd.s32 $0xFFFFC000  }
0x89: {  	[spmem:s2] =	stream.indirect.scatter.add.f32 [tilespmem:s21], [sflag:$0x3], $0x80, s4, s24, $0xb8;
	[tilespmem:$0x1E400] =	vst v63  }
0x8a: {  	_ =	swait.ge [sflag:s22], $0x4000  }
0x8b: {  	[sflag:s22] =	ssyncset.done $0x0  }
0x8c: {  	s4 =	sadd.s32 $0x100, s1;
	[sflag:s22] =	ssyncadd.s32 $0xFFFFC000  }
0x8d: {  	[tilespmem:s21], [sflag:$0x1] =	stream.indirect.gather [hbm4b:s5+s24], $0x80, s4, s24, $0xb8;
	[tilespmem:$0x1E400] =	vst v63  }
0x8e: {  	_ =	swait.ge [sflag:s28], $0x4000  }
0x8f: {  	[sflag:s28] =	ssyncset.done $0x0  }
.Ltmp1:
0x90: {  	s4 =	sadd.s32 $0x1480, s1;
	[sflag:s28] =	ssyncadd.s32 $0xFFFFC000;
	(pc) =	sbr.rel @p0 .LBB2_4-.Ltmp1, $4  }
0x91: {  	[spmem:s2] =	stream.indirect.scatter.add.f32 [tilespmem:s25], [sflag:$0x3], $0x80, s4, s24, $0xb8;
	[tilespmem:$0x1E400] =	vst v63  }
0x92: {  	_ =	swait.ge [sflag:s22], $0x4000  }
0x93: {  	[sflag:s22] =	ssyncset.done $0x0  }
0x94: {  	s4 =	sadd.s32 $0x180, s1;
	[sflag:s22] =	ssyncadd.s32 $0xFFFFC000  }
0x95: {  	[tilespmem:s25], [sflag:$0x2] =	stream.indirect.gather [hbm4b:s5+s24], $0x80, s4, s24, $0xb8;
	[tilespmem:$0x1E400] =	vst v63  }
0x96: {  	_ =	swait.ge [sflag:s26], $0x4000  }
0x97: {  	[sflag:s26] =	ssyncset.done $0x0  }
0x98: {  	[sflag:s26] =	ssyncadd.s32 $0xFFFFC000  }
0x99: {  	[spmem:s2] =	stream.indirect.scatter.add.f32 [tilespmem:s21], [sflag:$0x3], $0x80, s29, s24, $0xb8;
	[tilespmem:$0x1E400] =	vst v63  }
0x9a: {  	_ =	swait.ge [sflag:s22], $0x4000  }
0x9b: {  	[sflag:s22] =	ssyncset.done $0x0  }
0x9c: {  	[sflag:s22] =	ssyncadd.s32 $0xFFFFC000  }
0x9d: {  	_ =	swait.ge [sflag:s28], $0x4000  }
0x9e: {  	[sflag:s28] =	ssyncset.done $0x0  }
0x9f: {  	[sflag:s28] =	ssyncadd.s32 $0xFFFFC000  }
0xa0: {  	[spmem:s2] =	stream.indirect.scatter.add.f32 [tilespmem:s25], [sflag:$0x3], $0x80, s30, s24, $0xb8;
	[tilespmem:$0x1E400] =	vst v63  }
0xa1: {  	_ =	swait.ge [sflag:s22], $0x4000  }
0xa2: {  	[sflag:s22] =	ssyncset.done $0x0  }
0xa3: {  	[sflag:s22] =	ssyncadd.s32 $0xFFFFC000  }
0xa4: {  	[bflag:$0x0] =	sbarrier.arrive $0xFFFF  }
0xa5: {  	[tilespmem:s21], [sflag:$0x3] =	stream.linear.gather [spmem:s6], $0x4000, $0x38;
	[tilespmem:$0x1E400] =	vst v63  }
0xa6: {  	_ =	swait.ge [sflag:s22], $0x4000  }
0xa7: {  	[sflag:s22] =	ssyncset.done $0x0  }
0xa8: {  	[sflag:s22] =	ssyncadd.s32 $0xFFFFC000  }
0xa9: {  	[hbm4b:s15+s3] =	stream.linear.scatter [tilespmem:s21], [sflag:$0x3], $0x4000, $0x38;
	[tilespmem:$0x1E400] =	vst v63  }
0xaa: {  	_ =	swait.ge [sflag:s22], $0x4000  }
0xab: {  	[sflag:s22] =	ssyncset.done $0x0  }
0xac: {  	[sflag:s22] =	ssyncadd.s32 $0xFFFFC000  }
0xad: {  	[tilespmem:s21], [sflag:$0x3] =	stream.linear.gather [spmem:s7], $0x4000, $0x38;
	[tilespmem:$0x1E400] =	vst v63  }
0xae: {  	_ =	swait.ge [sflag:s22], $0x4000  }
0xaf: {  	[sflag:s22] =	ssyncset.done $0x0  }
0xb0: {  	[sflag:s22] =	ssyncadd.s32 $0xFFFFC000  }
0xb1: {  	[hbm4b:s16+s3] =	stream.linear.scatter [tilespmem:s21], [sflag:$0x3], $0x4000, $0x38;
	[tilespmem:$0x1E400] =	vst v63  }
0xb2: {  	_ =	swait.ge [sflag:s22], $0x4000  }
0xb3: {  	[sflag:s22] =	ssyncset.done $0x0  }
0xb4: {  	[sflag:s22] =	ssyncadd.s32 $0xFFFFC000  }
0xb5: {  	[tilespmem:s21], [sflag:$0x3] =	stream.linear.gather [spmem:s8], $0x4000, $0x38;
	[tilespmem:$0x1E400] =	vst v63  }
0xb6: {  	_ =	swait.ge [sflag:s22], $0x4000  }
0xb7: {  	[sflag:s22] =	ssyncset.done $0x0  }
0xb8: {  	[sflag:s22] =	ssyncadd.s32 $0xFFFFC000  }
0xb9: {  	[hbm4b:s17+s3] =	stream.linear.scatter [tilespmem:s21], [sflag:$0x3], $0x4000, $0x38;
	[tilespmem:$0x1E400] =	vst v63  }
0xba: {  	_ =	swait.ge [sflag:s22], $0x4000  }
0xbb: {  	[sflag:s22] =	ssyncset.done $0x0  }
0xbc: {  	[sflag:s22] =	ssyncadd.s32 $0xFFFFC000  }
0xbd: {  	[tilespmem:s21], [sflag:$0x3] =	stream.linear.gather [spmem:s9], $0x4000, $0x38;
	[tilespmem:$0x1E400] =	vst v63  }
0xbe: {  	_ =	swait.ge [sflag:s22], $0x4000  }
0xbf: {  	[sflag:s22] =	ssyncset.done $0x0  }
0xc0: {  	[sflag:s22] =	ssyncadd.s32 $0xFFFFC000  }
0xc1: {  	[hbm4b:s18+s3] =	stream.linear.scatter [tilespmem:s21], [sflag:$0x3], $0x4000, $0x38;
	[tilespmem:$0x1E400] =	vst v63  }
0xc2: {  	_ =	swait.ge [sflag:s22], $0x4000  }
0xc3: {  	[sflag:s22] =	ssyncset.done $0x0  }
0xc4: {  	[sflag:s22] =	ssyncadd.s32 $0xFFFFC000  }
0xc5: {  	[tilespmem:s21], [sflag:$0x3] =	stream.linear.gather [spmem:s10], $0x3C00, $0x38;
	[tilespmem:$0x1E400] =	vst v63  }
0xc6: {  	s31 =	sadd.s32 $0x1, s31;
	_ =	swait.ge [sflag:s22], $0x3C00  }
0xc7: {  	p0 =	sne.s32 s31, s20;
	[sflag:s22] =	ssyncset.done $0x0  }
.Ltmp2:
0xc8: {  	[sflag:s22] =	ssyncadd.s32 $0xFFFFC400;
	(pc) =	sbr.rel @p0 .LBB2_1-.Ltmp2, $4  }
0xc9: {  	[hbm4b:s19+s3] =	stream.linear.scatter [tilespmem:s21], [sflag:$0x3], $0x3C00, $0x38;
	[tilespmem:$0x1E400] =	vst v63  }
0xca: {  	_ =	swait.ge [sflag:s22], $0x3C00  }
0xcb: {  	[sflag:s22] =	ssyncset.done $0x0  }
0xcc: {  	[sflag:s22] =	ssyncadd.s32 $0xFFFFC400  }
0xcd: {  	_ =	sfence.sel $0x180000  }
0xce: {  	[bflag:$0x0] =	sbarrier.arrive $0xFFFF  }
0xcf: {  	_ =	strace $0x9000004A  }
0xd0: {  	s0 =	stileid.u32;
	[bflag:$0x2] =	sbarrier.arrive $0xFFFF  }
0xd1: {  	p0 =	sne.s32 s0, $0x0;
	s0 =	rddreg [dreg:$0x3]  }
0xd2: {  	s0 =	sadd.s32 @!p0 $0x100000, s0  }
0xd3: {  	[sflag:s0] =	ssyncadd.tile.s32 @!p0 $0x1;
	_ =	shalt  }
.Lfunc_end2:
_tile_overlayer_lowered:
.L_overlay_start_2:
0xd4: {  	(tag) =	ssettag $0x2  }
0xd5: {  	s0 =	rddreg [dreg:$0x0];
	s2 =	stileid.u32  }
0xd6: {  	s1 =	rddreg [dreg:$0x1];
	p0 =	sne.s32 s2, $0x0  }
0xd7: {  	s3 =	rddreg [dreg:$0x2];
	[bflag:$0x3] =	sbarrier.arrive $0xFFFF;
	s2 =	simm.s32 @!p0 $0x1C03  }
0xd8: {  	[timem:s3], [sflag:s2] =	dma.local @!p0 [hbm:s0], s1  }
0xd9: {  	s0 =	simm.s32 @!p0 $0x3  }
0xda: {  	_ =	swait.ge @!p0 [sflag:s0], s1  }
0xdb: {  	s1 =	ssub.s32 @!p0 $0x0, s1;
	[sflag:s0] =	ssyncset.done @!p0 $0x0  }
0xdc: {  	[sflag:s0] =	ssyncadd.s32 @!p0 s1  }
0xdd: {  	[bflag:$0x3] =	sbarrier.arrive $0xFFFF  }
0xde: {  	_ =	shalt  }

// kernel: kernel.14.cloned.1.call-start
scs
__scs_entry_jumppad:
0x0: {  	(pc) =	sbr.rel $0x88, $3  }
0x1: {  	(tag) =	ssettag $0x0;
	lr =	simm.s32 $0x1  }
0x2: {  	[smem:$0x3F9B] =	sst lr;
	_ =	strace $0xD0000000  }
0x3: {  	_ = 	snop  }
0x4: {  	_ = 	snop  }
0x5: {  	_ = 	snop  }
0x6: {  	_ = 	snop  }
0x7: {  	_ = 	snop  }
__scs_overlays_trampoline_lowered:
0x8: {  	[smem:$0x3FAA] =	sst s0  }
0x9: {  	[smem:$0x3FAB] =	sst s1  }
0xa: {  	[smem:$0x3FAC] =	sst s2  }
0xb: {  	[smem:$0x3FAD] =	sst s3  }
0xc: {  	[smem:$0x3FAE] =	sst s4  }
0xd: {  	[smem:$0x3FAF] =	sst s5  }
0xe: {  	[smem:$0x3FB0] =	sst s6  }
0xf: {  	[smem:$0x3FB1] =	sst s7  }
0x10: {  	[smem:$0x3FB2] =	sst s8  }
0x11: {  	[smem:$0x3FB3] =	sst s9;
	s0 =	simm.s32 @!p0 $0x0  }
0x12: {  	s1 =	sld [smem:$0x3F99];
	s0 =	simm.s32 @p0 $0x1  }
0x13: {  	[smem:$0x3FB4] =	sst s0;
	s0 =	simm.s32 @!p1 $0x0  }
0x14: {  	s2 =	sld [smem:$0x3F98];
	s0 =	simm.s32 @p1 $0x1  }
0x15: {  	[smem:$0x3FB5] =	sst s0;
	s0 =	simm.s32 @!p2 $0x0  }
0x16: {  	s3 =	sld [smem:$0x3FDB];
	s0 =	simm.s32 @p2 $0x1  }
0x17: {  	s4 =	simm.s32 $0x1BF5;
	[smem:$0x3FB7] =	sst s0  }
0x18: {  	s0 =	sld [smem:$0x3F9A];
	_ =	swait.ge [sflag:s4], $0x0  }
0x19: {  	s7 =	sld [smem:$0x3F9B]  }
0x1a: {  	s8 =	sadd.s32 $0xFFFFE003, lr  }
0x1b: {  	s9 =	sadd.s32 $0xFFFFFEF7, lr;
	s5 =	simm.s32 $0xFFFFFFFF;
	p2 =	slt.u32 s8, $0xFFFFF086  }
0x1c: {  	p1 =	slt.u32 s9, $0xF7A;
	s5 =	simm.s32 @!p2 $0x0  }
0x1d: {  	s5 =	simm.s32 @p1 $0x1;
	p0 =	seq.s32 s7, s2  }
0x1e: {  	s7 =	smul.u32 @!p0 $0xF7A, s2;
	p2 =	seq.s32 @!p0 s5, $0x0  }
0x1f: {  	s9 =	smul.u32 $0xF7A, s1;
	s8 =	simm.s32 @!p0 $0x1BF5;
	p2 =	por !p2, p0  }
0x20: {  	[sflag:s8] =	ssyncset.s32 @!p0 $0xFFFFF086;
	s6 =	sadd.s32 @!p0 s3, s7;
	s7 =	simm.s32 @!p0 $0x108  }
0x21: {  	s3 =	sadd.s32 s3, s9;
	s6 =	sadd.s32 @!p0 $0x88, s6;
	s7 =	simm.s32 @p2 $0x1082  }
0x22: {  	[simem:s7], [sflag:s8] =	dma.local @!p0 [hbm:s6], $0xF7A  }
0x23: {  	s9 =	sor.u32 $0xD0000000, s2;
	s6 =	simm.s32 $0x108;
	_ =	swait.ge @!p0 [sflag:s8], $0x0  }
0x24: {  	s3 =	sadd.s32 $0x88, s3;
	s6 =	simm.s32 @!p1 $0x1082;
	[sflag:s4] =	ssyncset.s32 $0xFFFFF086  }
0x25: {  	[simem:s6], [sflag:s4] =	dma.local [hbm:s3], $0xF7A  }
0x26: {  	[smem:$0x3F9B] =	sst s1;
	(tag) =	ssettag s2;
	_ =	strace s9  }
0x27: {  	s1 =	sld [smem:$0x3FAB]  }
0x28: {  	s2 =	sld [smem:$0x3FAC]  }
0x29: {  	s4 =	sld [smem:$0x3FAE]  }
0x2a: {  	p0 =	seq.s32 s5, $0x0;
	s5 =	sld [smem:$0x3FAF]  }
0x2b: {  	s6 =	sld [smem:$0x3FB0]  }
0x2c: {  	s7 =	sld [smem:$0x3FB1]  }
0x2d: {  	s3 =	simm.s32 $0x108;
	s8 =	sld [smem:$0x3FB2]  }
0x2e: {  	s3 =	simm.s32 @!p0 $0x1082;
	s9 =	sld [smem:$0x3FB3]  }
0x2f: {  	lr =	sadd.s32 s0, s3;
	s0 =	sld [smem:$0x3FAA]  }
0x30: {  	s3 =	sld [smem:$0x3FAD]  }
0x31: {  	[smem:$0x3FB6] =	sst s10  }
0x32: {  	s10 =	sld [smem:$0x3FB4];
	_ =	sdelay $0x3  }
0x33: {  	p0 =	seq.s32 s10, $0x1;
	s10 =	sld [smem:$0x3FB6];
	_ =	sdelay $0x3  }
0x34: {  	[smem:$0x3FB6] =	sst s10  }
0x35: {  	s10 =	sld [smem:$0x3FB5];
	_ =	sdelay $0x3  }
0x36: {  	p1 =	seq.s32 s10, $0x1;
	s10 =	sld [smem:$0x3FB6];
	_ =	sdelay $0x3  }
0x37: {  	[smem:$0x3FB6] =	sst s10  }
0x38: {  	s10 =	sld [smem:$0x3FB7]  }
0x39: {  	_ = 	snop;
	(pc) =	sbr.ind lr, $3  }
0x3a: {  	_ = 	snop  }
0x3b: {  	_ = 	snop  }
0x3c: {  	p2 =	seq.s32 s10, $0x1;
	s10 =	sld [smem:$0x3FB6]  }
0x3d: {  	_ =	shalt  }
0x3e: {  	_ =	shalt  }
0x3f: {  	_ =	shalt  }
0x40: {  	_ =	shalt  }
0x41: {  	_ =	shalt  }
0x42: {  	_ =	shalt  }
0x43: {  	_ =	shalt  }
0x44: {  	_ =	shalt  }
0x45: {  	_ =	shalt  }
0x46: {  	_ =	shalt  }
0x47: {  	_ =	shalt  }
0x48: {  	_ =	shalt  }
0x49: {  	_ =	shalt  }
0x4a: {  	_ =	shalt  }
0x4b: {  	_ =	shalt  }
0x4c: {  	_ =	shalt  }
0x4d: {  	_ =	shalt  }
0x4e: {  	_ =	shalt  }
0x4f: {  	_ =	shalt  }
0x50: {  	_ =	shalt  }
0x51: {  	_ =	shalt  }
0x52: {  	_ =	shalt  }
0x53: {  	_ =	shalt  }
0x54: {  	_ =	shalt  }
0x55: {  	_ =	shalt  }
0x56: {  	_ =	shalt  }
0x57: {  	_ =	shalt  }
0x58: {  	_ =	shalt  }
0x59: {  	_ =	shalt  }
0x5a: {  	_ =	shalt  }
0x5b: {  	_ =	shalt  }
0x5c: {  	_ =	shalt  }
0x5d: {  	_ =	shalt  }
0x5e: {  	_ =	shalt  }
0x5f: {  	_ =	shalt  }
0x60: {  	_ =	shalt  }
0x61: {  	_ =	shalt  }
0x62: {  	_ =	shalt  }
0x63: {  	_ =	shalt  }
0x64: {  	_ =	shalt  }
0x65: {  	_ =	shalt  }
0x66: {  	_ =	shalt  }
0x67: {  	_ =	shalt  }
0x68: {  	_ =	shalt  }
0x69: {  	_ =	shalt  }
0x6a: {  	_ =	shalt  }
0x6b: {  	_ =	shalt  }
0x6c: {  	_ =	shalt  }
0x6d: {  	_ =	shalt  }
0x6e: {  	_ =	shalt  }
0x6f: {  	_ =	shalt  }
0x70: {  	_ =	shalt  }
0x71: {  	_ =	shalt  }
0x72: {  	_ =	shalt  }
0x73: {  	_ =	shalt  }
0x74: {  	_ =	shalt  }
0x75: {  	_ =	shalt  }
0x76: {  	_ =	shalt  }
0x77: {  	_ =	shalt  }
0x78: {  	_ =	shalt  }
0x79: {  	_ =	shalt  }
0x7a: {  	_ =	shalt  }
0x7b: {  	_ =	shalt  }
0x7c: {  	_ =	shalt  }
0x7d: {  	_ =	shalt  }
0x7e: {  	_ =	shalt  }
0x7f: {  	_ =	shalt  }
0x80: {  	_ =	shalt  }
0x81: {  	_ =	shalt  }
0x82: {  	_ =	shalt  }
0x83: {  	_ =	shalt  }
0x84: {  	_ =	shalt  }
0x85: {  	_ =	shalt  }
0x86: {  	_ =	shalt  }
0x87: {  	_ =	shalt  }
.Lfunc_end0:
.L_simem_size_0:
called_computation.2_lowered:
.L_overlay_start_0:
0x88: {  	s2 =	sld [smem:$0x3FD9]  }
0x89: {  	s3 =	sld [smem:$0x3FFE];
	_ =	sdelay $0x1  }
0x8a: {  	s1 =	srdreg.scid  }
0x8b: {  	s0 =	sand.u32 $0x1, s1  }
0x8c: {  	s17 =	sshll.u32 s0, $0xA;
	s2 =	sadd.s32 s3, s2  }
0x8d: {  	s2 =	sadd.s32 s2, s17  }
0x8e: {  	[smem:$0x3FC2] =	sst s2  }
0x8f: {  	_ = 	snop  }
0x90: {  	s2 =	sld [smem:$0x3FD0];
	(tm) =	ssettm $0x1  }
0x91: {  	s18 =	sld [smem:$0x3FFB];
	_ =	sdelay $0x3  }
0x92: {  	_ =	strace s18  }
0x93: {  	s3 =	sld [smem:$0x3FFC];
	_ =	sdelay $0x3  }
0x94: {  	_ =	strace s3  }
0x95: {  	s3 =	sld [smem:$0x3FFD];
	_ =	sdelay $0x3  }
0x96: {  	_ =	strace s3  }
0x97: {  	_ =	strace $0x8FFFFFFF  }
0x98: {  	s19 =	sld [smem:$0x3FDB];
	_ =	sdelay $0x1  }
0x99: {  	s4 =	simm.s32 $_scs_section_size  }
0x9a: {  	s5 =	simm.s32 $_size__tile_overlayer_lowered;
	s6 =	simm.s32 $_tile_overlayer_lowered  }
0x9b: {  	s22 =	simm.s32 $0x1BFF;
	s21 =	sshll.u32 s6, $0x1;
	s3 =	sadd.s32 s4, s19  }
0x9c: {  	s7 =	simm.s32 $0x0;
	s20 =	sshll.u32 s5, $0x1;
	s5 =	sadd.s32 s21, s3  }
0x9d: {  	[timem:s7], [sflag:s22] =	dma.local [hbm:s5], s20  }
0x9e: {  	_ =	swait.ge [sflag:s22], s20  }
0x9f: {  	s4 =	ssub.s32 $0x0, s20;
	[sflag:s22] =	ssyncset.done $0x0  }
0xa0: {  	[sflag:s22] =	ssyncadd.s32 s4;
	_ =	sdelay $0x1  }
0xa1: {  	s23 =	simm.s32 $0x1B8B  }
0xa2: {  	_ =	swait.ge [sflag:s23], $0x1  }
0xa3: {  	[sflag:s23] =	ssyncset.done $0x0  }
0xa4: {  	s25 =	simm.s32 $0x1B8E;
	s24 =	sld [smem:$0x3FFE];
	[sflag:s23] =	ssyncadd.s32 $0xFFFFFFFF  }
0xa5: {  	s26 =	simm.s32 $execute0_lowered;
	[smem:$0x3FD2] =	sst s25  }
0xa6: {  	s5 =	sshll.u32 s26, $0x1;
	_ =	strace $0x8000004C;
	[dreg:$0x1] =	wrdreg $0xFFFFFFFF  }
0xa7: {  	s28 =	simm.s32 $_size_execute0_lowered;
	s3 =	sadd.s32 s3, s5;
	[dreg:$0x0] =	wrdreg $0x0  }
0xa8: {  	s5 =	sshll.u32 s28, $0x1;
	[dreg:$0x2] =	wrdreg s3  }
0xa9: {  	[dreg:$0x3] =	wrdreg s5  }
0xaa: {  	[dreg:$0x4] =	wrdreg $0xC0  }
0xab: {  	_ =	task [dreg:s7], $0x5FFFF  }
0xac: {  	[dreg:$0x1] =	wrdreg $0xFFFFFFFF  }
0xad: {  	[dreg:$0x0] =	wrdreg $0x60  }
0xae: {  	[dreg:$0x2] =	wrdreg s2  }
0xaf: {  	[dreg:$0x3] =	wrdreg s24  }
0xb0: {  	[dreg:$0x4] =	wrdreg $0x68000  }
0xb1: {  	[dreg:$0x5] =	wrdreg $0x9  }
0xb2: {  	_ =	task.clear_ibuf [dreg:s7], $0x6FFFF;
	_ =	strace $0x9000004C  }
0xb3: {  	s29 =	simm.s32 $0x9;
	_ =	strace $0x8000004E  }
0xb4: {  	_ =	swait.ge [sflag:s29], $0x1  }
0xb5: {  	[sflag:s29] =	ssyncadd.s32 $0xFFFFFFFF  }
0xb6: {  	_ =	strace $0x9000004E  }
0xb7: {  	_ =	sfence  }
0xb8: {  	s30 =	sld [smem:$0x0];
	_ =	sdelay $0x2  }
0xb9: {  	s31 =	sshll.u32 s1, $0xD;
	s1 =	sshrl.u32 s1, $0x2  }
0xba: {  	s3 =	sand.u32 $0x4000, s31;
	s1 =	sadd.s32 s1, s30  }
0xbb: {  	s0 =	sor.u32 s3, s0;
	s1 =	sshll.u32 s1, $0x11  }
0xbc: {  	s0 =	sor.u32 s1, s0  }
0xbd: {  	s0 =	sadd.s32 $0x8F2B, s0  }
0xbe: {  	[sflag:s0] =	ssyncadd.remote.s32 $0x1  }
0xbf: {  	_ =	sfence.sel $0xFFFF  }
0xc0: {  	[dreg:$0x0] =	wrdreg $0xFFFFFFFF;
	(pc) =	sbr.abs _section_cstart, $3  }
0xc1: {  	[dreg:$0x1] =	wrdreg $0xFFFFFFFF  }
0xc2: {  	_ =	task.clear_ibuf [dreg:s7], $0x2FFFF;
	_ =	strace $0x9FFFFFFF  }
0xc3: {  	(tm) =	ssettm $0x7FFFFFFF  }
tec
execute0_lowered:
.L_overlay_start_1:
0x0: {  	(tag) =	ssettag $0x1  }
0x1: {  	s1 =	rddreg [dreg:$0x0]  }
0x2: {  	s0 =	rddreg [dreg:$0x1]  }
0x3: {  	s2 =	rddreg [dreg:$0x2]  }
0x4: {  	s3 =	simm.s32 $0x0;
	s5 =	srdreg.scid;
	s10 =	stileid.u32  }
0x5: {  	s28 =	simm.s32 $0x2;
	s29 =	simm.s32 $0x2700;
	s30 =	simm.s32 $0x2780  }
0x6: {  	s31 =	simm.s32 $0x0;
	[smem:$0x7FF] =	sst s3;
	s4 =	sadd.s32 $0xD000, s0  }
0x7: {  	s14 =	sadd.s32 $0x3000, s0;
	s9 =	sand.u32 $0x1, s5;
	s24 =	sadd.s32 $0x17000, s0  }
0x8: {  	s13 =	smul.u32 $0x9E00, s10;
	s0 =	sadd.s32 $0x17400, s0;
	_ =	strace $0x8000004D  }
0x9: {  	[dreg:$0x4] =	wrdreg s24;
	s6 =	ssub.s32 $0x2, s9;
	s8 =	sshll.u32 s9, $0x4  }
0xa: {  	s21 =	smul.u32 $0x9E000, s9;
	s7 =	sshrl.u32 s6, $0x1;
	s25 =	sor.u32 s10, s8  }
0xb: {  	s15 =	sadd.s32 $0x2000, s13;
	s17 =	sadd.s32 $0x4000, s13;
	s18 =	sadd.s32 $0x6000, s13  }
0xc: {  	s19 =	sadd.s32 $0x8000, s13;
	s20 =	ssub.s32 s6, s7;
	s6 =	sadd.s32 s13, s2  }
0xd: {  	s10 =	smul.u32 $0x2800, s25;
	s7 =	sadd.s32 s15, s2;
	s8 =	sadd.s32 s17, s2  }
0xe: {  	s9 =	sadd.s32 s18, s2;
	s22 =	sadd.s32 s13, s21;
	s5 =	sadd.s32 s21, s15  }
0xf: {  	s24 =	sadd.s32 s21, s17;
	s25 =	sadd.s32 s21, s18;
	s26 =	sshrl.u32 s22, $0x3  }
0x10: {  	s23 =	sshrl.u32 s5, $0x3;
	s18 =	sshrl.u32 s25, $0x3;
	s20 =	smax.u32 s20, $0x1  }
0x11: {  	s22 =	simm.s32 $0x3;
	s25 =	simm.s32 $0x4800;
	s16 =	sshrl.u32 s10, $0x3  }
0x12: {  	s10 =	sadd.s32 s19, s2;
	s15 =	sadd.s32 s0, s26;
	s19 =	sadd.s32 s21, s19  }
0x13: {  	s18 =	sadd.s32 s0, s18;
	s21 =	simm.s32 $0x2800;
	s11 =	sadd.s32 s4, s16  }
0x14: {  	s12 =	sadd.s32 s14, s16;
	s16 =	sadd.s32 $0x280, s16;
	s26 =	sshrl.u32 s19, $0x3  }
0x15: {  	s13 =	sadd.s32 s4, s16;
	s14 =	sadd.s32 s14, s16;
	s16 =	sadd.s32 s0, s23  }
0x16: {  	s4 =	sshrl.u32 s24, $0x3;
	s19 =	sadd.s32 s0, s26;
	s23 =	simm.s32 $0x1400  }
0x17: {  	s24 =	simm.s32 $0x80;
	s26 =	simm.s32 $0x1;
	s17 =	sadd.s32 s0, s4  }
.LBB2_1:
0x18: {  	s0 =	rddreg [dreg:$0x4]  }
0x19: {  	[tilespmem:s21], [sflag:$0x3] =	stream.linear.gather [hbm4b:s0+s3], $0x2000, $0x38;
	[tilespmem:$0x10600] =	vst v63  }
0x1a: {  	_ =	swait.ge [sflag:s22], $0x2000  }
0x1b: {  	[sflag:s22] =	ssyncset.done $0x0  }
0x1c: {  	[sflag:s22] =	ssyncadd.s32 $0xFFFFE000  }
0x1d: {  	[spmem:s6] =	stream.linear.scatter [tilespmem:s21], [sflag:$0x3], $0x2000, $0x38;
	[tilespmem:$0x10600] =	vst v63  }
0x1e: {  	_ =	swait.ge [sflag:s22], $0x2000  }
0x1f: {  	[sflag:s22] =	ssyncset.done $0x0  }
0x20: {  	[sflag:s22] =	ssyncadd.s32 $0xFFFFE000  }
0x21: {  	[spmem:s7] =	stream.linear.scatter [tilespmem:s21], [sflag:$0x3], $0x2000, $0x38;
	[tilespmem:$0x10600] =	vst v63  }
0x22: {  	_ =	swait.ge [sflag:s22], $0x2000  }
0x23: {  	[sflag:s22] =	ssyncset.done $0x0  }
0x24: {  	[sflag:s22] =	ssyncadd.s32 $0xFFFFE000  }
0x25: {  	[spmem:s8] =	stream.linear.scatter [tilespmem:s21], [sflag:$0x3], $0x2000, $0x38;
	[tilespmem:$0x10600] =	vst v63  }
0x26: {  	_ =	swait.ge [sflag:s22], $0x2000  }
0x27: {  	[sflag:s22] =	ssyncset.done $0x0  }
0x28: {  	[sflag:s22] =	ssyncadd.s32 $0xFFFFE000  }
0x29: {  	[spmem:s9] =	stream.linear.scatter [tilespmem:s21], [sflag:$0x3], $0x2000, $0x38;
	[tilespmem:$0x10600] =	vst v63  }
0x2a: {  	_ =	swait.ge [sflag:s22], $0x2000  }
0x2b: {  	[sflag:s22] =	ssyncset.done $0x0  }
0x2c: {  	[sflag:s22] =	ssyncadd.s32 $0xFFFFE000  }
0x2d: {  	[spmem:s10] =	stream.linear.scatter [tilespmem:s21], [sflag:$0x3], $0x1E00, $0x38;
	[tilespmem:$0x10600] =	vst v63  }
0x2e: {  	_ =	swait.ge [sflag:s22], $0x1E00  }
0x2f: {  	[sflag:s22] =	ssyncset.done $0x0  }
0x30: {  	[sflag:s22] =	ssyncadd.s32 $0xFFFFE200  }
0x31: {  	[bflag:$0x0] =	sbarrier.arrive $0xFFFF  }
0x32: {  	[tilespmem:s3], [sflag:$0x3] =	stream.linear.gather [hbm4b:s11+s3], $0x1400, $0x38;
	[tilespmem:$0x10600] =	vst v63  }
0x33: {  	_ =	swait.ge [sflag:s22], $0x1400  }
0x34: {  	[sflag:s22] =	ssyncset.done $0x0  }
0x35: {  	[sflag:s22] =	ssyncadd.s32 $0xFFFFEC00  }
0x36: {  	[tilespmem:s23], [sflag:$0x3] =	stream.linear.gather [hbm4b:s12+s3], $0x1400, $0x38;
	[tilespmem:$0x10600] =	vst v63  }
0x37: {  	_ =	swait.ge [sflag:s22], $0x1400  }
0x38: {  	[sflag:s22] =	ssyncset.done $0x0  }
0x39: {  	[sflag:s22] =	ssyncadd.s32 $0xFFFFEC00  }
0x3a: {  	[tilespmem:s21], [sflag:$0x1] =	stream.indirect.gather [hbm4b:s1+s24], $0x40, s3, s24, $0xb8;
	[tilespmem:$0x10600] =	vst v63  }
0x3b: {  	_ = 	snop  }
0x3c: {  	[tilespmem:s25], [sflag:$0x2] =	stream.indirect.gather [hbm4b:s1+s24], $0x40, s24, s24, $0xb8;
	[tilespmem:$0x10600] =	vst v63  }
0x3d: {  	_ =	swait.ge [sflag:s26], $0x2000  }
0x3e: {  	[sflag:s26] =	ssyncset.done $0x0  }
0x3f: {  	s5 =	simm.s32 $0x1400;
	[sflag:s26] =	ssyncadd.s32 $0xFFFFE000  }
0x40: {  	[spmem:s2] =	stream.indirect.scatter.add.f32 [tilespmem:s21], [sflag:$0x3], $0x40, s5, s24, $0xb8;
	[tilespmem:$0x10600] =	vst v63  }
0x41: {  	_ =	swait.ge [sflag:s22], $0x2000  }
0x42: {  	[sflag:s22] =	ssyncset.done $0x0  }
0x43: {  	s4 =	simm.s32 $0x100;
	[sflag:s22] =	ssyncadd.s32 $0xFFFFE000  }
0x44: {  	[tilespmem:s21], [sflag:$0x1] =	stream.indirect.gather [hbm4b:s1+s24], $0x40, s4, s24, $0xb8;
	[tilespmem:$0x10600] =	vst v63  }
0x45: {  	_ =	swait.ge [sflag:s28], $0x2000  }
0x46: {  	[sflag:s28] =	ssyncset.done $0x0  }
0x47: {  	s5 =	simm.s32 $0x1480;
	[sflag:s28] =	ssyncadd.s32 $0xFFFFE000  }
0x48: {  	[spmem:s2] =	stream.indirect.scatter.add.f32 [tilespmem:s25], [sflag:$0x3], $0x40, s5, s24, $0xb8;
	[tilespmem:$0x10600] =	vst v63  }
0x49: {  	_ =	swait.ge [sflag:s22], $0x2000  }
0x4a: {  	[sflag:s22] =	ssyncset.done $0x0  }
0x4b: {  	s0 =	simm.s32 $0x400;
	s4 =	simm.s32 $0x180;
	[sflag:s22] =	ssyncadd.s32 $0xFFFFE000  }
.LBB2_2:
0x4c: {  	[tilespmem:s25], [sflag:$0x2] =	stream.indirect.gather [hbm4b:s1+s24], $0x40, s4, s24, $0xb8;
	[tilespmem:$0x10600] =	vst v63  }
0x4d: {  	s4 =	smov.u32 s0  }
0x4e: {  	p0 =	sne.s32 s0, $0x4800;
	s0 =	sadd.s32 $0x400, s0;
	_ =	swait.ge [sflag:s26], $0x2000  }
0x4f: {  	s4 =	sshra.s32 s4, $0x2;
	[sflag:s26] =	ssyncset.done $0x0  }
0x50: {  	s5 =	sadd.s32 $0x1400, s4;
	[sflag:s26] =	ssyncadd.s32 $0xFFFFE000  }
0x51: {  	[spmem:s2] =	stream.indirect.scatter.add.f32 [tilespmem:s21], [sflag:$0x3], $0x40, s5, s24, $0xb8;
	[tilespmem:$0x10600] =	vst v63  }
0x52: {  	_ =	swait.ge [sflag:s22], $0x2000  }
0x53: {  	[sflag:s22] =	ssyncset.done $0x0  }
0x54: {  	s5 =	sadd.s32 $0x100, s4;
	[sflag:s22] =	ssyncadd.s32 $0xFFFFE000  }
0x55: {  	[tilespmem:s21], [sflag:$0x1] =	stream.indirect.gather [hbm4b:s1+s24], $0x40, s5, s24, $0xb8;
	[tilespmem:$0x10600] =	vst v63  }
0x56: {  	_ =	swait.ge [sflag:s28], $0x2000  }
0x57: {  	[sflag:s28] =	ssyncset.done $0x0  }
.Ltmp0:
0x58: {  	s5 =	sadd.s32 $0x1480, s4;
	[sflag:s28] =	ssyncadd.s32 $0xFFFFE000;
	(pc) =	sbr.rel @p0 .LBB2_2-.Ltmp0, $4  }
0x59: {  	[spmem:s2] =	stream.indirect.scatter.add.f32 [tilespmem:s25], [sflag:$0x3], $0x40, s5, s24, $0xb8;
	[tilespmem:$0x10600] =	vst v63  }
0x5a: {  	_ =	swait.ge [sflag:s22], $0x2000  }
0x5b: {  	[sflag:s22] =	ssyncset.done $0x0  }
0x5c: {  	s4 =	sadd.s32 $0x180, s4;
	[sflag:s22] =	ssyncadd.s32 $0xFFFFE000  }
0x5d: {  	[tilespmem:s25], [sflag:$0x2] =	stream.indirect.gather [hbm4b:s1+s24], $0x40, s4, s24, $0xb8;
	[tilespmem:$0x10600] =	vst v63  }
0x5e: {  	_ =	swait.ge [sflag:s26], $0x2000  }
0x5f: {  	[sflag:s26] =	ssyncset.done $0x0  }
0x60: {  	[sflag:s26] =	ssyncadd.s32 $0xFFFFE000  }
0x61: {  	[spmem:s2] =	stream.indirect.scatter.add.f32 [tilespmem:s21], [sflag:$0x3], $0x40, s29, s24, $0xb8;
	[tilespmem:$0x10600] =	vst v63  }
0x62: {  	_ =	swait.ge [sflag:s22], $0x2000  }
0x63: {  	[sflag:s22] =	ssyncset.done $0x0  }
0x64: {  	[sflag:s22] =	ssyncadd.s32 $0xFFFFE000  }
0x65: {  	_ =	swait.ge [sflag:s28], $0x2000  }
0x66: {  	[sflag:s28] =	ssyncset.done $0x0  }
0x67: {  	[sflag:s28] =	ssyncadd.s32 $0xFFFFE000  }
0x68: {  	[spmem:s2] =	stream.indirect.scatter.add.f32 [tilespmem:s25], [sflag:$0x3], $0x40, s30, s24, $0xb8;
	[tilespmem:$0x10600] =	vst v63  }
0x69: {  	_ =	swait.ge [sflag:s22], $0x2000  }
0x6a: {  	[sflag:s22] =	ssyncset.done $0x0  }
0x6b: {  	s0 =	simm.s32 $0x0;
	[sflag:s22] =	ssyncadd.s32 $0xFFFFE000  }
0x6c: {  	[tilespmem:s0], [sflag:$0x3] =	stream.linear.gather [hbm4b:s13+s0], $0x1400, $0x38;
	[tilespmem:$0x10600] =	vst v63  }
0x6d: {  	_ =	swait.ge [sflag:s22], $0x1400  }
0x6e: {  	[sflag:s22] =	ssyncset.done $0x0  }
0x6f: {  	[sflag:s22] =	ssyncadd.s32 $0xFFFFEC00  }
0x70: {  	[tilespmem:s23], [sflag:$0x3] =	stream.linear.gather [hbm4b:s14+s0], $0x1400, $0x38;
	[tilespmem:$0x10600] =	vst v63  }
0x71: {  	_ =	swait.ge [sflag:s22], $0x1400  }
0x72: {  	[sflag:s22] =	ssyncset.done $0x0  }
0x73: {  	[sflag:s22] =	ssyncadd.s32 $0xFFFFEC00  }
0x74: {  	[tilespmem:s21], [sflag:$0x1] =	stream.indirect.gather [hbm4b:s1+s24], $0x40, s0, s24, $0xb8;
	[tilespmem:$0x10600] =	vst v63  }
0x75: {  	_ = 	snop  }
0x76: {  	[tilespmem:s25], [sflag:$0x2] =	stream.indirect.gather [hbm4b:s1+s24], $0x40, s24, s24, $0xb8;
	[tilespmem:$0x10600] =	vst v63  }
0x77: {  	_ =	swait.ge [sflag:s26], $0x2000  }
0x78: {  	[sflag:s26] =	ssyncset.done $0x0  }
0x79: {  	s5 =	simm.s32 $0x1400;
	[sflag:s26] =	ssyncadd.s32 $0xFFFFE000  }
0x7a: {  	[spmem:s2] =	stream.indirect.scatter.add.f32 [tilespmem:s21], [sflag:$0x3], $0x40, s5, s24, $0xb8;
	[tilespmem:$0x10600] =	vst v63  }
0x7b: {  	_ =	swait.ge [sflag:s22], $0x2000  }
0x7c: {  	[sflag:s22] =	ssyncset.done $0x0  }
0x7d: {  	s4 =	simm.s32 $0x100;
	[sflag:s22] =	ssyncadd.s32 $0xFFFFE000  }
0x7e: {  	[tilespmem:s21], [sflag:$0x1] =	stream.indirect.gather [hbm4b:s1+s24], $0x40, s4, s24, $0xb8;
	[tilespmem:$0x10600] =	vst v63  }
0x7f: {  	_ =	swait.ge [sflag:s28], $0x2000  }
0x80: {  	[sflag:s28] =	ssyncset.done $0x0  }
0x81: {  	s5 =	simm.s32 $0x1480;
	[sflag:s28] =	ssyncadd.s32 $0xFFFFE000  }
0x82: {  	[spmem:s2] =	stream.indirect.scatter.add.f32 [tilespmem:s25], [sflag:$0x3], $0x40, s5, s24, $0xb8;
	[tilespmem:$0x10600] =	vst v63  }
0x83: {  	_ =	swait.ge [sflag:s22], $0x2000  }
0x84: {  	[sflag:s22] =	ssyncset.done $0x0  }
0x85: {  	s0 =	simm.s32 $0x400;
	s4 =	simm.s32 $0x180;
	[sflag:s22] =	ssyncadd.s32 $0xFFFFE000  }
.LBB2_4:
0x86: {  	[tilespmem:s25], [sflag:$0x2] =	stream.indirect.gather [hbm4b:s1+s24], $0x40, s4, s24, $0xb8;
	[tilespmem:$0x10600] =	vst v63  }
0x87: {  	s4 =	smov.u32 s0  }
0x88: {  	p0 =	sne.s32 s0, $0x4800;
	s0 =	sadd.s32 $0x400, s0;
	_ =	swait.ge [sflag:s26], $0x2000  }
0x89: {  	s4 =	sshra.s32 s4, $0x2;
	[sflag:s26] =	ssyncset.done $0x0  }
0x8a: {  	s5 =	sadd.s32 $0x1400, s4;
	[sflag:s26] =	ssyncadd.s32 $0xFFFFE000  }
0x8b: {  	[spmem:s2] =	stream.indirect.scatter.add.f32 [tilespmem:s21], [sflag:$0x3], $0x40, s5, s24, $0xb8;
	[tilespmem:$0x10600] =	vst v63  }
0x8c: {  	_ =	swait.ge [sflag:s22], $0x2000  }
0x8d: {  	[sflag:s22] =	ssyncset.done $0x0  }
0x8e: {  	s5 =	sadd.s32 $0x100, s4;
	[sflag:s22] =	ssyncadd.s32 $0xFFFFE000  }
0x8f: {  	[tilespmem:s21], [sflag:$0x1] =	stream.indirect.gather [hbm4b:s1+s24], $0x40, s5, s24, $0xb8;
	[tilespmem:$0x10600] =	vst v63  }
0x90: {  	_ =	swait.ge [sflag:s28], $0x2000  }
0x91: {  	[sflag:s28] =	ssyncset.done $0x0  }
.Ltmp1:
0x92: {  	s5 =	sadd.s32 $0x1480, s4;
	[sflag:s28] =	ssyncadd.s32 $0xFFFFE000;
	(pc) =	sbr.rel @p0 .LBB2_4-.Ltmp1, $4  }
0x93: {  	[spmem:s2] =	stream.indirect.scatter.add.f32 [tilespmem:s25], [sflag:$0x3], $0x40, s5, s24, $0xb8;
	[tilespmem:$0x10600] =	vst v63  }
0x94: {  	_ =	swait.ge [sflag:s22], $0x2000  }
0x95: {  	[sflag:s22] =	ssyncset.done $0x0  }
0x96: {  	s4 =	sadd.s32 $0x180, s4;
	[sflag:s22] =	ssyncadd.s32 $0xFFFFE000  }
0x97: {  	[tilespmem:s25], [sflag:$0x2] =	stream.indirect.gather [hbm4b:s1+s24], $0x40, s4, s24, $0xb8;
	[tilespmem:$0x10600] =	vst v63  }
0x98: {  	_ =	swait.ge [sflag:s26], $0x2000  }
0x99: {  	[sflag:s26] =	ssyncset.done $0x0  }
0x9a: {  	[sflag:s26] =	ssyncadd.s32 $0xFFFFE000  }
0x9b: {  	[spmem:s2] =	stream.indirect.scatter.add.f32 [tilespmem:s21], [sflag:$0x3], $0x40, s29, s24, $0xb8;
	[tilespmem:$0x10600] =	vst v63  }
0x9c: {  	_ =	swait.ge [sflag:s22], $0x2000  }
0x9d: {  	[sflag:s22] =	ssyncset.done $0x0  }
0x9e: {  	[sflag:s22] =	ssyncadd.s32 $0xFFFFE000  }
0x9f: {  	_ =	swait.ge [sflag:s28], $0x2000  }
0xa0: {  	[sflag:s28] =	ssyncset.done $0x0  }
0xa1: {  	[sflag:s28] =	ssyncadd.s32 $0xFFFFE000  }
0xa2: {  	[spmem:s2] =	stream.indirect.scatter.add.f32 [tilespmem:s25], [sflag:$0x3], $0x40, s30, s24, $0xb8;
	[tilespmem:$0x10600] =	vst v63  }
0xa3: {  	_ =	swait.ge [sflag:s22], $0x2000  }
0xa4: {  	[sflag:s22] =	ssyncset.done $0x0  }
0xa5: {  	[sflag:s22] =	ssyncadd.s32 $0xFFFFE000  }
0xa6: {  	[bflag:$0x0] =	sbarrier.arrive $0xFFFF  }
0xa7: {  	[tilespmem:s21], [sflag:$0x3] =	stream.linear.gather [spmem:s6], $0x2000, $0x38;
	[tilespmem:$0x10600] =	vst v63  }
0xa8: {  	_ =	swait.ge [sflag:s22], $0x2000  }
0xa9: {  	[sflag:s22] =	ssyncset.done $0x0  }
0xaa: {  	[sflag:s22] =	ssyncadd.s32 $0xFFFFE000  }
0xab: {  	[hbm4b:s15+s3] =	stream.linear.scatter [tilespmem:s21], [sflag:$0x3], $0x2000, $0x38;
	[tilespmem:$0x10600] =	vst v63  }
0xac: {  	_ =	swait.ge [sflag:s22], $0x2000  }
0xad: {  	[sflag:s22] =	ssyncset.done $0x0  }
0xae: {  	[sflag:s22] =	ssyncadd.s32 $0xFFFFE000  }
0xaf: {  	[tilespmem:s21], [sflag:$0x3] =	stream.linear.gather [spmem:s7], $0x2000, $0x38;
	[tilespmem:$0x10600] =	vst v63  }
0xb0: {  	_ =	swait.ge [sflag:s22], $0x2000  }
0xb1: {  	[sflag:s22] =	ssyncset.done $0x0  }
0xb2: {  	[sflag:s22] =	ssyncadd.s32 $0xFFFFE000  }
0xb3: {  	[hbm4b:s16+s3] =	stream.linear.scatter [tilespmem:s21], [sflag:$0x3], $0x2000, $0x38;
	[tilespmem:$0x10600] =	vst v63  }
0xb4: {  	_ =	swait.ge [sflag:s22], $0x2000  }
0xb5: {  	[sflag:s22] =	ssyncset.done $0x0  }
0xb6: {  	[sflag:s22] =	ssyncadd.s32 $0xFFFFE000  }
0xb7: {  	[tilespmem:s21], [sflag:$0x3] =	stream.linear.gather [spmem:s8], $0x2000, $0x38;
	[tilespmem:$0x10600] =	vst v63  }
0xb8: {  	_ =	swait.ge [sflag:s22], $0x2000  }
0xb9: {  	[sflag:s22] =	ssyncset.done $0x0  }
0xba: {  	[sflag:s22] =	ssyncadd.s32 $0xFFFFE000  }
0xbb: {  	[hbm4b:s17+s3] =	stream.linear.scatter [tilespmem:s21], [sflag:$0x3], $0x2000, $0x38;
	[tilespmem:$0x10600] =	vst v63  }
0xbc: {  	_ =	swait.ge [sflag:s22], $0x2000  }
0xbd: {  	[sflag:s22] =	ssyncset.done $0x0  }
0xbe: {  	[sflag:s22] =	ssyncadd.s32 $0xFFFFE000  }
0xbf: {  	[tilespmem:s21], [sflag:$0x3] =	stream.linear.gather [spmem:s9], $0x2000, $0x38;
	[tilespmem:$0x10600] =	vst v63  }
0xc0: {  	_ =	swait.ge [sflag:s22], $0x2000  }
0xc1: {  	[sflag:s22] =	ssyncset.done $0x0  }
0xc2: {  	[sflag:s22] =	ssyncadd.s32 $0xFFFFE000  }
0xc3: {  	[hbm4b:s18+s3] =	stream.linear.scatter [tilespmem:s21], [sflag:$0x3], $0x2000, $0x38;
	[tilespmem:$0x10600] =	vst v63  }
0xc4: {  	_ =	swait.ge [sflag:s22], $0x2000  }
0xc5: {  	[sflag:s22] =	ssyncset.done $0x0  }
0xc6: {  	[sflag:s22] =	ssyncadd.s32 $0xFFFFE000  }
0xc7: {  	[tilespmem:s21], [sflag:$0x3] =	stream.linear.gather [spmem:s10], $0x1E00, $0x38;
	[tilespmem:$0x10600] =	vst v63  }
0xc8: {  	s31 =	sadd.s32 $0x1, s31;
	_ =	swait.ge [sflag:s22], $0x1E00  }
0xc9: {  	p0 =	sne.s32 s31, s20;
	[sflag:s22] =	ssyncset.done $0x0  }
.Ltmp2:
0xca: {  	[sflag:s22] =	ssyncadd.s32 $0xFFFFE200;
	(pc) =	sbr.rel @p0 .LBB2_1-.Ltmp2, $4  }
0xcb: {  	[hbm4b:s19+s3] =	stream.linear.scatter [tilespmem:s21], [sflag:$0x3], $0x1E00, $0x38;
	[tilespmem:$0x10600] =	vst v63  }
0xcc: {  	_ =	swait.ge [sflag:s22], $0x1E00  }
0xcd: {  	[sflag:s22] =	ssyncset.done $0x0  }
0xce: {  	[sflag:s22] =	ssyncadd.s32 $0xFFFFE200  }
0xcf: {  	_ =	sfence.sel $0x180000  }
0xd0: {  	[bflag:$0x0] =	sbarrier.arrive $0xFFFF  }
0xd1: {  	_ =	strace $0x9000004D  }
0xd2: {  	s0 =	stileid.u32;
	[bflag:$0x2] =	sbarrier.arrive $0xFFFF  }
0xd3: {  	p0 =	sne.s32 s0, $0x0;
	s0 =	rddreg [dreg:$0x3]  }
0xd4: {  	s0 =	sadd.s32 @!p0 $0x100000, s0  }
0xd5: {  	[sflag:s0] =	ssyncadd.tile.s32 @!p0 $0x1;
	_ =	shalt  }
.Lfunc_end2:
_tile_overlayer_lowered:
.L_overlay_start_2:
0xd6: {  	(tag) =	ssettag $0x2  }
0xd7: {  	s0 =	rddreg [dreg:$0x0];
	s2 =	stileid.u32  }
0xd8: {  	s1 =	rddreg [dreg:$0x1];
	p0 =	sne.s32 s2, $0x0  }
0xd9: {  	s3 =	rddreg [dreg:$0x2];
	[bflag:$0x3] =	sbarrier.arrive $0xFFFF;
	s2 =	simm.s32 @!p0 $0x1C03  }
0xda: {  	[timem:s3], [sflag:s2] =	dma.local @!p0 [hbm:s0], s1  }
0xdb: {  	s0 =	simm.s32 @!p0 $0x3  }
0xdc: {  	_ =	swait.ge @!p0 [sflag:s0], s1  }
0xdd: {  	s1 =	ssub.s32 @!p0 $0x0, s1;
	[sflag:s0] =	ssyncset.done @!p0 $0x0  }
0xde: {  	[sflag:s0] =	ssyncadd.s32 @!p0 s1  }
0xdf: {  	[bflag:$0x3] =	sbarrier.arrive $0xFFFF  }
0xe0: {  	_ =	shalt  }

// kernel: kernel.8.cloned.1.call-start
scs
__scs_entry_jumppad:
0x0: {  	(pc) =	sbr.rel $0x88, $3  }
0x1: {  	(tag) =	ssettag $0x0;
	lr =	simm.s32 $0x1  }
0x2: {  	[smem:$0x3F9B] =	sst lr;
	_ =	strace $0xD0000000  }
0x3: {  	_ = 	snop  }
0x4: {  	_ = 	snop  }
0x5: {  	_ = 	snop  }
0x6: {  	_ = 	snop  }
0x7: {  	_ = 	snop  }
__scs_overlays_trampoline_lowered:
0x8: {  	[smem:$0x3FAA] =	sst s0  }
0x9: {  	[smem:$0x3FAB] =	sst s1  }
0xa: {  	[smem:$0x3FAC] =	sst s2  }
0xb: {  	[smem:$0x3FAD] =	sst s3  }
0xc: {  	[smem:$0x3FAE] =	sst s4  }
0xd: {  	[smem:$0x3FAF] =	sst s5  }
0xe: {  	[smem:$0x3FB0] =	sst s6  }
0xf: {  	[smem:$0x3FB1] =	sst s7  }
0x10: {  	[smem:$0x3FB2] =	sst s8  }
0x11: {  	[smem:$0x3FB3] =	sst s9;
	s0 =	simm.s32 @!p0 $0x0  }
0x12: {  	s1 =	sld [smem:$0x3F99];
	s0 =	simm.s32 @p0 $0x1  }
0x13: {  	[smem:$0x3FB4] =	sst s0;
	s0 =	simm.s32 @!p1 $0x0  }
0x14: {  	s2 =	sld [smem:$0x3F98];
	s0 =	simm.s32 @p1 $0x1  }
0x15: {  	[smem:$0x3FB5] =	sst s0;
	s0 =	simm.s32 @!p2 $0x0  }
0x16: {  	s3 =	sld [smem:$0x3FDB];
	s0 =	simm.s32 @p2 $0x1  }
0x17: {  	s4 =	simm.s32 $0x1BF5;
	[smem:$0x3FB7] =	sst s0  }
0x18: {  	s0 =	sld [smem:$0x3F9A];
	_ =	swait.ge [sflag:s4], $0x0  }
0x19: {  	s7 =	sld [smem:$0x3F9B]  }
0x1a: {  	s8 =	sadd.s32 $0xFFFFE003, lr  }
0x1b: {  	s9 =	sadd.s32 $0xFFFFFEF7, lr;
	s5 =	simm.s32 $0xFFFFFFFF;
	p2 =	slt.u32 s8, $0xFFFFF086  }
0x1c: {  	p1 =	slt.u32 s9, $0xF7A;
	s5 =	simm.s32 @!p2 $0x0  }
0x1d: {  	s5 =	simm.s32 @p1 $0x1;
	p0 =	seq.s32 s7, s2  }
0x1e: {  	s7 =	smul.u32 @!p0 $0xF7A, s2;
	p2 =	seq.s32 @!p0 s5, $0x0  }
0x1f: {  	s9 =	smul.u32 $0xF7A, s1;
	s8 =	simm.s32 @!p0 $0x1BF5;
	p2 =	por !p2, p0  }
0x20: {  	[sflag:s8] =	ssyncset.s32 @!p0 $0xFFFFF086;
	s6 =	sadd.s32 @!p0 s3, s7;
	s7 =	simm.s32 @!p0 $0x108  }
0x21: {  	s3 =	sadd.s32 s3, s9;
	s6 =	sadd.s32 @!p0 $0x88, s6;
	s7 =	simm.s32 @p2 $0x1082  }
0x22: {  	[simem:s7], [sflag:s8] =	dma.local @!p0 [hbm:s6], $0xF7A  }
0x23: {  	s9 =	sor.u32 $0xD0000000, s2;
	s6 =	simm.s32 $0x108;
	_ =	swait.ge @!p0 [sflag:s8], $0x0  }
0x24: {  	s3 =	sadd.s32 $0x88, s3;
	s6 =	simm.s32 @!p1 $0x1082;
	[sflag:s4] =	ssyncset.s32 $0xFFFFF086  }
0x25: {  	[simem:s6], [sflag:s4] =	dma.local [hbm:s3], $0xF7A  }
0x26: {  	[smem:$0x3F9B] =	sst s1;
	(tag) =	ssettag s2;
	_ =	strace s9  }
0x27: {  	s1 =	sld [smem:$0x3FAB]  }
0x28: {  	s2 =	sld [smem:$0x3FAC]  }
0x29: {  	s4 =	sld [smem:$0x3FAE]  }
0x2a: {  	p0 =	seq.s32 s5, $0x0;
	s5 =	sld [smem:$0x3FAF]  }
0x2b: {  	s6 =	sld [smem:$0x3FB0]  }
0x2c: {  	s7 =	sld [smem:$0x3FB1]  }
0x2d: {  	s3 =	simm.s32 $0x108;
	s8 =	sld [smem:$0x3FB2]  }
0x2e: {  	s3 =	simm.s32 @!p0 $0x1082;
	s9 =	sld [smem:$0x3FB3]  }
0x2f: {  	lr =	sadd.s32 s0, s3;
	s0 =	sld [smem:$0x3FAA]  }
0x30: {  	s3 =	sld [smem:$0x3FAD]  }
0x31: {  	[smem:$0x3FB6] =	sst s10  }
0x32: {  	s10 =	sld [smem:$0x3FB4];
	_ =	sdelay $0x3  }
0x33: {  	p0 =	seq.s32 s10, $0x1;
	s10 =	sld [smem:$0x3FB6];
	_ =	sdelay $0x3  }
0x34: {  	[smem:$0x3FB6] =	sst s10  }
0x35: {  	s10 =	sld [smem:$0x3FB5];
	_ =	sdelay $0x3  }
0x36: {  	p1 =	seq.s32 s10, $0x1;
	s10 =	sld [smem:$0x3FB6];
	_ =	sdelay $0x3  }
0x37: {  	[smem:$0x3FB6] =	sst s10  }
0x38: {  	s10 =	sld [smem:$0x3FB7]  }
0x39: {  	_ = 	snop;
	(pc) =	sbr.ind lr, $3  }
0x3a: {  	_ = 	snop  }
0x3b: {  	_ = 	snop  }
0x3c: {  	p2 =	seq.s32 s10, $0x1;
	s10 =	sld [smem:$0x3FB6]  }
0x3d: {  	_ =	shalt  }
0x3e: {  	_ =	shalt  }
0x3f: {  	_ =	shalt  }
0x40: {  	_ =	shalt  }
0x41: {  	_ =	shalt  }
0x42: {  	_ =	shalt  }
0x43: {  	_ =	shalt  }
0x44: {  	_ =	shalt  }
0x45: {  	_ =	shalt  }
0x46: {  	_ =	shalt  }
0x47: {  	_ =	shalt  }
0x48: {  	_ =	shalt  }
0x49: {  	_ =	shalt  }
0x4a: {  	_ =	shalt  }
0x4b: {  	_ =	shalt  }
0x4c: {  	_ =	shalt  }
0x4d: {  	_ =	shalt  }
0x4e: {  	_ =	shalt  }
0x4f: {  	_ =	shalt  }
0x50: {  	_ =	shalt  }
0x51: {  	_ =	shalt  }
0x52: {  	_ =	shalt  }
0x53: {  	_ =	shalt  }
0x54: {  	_ =	shalt  }
0x55: {  	_ =	shalt  }
0x56: {  	_ =	shalt  }
0x57: {  	_ =	shalt  }
0x58: {  	_ =	shalt  }
0x59: {  	_ =	shalt  }
0x5a: {  	_ =	shalt  }
0x5b: {  	_ =	shalt  }
0x5c: {  	_ =	shalt  }
0x5d: {  	_ =	shalt  }
0x5e: {  	_ =	shalt  }
0x5f: {  	_ =	shalt  }
0x60: {  	_ =	shalt  }
0x61: {  	_ =	shalt  }
0x62: {  	_ =	shalt  }
0x63: {  	_ =	shalt  }
0x64: {  	_ =	shalt  }
0x65: {  	_ =	shalt  }
0x66: {  	_ =	shalt  }
0x67: {  	_ =	shalt  }
0x68: {  	_ =	shalt  }
0x69: {  	_ =	shalt  }
0x6a: {  	_ =	shalt  }
0x6b: {  	_ =	shalt  }
0x6c: {  	_ =	shalt  }
0x6d: {  	_ =	shalt  }
0x6e: {  	_ =	shalt  }
0x6f: {  	_ =	shalt  }
0x70: {  	_ =	shalt  }
0x71: {  	_ =	shalt  }
0x72: {  	_ =	shalt  }
0x73: {  	_ =	shalt  }
0x74: {  	_ =	shalt  }
0x75: {  	_ =	shalt  }
0x76: {  	_ =	shalt  }
0x77: {  	_ =	shalt  }
0x78: {  	_ =	shalt  }
0x79: {  	_ =	shalt  }
0x7a: {  	_ =	shalt  }
0x7b: {  	_ =	shalt  }
0x7c: {  	_ =	shalt  }
0x7d: {  	_ =	shalt  }
0x7e: {  	_ =	shalt  }
0x7f: {  	_ =	shalt  }
0x80: {  	_ =	shalt  }
0x81: {  	_ =	shalt  }
0x82: {  	_ =	shalt  }
0x83: {  	_ =	shalt  }
0x84: {  	_ =	shalt  }
0x85: {  	_ =	shalt  }
0x86: {  	_ =	shalt  }
0x87: {  	_ =	shalt  }
.Lfunc_end0:
.L_simem_size_0:
called_computation_lowered:
.L_overlay_start_0:
0x88: {  	s2 =	sld [smem:$0x3FD9]  }
0x89: {  	s3 =	sld [smem:$0x3FFE];
	_ =	sdelay $0x1  }
0x8a: {  	s1 =	srdreg.scid  }
0x8b: {  	s0 =	sand.u32 $0x1, s1  }
0x8c: {  	s17 =	sshll.u32 s0, $0xA;
	s2 =	sadd.s32 s3, s2  }
0x8d: {  	s2 =	sadd.s32 s2, s17  }
0x8e: {  	[smem:$0x3FC2] =	sst s2  }
0x8f: {  	_ = 	snop  }
0x90: {  	s2 =	sld [smem:$0x3FD0];
	(tm) =	ssettm $0x1  }
0x91: {  	s18 =	sld [smem:$0x3FFB];
	_ =	sdelay $0x3  }
0x92: {  	_ =	strace s18  }
0x93: {  	s3 =	sld [smem:$0x3FFC];
	_ =	sdelay $0x3  }
0x94: {  	_ =	strace s3  }
0x95: {  	s3 =	sld [smem:$0x3FFD];
	_ =	sdelay $0x3  }
0x96: {  	_ =	strace s3  }
0x97: {  	_ =	strace $0x8FFFFFFF  }
0x98: {  	s19 =	sld [smem:$0x3FDB];
	_ =	sdelay $0x1  }
0x99: {  	s4 =	simm.s32 $_scs_section_size  }
0x9a: {  	s5 =	simm.s32 $_size__tile_overlayer_lowered;
	s6 =	simm.s32 $_tile_overlayer_lowered  }
0x9b: {  	s22 =	simm.s32 $0x1BFF;
	s21 =	sshll.u32 s6, $0x1;
	s3 =	sadd.s32 s4, s19  }
0x9c: {  	s7 =	simm.s32 $0x0;
	s20 =	sshll.u32 s5, $0x1;
	s5 =	sadd.s32 s21, s3  }
0x9d: {  	[timem:s7], [sflag:s22] =	dma.local [hbm:s5], s20  }
0x9e: {  	_ =	swait.ge [sflag:s22], s20  }
0x9f: {  	s4 =	ssub.s32 $0x0, s20;
	[sflag:s22] =	ssyncset.done $0x0  }
0xa0: {  	[sflag:s22] =	ssyncadd.s32 s4;
	_ =	sdelay $0x1  }
0xa1: {  	s23 =	simm.s32 $0x1B8B  }
0xa2: {  	_ =	swait.ge [sflag:s23], $0x1  }
0xa3: {  	[sflag:s23] =	ssyncset.done $0x0  }
0xa4: {  	s25 =	simm.s32 $0x1B8E;
	s24 =	sld [smem:$0x3FFE];
	[sflag:s23] =	ssyncadd.s32 $0xFFFFFFFF  }
0xa5: {  	s26 =	simm.s32 $execute0_lowered;
	[smem:$0x3FD2] =	sst s25  }
0xa6: {  	s5 =	sshll.u32 s26, $0x1;
	_ =	strace $0x80000046;
	[dreg:$0x1] =	wrdreg $0xFFFFFFFF  }
0xa7: {  	s28 =	simm.s32 $_size_execute0_lowered;
	s3 =	sadd.s32 s3, s5;
	[dreg:$0x0] =	wrdreg $0x0  }
0xa8: {  	s5 =	sshll.u32 s28, $0x1;
	[dreg:$0x2] =	wrdreg s3  }
0xa9: {  	[dreg:$0x3] =	wrdreg s5  }
0xaa: {  	[dreg:$0x4] =	wrdreg $0xC0  }
0xab: {  	_ =	task [dreg:s7], $0x5FFFF  }
0xac: {  	[dreg:$0x1] =	wrdreg $0xFFFFFFFF  }
0xad: {  	[dreg:$0x0] =	wrdreg $0x60  }
0xae: {  	[dreg:$0x2] =	wrdreg s24  }
0xaf: {  	[dreg:$0x3] =	wrdreg s2  }
0xb0: {  	[dreg:$0x4] =	wrdreg $0x60000  }
0xb1: {  	[dreg:$0x5] =	wrdreg $0x87800  }
0xb2: {  	[dreg:$0x6] =	wrdreg $0x9  }
0xb3: {  	_ =	task.clear_ibuf [dreg:s7], $0x7FFFF;
	_ =	strace $0x90000046  }
0xb4: {  	s29 =	simm.s32 $0x9;
	_ =	strace $0x80000048  }
0xb5: {  	_ =	swait.ge [sflag:s29], $0x1  }
0xb6: {  	[sflag:s29] =	ssyncadd.s32 $0xFFFFFFFF  }
0xb7: {  	_ =	strace $0x90000048  }
0xb8: {  	_ =	sfence  }
0xb9: {  	s30 =	sld [smem:$0x0];
	_ =	sdelay $0x2  }
0xba: {  	s31 =	sshll.u32 s1, $0xD;
	s1 =	sshrl.u32 s1, $0x2  }
0xbb: {  	s3 =	sand.u32 $0x4000, s31;
	s1 =	sadd.s32 s1, s30  }
0xbc: {  	s0 =	sor.u32 s3, s0;
	s1 =	sshll.u32 s1, $0x11  }
0xbd: {  	s0 =	sor.u32 s1, s0  }
0xbe: {  	s0 =	sadd.s32 $0x8F2B, s0  }
0xbf: {  	[sflag:s0] =	ssyncadd.remote.s32 $0x1  }
0xc0: {  	_ =	sfence.sel $0xFFFF  }
0xc1: {  	[dreg:$0x0] =	wrdreg $0xFFFFFFFF;
	(pc) =	sbr.abs _section_cstart, $3  }
0xc2: {  	[dreg:$0x1] =	wrdreg $0xFFFFFFFF  }
0xc3: {  	_ =	task.clear_ibuf [dreg:s7], $0x2FFFF;
	_ =	strace $0x9FFFFFFF  }
0xc4: {  	(tm) =	ssettm $0x7FFFFFFF  }
0xc5: {  	_ =	shalt  }
tec
execute0_lowered:
.L_overlay_start_1:
0x0: {  	(tag) =	ssettag $0x1  }
0x1: {  	s0 =	rddreg [dreg:$0x0]  }
0x2: {  	s5 =	rddreg [dreg:$0x1]  }
0x3: {  	s1 =	srdreg.scid;
	s2 =	rddreg [dreg:$0x2]  }
0x4: {  	s9 =	stileid.u32;
	s3 =	rddreg [dreg:$0x3];
	s1 =	sand.u32 $0x1, s1  }
0x5: {  	s31 =	simm.s32 $0x1;
	s7 =	sadd.s32 $0x17200, s0;
	s4 =	sshll.u32 s1, $0x4  }
0x6: {  	s20 =	sadd.s32 $0x17000, s0;
	s6 =	sor.u32 s9, s4;
	s4 =	simm.s32 $0x0  }
0x7: {  	s21 =	ssub.s32 $0x2, s1;
	s1 =	smul.u32 $0x27800, s1;
	[smem:$0x7FF] =	sst s4  }
0x8: {  	s6 =	smul.u32 $0x500, s6;
	_ =	strace $0x80000047;
	[dreg:$0x5] =	wrdreg s7  }
0x9: {  	s8 =	sshrl.u32 s21, $0x1;
	[dreg:$0x6] =	wrdreg s20;
	s20 =	smul.u32 $0x2780, s9  }
0xa: {  	s7 =	ssub.s32 s21, s8;
	s6 =	sadd.s32 s6, s0;
	s0 =	sadd.s32 $0x17400, s0  }
0xb: {  	s30 =	smax.u32 s7, $0x1;
	s22 =	sadd.s32 $0xD000, s6;
	s6 =	sadd.s32 $0x3000, s6  }
0xc: {  	s23 =	sadd.s32 $0x800, s20;
	s24 =	sadd.s32 $0x1000, s20;
	s26 =	sadd.s32 $0x1800, s20  }
0xd: {  	s9 =	sadd.s32 s20, s1;
	s29 =	sadd.s32 $0x2000, s20;
	[dreg:$0x7] =	wrdreg s22  }
0xe: {  	s19 =	sadd.s32 s20, s2;
	s20 =	sadd.s32 s20, s3;
	[dreg:$0x8] =	wrdreg s6  }
0xf: {  	s10 =	sadd.s32 s1, s23;
	s14 =	sshrl.u32 s9, $0x3;
	s11 =	sadd.s32 s1, s24  }
0x10: {  	s12 =	sadd.s32 s1, s26;
	s1 =	sadd.s32 s1, s29;
	s21 =	sadd.s32 s23, s2  }
0x11: {  	s22 =	sadd.s32 s23, s3;
	s23 =	sadd.s32 s24, s2;
	s24 =	sadd.s32 s24, s3  }
0x12: {  	s28 =	sadd.s32 s29, s2;
	s29 =	sadd.s32 s29, s3;
	s6 =	simm.s32 $0x0  }
0x13: {  	s15 =	sshrl.u32 s10, $0x3;
	s9 =	sadd.s32 s5, s14;
	s16 =	sshrl.u32 s11, $0x3  }
0x14: {  	s17 =	sshrl.u32 s12, $0x3;
	s1 =	sshrl.u32 s1, $0x3;
	s14 =	sadd.s32 s0, s14  }
0x15: {  	[dreg:$0x9] =	wrdreg s9;
	s25 =	sadd.s32 s5, s15;
	s11 =	sadd.s32 s5, s16  }
0x16: {  	s12 =	sadd.s32 s5, s17;
	s13 =	sadd.s32 s5, s1;
	s15 =	sadd.s32 s0, s15  }
0x17: {  	s16 =	sadd.s32 s0, s16;
	s17 =	sadd.s32 s0, s17;
	s18 =	sadd.s32 s0, s1  }
0x18: {  	s0 =	simm.s32 $0x5000;
	s1 =	simm.s32 $0x5800;
	s5 =	simm.s32 $0x80  }
0x19: {  	[dreg:$0xa] =	wrdreg s25;
	s25 =	sadd.s32 s26, s2;
	s26 =	sadd.s32 s26, s3  }
.LBB2_1:
0x1a: {  	s7 =	rddreg [dreg:$0x7]  }
0x1b: {  	[tilespmem:s4], [sflag:$0x1] =	stream.linear.gather [hbm4b:s7+s4], $0x2800, $0x38;
	[tilespmem:$0xAF00] =	vst v63  }
0x1c: {  	_ =	swait.ge [sflag:s31], $0x2800  }
0x1d: {  	[sflag:s31] =	ssyncset.done $0x0  }
0x1e: {  	s8 =	simm.s32 $0x2800;
	s9 =	rddreg [dreg:$0x8];
	[sflag:s31] =	ssyncadd.s32 $0xFFFFD800  }
0x1f: {  	[tilespmem:s8], [sflag:$0x1] =	stream.linear.gather [hbm4b:s9+s4], $0x2800, $0x38;
	[tilespmem:$0xAF00] =	vst v63  }
0x20: {  	_ =	swait.ge [sflag:s31], $0x2800  }
0x21: {  	[sflag:s31] =	ssyncset.done $0x0  }
0x22: {  	s10 =	rddreg [dreg:$0x5];
	[sflag:s31] =	ssyncadd.s32 $0xFFFFD800  }
0x23: {  	[tilespmem:s0], [sflag:$0x1] =	stream.linear.gather [hbm4b:s10+s4], $0x800, $0x38;
	[tilespmem:$0xAF00] =	vst v63  }
0x24: {  	_ =	swait.ge [sflag:s31], $0x800  }
0x25: {  	[sflag:s31] =	ssyncset.done $0x0  }
0x26: {  	s8 =	rddreg [dreg:$0x6];
	[sflag:s31] =	ssyncadd.s32 $0xFFFFF800  }
0x27: {  	[tilespmem:s1], [sflag:$0x1] =	stream.linear.gather [hbm4b:s8+s4], $0x800, $0x38;
	[tilespmem:$0xAF00] =	vst v63  }
0x28: {  	_ =	swait.ge [sflag:s31], $0x800  }
0x29: {  	[sflag:s31] =	ssyncset.done $0x0  }
0x2a: {  	[sflag:s31] =	ssyncadd.s32 $0xFFFFF800  }
0x2b: {  	[spmem:s19] =	stream.linear.scatter [tilespmem:s1], [sflag:$0x1], $0x800, $0x38;
	[tilespmem:$0xAF00] =	vst v63  }
0x2c: {  	_ =	swait.ge [sflag:s31], $0x800  }
0x2d: {  	[sflag:s31] =	ssyncset.done $0x0  }
0x2e: {  	[sflag:s31] =	ssyncadd.s32 $0xFFFFF800  }
0x2f: {  	[spmem:s21] =	stream.linear.scatter [tilespmem:s1], [sflag:$0x1], $0x800, $0x38;
	[tilespmem:$0xAF00] =	vst v63  }
0x30: {  	_ =	swait.ge [sflag:s31], $0x800  }
0x31: {  	[sflag:s31] =	ssyncset.done $0x0  }
0x32: {  	[sflag:s31] =	ssyncadd.s32 $0xFFFFF800  }
0x33: {  	[spmem:s23] =	stream.linear.scatter [tilespmem:s1], [sflag:$0x1], $0x800, $0x38;
	[tilespmem:$0xAF00] =	vst v63  }
0x34: {  	_ =	swait.ge [sflag:s31], $0x800  }
0x35: {  	[sflag:s31] =	ssyncset.done $0x0  }
0x36: {  	[sflag:s31] =	ssyncadd.s32 $0xFFFFF800  }
0x37: {  	[spmem:s25] =	stream.linear.scatter [tilespmem:s1], [sflag:$0x1], $0x800, $0x38;
	[tilespmem:$0xAF00] =	vst v63  }
0x38: {  	_ =	swait.ge [sflag:s31], $0x800  }
0x39: {  	[sflag:s31] =	ssyncset.done $0x0  }
0x3a: {  	[sflag:s31] =	ssyncadd.s32 $0xFFFFF800  }
0x3b: {  	[spmem:s28] =	stream.linear.scatter [tilespmem:s1], [sflag:$0x1], $0x780, $0x38;
	[tilespmem:$0xAF00] =	vst v63  }
0x3c: {  	_ =	swait.ge [sflag:s31], $0x780  }
0x3d: {  	[sflag:s31] =	ssyncset.done $0x0  }
0x3e: {  	[sflag:s31] =	ssyncadd.s32 $0xFFFFF880  }
0x3f: {  	[spmem:s20] =	stream.linear.scatter [tilespmem:s1], [sflag:$0x1], $0x800, $0x38;
	[tilespmem:$0xAF00] =	vst v63  }
0x40: {  	_ =	swait.ge [sflag:s31], $0x800  }
0x41: {  	[sflag:s31] =	ssyncset.done $0x0  }
0x42: {  	[sflag:s31] =	ssyncadd.s32 $0xFFFFF800  }
0x43: {  	[spmem:s22] =	stream.linear.scatter [tilespmem:s1], [sflag:$0x1], $0x800, $0x38;
	[tilespmem:$0xAF00] =	vst v63  }
0x44: {  	_ =	swait.ge [sflag:s31], $0x800  }
0x45: {  	[sflag:s31] =	ssyncset.done $0x0  }
0x46: {  	[sflag:s31] =	ssyncadd.s32 $0xFFFFF800  }
0x47: {  	[spmem:s24] =	stream.linear.scatter [tilespmem:s1], [sflag:$0x1], $0x800, $0x38;
	[tilespmem:$0xAF00] =	vst v63  }
0x48: {  	_ =	swait.ge [sflag:s31], $0x800  }
0x49: {  	[sflag:s31] =	ssyncset.done $0x0  }
0x4a: {  	[sflag:s31] =	ssyncadd.s32 $0xFFFFF800  }
0x4b: {  	[spmem:s26] =	stream.linear.scatter [tilespmem:s1], [sflag:$0x1], $0x800, $0x38;
	[tilespmem:$0xAF00] =	vst v63  }
0x4c: {  	_ =	swait.ge [sflag:s31], $0x800  }
0x4d: {  	[sflag:s31] =	ssyncset.done $0x0  }
0x4e: {  	[sflag:s31] =	ssyncadd.s32 $0xFFFFF800  }
0x4f: {  	[spmem:s29] =	stream.linear.scatter [tilespmem:s1], [sflag:$0x1], $0x780, $0x38;
	[tilespmem:$0xAF00] =	vst v63  }
0x50: {  	_ =	swait.ge [sflag:s31], $0x780  }
0x51: {  	[sflag:s31] =	ssyncset.done $0x0  }
0x52: {  	[sflag:s31] =	ssyncadd.s32 $0xFFFFF880  }
0x53: {  	s9 =	simm.s32 $0x0;
	[bflag:$0x0] =	sbarrier.arrive $0xFFFF  }
0x54: {  	[spmem:s2] =	stream.indirect.scatter.add.f32 [tilespmem:s0], [sflag:$0x1], $0x10, s9, s5, $0xb8;
	[tilespmem:$0xAF00] =	vst v63  }
0x55: {  	_ =	swait.ge [sflag:s31], $0x800  }
0x56: {  	[sflag:s31] =	ssyncset.done $0x0  }
0x57: {  	s10 =	simm.s32 $0x2800;
	[sflag:s31] =	ssyncadd.s32 $0xFFFFF800  }
0x58: {  	[spmem:s3] =	stream.indirect.scatter.add.f32 [tilespmem:s0], [sflag:$0x1], $0x10, s10, s5, $0xb8;
	[tilespmem:$0xAF00] =	vst v63  }
0x59: {  	_ =	swait.ge [sflag:s31], $0x800  }
0x5a: {  	s7 =	simm.s32 $0x200;
	s8 =	simm.s32 $0x400;
	[sflag:s31] =	ssyncset.done $0x0  }
.LBB2_2:
0x5b: {  	s9 =	sshra.s32 s7, $0x2  }
0x5c: {  	[sflag:s31] =	ssyncadd.s32 $0xFFFFF800;
	s7 =	smov.u32 s8;
	s10 =	sadd.s32 $0x200, s8  }
0x5d: {  	[spmem:s2] =	stream.indirect.scatter.add.f32 [tilespmem:s0], [sflag:$0x1], $0x10, s9, s5, $0xb8;
	[tilespmem:$0xAF00] =	vst v63  }
0x5e: {  	p0 =	sne.s32 s8, $0x9E00;
	_ =	swait.ge [sflag:s31], $0x800  }
.Ltmp0:
0x5f: {  	[sflag:s31] =	ssyncset.done $0x0;
	(pc) =	sbr.rel @p0 .LBB2_2-.Ltmp0, $4  }
0x60: {  	s8 =	sadd.s32 $0x2800, s9;
	[sflag:s31] =	ssyncadd.s32 $0xFFFFF800  }
0x61: {  	[spmem:s3] =	stream.indirect.scatter.add.f32 [tilespmem:s0], [sflag:$0x1], $0x10, s8, s5, $0xb8;
	[tilespmem:$0xAF00] =	vst v63  }
0x62: {  	_ =	swait.ge [sflag:s31], $0x800  }
0x63: {  	s8 =	smov.u32 s10;
	[sflag:s31] =	ssyncset.done $0x0  }
0x64: {  	s7 =	sshra.s32 s7, $0x2;
	[sflag:s31] =	ssyncadd.s32 $0xFFFFF800  }
0x65: {  	[spmem:s2] =	stream.indirect.scatter.add.f32 [tilespmem:s0], [sflag:$0x1], $0x10, s7, s5, $0xb8;
	[tilespmem:$0xAF00] =	vst v63  }
0x66: {  	_ =	swait.ge [sflag:s31], $0x800  }
0x67: {  	[sflag:s31] =	ssyncset.done $0x0  }
0x68: {  	s7 =	sadd.s32 $0x2800, s7;
	[sflag:s31] =	ssyncadd.s32 $0xFFFFF800  }
0x69: {  	[spmem:s3] =	stream.indirect.scatter.add.f32 [tilespmem:s0], [sflag:$0x1], $0x10, s7, s5, $0xb8;
	[tilespmem:$0xAF00] =	vst v63  }
0x6a: {  	_ =	swait.ge [sflag:s31], $0x800  }
0x6b: {  	[sflag:s31] =	ssyncset.done $0x0  }
0x6c: {  	[sflag:s31] =	ssyncadd.s32 $0xFFFFF800  }
0x6d: {  	[bflag:$0x0] =	sbarrier.arrive $0xFFFF  }
0x6e: {  	[tilespmem:s1], [sflag:$0x1] =	stream.linear.gather [spmem:s19], $0x800, $0x38;
	[tilespmem:$0xAF00] =	vst v63  }
0x6f: {  	_ =	swait.ge [sflag:s31], $0x800  }
0x70: {  	[sflag:s31] =	ssyncset.done $0x0  }
0x71: {  	s9 =	rddreg [dreg:$0x9];
	[sflag:s31] =	ssyncadd.s32 $0xFFFFF800  }
0x72: {  	[hbm4b:s9+s4] =	stream.linear.scatter [tilespmem:s1], [sflag:$0x1], $0x800, $0x38;
	[tilespmem:$0xAF00] =	vst v63  }
0x73: {  	_ =	swait.ge [sflag:s31], $0x800  }
0x74: {  	[sflag:s31] =	ssyncset.done $0x0  }
0x75: {  	[sflag:s31] =	ssyncadd.s32 $0xFFFFF800  }
0x76: {  	[tilespmem:s1], [sflag:$0x1] =	stream.linear.gather [spmem:s21], $0x800, $0x38;
	[tilespmem:$0xAF00] =	vst v63  }
0x77: {  	_ =	swait.ge [sflag:s31], $0x800  }
0x78: {  	[sflag:s31] =	ssyncset.done $0x0  }
0x79: {  	s10 =	rddreg [dreg:$0xa];
	[sflag:s31] =	ssyncadd.s32 $0xFFFFF800  }
0x7a: {  	[hbm4b:s10+s4] =	stream.linear.scatter [tilespmem:s1], [sflag:$0x1], $0x800, $0x38;
	[tilespmem:$0xAF00] =	vst v63  }
0x7b: {  	_ =	swait.ge [sflag:s31], $0x800  }
0x7c: {  	[sflag:s31] =	ssyncset.done $0x0  }
0x7d: {  	[sflag:s31] =	ssyncadd.s32 $0xFFFFF800  }
0x7e: {  	[tilespmem:s1], [sflag:$0x1] =	stream.linear.gather [spmem:s23], $0x800, $0x38;
	[tilespmem:$0xAF00] =	vst v63  }
0x7f: {  	_ =	swait.ge [sflag:s31], $0x800  }
0x80: {  	[sflag:s31] =	ssyncset.done $0x0  }
0x81: {  	[sflag:s31] =	ssyncadd.s32 $0xFFFFF800  }
0x82: {  	[hbm4b:s11+s4] =	stream.linear.scatter [tilespmem:s1], [sflag:$0x1], $0x800, $0x38;
	[tilespmem:$0xAF00] =	vst v63  }
0x83: {  	_ =	swait.ge [sflag:s31], $0x800  }
0x84: {  	[sflag:s31] =	ssyncset.done $0x0  }
0x85: {  	[sflag:s31] =	ssyncadd.s32 $0xFFFFF800  }
0x86: {  	[tilespmem:s1], [sflag:$0x1] =	stream.linear.gather [spmem:s25], $0x800, $0x38;
	[tilespmem:$0xAF00] =	vst v63  }
0x87: {  	_ =	swait.ge [sflag:s31], $0x800  }
0x88: {  	[sflag:s31] =	ssyncset.done $0x0  }
0x89: {  	[sflag:s31] =	ssyncadd.s32 $0xFFFFF800  }
0x8a: {  	[hbm4b:s12+s4] =	stream.linear.scatter [tilespmem:s1], [sflag:$0x1], $0x800, $0x38;
	[tilespmem:$0xAF00] =	vst v63  }
0x8b: {  	_ =	swait.ge [sflag:s31], $0x800  }
0x8c: {  	[sflag:s31] =	ssyncset.done $0x0  }
0x8d: {  	[sflag:s31] =	ssyncadd.s32 $0xFFFFF800  }
0x8e: {  	[tilespmem:s1], [sflag:$0x1] =	stream.linear.gather [spmem:s28], $0x780, $0x38;
	[tilespmem:$0xAF00] =	vst v63  }
0x8f: {  	_ =	swait.ge [sflag:s31], $0x780  }
0x90: {  	[sflag:s31] =	ssyncset.done $0x0  }
0x91: {  	[sflag:s31] =	ssyncadd.s32 $0xFFFFF880  }
0x92: {  	[hbm4b:s13+s4] =	stream.linear.scatter [tilespmem:s1], [sflag:$0x1], $0x780, $0x38;
	[tilespmem:$0xAF00] =	vst v63  }
0x93: {  	_ =	swait.ge [sflag:s31], $0x780  }
0x94: {  	[sflag:s31] =	ssyncset.done $0x0  }
0x95: {  	[sflag:s31] =	ssyncadd.s32 $0xFFFFF880  }
0x96: {  	[tilespmem:s1], [sflag:$0x1] =	stream.linear.gather [spmem:s20], $0x800, $0x38;
	[tilespmem:$0xAF00] =	vst v63  }
0x97: {  	_ =	swait.ge [sflag:s31], $0x800  }
0x98: {  	[sflag:s31] =	ssyncset.done $0x0  }
0x99: {  	[sflag:s31] =	ssyncadd.s32 $0xFFFFF800  }
0x9a: {  	[hbm4b:s14+s4] =	stream.linear.scatter [tilespmem:s1], [sflag:$0x1], $0x800, $0x38;
	[tilespmem:$0xAF00] =	vst v63  }
0x9b: {  	_ =	swait.ge [sflag:s31], $0x800  }
0x9c: {  	[sflag:s31] =	ssyncset.done $0x0  }
0x9d: {  	[sflag:s31] =	ssyncadd.s32 $0xFFFFF800  }
0x9e: {  	[tilespmem:s1], [sflag:$0x1] =	stream.linear.gather [spmem:s22], $0x800, $0x38;
	[tilespmem:$0xAF00] =	vst v63  }
0x9f: {  	_ =	swait.ge [sflag:s31], $0x800  }
0xa0: {  	[sflag:s31] =	ssyncset.done $0x0  }
0xa1: {  	[sflag:s31] =	ssyncadd.s32 $0xFFFFF800  }
0xa2: {  	[hbm4b:s15+s4] =	stream.linear.scatter [tilespmem:s1], [sflag:$0x1], $0x800, $0x38;
	[tilespmem:$0xAF00] =	vst v63  }
0xa3: {  	_ =	swait.ge [sflag:s31], $0x800  }
0xa4: {  	[sflag:s31] =	ssyncset.done $0x0  }
0xa5: {  	[sflag:s31] =	ssyncadd.s32 $0xFFFFF800  }
0xa6: {  	[tilespmem:s1], [sflag:$0x1] =	stream.linear.gather [spmem:s24], $0x800, $0x38;
	[tilespmem:$0xAF00] =	vst v63  }
0xa7: {  	_ =	swait.ge [sflag:s31], $0x800  }
0xa8: {  	[sflag:s31] =	ssyncset.done $0x0  }
0xa9: {  	[sflag:s31] =	ssyncadd.s32 $0xFFFFF800  }
0xaa: {  	[hbm4b:s16+s4] =	stream.linear.scatter [tilespmem:s1], [sflag:$0x1], $0x800, $0x38;
	[tilespmem:$0xAF00] =	vst v63  }
0xab: {  	_ =	swait.ge [sflag:s31], $0x800  }
0xac: {  	[sflag:s31] =	ssyncset.done $0x0  }
0xad: {  	[sflag:s31] =	ssyncadd.s32 $0xFFFFF800  }
0xae: {  	[tilespmem:s1], [sflag:$0x1] =	stream.linear.gather [spmem:s26], $0x800, $0x38;
	[tilespmem:$0xAF00] =	vst v63  }
0xaf: {  	_ =	swait.ge [sflag:s31], $0x800  }
0xb0: {  	[sflag:s31] =	ssyncset.done $0x0  }
0xb1: {  	[sflag:s31] =	ssyncadd.s32 $0xFFFFF800  }
0xb2: {  	[hbm4b:s17+s4] =	stream.linear.scatter [tilespmem:s1], [sflag:$0x1], $0x800, $0x38;
	[tilespmem:$0xAF00] =	vst v63  }
0xb3: {  	_ =	swait.ge [sflag:s31], $0x800  }
0xb4: {  	[sflag:s31] =	ssyncset.done $0x0  }
0xb5: {  	[sflag:s31] =	ssyncadd.s32 $0xFFFFF800  }
0xb6: {  	[tilespmem:s1], [sflag:$0x1] =	stream.linear.gather [spmem:s29], $0x780, $0x38;
	[tilespmem:$0xAF00] =	vst v63  }
0xb7: {  	s6 =	sadd.s32 $0x1, s6;
	_ =	swait.ge [sflag:s31], $0x780  }
0xb8: {  	p0 =	sne.s32 s6, s30;
	[sflag:s31] =	ssyncset.done $0x0  }
.Ltmp1:
0xb9: {  	[sflag:s31] =	ssyncadd.s32 $0xFFFFF880;
	(pc) =	sbr.rel @p0 .LBB2_1-.Ltmp1, $4  }
0xba: {  	[hbm4b:s18+s4] =	stream.linear.scatter [tilespmem:s1], [sflag:$0x1], $0x780, $0x38;
	[tilespmem:$0xAF00] =	vst v63  }
0xbb: {  	_ =	swait.ge [sflag:s31], $0x780  }
0xbc: {  	[sflag:s31] =	ssyncset.done $0x0  }
0xbd: {  	[sflag:s31] =	ssyncadd.s32 $0xFFFFF880  }
0xbe: {  	_ =	sfence.sel $0x180000  }
0xbf: {  	[bflag:$0x0] =	sbarrier.arrive $0xFFFF  }
0xc0: {  	_ =	strace $0x90000047  }
0xc1: {  	s0 =	stileid.u32;
	[bflag:$0x2] =	sbarrier.arrive $0xFFFF  }
0xc2: {  	p0 =	sne.s32 s0, $0x0;
	s0 =	rddreg [dreg:$0x4]  }
0xc3: {  	s0 =	sadd.s32 @!p0 $0x100000, s0  }
0xc4: {  	[sflag:s0] =	ssyncadd.tile.s32 @!p0 $0x1;
	_ =	shalt  }
.Lfunc_end2:
_tile_overlayer_lowered:
.L_overlay_start_2:
0xc5: {  	(tag) =	ssettag $0x2  }
0xc6: {  	s0 =	rddreg [dreg:$0x0];
	s2 =	stileid.u32  }
0xc7: {  	s1 =	rddreg [dreg:$0x1];
	p0 =	sne.s32 s2, $0x0  }
0xc8: {  	s3 =	rddreg [dreg:$0x2];
	[bflag:$0x3] =	sbarrier.arrive $0xFFFF;
	s2 =	simm.s32 @!p0 $0x1C01  }
0xc9: {  	[timem:s3], [sflag:s2] =	dma.local @!p0 [hbm:s0], s1  }
0xca: {  	s0 =	simm.s32 @!p0 $0x1  }
0xcb: {  	_ =	swait.ge @!p0 [sflag:s0], s1  }
0xcc: {  	s1 =	ssub.s32 @!p0 $0x0, s1;
	[sflag:s0] =	ssyncset.done @!p0 $0x0  }
0xcd: {  	[sflag:s0] =	ssyncadd.s32 @!p0 s1  }
0xce: {  	[bflag:$0x3] =	sbarrier.arrive $0xFFFF  }
0xcf: {  	_ =	shalt  }

</sc_bundles>
